<compile_context>
chip_gen: v7x
topology: tpu7x:2x2x1
jax: 0.10.2.dev20260603
libtpu: 0.0.44.dev20260713+nightly
codegen_flags: <defaults>
</compile_context>

<pallas_src>
import functools

import jax
import jax.numpy as jnp
from jax import lax
from jax.experimental import pallas as pl
from jax.experimental.pallas import tpu as pltpu
from jax.experimental.pallas import tpu_sc as plsc

NC = 2
NS = 16
NW = NC * NS
C = 80


def _k1_body(h_ref, w1a_ref, w1b_ref, be1_ref, ps_ref, pd_ref):
    hb = h_ref[...]
    ps_ref[...] = jnp.dot(hb, w1a_ref[...],
                          preferred_element_type=jnp.float32) + be1_ref[...]
    pd_ref[...] = jnp.dot(hb, w1b_ref[...],
                          preferred_element_type=jnp.float32)


def _k1(h, w1a, w1b, be1):
    n, d = h.shape
    hdim = w1a.shape[1]
    bn = 2000
    grid = (n // bn,)
    return pl.pallas_call(
        _k1_body,
        grid=grid,
        in_specs=[
            pl.BlockSpec((bn, d), lambda i: (i, 0)),
            pl.BlockSpec((d, hdim), lambda i: (0, 0)),
            pl.BlockSpec((d, hdim), lambda i: (0, 0)),
            pl.BlockSpec((1, hdim), lambda i: (0, 0)),
        ],
        out_specs=[
            pl.BlockSpec((bn, hdim), lambda i: (i, 0)),
            pl.BlockSpec((bn, hdim), lambda i: (i, 0)),
        ],
        out_shape=[
            jax.ShapeDtypeStruct((n, hdim), jnp.float32),
            jax.ShapeDtypeStruct((n, hdim), jnp.float32),
        ],
    )(h, w1a, w1b, be1)


def _k2(psrc, pdst, xflat, src, dst):
    n, hdim = psrc.shape
    e = src.shape[0]
    ew = e // NW
    nchunk = ew // C
    last = nchunk - 1

    mesh = plsc.VectorSubcoreMesh(core_axis_name="c", subcore_axis_name="s",
                                  num_cores=NC, num_subcores=NS)

    @functools.partial(
        pl.kernel,
        out_type=(jax.ShapeDtypeStruct((e, hdim), jnp.float32),
                  jax.ShapeDtypeStruct((e // 2, 8), jnp.float32)),
        mesh=mesh,
        scratch_types=[
            pltpu.VMEM((C,), jnp.int32), pltpu.VMEM((C,), jnp.int32),
            pltpu.VMEM((C,), jnp.int32), pltpu.VMEM((C,), jnp.int32),
            pltpu.VMEM((C, hdim), jnp.float32),
            pltpu.VMEM((C, hdim), jnp.float32),
            pltpu.VMEM((C, hdim), jnp.float32),
            pltpu.VMEM((C, hdim), jnp.float32),
            pltpu.VMEM((C // 2, 8), jnp.float32),
            pltpu.VMEM((C // 2, 8), jnp.float32),
            pltpu.VMEM((4, n), jnp.float32),
            pltpu.SemaphoreType.DMA, pltpu.SemaphoreType.DMA,
            pltpu.SemaphoreType.DMA, pltpu.SemaphoreType.DMA,
            pltpu.SemaphoreType.DMA, pltpu.SemaphoreType.DMA,
        ],
        compiler_params=pltpu.CompilerParams(needs_layout_passes=False, use_tc_tiling_on_sc=False),
    )
    def k2(psrc_hbm, pdst_hbm, xflat_hbm, src_hbm, dst_hbm,
           pre_hbm, aux_hbm,
           sidx0, sidx1, didx0, didx1, ps0, ps1, pd0, pd1, aux0, aux1,
           xtab_v, si0, si1, sg0, sg1, sw0, sw1):
        cid = lax.axis_index("c")
        sid = lax.axis_index("s")
        wid = cid * NS + sid
        pltpu.sync_copy(xflat_hbm, xtab_v)
        base0 = wid * ew

        sidx = (sidx0, sidx1)
        didx = (didx0, didx1)
        ps = (ps0, ps1)
        pd = (pd0, pd1)
        aux = (aux0, aux1)
        si = (si0, si1)
        sg = (sg0, sg1)
        sw = (sw0, sw1)

        def issue_idx(c, b):
            base = base0 + c * C
            pltpu.async_copy(src_hbm.at[pl.ds(base, C)], sidx[b], si[b])
            pltpu.async_copy(dst_hbm.at[pl.ds(base, C)], didx[b], si[b])

        def drain_idx(c, b):
            base = base0 + c * C
            pltpu.make_async_copy(src_hbm.at[pl.ds(base, C)], sidx[b],
                                  si[b]).wait()
            pltpu.make_async_copy(dst_hbm.at[pl.ds(base, C)], didx[b],
                                  si[b]).wait()

        def issue_gathers(b):
            pltpu.async_copy(psrc_hbm.at[sidx[b]], ps[b], sg[b])
            pltpu.async_copy(pdst_hbm.at[didx[b]], pd[b], sg[b])

        def drain_gathers(b):
            pltpu.make_async_copy(psrc_hbm.at[sidx[b]], ps[b], sg[b]).wait()
            pltpu.make_async_copy(pdst_hbm.at[didx[b]], pd[b], sg[b]).wait()

        def issue_writes(c, b):
            base = base0 + c * C
            base2 = wid * (ew // 2) + c * (C // 2)
            pltpu.async_copy(ps[b], pre_hbm.at[pl.ds(base, C)], sw[b])
            pltpu.async_copy(aux[b], aux_hbm.at[pl.ds(base2, C // 2)], sw[b])

        def drain_writes(c, b):
            base = base0 + c * C
            base2 = wid * (ew // 2) + c * (C // 2)
            pltpu.make_async_copy(ps[b], pre_hbm.at[pl.ds(base, C)],
                                  sw[b]).wait()
            pltpu.make_async_copy(aux[b], aux_hbm.at[pl.ds(base2, C // 2)],
                                  sw[b]).wait()

        def compute(b):
            @pl.loop(0, C)
            def _row(r):
                for k in range(hdim // 16):
                    sl = pl.ds(k * 16, 16)
                    ps[b][r, sl] = ps[b][r, sl] + pd[b][r, sl]

            @pl.loop(0, C // 16)
            def _grp(g):
                sv = sidx[b][pl.ds(g * 16, 16)]
                dv = didx[b][pl.ds(g * 16, 16)]
                el = lax.iota(jnp.int32, 16) + g * 16
                for comp in range(3):
                    cvec = jnp.full((16,), comp, jnp.int32)
                    xs = plsc.load_gather(xtab_v, [cvec, sv])
                    xd = plsc.load_gather(xtab_v, [cvec, dv])
                    q = el * 4 + comp
                    plsc.store_scatter(aux[b], [q >> 3, q & 7], xs - xd)
                q3 = el * 4 + 3
                plsc.store_scatter(aux[b], [q3 >> 3, q3 & 7],
                                   jnp.zeros((16,), jnp.float32))

        def phase(c, b):
            ob = 1 - b

            @pl.when(c + 1 <= last)
            def _prefetch():
                drain_idx(c + 1, ob)

                @pl.when(c >= 1)
                def _dw():
                    drain_writes(c - 1, ob)
                issue_gathers(ob)

            drain_gathers(b)
            compute(b)
            issue_writes(c, b)

            @pl.when(c + 2 <= last)
            def _nidx():
                issue_idx(c + 2, b)

        issue_idx(0, 0)
        drain_idx(0, 0)
        issue_gathers(0)
        issue_idx(1, 1)

        @pl.loop(0, nchunk // 2)
        def _t(t):
            phase(2 * t, 0)
            phase(2 * t + 1, 1)

        if nchunk % 2 == 1:
            phase(last, 0)
        drain_writes(last - 1, (nchunk - 2) % 2)
        drain_writes(last, (nchunk - 1) % 2)

    return k2(psrc, pdst, xflat, src, dst)


def _k3_body(pre_ref, aux_ref, w1c2_ref, w2b_ref, be22_ref, lng2_ref,
             lnb2_ref, mavg_ref, wg2_ref, bg2_ref, wx2_ref, bx2_ref,
             bsum_ref, gsel_ref, hmap_ref, onespat_ref, mg_ref, cm_ref):
    pre = pre_ref[...]
    aux = aux_ref[...]
    sq = aux * aux
    dsqp = jnp.dot(sq, bsum_ref[...], preferred_element_type=jnp.float32)
    t = pre + dsqp * w1c2_ref[...]
    m1 = jax.nn.silu(t)
    z = jnp.dot(m1, w2b_ref[...], preferred_element_type=jnp.float32) \
        + be22_ref[...]
    m2 = jax.nn.silu(z)
    mu = jnp.dot(m2, mavg_ref[...], preferred_element_type=jnp.float32)
    ctr = m2 - mu
    var = jnp.dot(ctr * ctr, mavg_ref[...],
                  preferred_element_type=jnp.float32)
    mn = ctr / jnp.sqrt(var + 1e-5) * lng2_ref[...] + lnb2_ref[...]
    alpha = jax.nn.sigmoid(
        jnp.dot(mn, wg2_ref[...], preferred_element_type=jnp.float32)
        + bg2_ref[...])
    mg = mn * alpha
    w = jnp.tanh(
        jnp.dot(mg, wx2_ref[...], preferred_element_type=jnp.float32)
        + bx2_ref[...])
    qp = w / (jnp.sqrt(dsqp) + 1e-8)
    qsel = jnp.dot(qp, gsel_ref[...], preferred_element_type=jnp.float32)
    cmb = aux * qsel
    cm = jnp.dot(cmb, hmap_ref[...],
                 preferred_element_type=jnp.float32) + onespat_ref[...]
    mg_ref[...] = mg
    cm_ref[...] = cm


def _k3(pre, aux, w1c2, w2b, be22, lng2, lnb2, mavg, wg2, bg2, wx2, bx2,
        bsum, gsel, hmap, onespat):
    e2, width = pre.shape
    br = 1280
    grid = (e2 // br,)
    full = lambda shape: pl.BlockSpec(shape, lambda i: tuple(0 for _ in shape))
    return pl.pallas_call(
        _k3_body,
        grid=grid,
        in_specs=[
            pl.BlockSpec((br, width), lambda i: (i, 0)),
            pl.BlockSpec((br, 8), lambda i: (i, 0)),
            full((1, width)),
            full((width, width)),
            full((1, width)),
            full((1, width)),
            full((1, width)),
            full((width, width)),
            full((width, width)),
            full((1, width)),
            full((width, width)),
            full((1, width)),
            full((8, width)),
            full((width, 8)),
            full((8, 16)),
            full((1, 16)),
        ],
        out_specs=[
            pl.BlockSpec((br, width), lambda i: (i, 0)),
            pl.BlockSpec((br, 16), lambda i: (i, 0)),
        ],
        out_shape=[
            jax.ShapeDtypeStruct((e2, width), jnp.float32),
            jax.ShapeDtypeStruct((e2, 16), jnp.float32),
        ],
    )(pre, aux, w1c2, w2b, be22, lng2, lnb2, mavg, wg2, bg2, wx2, bx2,
      bsum, gsel, hmap, onespat)


def _k4(mg, cm, dst, n):
    e, hdim = mg.shape
    ew = e // NW
    nchunk = ew // C
    last = nchunk - 1
    npt = n // NS
    zr = 125

    mesh = plsc.VectorSubcoreMesh(core_axis_name="c", subcore_axis_name="s",
                                  num_cores=NC, num_subcores=NS)

    @functools.partial(
        pl.kernel,
        out_type=(jax.ShapeDtypeStruct((NC, n, hdim), jnp.float32),
                  jax.ShapeDtypeStruct((NC, n, 8), jnp.float32)),
        mesh=mesh,
        scratch_types=[
            pltpu.VMEM((1, C), jnp.int32), pltpu.VMEM((1, C), jnp.int32),
            pltpu.VMEM((C, hdim), jnp.float32),
            pltpu.VMEM((C, hdim), jnp.float32),
            pltpu.VMEM((C // 2, 16), jnp.float32),
            pltpu.VMEM((C // 2, 16), jnp.float32),
            pltpu.VMEM((C, 8), jnp.float32), pltpu.VMEM((C, 8), jnp.float32),
            pltpu.VMEM((zr, hdim), jnp.float32),
            pltpu.VMEM((npt, 8), jnp.float32),
            pltpu.VMEM_SHARED((n, hdim), jnp.float32),
            pltpu.VMEM_SHARED((n, 8), jnp.float32),
            pltpu.SemaphoreType.DMA, pltpu.SemaphoreType.DMA,
            pltpu.SemaphoreType.DMA, pltpu.SemaphoreType.DMA,
        ],
        compiler_params=pltpu.CompilerParams(needs_layout_passes=False, use_tc_tiling_on_sc=False),
    )
    def k4(mg_hbm, cm_hbm, dst_hbm, outh_hbm, outx_hbm,
           didx0, didx1, mg0, mg1, cmw0, cmw1, cm0, cm1, zb64_v, zb8_v,
           aggh_s, aggx_s, sin0, sin1, ssc0, ssc1):
        cid = lax.axis_index("c")
        sid = lax.axis_index("s")
        wid = cid * NS + sid

        didx = (didx0, didx1)
        mgv = (mg0, mg1)
        cmw = (cmw0, cmw1)
        cmv = (cm0, cm1)
        sin = (sin0, sin1)
        ssc = (ssc0, ssc1)

        zeros16 = jnp.zeros((16,), jnp.float32)

        @pl.loop(0, zr)
        def _z64(r):
            for k in range(hdim // 16):
                zb64_v[r, pl.ds(k * 16, 16)] = zeros16

        @pl.loop(0, npt * 8 // 16)
        def _z8(k):
            q = lax.iota(jnp.int32, 16) + k * 16
            plsc.store_scatter(zb8_v, [q >> 3, q & 7], zeros16)

        @pl.loop(0, npt // zr)
        def _init(k):
            pltpu.sync_copy(zb64_v, aggh_s.at[pl.ds(sid * npt + k * zr, zr)])
        pltpu.sync_copy(zb8_v, aggx_s.at[pl.ds(sid * npt, npt)])

        plsc.subcore_barrier()

        base0 = wid * ew

        def issue_in(c, b):
            base = base0 + c * C
            base2 = wid * (ew // 2) + c * (C // 2)
            pltpu.async_copy(dst_hbm.at[pl.ds(base, C)], didx[b].at[0],
                             sin[b])
            pltpu.async_copy(mg_hbm.at[pl.ds(base, C)], mgv[b], sin[b])
            pltpu.async_copy(cm_hbm.at[pl.ds(base2, C // 2)], cmw[b], sin[b])

        def drain_in(c, b):
            base = base0 + c * C
            base2 = wid * (ew // 2) + c * (C // 2)
            pltpu.make_async_copy(dst_hbm.at[pl.ds(base, C)], didx[b].at[0],
                                  sin[b]).wait()
            pltpu.make_async_copy(mg_hbm.at[pl.ds(base, C)], mgv[b],
                                  sin[b]).wait()
            pltpu.make_async_copy(cm_hbm.at[pl.ds(base2, C // 2)], cmw[b],
                                  sin[b]).wait()

        def repack(b):
            @pl.loop(0, C // 2)
            def _r(r):
                v = cmw[b][r, :]
                q = lax.iota(jnp.int32, 16) + r * 16
                plsc.store_scatter(cmv[b], [q >> 3, q & 7], v)

        def issue_scatters(b):
            pltpu.async_copy(mgv[b], aggh_s.at[didx[b].at[0]], ssc[b],
                             add=True)
            pltpu.async_copy(cmv[b], aggx_s.at[didx[b].at[0]], ssc[b],
                             add=True)

        def drain_scatters(b):
            pltpu.make_async_copy(mgv[b], aggh_s.at[didx[b].at[0]],
                                  ssc[b]).wait()
            pltpu.make_async_copy(cmv[b], aggx_s.at[didx[b].at[0]],
                                  ssc[b]).wait()

        def phase(c, b):
            ob = 1 - b
            drain_in(c, b)

            @pl.when(c + 1 <= last)
            def _prefetch():
                @pl.when(c >= 1)
                def _ds():
                    drain_scatters(ob)
                issue_in(c + 1, ob)

            repack(b)
            issue_scatters(b)

        issue_in(0, 0)

        @pl.loop(0, nchunk // 2)
        def _t(t):
            phase(2 * t, 0)
            phase(2 * t + 1, 1)

        if nchunk % 2 == 1:
            phase(last, 0)
        drain_scatters((nchunk - 2) % 2)
        drain_scatters((nchunk - 1) % 2)

        plsc.subcore_barrier()

        pltpu.sync_copy(aggh_s.at[pl.ds(sid * npt, npt)],
                        outh_hbm.at[cid, pl.ds(sid * npt, npt)])
        pltpu.sync_copy(aggx_s.at[pl.ds(sid * npt, npt)],
                        outx_hbm.at[cid, pl.ds(sid * npt, npt)])

    return k4(mg, cm, dst)


def _k5_body(h_ref, x_ref, pha_ref, pxa_ref, phb_ref, pxb_ref, wh1a_ref,
             wh1b_ref, bh1_ref, wh2_ref, bh2_ref, hn_ref, xn_ref):
    hb = h_ref[...]
    aggh = pha_ref[0] + pha_ref[1] + phb_ref[0] + phb_ref[1]
    ax = pxa_ref[0] + pxa_ref[1] + pxb_ref[0] + pxb_ref[1]
    deg = jnp.maximum(ax[:, 3:4], 1.0)
    u = jnp.dot(hb, wh1a_ref[...], preferred_element_type=jnp.float32) \
        + jnp.dot(aggh, wh1b_ref[...], preferred_element_type=jnp.float32) \
        + bh1_ref[...]
    s = jax.nn.silu(u)
    hn_ref[...] = hb + jnp.dot(s, wh2_ref[...],
                               preferred_element_type=jnp.float32) \
        + bh2_ref[...]
    xn_ref[...] = x_ref[...] + ax[:, :3] / deg


def _k5(h, x, pha, pxa, phb, pxb, wh1a, wh1b, bh1, wh2, bh2):
    n, d = h.shape
    hdim = wh1b.shape[0]
    bn = 2000
    grid = (n // bn,)
    full = lambda shape: pl.BlockSpec(shape, lambda i: tuple(0 for _ in shape))
    return pl.pallas_call(
        _k5_body,
        grid=grid,
        in_specs=[
            pl.BlockSpec((bn, d), lambda i: (i, 0)),
            pl.BlockSpec((bn, 3), lambda i: (i, 0)),
            pl.BlockSpec((NC, bn, hdim), lambda i: (0, i, 0)),
            pl.BlockSpec((NC, bn, 8), lambda i: (0, i, 0)),
            pl.BlockSpec((NC, bn, hdim), lambda i: (0, i, 0)),
            pl.BlockSpec((NC, bn, 8), lambda i: (0, i, 0)),
            full((d, hdim)),
            full((hdim, hdim)),
            full((1, hdim)),
            full((hdim, d)),
            full((1, d)),
        ],
        out_specs=[
            pl.BlockSpec((bn, d), lambda i: (i, 0)),
            pl.BlockSpec((bn, 3), lambda i: (i, 0)),
        ],
        out_shape=[
            jax.ShapeDtypeStruct((n, d), jnp.float32),
            jax.ShapeDtypeStruct((n, 3), jnp.float32),
        ],
    )(h, x, pha, pxa, phb, pxb, wh1a, wh1b, bh1, wh2, bh2)


def kernel(h, x, edge_index, W_e1, b_e1, W_e2, b_e2, ln_g, ln_b,
           W_h1, b_h1, W_h2, b_h2, W_x, b_x, W_g, b_g):
    n, d = h.shape
    hdim = W_e2.shape[0]
    e = edge_index.shape[1]
    assert e % (NW * C) == 0 and n % (NS * 125) == 0

    src = edge_index[0]
    dst = edge_index[1]
    w1a = W_e1[:d]
    w1b = W_e1[d:2 * d]
    xflat = jnp.concatenate(
        [x.T, jnp.zeros((1, n), jnp.float32)], axis=0)

    def bdiag(a):
        z = jnp.zeros_like(a)
        return jnp.concatenate(
            [jnp.concatenate([a, z], 1), jnp.concatenate([z, a], 1)], 0)

    w1c2 = jnp.tile(W_e1[2 * d], 2).reshape(1, 2 * hdim)
    w2b = bdiag(W_e2)
    be22 = jnp.tile(b_e2, 2).reshape(1, 2 * hdim)
    lng2 = jnp.tile(ln_g, 2).reshape(1, 2 * hdim)
    lnb2 = jnp.tile(ln_b, 2).reshape(1, 2 * hdim)
    mavg = bdiag(jnp.full((hdim, hdim), 1.0 / hdim, jnp.float32))
    wg2 = bdiag(jnp.broadcast_to(W_g, (hdim, hdim)))
    bg2 = jnp.tile(b_g, 2 * hdim).reshape(1, 2 * hdim)
    wx2 = bdiag(jnp.broadcast_to(W_x, (hdim, hdim)))
    bx2 = jnp.tile(b_x, 2 * hdim).reshape(1, 2 * hdim)
    ones4 = jnp.ones((4, hdim), jnp.float32)
    zeros4 = jnp.zeros((4, hdim), jnp.float32)
    bsum = jnp.concatenate(
        [jnp.concatenate([ones4, zeros4], 1),
         jnp.concatenate([zeros4, ones4], 1)], 0)
    gsel = jnp.zeros((2 * hdim, 8), jnp.float32)
    gsel = gsel.at[0, 0:4].set(1.0).at[hdim, 4:8].set(1.0)
    hmap = jnp.zeros((8, 16), jnp.float32)
    for _l, _j in ((0, 0), (1, 1), (2, 2), (4, 8), (5, 9), (6, 10)):
        hmap = hmap.at[_l, _j].set(1.0)
    onespat = jnp.zeros((1, 16), jnp.float32).at[0, 3].set(1.0)
    onespat = onespat.at[0, 11].set(1.0)

    psrc, pdst = _k1(h, w1a, w1b, b_e1.reshape(1, hdim))
    ea = (e // (2 * NW * C) + 1) * (NW * C)
    def half(s_, d_):
        eh = s_.shape[0]
        pre, aux = _k2(psrc, pdst, xflat, s_, d_)
        mg2, cm2 = _k3(pre.reshape(eh // 2, 2 * hdim), aux,
                       w1c2, w2b, be22, lng2, lnb2, mavg, wg2, bg2, wx2,
                       bx2, bsum, gsel, hmap, onespat)
        return _k4(mg2.reshape(eh, hdim), cm2, d_, n)
    pha, pxa = half(src[:ea], dst[:ea])
    phb, pxb = half(src[ea:], dst[ea:])
    hn, xn = _k5(h, x, pha, pxa, phb, pxb, W_h1[:d], W_h1[d:],
                 b_h1.reshape(1, hdim), W_h2, b_h2.reshape(1, d))
    return (hn, xn)

# --- scband reference (transcript-rebuilt; emitter-appended) ---
"""Pipeline reference for scband-egnnlayer-39298950759104 (READ-ONLY COPY).

The authoritative reference and input builder live on the scoring server;
editing this copy changes nothing except your own understanding.
"""

import jax, jax.numpy as jnp
import numpy as np

N = 10000
E = 320000
D = 128
HIDDEN = 64
COORD = 3

def _linear_params(key, fan_in, fan_out):
    k1, k2 = jax.random.split(key)
    lim = 1.0 / np.sqrt(fan_in)
    W = jax.random.uniform(k1, (fan_in, fan_out), minval=-lim, maxval=lim, dtype=jnp.float32)
    b = jax.random.uniform(k2, (fan_out,), minval=-lim, maxval=lim, dtype=jnp.float32)
    return W, b

def setup_inputs(seed: int = 0):
    key = jax.random.key(seed)
    ks = jax.random.split(key, 12)
    h = jax.random.normal(ks[0], (N, D), dtype=jnp.float32)
    x = jax.random.normal(ks[1], (N, COORD), dtype=jnp.float32)
    edge_index = jax.random.randint(ks[2], (2, E), 0, N, dtype=jnp.int32)
    W_e1, b_e1 = _linear_params(ks[3], 2 * D + 1, HIDDEN)
    W_e2, b_e2 = _linear_params(ks[4], HIDDEN, HIDDEN)
    ln_g = jnp.ones((HIDDEN,), dtype=jnp.float32)
    ln_b = jnp.zeros((HIDDEN,), dtype=jnp.float32)
    W_h1, b_h1 = _linear_params(ks[5], D + HIDDEN, HIDDEN)
    W_h2, b_h2 = _linear_params(ks[6], HIDDEN, D)
    W_x, b_x = _linear_params(ks[7], HIDDEN, 1)
    W_g, b_g = _linear_params(ks[8], HIDDEN, 1)
    return {"h": h, "x": x, "edge_index": edge_index,
            "W_e1": W_e1, "b_e1": b_e1, "W_e2": W_e2, "b_e2": b_e2,
            "ln_g": ln_g, "ln_b": ln_b,
            "W_h1": W_h1, "b_h1": b_h1, "W_h2": W_h2, "b_h2": b_h2,
            "W_x": W_x, "b_x": b_x, "W_g": W_g, "b_g": b_g}

def reference(h, x, edge_index, W_e1, b_e1, W_e2, b_e2, ln_g, ln_b,
              W_h1, b_h1, W_h2, b_h2, W_x, b_x, W_g, b_g):
    src = edge_index[0]
    dst = edge_index[1]
    Nn = h.shape[0]
    r_ij = x[src] - x[dst]
    d_sq = jnp.sum(r_ij ** 2, axis=-1, keepdims=True)
    r_norm = r_ij / (jnp.sqrt(d_sq) + 1e-8)
    e_in = jnp.concatenate([h[src], h[dst], d_sq], axis=-1)
    m = jax.nn.silu(e_in @ W_e1 + b_e1)
    m = jax.nn.silu(m @ W_e2 + b_e2)
    mu = jnp.mean(m, axis=-1, keepdims=True)
    var = jnp.var(m, axis=-1, keepdims=True)
    m = (m - mu) / jnp.sqrt(var + 1e-5) * ln_g + ln_b
    alpha = jax.nn.sigmoid(m @ W_g + b_g)
    m_g = m * alpha
    agg_h = jnp.zeros((Nn, HIDDEN), dtype=h.dtype).at[dst].add(m_g)
    coord_w = jnp.tanh(m_g @ W_x + b_x)
    coord_msg = r_norm * coord_w
    agg_x = jnp.zeros((Nn, x.shape[-1]), dtype=x.dtype).at[dst].add(coord_msg)
    degree = jnp.zeros((Nn, 1), dtype=x.dtype).at[dst].add(jnp.ones((src.shape[0], 1), dtype=x.dtype))
    degree = jnp.maximum(degree, 1.0)
    agg_x = agg_x / degree
    h_new = h + jax.nn.silu(jnp.concatenate([h, agg_h], axis=-1) @ W_h1 + b_h1) @ W_h2 + b_h2
    x_new = x + agg_x
    return (h_new, x_new)

if __name__ == "__main__":
    import jax
    _d = setup_inputs()
    print(jax.jit(kernel)(*tuple(_d.values())))

</pallas_src>

<mosaic_0001>
#map = affine_map<(d0, d1) -> (0, 0)>
#map1 = affine_map<(d0, d1) -> (0)>
module attributes {stable_mosaic.version = 14 : i64} {
  func.func @k2(%arg0: i32, %arg1: i32, %arg2: memref<10000x64xf32, #tpu.memory_space<hbm>>, %arg3: memref<10000x64xf32, #tpu.memory_space<hbm>>, %arg4: memref<4x10000xf32, #tpu.memory_space<hbm>>, %arg5: memref<161280xi32, #tpu.memory_space<hbm>>, %arg6: memref<161280xi32, #tpu.memory_space<hbm>>, %arg7: memref<161280x64xf32, #tpu.memory_space<hbm>>, %arg8: memref<80640x8xf32, #tpu.memory_space<hbm>>, %arg9: memref<80xi32, #tpu.memory_space<vmem>>, %arg10: memref<80xi32, #tpu.memory_space<vmem>>, %arg11: memref<80xi32, #tpu.memory_space<vmem>>, %arg12: memref<80xi32, #tpu.memory_space<vmem>>, %arg13: memref<80x64xf32, #tpu.memory_space<vmem>>, %arg14: memref<80x64xf32, #tpu.memory_space<vmem>>, %arg15: memref<80x64xf32, #tpu.memory_space<vmem>>, %arg16: memref<80x64xf32, #tpu.memory_space<vmem>>, %arg17: memref<40x8xf32, #tpu.memory_space<vmem>>, %arg18: memref<40x8xf32, #tpu.memory_space<vmem>>, %arg19: memref<4x10000xf32, #tpu.memory_space<vmem>>, %arg20: memref<!tpu.dma_semaphore, #tpu.memory_space<semaphore_mem>>, %arg21: memref<!tpu.dma_semaphore, #tpu.memory_space<semaphore_mem>>, %arg22: memref<!tpu.dma_semaphore, #tpu.memory_space<semaphore_mem>>, %arg23: memref<!tpu.dma_semaphore, #tpu.memory_space<semaphore_mem>>, %arg24: memref<!tpu.dma_semaphore, #tpu.memory_space<semaphore_mem>>, %arg25: memref<!tpu.dma_semaphore, #tpu.memory_space<semaphore_mem>>) attributes {dimension_semantics = [#tpu.dimension_semantics<core_parallel>, #tpu.dimension_semantics<subcore_parallel>], iteration_bounds = array<i64: 2, 16>, scalar_prefetch = 0 : i64, scratch_operands = 17 : i64, tpu.core_type = #tpu.core_type<sc_vector_subcore>, window_params = [{transform_indices = #map}, {transform_indices = #map}, {transform_indices = #map}, {transform_indices = #map1}, {transform_indices = #map1}, {transform_indices = #map}, {transform_indices = #map}]} {
    %mul3A = arith.constant 16 : i32
    %mul3A_0 = arith.muli %arg0, %mul3A : i32
    %add3A = arith.addi %mul3A_0, %arg1 : i32
    "tpu.region"() ({
      %run_scoped3A = tpu.sem_alloc : memref<!tpu.dma_semaphore, #tpu.memory_space<semaphore_mem>>
      tpu.enqueue_dma source(%arg4 : memref<4x10000xf32, #tpu.memory_space<hbm>>) target(%arg19 : memref<4x10000xf32, #tpu.memory_space<vmem>>) target_semaphore(%run_scoped3A : memref<!tpu.dma_semaphore, #tpu.memory_space<semaphore_mem>>)
      tpu.wait_dma2 semaphore(%run_scoped3A : memref<!tpu.dma_semaphore, #tpu.memory_space<semaphore_mem>>) src(%arg4 : memref<4x10000xf32, #tpu.memory_space<hbm>>) dst(%arg19 : memref<4x10000xf32, #tpu.memory_space<vmem>>)
      tpu.yield
    }) : () -> ()
    %mul3A_1 = arith.constant 5040 : i32
    %mul3A_2 = arith.muli %add3A, %mul3A_1 : i32
    %add3A_3 = arith.constant 0 : i32
    %add3A_4 = arith.addi %mul3A_2, %add3A_3 : i32
    %dma_start3A = tpu.memref_slice %arg5[%add3A_4] : memref<161280xi32, #tpu.memory_space<hbm>> -> memref<80xi32, #tpu.memory_space<hbm>>
    %dma_start3A_5 = tpu.memref_slice %arg5[%add3A_4] : memref<161280xi32, #tpu.memory_space<hbm>> -> memref<80xi32, #tpu.memory_space<hbm>>
    tpu.enqueue_dma source(%dma_start3A_5 : memref<80xi32, #tpu.memory_space<hbm>>) target(%arg9 : memref<80xi32, #tpu.memory_space<vmem>>) target_semaphore(%arg20 : memref<!tpu.dma_semaphore, #tpu.memory_space<semaphore_mem>>)
    %dma_start3A_6 = tpu.memref_slice %arg6[%add3A_4] : memref<161280xi32, #tpu.memory_space<hbm>> -> memref<80xi32, #tpu.memory_space<hbm>>
    %dma_start3A_7 = tpu.memref_slice %arg6[%add3A_4] : memref<161280xi32, #tpu.memory_space<hbm>> -> memref<80xi32, #tpu.memory_space<hbm>>
    tpu.enqueue_dma source(%dma_start3A_7 : memref<80xi32, #tpu.memory_space<hbm>>) target(%arg11 : memref<80xi32, #tpu.memory_space<vmem>>) target_semaphore(%arg20 : memref<!tpu.dma_semaphore, #tpu.memory_space<semaphore_mem>>)
    %add3A_8 = arith.constant 0 : i32
    %add3A_9 = arith.addi %mul3A_2, %add3A_8 : i32
    %dma_wait3A = tpu.memref_slice %arg5[%add3A_9] : memref<161280xi32, #tpu.memory_space<hbm>> -> memref<80xi32, #tpu.memory_space<hbm>>
    %dma_wait3A_10 = tpu.memref_slice %arg5[%add3A_9] : memref<161280xi32, #tpu.memory_space<hbm>> -> memref<80xi32, #tpu.memory_space<hbm>>
    tpu.wait_dma2 semaphore(%arg20 : memref<!tpu.dma_semaphore, #tpu.memory_space<semaphore_mem>>) src(%dma_wait3A_10 : memref<80xi32, #tpu.memory_space<hbm>>) dst(%arg9 : memref<80xi32, #tpu.memory_space<vmem>>)
    %dma_wait3A_11 = tpu.memref_slice %arg6[%add3A_9] : memref<161280xi32, #tpu.memory_space<hbm>> -> memref<80xi32, #tpu.memory_space<hbm>>
    %dma_wait3A_12 = tpu.memref_slice %arg6[%add3A_9] : memref<161280xi32, #tpu.memory_space<hbm>> -> memref<80xi32, #tpu.memory_space<hbm>>
    tpu.wait_dma2 semaphore(%arg20 : memref<!tpu.dma_semaphore, #tpu.memory_space<semaphore_mem>>) src(%dma_wait3A_12 : memref<80xi32, #tpu.memory_space<hbm>>) dst(%arg11 : memref<80xi32, #tpu.memory_space<vmem>>)
    %dma_start3A_13 = arith.constant 0 : i32
    %dma_start3A_14 = arith.constant 0 : i32
    %dma_start3A_15 = tpu.memref_slice %arg2[%dma_start3A_13, %dma_start3A_14] : memref<10000x64xf32, #tpu.memory_space<hbm>> -> memref<10000x64xf32, #tpu.memory_space<hbm>>
    tpu.enqueue_indirect_dma source(%dma_start3A_15 : memref<10000x64xf32, #tpu.memory_space<hbm>>) target(%arg13 : memref<80x64xf32, #tpu.memory_space<vmem>>) offsets(%arg9 : memref<80xi32, #tpu.memory_space<vmem>>) semaphore(%arg22 : memref<!tpu.dma_semaphore, #tpu.memory_space<semaphore_mem>>)
    %dma_start3A_16 = arith.constant 0 : i32
    %dma_start3A_17 = arith.constant 0 : i32
    %dma_start3A_18 = tpu.memref_slice %arg3[%dma_start3A_16, %dma_start3A_17] : memref<10000x64xf32, #tpu.memory_space<hbm>> -> memref<10000x64xf32, #tpu.memory_space<hbm>>
    tpu.enqueue_indirect_dma source(%dma_start3A_18 : memref<10000x64xf32, #tpu.memory_space<hbm>>) target(%arg15 : memref<80x64xf32, #tpu.memory_space<vmem>>) offsets(%arg11 : memref<80xi32, #tpu.memory_space<vmem>>) semaphore(%arg22 : memref<!tpu.dma_semaphore, #tpu.memory_space<semaphore_mem>>)
    %add3A_19 = arith.constant 80 : i32
    %add3A_20 = arith.addi %mul3A_2, %add3A_19 : i32
    %dma_start3A_21 = tpu.memref_slice %arg5[%add3A_20] : memref<161280xi32, #tpu.memory_space<hbm>> -> memref<80xi32, #tpu.memory_space<hbm>>
    %dma_start3A_22 = tpu.memref_slice %arg5[%add3A_20] : memref<161280xi32, #tpu.memory_space<hbm>> -> memref<80xi32, #tpu.memory_space<hbm>>
    tpu.enqueue_dma source(%dma_start3A_22 : memref<80xi32, #tpu.memory_space<hbm>>) target(%arg10 : memref<80xi32, #tpu.memory_space<vmem>>) target_semaphore(%arg21 : memref<!tpu.dma_semaphore, #tpu.memory_space<semaphore_mem>>)
    %dma_start3A_23 = tpu.memref_slice %arg6[%add3A_20] : memref<161280xi32, #tpu.memory_space<hbm>> -> memref<80xi32, #tpu.memory_space<hbm>>
    %dma_start3A_24 = tpu.memref_slice %arg6[%add3A_20] : memref<161280xi32, #tpu.memory_space<hbm>> -> memref<80xi32, #tpu.memory_space<hbm>>
    tpu.enqueue_dma source(%dma_start3A_24 : memref<80xi32, #tpu.memory_space<hbm>>) target(%arg12 : memref<80xi32, #tpu.memory_space<vmem>>) target_semaphore(%arg21 : memref<!tpu.dma_semaphore, #tpu.memory_space<semaphore_mem>>)
    %scan3A = arith.constant 0 : i32
    %scan3A_25 = arith.constant 31 : i32
    %scan3A_26 = arith.addi %scan3A, %scan3A_25 : i32
    %scan3A_27 = arith.constant 1 : i32
    scf.for %scan3A_87 = %scan3A to %scan3A_26 step %scan3A_27  : i32 {
      %mul3A_88 = arith.constant 1 : i32
      %mul3A_89 = arith.muli %scan3A_87, %mul3A_88 : i32
      %add3A_90 = arith.constant 0 : i32
      %add3A_91 = arith.addi %add3A_90, %mul3A_89 : i32
      %mul3A_92 = arith.constant 2 : i32
      %mul3A_93 = arith.muli %mul3A_92, %add3A_91 : i32
      %add3A_94 = arith.constant 1 : i32
      %add3A_95 = arith.addi %mul3A_93, %add3A_94 : i32
      %le3A = arith.constant 62 : i32
      %le3A_96 = arith.cmpi sle, %add3A_95, %le3A : i32
      %convert_element_type3A = arith.extui %le3A_96 : i1 to i32
      %cond3A = arith.constant 0 : i32
      %cond3A_97 = arith.cmpi ne, %convert_element_type3A, %cond3A : i32
      scf.if %cond3A_97 {
        %add3A_187 = arith.constant 1 : i32
        %add3A_188 = arith.addi %mul3A_93, %add3A_187 : i32
        %mul3A_189 = arith.constant 80 : i32
        %mul3A_190 = arith.muli %add3A_188, %mul3A_189 : i32
        %add3A_191 = arith.addi %mul3A_2, %mul3A_190 : i32
        %dma_wait3A_192 = tpu.memref_slice %arg5[%add3A_191] : memref<161280xi32, #tpu.memory_space<hbm>> -> memref<80xi32, #tpu.memory_space<hbm>>
        %dma_wait3A_193 = tpu.memref_slice %arg5[%add3A_191] : memref<161280xi32, #tpu.memory_space<hbm>> -> memref<80xi32, #tpu.memory_space<hbm>>
        tpu.wait_dma2 semaphore(%arg21 : memref<!tpu.dma_semaphore, #tpu.memory_space<semaphore_mem>>) src(%dma_wait3A_193 : memref<80xi32, #tpu.memory_space<hbm>>) dst(%arg10 : memref<80xi32, #tpu.memory_space<vmem>>)
        %dma_wait3A_194 = tpu.memref_slice %arg6[%add3A_191] : memref<161280xi32, #tpu.memory_space<hbm>> -> memref<80xi32, #tpu.memory_space<hbm>>
        %dma_wait3A_195 = tpu.memref_slice %arg6[%add3A_191] : memref<161280xi32, #tpu.memory_space<hbm>> -> memref<80xi32, #tpu.memory_space<hbm>>
        tpu.wait_dma2 semaphore(%arg21 : memref<!tpu.dma_semaphore, #tpu.memory_space<semaphore_mem>>) src(%dma_wait3A_195 : memref<80xi32, #tpu.memory_space<hbm>>) dst(%arg12 : memref<80xi32, #tpu.memory_space<vmem>>)
        %ge3A = arith.constant 1 : i32
        %ge3A_196 = arith.cmpi sge, %mul3A_93, %ge3A : i32
        %convert_element_type3A_197 = arith.extui %ge3A_196 : i1 to i32
        %cond3A_198 = arith.constant 0 : i32
        %cond3A_199 = arith.cmpi ne, %convert_element_type3A_197, %cond3A_198 : i32
        scf.if %cond3A_199 {
          %sub3A = arith.constant 1 : i32
          %sub3A_206 = arith.subi %mul3A_93, %sub3A : i32
          %mul3A_207 = arith.constant 80 : i32
          %mul3A_208 = arith.muli %sub3A_206, %mul3A_207 : i32
          %add3A_209 = arith.addi %mul3A_2, %mul3A_208 : i32
          %mul3A_210 = arith.constant 2520 : i32
          %mul3A_211 = arith.muli %add3A, %mul3A_210 : i32
          %mul3A_212 = arith.constant 40 : i32
          %mul3A_213 = arith.muli %sub3A_206, %mul3A_212 : i32
          %add3A_214 = arith.addi %mul3A_211, %mul3A_213 : i32
          %dma_wait3A_215 = arith.constant 0 : i32
          %dma_wait3A_216 = tpu.memref_slice %arg7[%add3A_209, %dma_wait3A_215] : memref<161280x64xf32, #tpu.memory_space<hbm>> -> memref<80x64xf32, #tpu.memory_space<hbm>>
          %dma_wait3A_217 = arith.constant 0 : i32
          %dma_wait3A_218 = tpu.memref_slice %arg7[%add3A_209, %dma_wait3A_217] : memref<161280x64xf32, #tpu.memory_space<hbm>> -> memref<80x64xf32, #tpu.memory_space<hbm>>
          tpu.wait_dma2 semaphore(%arg25 : memref<!tpu.dma_semaphore, #tpu.memory_space<semaphore_mem>>) src(%arg14 : memref<80x64xf32, #tpu.memory_space<vmem>>) dst(%dma_wait3A_218 : memref<80x64xf32, #tpu.memory_space<hbm>>)
          %dma_wait3A_219 = arith.constant 0 : i32
          %dma_wait3A_220 = tpu.memref_slice %arg8[%add3A_214, %dma_wait3A_219] : memref<80640x8xf32, #tpu.memory_space<hbm>> -> memref<40x8xf32, #tpu.memory_space<hbm>>
          %dma_wait3A_221 = arith.constant 0 : i32
          %dma_wait3A_222 = tpu.memref_slice %arg8[%add3A_214, %dma_wait3A_221] : memref<80640x8xf32, #tpu.memory_space<hbm>> -> memref<40x8xf32, #tpu.memory_space<hbm>>
          tpu.wait_dma2 semaphore(%arg25 : memref<!tpu.dma_semaphore, #tpu.memory_space<semaphore_mem>>) src(%arg18 : memref<40x8xf32, #tpu.memory_space<vmem>>) dst(%dma_wait3A_222 : memref<40x8xf32, #tpu.memory_space<hbm>>)
        } else {
        }
        %dma_start3A_200 = arith.constant 0 : i32
        %dma_start3A_201 = arith.constant 0 : i32
        %dma_start3A_202 = tpu.memref_slice %arg2[%dma_start3A_200, %dma_start3A_201] : memref<10000x64xf32, #tpu.memory_space<hbm>> -> memref<10000x64xf32, #tpu.memory_space<hbm>>
        tpu.enqueue_indirect_dma source(%dma_start3A_202 : memref<10000x64xf32, #tpu.memory_space<hbm>>) target(%arg14 : memref<80x64xf32, #tpu.memory_space<vmem>>) offsets(%arg10 : memref<80xi32, #tpu.memory_space<vmem>>) semaphore(%arg23 : memref<!tpu.dma_semaphore, #tpu.memory_space<semaphore_mem>>)
        %dma_start3A_203 = arith.constant 0 : i32
        %dma_start3A_204 = arith.constant 0 : i32
        %dma_start3A_205 = tpu.memref_slice %arg3[%dma_start3A_203, %dma_start3A_204] : memref<10000x64xf32, #tpu.memory_space<hbm>> -> memref<10000x64xf32, #tpu.memory_space<hbm>>
        tpu.enqueue_indirect_dma source(%dma_start3A_205 : memref<10000x64xf32, #tpu.memory_space<hbm>>) target(%arg16 : memref<80x64xf32, #tpu.memory_space<vmem>>) offsets(%arg12 : memref<80xi32, #tpu.memory_space<vmem>>) semaphore(%arg23 : memref<!tpu.dma_semaphore, #tpu.memory_space<semaphore_mem>>)
      } else {
      }
      %dma_wait3A_98 = arith.constant 0 : i32
      %dma_wait3A_99 = arith.constant 0 : i32
      %dma_wait3A_100 = tpu.memref_slice %arg2[%dma_wait3A_98, %dma_wait3A_99] : memref<10000x64xf32, #tpu.memory_space<hbm>> -> memref<10000x64xf32, #tpu.memory_space<hbm>>
      tpu.wait_indirect_dma semaphore(%arg22 : memref<!tpu.dma_semaphore, #tpu.memory_space<semaphore_mem>>) src(%dma_wait3A_100 : memref<10000x64xf32, #tpu.memory_space<hbm>>) dst(%arg13 : memref<80x64xf32, #tpu.memory_space<vmem>>)
      %dma_wait3A_101 = arith.constant 0 : i32
      %dma_wait3A_102 = arith.constant 0 : i32
      %dma_wait3A_103 = tpu.memref_slice %arg3[%dma_wait3A_101, %dma_wait3A_102] : memref<10000x64xf32, #tpu.memory_space<hbm>> -> memref<10000x64xf32, #tpu.memory_space<hbm>>
      tpu.wait_indirect_dma semaphore(%arg22 : memref<!tpu.dma_semaphore, #tpu.memory_space<semaphore_mem>>) src(%dma_wait3A_103 : memref<10000x64xf32, #tpu.memory_space<hbm>>) dst(%arg15 : memref<80x64xf32, #tpu.memory_space<vmem>>)
      %scan3A_104 = arith.constant 0 : i32
      %scan3A_105 = arith.constant 80 : i32
      %scan3A_106 = arith.addi %scan3A_104, %scan3A_105 : i32
      %scan3A_107 = arith.constant 1 : i32
      scf.for %scan3A_187 = %scan3A_104 to %scan3A_106 step %scan3A_107  : i32 {
        %mul3A_188 = arith.constant 1 : i32
        %mul3A_189 = arith.muli %scan3A_187, %mul3A_188 : i32
        %add3A_190 = arith.constant 0 : i32
        %add3A_191 = arith.addi %add3A_190, %mul3A_189 : i32
        %get3A = arith.index_cast %add3A_191 : i32 to index
        %get3A_192 = arith.constant 0 : index
        %get3A_193 = tpu.vector_load %arg13[%get3A, %get3A_192] {strides = array<i32>} : memref<80x64xf32, #tpu.memory_space<vmem>>, vector<16xf32>,
        %get3A_194 = arith.index_cast %add3A_191 : i32 to index
        %get3A_195 = arith.constant 0 : index
        %get3A_196 = tpu.vector_load %arg15[%get3A_194, %get3A_195] {strides = array<i32>} : memref<80x64xf32, #tpu.memory_space<vmem>>, vector<16xf32>,
        %add3A_197 = arith.addf %get3A_193, %get3A_196 : vector<16xf32>
        %swap3A = arith.index_cast %add3A_191 : i32 to index
        %swap3A_198 = arith.constant 0 : index
        %swap3A_199 = tpu.vector_load %arg13[%swap3A, %swap3A_198] {strides = array<i32>} : memref<80x64xf32, #tpu.memory_space<vmem>>, vector<16xf32>,
        tpu.vector_store %arg13[%swap3A, %swap3A_198], %add3A_197 {strides = array<i32>} : memref<80x64xf32, #tpu.memory_space<vmem>>, vector<16xf32>,
        %get3A_200 = arith.index_cast %add3A_191 : i32 to index
        %get3A_201 = arith.constant 16 : index
        %get3A_202 = tpu.vector_load %arg13[%get3A_200, %get3A_201] {strides = array<i32>} : memref<80x64xf32, #tpu.memory_space<vmem>>, vector<16xf32>,
        %get3A_203 = arith.index_cast %add3A_191 : i32 to index
        %get3A_204 = arith.constant 16 : index
        %get3A_205 = tpu.vector_load %arg15[%get3A_203, %get3A_204] {strides = array<i32>} : memref<80x64xf32, #tpu.memory_space<vmem>>, vector<16xf32>,
        %add3A_206 = arith.addf %get3A_202, %get3A_205 : vector<16xf32>
        %swap3A_207 = arith.index_cast %add3A_191 : i32 to index
        %swap3A_208 = arith.constant 16 : index
        %swap3A_209 = tpu.vector_load %arg13[%swap3A_207, %swap3A_208] {strides = array<i32>} : memref<80x64xf32, #tpu.memory_space<vmem>>, vector<16xf32>,
        tpu.vector_store %arg13[%swap3A_207, %swap3A_208], %add3A_206 {strides = array<i32>} : memref<80x64xf32, #tpu.memory_space<vmem>>, vector<16xf32>,
        %get3A_210 = arith.index_cast %add3A_191 : i32 to index
        %get3A_211 = arith.constant 32 : index
        %get3A_212 = tpu.vector_load %arg13[%get3A_210, %get3A_211] {strides = array<i32>} : memref<80x64xf32, #tpu.memory_space<vmem>>, vector<16xf32>,
        %get3A_213 = arith.index_cast %add3A_191 : i32 to index
        %get3A_214 = arith.constant 32 : index
        %get3A_215 = tpu.vector_load %arg15[%get3A_213, %get3A_214] {strides = array<i32>} : memref<80x64xf32, #tpu.memory_space<vmem>>, vector<16xf32>,
        %add3A_216 = arith.addf %get3A_212, %get3A_215 : vector<16xf32>
        %swap3A_217 = arith.index_cast %add3A_191 : i32 to index
        %swap3A_218 = arith.constant 32 : index
        %swap3A_219 = tpu.vector_load %arg13[%swap3A_217, %swap3A_218] {strides = array<i32>} : memref<80x64xf32, #tpu.memory_space<vmem>>, vector<16xf32>,
        tpu.vector_store %arg13[%swap3A_217, %swap3A_218], %add3A_216 {strides = array<i32>} : memref<80x64xf32, #tpu.memory_space<vmem>>, vector<16xf32>,
        %get3A_220 = arith.index_cast %add3A_191 : i32 to index
        %get3A_221 = arith.constant 48 : index
        %get3A_222 = tpu.vector_load %arg13[%get3A_220, %get3A_221] {strides = array<i32>} : memref<80x64xf32, #tpu.memory_space<vmem>>, vector<16xf32>,
        %get3A_223 = arith.index_cast %add3A_191 : i32 to index
        %get3A_224 = arith.constant 48 : index
        %get3A_225 = tpu.vector_load %arg15[%get3A_223, %get3A_224] {strides = array<i32>} : memref<80x64xf32, #tpu.memory_space<vmem>>, vector<16xf32>,
        %add3A_226 = arith.addf %get3A_222, %get3A_225 : vector<16xf32>
        %swap3A_227 = arith.index_cast %add3A_191 : i32 to index
        %swap3A_228 = arith.constant 48 : index
        %swap3A_229 = tpu.vector_load %arg13[%swap3A_227, %swap3A_228] {strides = array<i32>} : memref<80x64xf32, #tpu.memory_space<vmem>>, vector<16xf32>,
        tpu.vector_store %arg13[%swap3A_227, %swap3A_228], %add3A_226 {strides = array<i32>} : memref<80x64xf32, #tpu.memory_space<vmem>>, vector<16xf32>,
      }
      %scan3A_108 = arith.constant 80 : i32
      %scan3A_109 = arith.constant 0 : i32
      %scan3A_110 = arith.constant 5 : i32
      %scan3A_111 = arith.addi %scan3A_109, %scan3A_110 : i32
      %scan3A_112 = arith.constant 1 : i32
      scf.for %scan3A_187 = %scan3A_109 to %scan3A_111 step %scan3A_112  : i32 {
        %mul3A_188 = arith.constant 1 : i32
        %mul3A_189 = arith.muli %scan3A_187, %mul3A_188 : i32
        %add3A_190 = arith.constant 0 : i32
        %add3A_191 = arith.addi %add3A_190, %mul3A_189 : i32
        %mul3A_192 = arith.constant 16 : i32
        %mul3A_193 = arith.muli %add3A_191, %mul3A_192 : i32
        %get3A = arith.index_cast %mul3A_193 : i32 to index
        %get3A_194 = tpu.vector_load %arg9[%get3A] {strides = array<i32>} : memref<80xi32, #tpu.memory_space<vmem>>, vector<16xi32>,
        %mul3A_195 = arith.constant 16 : i32
        %mul3A_196 = arith.muli %add3A_191, %mul3A_195 : i32
        %get3A_197 = arith.index_cast %mul3A_196 : i32 to index
        %get3A_198 = tpu.vector_load %arg11[%get3A_197] {strides = array<i32>} : memref<80xi32, #tpu.memory_space<vmem>>, vector<16xi32>,
        %iota3A = tpu.iota {dimensions = array<i32: 0>} : vector<16xi32>
        %mul3A_199 = arith.constant 16 : i32
        %mul3A_200 = arith.muli %add3A_191, %mul3A_199 : i32
        %add3A_201 = vector.broadcast %mul3A_200 : i32 to vector<16xi32>
        %add3A_202 = arith.addi %iota3A, %add3A_201 : vector<16xi32>
        %broadcast_in_dim3A = arith.constant 0 : i32
        %broadcast_in_dim3A_203 = vector.broadcast %broadcast_in_dim3A : i32 to vector<16xi32>
        %gather3A = tpu.vector_load_idx %arg19[%broadcast_in_dim3A_203, %get3A_194] : memref<4x10000xf32, #tpu.memory_space<vmem>>[vector<16xi32>, vector<16xi32>], vector<16xf32>,
        %gather3A_204 = tpu.vector_load_idx %arg19[%broadcast_in_dim3A_203, %get3A_198] : memref<4x10000xf32, #tpu.memory_space<vmem>>[vector<16xi32>, vector<16xi32>], vector<16xf32>,
        %mul3A_205 = arith.constant 4 : i32
        %mul3A_206 = vector.broadcast %mul3A_205 : i32 to vector<16xi32>
        %mul3A_207 = arith.muli %add3A_202, %mul3A_206 : vector<16xi32>
        %add3A_208 = arith.constant 0 : i32
        %add3A_209 = vector.broadcast %add3A_208 : i32 to vector<16xi32>
        %add3A_210 = arith.addi %mul3A_207, %add3A_209 : vector<16xi32>
        %shift_right_arithmetic3A = arith.constant 3 : i32
        %shift_right_arithmetic3A_211 = vector.broadcast %shift_right_arithmetic3A : i32 to vector<16xi32>
        %shift_right_arithmetic3A_212 = arith.shrsi %add3A_210, %shift_right_arithmetic3A_211 : vector<16xi32>
        %and3A = arith.constant 7 : i32
        %and3A_213 = vector.broadcast %and3A : i32 to vector<16xi32>
        %and3A_214 = arith.andi %add3A_210, %and3A_213 : vector<16xi32>
        %sub3A = arith.subf %gather3A, %gather3A_204 : vector<16xf32>
        tpu.vector_store_idx %arg17[%shift_right_arithmetic3A_212, %and3A_214], %sub3A : memref<40x8xf32, #tpu.memory_space<vmem>>[vector<16xi32>, vector<16xi32>], vector<16xf32>,
        %broadcast_in_dim3A_215 = arith.constant 1 : i32
        %broadcast_in_dim3A_216 = vector.broadcast %broadcast_in_dim3A_215 : i32 to vector<16xi32>
        %gather3A_217 = tpu.vector_load_idx %arg19[%broadcast_in_dim3A_216, %get3A_194] : memref<4x10000xf32, #tpu.memory_space<vmem>>[vector<16xi32>, vector<16xi32>], vector<16xf32>,
        %gather3A_218 = tpu.vector_load_idx %arg19[%broadcast_in_dim3A_216, %get3A_198] : memref<4x10000xf32, #tpu.memory_space<vmem>>[vector<16xi32>, vector<16xi32>], vector<16xf32>,
        %mul3A_219 = arith.constant 4 : i32
        %mul3A_220 = vector.broadcast %mul3A_219 : i32 to vector<16xi32>
        %mul3A_221 = arith.muli %add3A_202, %mul3A_220 : vector<16xi32>
        %add3A_222 = arith.constant 1 : i32
        %add3A_223 = vector.broadcast %add3A_222 : i32 to vector<16xi32>
        %add3A_224 = arith.addi %mul3A_221, %add3A_223 : vector<16xi32>
        %shift_right_arithmetic3A_225 = arith.constant 3 : i32
        %shift_right_arithmetic3A_226 = vector.broadcast %shift_right_arithmetic3A_225 : i32 to vector<16xi32>
        %shift_right_arithmetic3A_227 = arith.shrsi %add3A_224, %shift_right_arithmetic3A_226 : vector<16xi32>
        %and3A_228 = arith.constant 7 : i32
        %and3A_229 = vector.broadcast %and3A_228 : i32 to vector<16xi32>
        %and3A_230 = arith.andi %add3A_224, %and3A_229 : vector<16xi32>
        %sub3A_231 = arith.subf %gather3A_217, %gather3A_218 : vector<16xf32>
        tpu.vector_store_idx %arg17[%shift_right_arithmetic3A_227, %and3A_230], %sub3A_231 : memref<40x8xf32, #tpu.memory_space<vmem>>[vector<16xi32>, vector<16xi32>], vector<16xf32>,
        %broadcast_in_dim3A_232 = arith.constant 2 : i32
        %broadcast_in_dim3A_233 = vector.broadcast %broadcast_in_dim3A_232 : i32 to vector<16xi32>
        %gather3A_234 = tpu.vector_load_idx %arg19[%broadcast_in_dim3A_233, %get3A_194] : memref<4x10000xf32, #tpu.memory_space<vmem>>[vector<16xi32>, vector<16xi32>], vector<16xf32>,
        %gather3A_235 = tpu.vector_load_idx %arg19[%broadcast_in_dim3A_233, %get3A_198] : memref<4x10000xf32, #tpu.memory_space<vmem>>[vector<16xi32>, vector<16xi32>], vector<16xf32>,
        %mul3A_236 = arith.constant 4 : i32
        %mul3A_237 = vector.broadcast %mul3A_236 : i32 to vector<16xi32>
        %mul3A_238 = arith.muli %add3A_202, %mul3A_237 : vector<16xi32>
        %add3A_239 = arith.constant 2 : i32
        %add3A_240 = vector.broadcast %add3A_239 : i32 to vector<16xi32>
        %add3A_241 = arith.addi %mul3A_238, %add3A_240 : vector<16xi32>
        %shift_right_arithmetic3A_242 = arith.constant 3 : i32
        %shift_right_arithmetic3A_243 = vector.broadcast %shift_right_arithmetic3A_242 : i32 to vector<16xi32>
        %shift_right_arithmetic3A_244 = arith.shrsi %add3A_241, %shift_right_arithmetic3A_243 : vector<16xi32>
        %and3A_245 = arith.constant 7 : i32
        %and3A_246 = vector.broadcast %and3A_245 : i32 to vector<16xi32>
        %and3A_247 = arith.andi %add3A_241, %and3A_246 : vector<16xi32>
        %sub3A_248 = arith.subf %gather3A_234, %gather3A_235 : vector<16xf32>
        tpu.vector_store_idx %arg17[%shift_right_arithmetic3A_244, %and3A_247], %sub3A_248 : memref<40x8xf32, #tpu.memory_space<vmem>>[vector<16xi32>, vector<16xi32>], vector<16xf32>,
        %mul3A_249 = arith.constant 4 : i32
        %mul3A_250 = vector.broadcast %mul3A_249 : i32 to vector<16xi32>
        %mul3A_251 = arith.muli %add3A_202, %mul3A_250 : vector<16xi32>
        %add3A_252 = arith.constant 3 : i32
        %add3A_253 = vector.broadcast %add3A_252 : i32 to vector<16xi32>
        %add3A_254 = arith.addi %mul3A_251, %add3A_253 : vector<16xi32>
        %shift_right_arithmetic3A_255 = arith.constant 3 : i32
        %shift_right_arithmetic3A_256 = vector.broadcast %shift_right_arithmetic3A_255 : i32 to vector<16xi32>
        %shift_right_arithmetic3A_257 = arith.shrsi %add3A_254, %shift_right_arithmetic3A_256 : vector<16xi32>
        %and3A_258 = arith.constant 7 : i32
        %and3A_259 = vector.broadcast %and3A_258 : i32 to vector<16xi32>
        %and3A_260 = arith.andi %add3A_254, %and3A_259 : vector<16xi32>
        %broadcast_in_dim3A_261 = arith.constant 0.000000e+00 : f32
        %broadcast_in_dim3A_262 = vector.broadcast %broadcast_in_dim3A_261 : f32 to vector<16xf32>
        tpu.vector_store_idx %arg17[%shift_right_arithmetic3A_257, %and3A_260], %broadcast_in_dim3A_262 : memref<40x8xf32, #tpu.memory_space<vmem>>[vector<16xi32>, vector<16xi32>], vector<16xf32>,
      }
      %scan3A_113 = arith.constant 5 : i32
      %mul3A_114 = arith.constant 80 : i32
      %mul3A_115 = arith.muli %mul3A_93, %mul3A_114 : i32
      %add3A_116 = arith.addi %mul3A_2, %mul3A_115 : i32
      %mul3A_117 = arith.constant 2520 : i32
      %mul3A_118 = arith.muli %add3A, %mul3A_117 : i32
      %mul3A_119 = arith.constant 40 : i32
      %mul3A_120 = arith.muli %mul3A_93, %mul3A_119 : i32
      %add3A_121 = arith.addi %mul3A_118, %mul3A_120 : i32
      %dma_start3A_122 = arith.constant 0 : i32
      %dma_start3A_123 = tpu.memref_slice %arg7[%add3A_116, %dma_start3A_122] : memref<161280x64xf32, #tpu.memory_space<hbm>> -> memref<80x64xf32, #tpu.memory_space<hbm>>
      %dma_start3A_124 = arith.constant 0 : i32
      %dma_start3A_125 = tpu.memref_slice %arg7[%add3A_116, %dma_start3A_124] : memref<161280x64xf32, #tpu.memory_space<hbm>> -> memref<80x64xf32, #tpu.memory_space<hbm>>
      tpu.enqueue_dma source(%arg13 : memref<80x64xf32, #tpu.memory_space<vmem>>) target(%dma_start3A_125 : memref<80x64xf32, #tpu.memory_space<hbm>>) target_semaphore(%arg24 : memref<!tpu.dma_semaphore, #tpu.memory_space<semaphore_mem>>)
      %dma_start3A_126 = arith.constant 0 : i32
      %dma_start3A_127 = tpu.memref_slice %arg8[%add3A_121, %dma_start3A_126] : memref<80640x8xf32, #tpu.memory_space<hbm>> -> memref<40x8xf32, #tpu.memory_space<hbm>>
      %dma_start3A_128 = arith.constant 0 : i32
      %dma_start3A_129 = tpu.memref_slice %arg8[%add3A_121, %dma_start3A_128] : memref<80640x8xf32, #tpu.memory_space<hbm>> -> memref<40x8xf32, #tpu.memory_space<hbm>>
      tpu.enqueue_dma source(%arg17 : memref<40x8xf32, #tpu.memory_space<vmem>>) target(%dma_start3A_129 : memref<40x8xf32, #tpu.memory_space<hbm>>) target_semaphore(%arg24 : memref<!tpu.dma_semaphore, #tpu.memory_space<semaphore_mem>>)
      %add3A_130 = arith.constant 2 : i32
      %add3A_131 = arith.addi %mul3A_93, %add3A_130 : i32
      %le3A_132 = arith.constant 62 : i32
      %le3A_133 = arith.cmpi sle, %add3A_131, %le3A_132 : i32
      %convert_element_type3A_134 = arith.extui %le3A_133 : i1 to i32
      %cond3A_135 = arith.constant 0 : i32
      %cond3A_136 = arith.cmpi ne, %convert_element_type3A_134, %cond3A_135 : i32
      scf.if %cond3A_136 {
        %add3A_187 = arith.constant 2 : i32
        %add3A_188 = arith.addi %mul3A_93, %add3A_187 : i32
        %mul3A_189 = arith.constant 80 : i32
        %mul3A_190 = arith.muli %add3A_188, %mul3A_189 : i32
        %add3A_191 = arith.addi %mul3A_2, %mul3A_190 : i32
        %dma_start3A_192 = tpu.memref_slice %arg5[%add3A_191] : memref<161280xi32, #tpu.memory_space<hbm>> -> memref<80xi32, #tpu.memory_space<hbm>>
        %dma_start3A_193 = tpu.memref_slice %arg5[%add3A_191] : memref<161280xi32, #tpu.memory_space<hbm>> -> memref<80xi32, #tpu.memory_space<hbm>>
        tpu.enqueue_dma source(%dma_start3A_193 : memref<80xi32, #tpu.memory_space<hbm>>) target(%arg9 : memref<80xi32, #tpu.memory_space<vmem>>) target_semaphore(%arg20 : memref<!tpu.dma_semaphore, #tpu.memory_space<semaphore_mem>>)
        %dma_start3A_194 = tpu.memref_slice %arg6[%add3A_191] : memref<161280xi32, #tpu.memory_space<hbm>> -> memref<80xi32, #tpu.memory_space<hbm>>
        %dma_start3A_195 = tpu.memref_slice %arg6[%add3A_191] : memref<161280xi32, #tpu.memory_space<hbm>> -> memref<80xi32, #tpu.memory_space<hbm>>
        tpu.enqueue_dma source(%dma_start3A_195 : memref<80xi32, #tpu.memory_space<hbm>>) target(%arg11 : memref<80xi32, #tpu.memory_space<vmem>>) target_semaphore(%arg20 : memref<!tpu.dma_semaphore, #tpu.memory_space<semaphore_mem>>)
      } else {
      }
      %mul3A_137 = arith.constant 2 : i32
      %mul3A_138 = arith.muli %mul3A_137, %add3A_91 : i32
      %add3A_139 = arith.constant 1 : i32
      %add3A_140 = arith.addi %mul3A_138, %add3A_139 : i32
      %add3A_141 = arith.constant 1 : i32
      %add3A_142 = arith.addi %add3A_140, %add3A_141 : i32
      %le3A_143 = arith.constant 62 : i32
      %le3A_144 = arith.cmpi sle, %add3A_142, %le3A_143 : i32
      %convert_element_type3A_145 = arith.extui %le3A_144 : i1 to i32
      %cond3A_146 = arith.constant 0 : i32
      %cond3A_147 = arith.cmpi ne, %convert_element_type3A_145, %cond3A_146 : i32
      scf.if %cond3A_147 {
        %add3A_187 = arith.constant 1 : i32
        %add3A_188 = arith.addi %add3A_140, %add3A_187 : i32
        %mul3A_189 = arith.constant 80 : i32
        %mul3A_190 = arith.muli %add3A_188, %mul3A_189 : i32
        %add3A_191 = arith.addi %mul3A_2, %mul3A_190 : i32
        %dma_wait3A_192 = tpu.memref_slice %arg5[%add3A_191] : memref<161280xi32, #tpu.memory_space<hbm>> -> memref<80xi32, #tpu.memory_space<hbm>>
        %dma_wait3A_193 = tpu.memref_slice %arg5[%add3A_191] : memref<161280xi32, #tpu.memory_space<hbm>> -> memref<80xi32, #tpu.memory_space<hbm>>
        tpu.wait_dma2 semaphore(%arg20 : memref<!tpu.dma_semaphore, #tpu.memory_space<semaphore_mem>>) src(%dma_wait3A_193 : memref<80xi32, #tpu.memory_space<hbm>>) dst(%arg9 : memref<80xi32, #tpu.memory_space<vmem>>)
        %dma_wait3A_194 = tpu.memref_slice %arg6[%add3A_191] : memref<161280xi32, #tpu.memory_space<hbm>> -> memref<80xi32, #tpu.memory_space<hbm>>
        %dma_wait3A_195 = tpu.memref_slice %arg6[%add3A_191] : memref<161280xi32, #tpu.memory_space<hbm>> -> memref<80xi32, #tpu.memory_space<hbm>>
        tpu.wait_dma2 semaphore(%arg20 : memref<!tpu.dma_semaphore, #tpu.memory_space<semaphore_mem>>) src(%dma_wait3A_195 : memref<80xi32, #tpu.memory_space<hbm>>) dst(%arg11 : memref<80xi32, #tpu.memory_space<vmem>>)
        %ge3A = arith.constant 1 : i32
        %ge3A_196 = arith.cmpi sge, %add3A_140, %ge3A : i32
        %convert_element_type3A_197 = arith.extui %ge3A_196 : i1 to i32
        %cond3A_198 = arith.constant 0 : i32
        %cond3A_199 = arith.cmpi ne, %convert_element_type3A_197, %cond3A_198 : i32
        scf.if %cond3A_199 {
          %sub3A = arith.constant 1 : i32
          %sub3A_206 = arith.subi %add3A_140, %sub3A : i32
          %mul3A_207 = arith.constant 80 : i32
          %mul3A_208 = arith.muli %sub3A_206, %mul3A_207 : i32
          %add3A_209 = arith.addi %mul3A_2, %mul3A_208 : i32
          %mul3A_210 = arith.constant 2520 : i32
          %mul3A_211 = arith.muli %add3A, %mul3A_210 : i32
          %mul3A_212 = arith.constant 40 : i32
          %mul3A_213 = arith.muli %sub3A_206, %mul3A_212 : i32
          %add3A_214 = arith.addi %mul3A_211, %mul3A_213 : i32
          %dma_wait3A_215 = arith.constant 0 : i32
          %dma_wait3A_216 = tpu.memref_slice %arg7[%add3A_209, %dma_wait3A_215] : memref<161280x64xf32, #tpu.memory_space<hbm>> -> memref<80x64xf32, #tpu.memory_space<hbm>>
          %dma_wait3A_217 = arith.constant 0 : i32
          %dma_wait3A_218 = tpu.memref_slice %arg7[%add3A_209, %dma_wait3A_217] : memref<161280x64xf32, #tpu.memory_space<hbm>> -> memref<80x64xf32, #tpu.memory_space<hbm>>
          tpu.wait_dma2 semaphore(%arg24 : memref<!tpu.dma_semaphore, #tpu.memory_space<semaphore_mem>>) src(%arg13 : memref<80x64xf32, #tpu.memory_space<vmem>>) dst(%dma_wait3A_218 : memref<80x64xf32, #tpu.memory_space<hbm>>)
          %dma_wait3A_219 = arith.constant 0 : i32
          %dma_wait3A_220 = tpu.memref_slice %arg8[%add3A_214, %dma_wait3A_219] : memref<80640x8xf32, #tpu.memory_space<hbm>> -> memref<40x8xf32, #tpu.memory_space<hbm>>
          %dma_wait3A_221 = arith.constant 0 : i32
          %dma_wait3A_222 = tpu.memref_slice %arg8[%add3A_214, %dma_wait3A_221] : memref<80640x8xf32, #tpu.memory_space<hbm>> -> memref<40x8xf32, #tpu.memory_space<hbm>>
          tpu.wait_dma2 semaphore(%arg24 : memref<!tpu.dma_semaphore, #tpu.memory_space<semaphore_mem>>) src(%arg17 : memref<40x8xf32, #tpu.memory_space<vmem>>) dst(%dma_wait3A_222 : memref<40x8xf32, #tpu.memory_space<hbm>>)
        } else {
        }
        %dma_start3A_200 = arith.constant 0 : i32
        %dma_start3A_201 = arith.constant 0 : i32
        %dma_start3A_202 = tpu.memref_slice %arg2[%dma_start3A_200, %dma_start3A_201] : memref<10000x64xf32, #tpu.memory_space<hbm>> -> memref<10000x64xf32, #tpu.memory_space<hbm>>
        tpu.enqueue_indirect_dma source(%dma_start3A_202 : memref<10000x64xf32, #tpu.memory_space<hbm>>) target(%arg13 : memref<80x64xf32, #tpu.memory_space<vmem>>) offsets(%arg9 : memref<80xi32, #tpu.memory_space<vmem>>) semaphore(%arg22 : memref<!tpu.dma_semaphore, #tpu.memory_space<semaphore_mem>>)
        %dma_start3A_203 = arith.constant 0 : i32
        %dma_start3A_204 = arith.constant 0 : i32
        %dma_start3A_205 = tpu.memref_slice %arg3[%dma_start3A_203, %dma_start3A_204] : memref<10000x64xf32, #tpu.memory_space<hbm>> -> memref<10000x64xf32, #tpu.memory_space<hbm>>
        tpu.enqueue_indirect_dma source(%dma_start3A_205 : memref<10000x64xf32, #tpu.memory_space<hbm>>) target(%arg15 : memref<80x64xf32, #tpu.memory_space<vmem>>) offsets(%arg11 : memref<80xi32, #tpu.memory_space<vmem>>) semaphore(%arg22 : memref<!tpu.dma_semaphore, #tpu.memory_space<semaphore_mem>>)
      } else {
      }
      %dma_wait3A_148 = arith.constant 0 : i32
      %dma_wait3A_149 = arith.constant 0 : i32
      %dma_wait3A_150 = tpu.memref_slice %arg2[%dma_wait3A_148, %dma_wait3A_149] : memref<10000x64xf32, #tpu.memory_space<hbm>> -> memref<10000x64xf32, #tpu.memory_space<hbm>>
      tpu.wait_indirect_dma semaphore(%arg23 : memref<!tpu.dma_semaphore, #tpu.memory_space<semaphore_mem>>) src(%dma_wait3A_150 : memref<10000x64xf32, #tpu.memory_space<hbm>>) dst(%arg14 : memref<80x64xf32, #tpu.memory_space<vmem>>)
      %dma_wait3A_151 = arith.constant 0 : i32
      %dma_wait3A_152 = arith.constant 0 : i32
      %dma_wait3A_153 = tpu.memref_slice %arg3[%dma_wait3A_151, %dma_wait3A_152] : memref<10000x64xf32, #tpu.memory_space<hbm>> -> memref<10000x64xf32, #tpu.memory_space<hbm>>
      tpu.wait_indirect_dma semaphore(%arg23 : memref<!tpu.dma_semaphore, #tpu.memory_space<semaphore_mem>>) src(%dma_wait3A_153 : memref<10000x64xf32, #tpu.memory_space<hbm>>) dst(%arg16 : memref<80x64xf32, #tpu.memory_space<vmem>>)
      %scan3A_154 = arith.constant 0 : i32
      %scan3A_155 = arith.constant 80 : i32
      %scan3A_156 = arith.addi %scan3A_154, %scan3A_155 : i32
      %scan3A_157 = arith.constant 1 : i32
      scf.for %scan3A_187 = %scan3A_154 to %scan3A_156 step %scan3A_157  : i32 {
        %mul3A_188 = arith.constant 1 : i32
        %mul3A_189 = arith.muli %scan3A_187, %mul3A_188 : i32
        %add3A_190 = arith.constant 0 : i32
        %add3A_191 = arith.addi %add3A_190, %mul3A_189 : i32
        %get3A = arith.index_cast %add3A_191 : i32 to index
        %get3A_192 = arith.constant 0 : index
        %get3A_193 = tpu.vector_load %arg14[%get3A, %get3A_192] {strides = array<i32>} : memref<80x64xf32, #tpu.memory_space<vmem>>, vector<16xf32>,
        %get3A_194 = arith.index_cast %add3A_191 : i32 to index
        %get3A_195 = arith.constant 0 : index
        %get3A_196 = tpu.vector_load %arg16[%get3A_194, %get3A_195] {strides = array<i32>} : memref<80x64xf32, #tpu.memory_space<vmem>>, vector<16xf32>,
        %add3A_197 = arith.addf %get3A_193, %get3A_196 : vector<16xf32>
        %swap3A = arith.index_cast %add3A_191 : i32 to index
        %swap3A_198 = arith.constant 0 : index
        %swap3A_199 = tpu.vector_load %arg14[%swap3A, %swap3A_198] {strides = array<i32>} : memref<80x64xf32, #tpu.memory_space<vmem>>, vector<16xf32>,
        tpu.vector_store %arg14[%swap3A, %swap3A_198], %add3A_197 {strides = array<i32>} : memref<80x64xf32, #tpu.memory_space<vmem>>, vector<16xf32>,
        %get3A_200 = arith.index_cast %add3A_191 : i32 to index
        %get3A_201 = arith.constant 16 : index
        %get3A_202 = tpu.vector_load %arg14[%get3A_200, %get3A_201] {strides = array<i32>} : memref<80x64xf32, #tpu.memory_space<vmem>>, vector<16xf32>,
        %get3A_203 = arith.index_cast %add3A_191 : i32 to index
        %get3A_204 = arith.constant 16 : index
        %get3A_205 = tpu.vector_load %arg16[%get3A_203, %get3A_204] {strides = array<i32>} : memref<80x64xf32, #tpu.memory_space<vmem>>, vector<16xf32>,
        %add3A_206 = arith.addf %get3A_202, %get3A_205 : vector<16xf32>
        %swap3A_207 = arith.index_cast %add3A_191 : i32 to index
        %swap3A_208 = arith.constant 16 : index
        %swap3A_209 = tpu.vector_load %arg14[%swap3A_207, %swap3A_208] {strides = array<i32>} : memref<80x64xf32, #tpu.memory_space<vmem>>, vector<16xf32>,
        tpu.vector_store %arg14[%swap3A_207, %swap3A_208], %add3A_206 {strides = array<i32>} : memref<80x64xf32, #tpu.memory_space<vmem>>, vector<16xf32>,
        %get3A_210 = arith.index_cast %add3A_191 : i32 to index
        %get3A_211 = arith.constant 32 : index
        %get3A_212 = tpu.vector_load %arg14[%get3A_210, %get3A_211] {strides = array<i32>} : memref<80x64xf32, #tpu.memory_space<vmem>>, vector<16xf32>,
        %get3A_213 = arith.index_cast %add3A_191 : i32 to index
        %get3A_214 = arith.constant 32 : index
        %get3A_215 = tpu.vector_load %arg16[%get3A_213, %get3A_214] {strides = array<i32>} : memref<80x64xf32, #tpu.memory_space<vmem>>, vector<16xf32>,
        %add3A_216 = arith.addf %get3A_212, %get3A_215 : vector<16xf32>
        %swap3A_217 = arith.index_cast %add3A_191 : i32 to index
        %swap3A_218 = arith.constant 32 : index
        %swap3A_219 = tpu.vector_load %arg14[%swap3A_217, %swap3A_218] {strides = array<i32>} : memref<80x64xf32, #tpu.memory_space<vmem>>, vector<16xf32>,
        tpu.vector_store %arg14[%swap3A_217, %swap3A_218], %add3A_216 {strides = array<i32>} : memref<80x64xf32, #tpu.memory_space<vmem>>, vector<16xf32>,
        %get3A_220 = arith.index_cast %add3A_191 : i32 to index
        %get3A_221 = arith.constant 48 : index
        %get3A_222 = tpu.vector_load %arg14[%get3A_220, %get3A_221] {strides = array<i32>} : memref<80x64xf32, #tpu.memory_space<vmem>>, vector<16xf32>,
        %get3A_223 = arith.index_cast %add3A_191 : i32 to index
        %get3A_224 = arith.constant 48 : index
        %get3A_225 = tpu.vector_load %arg16[%get3A_223, %get3A_224] {strides = array<i32>} : memref<80x64xf32, #tpu.memory_space<vmem>>, vector<16xf32>,
        %add3A_226 = arith.addf %get3A_222, %get3A_225 : vector<16xf32>
        %swap3A_227 = arith.index_cast %add3A_191 : i32 to index
        %swap3A_228 = arith.constant 48 : index
        %swap3A_229 = tpu.vector_load %arg14[%swap3A_227, %swap3A_228] {strides = array<i32>} : memref<80x64xf32, #tpu.memory_space<vmem>>, vector<16xf32>,
        tpu.vector_store %arg14[%swap3A_227, %swap3A_228], %add3A_226 {strides = array<i32>} : memref<80x64xf32, #tpu.memory_space<vmem>>, vector<16xf32>,
      }
      %scan3A_158 = arith.constant 80 : i32
      %scan3A_159 = arith.constant 0 : i32
      %scan3A_160 = arith.constant 5 : i32
      %scan3A_161 = arith.addi %scan3A_159, %scan3A_160 : i32
      %scan3A_162 = arith.constant 1 : i32
      scf.for %scan3A_187 = %scan3A_159 to %scan3A_161 step %scan3A_162  : i32 {
        %mul3A_188 = arith.constant 1 : i32
        %mul3A_189 = arith.muli %scan3A_187, %mul3A_188 : i32
        %add3A_190 = arith.constant 0 : i32
        %add3A_191 = arith.addi %add3A_190, %mul3A_189 : i32
        %mul3A_192 = arith.constant 16 : i32
        %mul3A_193 = arith.muli %add3A_191, %mul3A_192 : i32
        %get3A = arith.index_cast %mul3A_193 : i32 to index
        %get3A_194 = tpu.vector_load %arg10[%get3A] {strides = array<i32>} : memref<80xi32, #tpu.memory_space<vmem>>, vector<16xi32>,
        %mul3A_195 = arith.constant 16 : i32
        %mul3A_196 = arith.muli %add3A_191, %mul3A_195 : i32
        %get3A_197 = arith.index_cast %mul3A_196 : i32 to index
        %get3A_198 = tpu.vector_load %arg12[%get3A_197] {strides = array<i32>} : memref<80xi32, #tpu.memory_space<vmem>>, vector<16xi32>,
        %iota3A = tpu.iota {dimensions = array<i32: 0>} : vector<16xi32>
        %mul3A_199 = arith.constant 16 : i32
        %mul3A_200 = arith.muli %add3A_191, %mul3A_199 : i32
        %add3A_201 = vector.broadcast %mul3A_200 : i32 to vector<16xi32>
        %add3A_202 = arith.addi %iota3A, %add3A_201 : vector<16xi32>
        %broadcast_in_dim3A = arith.constant 0 : i32
        %broadcast_in_dim3A_203 = vector.broadcast %broadcast_in_dim3A : i32 to vector<16xi32>
        %gather3A = tpu.vector_load_idx %arg19[%broadcast_in_dim3A_203, %get3A_194] : memref<4x10000xf32, #tpu.memory_space<vmem>>[vector<16xi32>, vector<16xi32>], vector<16xf32>,
        %gather3A_204 = tpu.vector_load_idx %arg19[%broadcast_in_dim3A_203, %get3A_198] : memref<4x10000xf32, #tpu.memory_space<vmem>>[vector<16xi32>, vector<16xi32>], vector<16xf32>,
        %mul3A_205 = arith.constant 4 : i32
        %mul3A_206 = vector.broadcast %mul3A_205 : i32 to vector<16xi32>
        %mul3A_207 = arith.muli %add3A_202, %mul3A_206 : vector<16xi32>
        %add3A_208 = arith.constant 0 : i32
        %add3A_209 = vector.broadcast %add3A_208 : i32 to vector<16xi32>
        %add3A_210 = arith.addi %mul3A_207, %add3A_209 : vector<16xi32>
        %shift_right_arithmetic3A = arith.constant 3 : i32
        %shift_right_arithmetic3A_211 = vector.broadcast %shift_right_arithmetic3A : i32 to vector<16xi32>
        %shift_right_arithmetic3A_212 = arith.shrsi %add3A_210, %shift_right_arithmetic3A_211 : vector<16xi32>
        %and3A = arith.constant 7 : i32
        %and3A_213 = vector.broadcast %and3A : i32 to vector<16xi32>
        %and3A_214 = arith.andi %add3A_210, %and3A_213 : vector<16xi32>
        %sub3A = arith.subf %gather3A, %gather3A_204 : vector<16xf32>
        tpu.vector_store_idx %arg18[%shift_right_arithmetic3A_212, %and3A_214], %sub3A : memref<40x8xf32, #tpu.memory_space<vmem>>[vector<16xi32>, vector<16xi32>], vector<16xf32>,
        %broadcast_in_dim3A_215 = arith.constant 1 : i32
        %broadcast_in_dim3A_216 = vector.broadcast %broadcast_in_dim3A_215 : i32 to vector<16xi32>
        %gather3A_217 = tpu.vector_load_idx %arg19[%broadcast_in_dim3A_216, %get3A_194] : memref<4x10000xf32, #tpu.memory_space<vmem>>[vector<16xi32>, vector<16xi32>], vector<16xf32>,
        %gather3A_218 = tpu.vector_load_idx %arg19[%broadcast_in_dim3A_216, %get3A_198] : memref<4x10000xf32, #tpu.memory_space<vmem>>[vector<16xi32>, vector<16xi32>], vector<16xf32>,
        %mul3A_219 = arith.constant 4 : i32
        %mul3A_220 = vector.broadcast %mul3A_219 : i32 to vector<16xi32>
        %mul3A_221 = arith.muli %add3A_202, %mul3A_220 : vector<16xi32>
        %add3A_222 = arith.constant 1 : i32
        %add3A_223 = vector.broadcast %add3A_222 : i32 to vector<16xi32>
        %add3A_224 = arith.addi %mul3A_221, %add3A_223 : vector<16xi32>
        %shift_right_arithmetic3A_225 = arith.constant 3 : i32
        %shift_right_arithmetic3A_226 = vector.broadcast %shift_right_arithmetic3A_225 : i32 to vector<16xi32>
        %shift_right_arithmetic3A_227 = arith.shrsi %add3A_224, %shift_right_arithmetic3A_226 : vector<16xi32>
        %and3A_228 = arith.constant 7 : i32
        %and3A_229 = vector.broadcast %and3A_228 : i32 to vector<16xi32>
        %and3A_230 = arith.andi %add3A_224, %and3A_229 : vector<16xi32>
        %sub3A_231 = arith.subf %gather3A_217, %gather3A_218 : vector<16xf32>
        tpu.vector_store_idx %arg18[%shift_right_arithmetic3A_227, %and3A_230], %sub3A_231 : memref<40x8xf32, #tpu.memory_space<vmem>>[vector<16xi32>, vector<16xi32>], vector<16xf32>,
        %broadcast_in_dim3A_232 = arith.constant 2 : i32
        %broadcast_in_dim3A_233 = vector.broadcast %broadcast_in_dim3A_232 : i32 to vector<16xi32>
        %gather3A_234 = tpu.vector_load_idx %arg19[%broadcast_in_dim3A_233, %get3A_194] : memref<4x10000xf32, #tpu.memory_space<vmem>>[vector<16xi32>, vector<16xi32>], vector<16xf32>,
        %gather3A_235 = tpu.vector_load_idx %arg19[%broadcast_in_dim3A_233, %get3A_198] : memref<4x10000xf32, #tpu.memory_space<vmem>>[vector<16xi32>, vector<16xi32>], vector<16xf32>,
        %mul3A_236 = arith.constant 4 : i32
        %mul3A_237 = vector.broadcast %mul3A_236 : i32 to vector<16xi32>
        %mul3A_238 = arith.muli %add3A_202, %mul3A_237 : vector<16xi32>
        %add3A_239 = arith.constant 2 : i32
        %add3A_240 = vector.broadcast %add3A_239 : i32 to vector<16xi32>
        %add3A_241 = arith.addi %mul3A_238, %add3A_240 : vector<16xi32>
        %shift_right_arithmetic3A_242 = arith.constant 3 : i32
        %shift_right_arithmetic3A_243 = vector.broadcast %shift_right_arithmetic3A_242 : i32 to vector<16xi32>
        %shift_right_arithmetic3A_244 = arith.shrsi %add3A_241, %shift_right_arithmetic3A_243 : vector<16xi32>
        %and3A_245 = arith.constant 7 : i32
        %and3A_246 = vector.broadcast %and3A_245 : i32 to vector<16xi32>
        %and3A_247 = arith.andi %add3A_241, %and3A_246 : vector<16xi32>
        %sub3A_248 = arith.subf %gather3A_234, %gather3A_235 : vector<16xf32>
        tpu.vector_store_idx %arg18[%shift_right_arithmetic3A_244, %and3A_247], %sub3A_248 : memref<40x8xf32, #tpu.memory_space<vmem>>[vector<16xi32>, vector<16xi32>], vector<16xf32>,
        %mul3A_249 = arith.constant 4 : i32
        %mul3A_250 = vector.broadcast %mul3A_249 : i32 to vector<16xi32>
        %mul3A_251 = arith.muli %add3A_202, %mul3A_250 : vector<16xi32>
        %add3A_252 = arith.constant 3 : i32
        %add3A_253 = vector.broadcast %add3A_252 : i32 to vector<16xi32>
        %add3A_254 = arith.addi %mul3A_251, %add3A_253 : vector<16xi32>
        %shift_right_arithmetic3A_255 = arith.constant 3 : i32
        %shift_right_arithmetic3A_256 = vector.broadcast %shift_right_arithmetic3A_255 : i32 to vector<16xi32>
        %shift_right_arithmetic3A_257 = arith.shrsi %add3A_254, %shift_right_arithmetic3A_256 : vector<16xi32>
        %and3A_258 = arith.constant 7 : i32
        %and3A_259 = vector.broadcast %and3A_258 : i32 to vector<16xi32>
        %and3A_260 = arith.andi %add3A_254, %and3A_259 : vector<16xi32>
        %broadcast_in_dim3A_261 = arith.constant 0.000000e+00 : f32
        %broadcast_in_dim3A_262 = vector.broadcast %broadcast_in_dim3A_261 : f32 to vector<16xf32>
        tpu.vector_store_idx %arg18[%shift_right_arithmetic3A_257, %and3A_260], %broadcast_in_dim3A_262 : memref<40x8xf32, #tpu.memory_space<vmem>>[vector<16xi32>, vector<16xi32>], vector<16xf32>,
      }
      %scan3A_163 = arith.constant 5 : i32
      %mul3A_164 = arith.constant 80 : i32
      %mul3A_165 = arith.muli %add3A_140, %mul3A_164 : i32
      %add3A_166 = arith.addi %mul3A_2, %mul3A_165 : i32
      %mul3A_167 = arith.constant 2520 : i32
      %mul3A_168 = arith.muli %add3A, %mul3A_167 : i32
      %mul3A_169 = arith.constant 40 : i32
      %mul3A_170 = arith.muli %add3A_140, %mul3A_169 : i32
      %add3A_171 = arith.addi %mul3A_168, %mul3A_170 : i32
      %dma_start3A_172 = arith.constant 0 : i32
      %dma_start3A_173 = tpu.memref_slice %arg7[%add3A_166, %dma_start3A_172] : memref<161280x64xf32, #tpu.memory_space<hbm>> -> memref<80x64xf32, #tpu.memory_space<hbm>>
      %dma_start3A_174 = arith.constant 0 : i32
      %dma_start3A_175 = tpu.memref_slice %arg7[%add3A_166, %dma_start3A_174] : memref<161280x64xf32, #tpu.memory_space<hbm>> -> memref<80x64xf32, #tpu.memory_space<hbm>>
      tpu.enqueue_dma source(%arg14 : memref<80x64xf32, #tpu.memory_space<vmem>>) target(%dma_start3A_175 : memref<80x64xf32, #tpu.memory_space<hbm>>) target_semaphore(%arg25 : memref<!tpu.dma_semaphore, #tpu.memory_space<semaphore_mem>>)
      %dma_start3A_176 = arith.constant 0 : i32
      %dma_start3A_177 = tpu.memref_slice %arg8[%add3A_171, %dma_start3A_176] : memref<80640x8xf32, #tpu.memory_space<hbm>> -> memref<40x8xf32, #tpu.memory_space<hbm>>
      %dma_start3A_178 = arith.constant 0 : i32
      %dma_start3A_179 = tpu.memref_slice %arg8[%add3A_171, %dma_start3A_178] : memref<80640x8xf32, #tpu.memory_space<hbm>> -> memref<40x8xf32, #tpu.memory_space<hbm>>
      tpu.enqueue_dma source(%arg18 : memref<40x8xf32, #tpu.memory_space<vmem>>) target(%dma_start3A_179 : memref<40x8xf32, #tpu.memory_space<hbm>>) target_semaphore(%arg25 : memref<!tpu.dma_semaphore, #tpu.memory_space<semaphore_mem>>)
      %add3A_180 = arith.constant 2 : i32
      %add3A_181 = arith.addi %add3A_140, %add3A_180 : i32
      %le3A_182 = arith.constant 62 : i32
      %le3A_183 = arith.cmpi sle, %add3A_181, %le3A_182 : i32
      %convert_element_type3A_184 = arith.extui %le3A_183 : i1 to i32
      %cond3A_185 = arith.constant 0 : i32
      %cond3A_186 = arith.cmpi ne, %convert_element_type3A_184, %cond3A_185 : i32
      scf.if %cond3A_186 {
        %add3A_187 = arith.constant 2 : i32
        %add3A_188 = arith.addi %add3A_140, %add3A_187 : i32
        %mul3A_189 = arith.constant 80 : i32
        %mul3A_190 = arith.muli %add3A_188, %mul3A_189 : i32
        %add3A_191 = arith.addi %mul3A_2, %mul3A_190 : i32
        %dma_start3A_192 = tpu.memref_slice %arg5[%add3A_191] : memref<161280xi32, #tpu.memory_space<hbm>> -> memref<80xi32, #tpu.memory_space<hbm>>
        %dma_start3A_193 = tpu.memref_slice %arg5[%add3A_191] : memref<161280xi32, #tpu.memory_space<hbm>> -> memref<80xi32, #tpu.memory_space<hbm>>
        tpu.enqueue_dma source(%dma_start3A_193 : memref<80xi32, #tpu.memory_space<hbm>>) target(%arg10 : memref<80xi32, #tpu.memory_space<vmem>>) target_semaphore(%arg21 : memref<!tpu.dma_semaphore, #tpu.memory_space<semaphore_mem>>)
        %dma_start3A_194 = tpu.memref_slice %arg6[%add3A_191] : memref<161280xi32, #tpu.memory_space<hbm>> -> memref<80xi32, #tpu.memory_space<hbm>>
        %dma_start3A_195 = tpu.memref_slice %arg6[%add3A_191] : memref<161280xi32, #tpu.memory_space<hbm>> -> memref<80xi32, #tpu.memory_space<hbm>>
        tpu.enqueue_dma source(%dma_start3A_195 : memref<80xi32, #tpu.memory_space<hbm>>) target(%arg12 : memref<80xi32, #tpu.memory_space<vmem>>) target_semaphore(%arg21 : memref<!tpu.dma_semaphore, #tpu.memory_space<semaphore_mem>>)
      } else {
      }
    }
    %scan3A_28 = arith.constant 31 : i32
    %dma_wait3A_29 = arith.constant 0 : i32
    %dma_wait3A_30 = arith.constant 0 : i32
    %dma_wait3A_31 = tpu.memref_slice %arg2[%dma_wait3A_29, %dma_wait3A_30] : memref<10000x64xf32, #tpu.memory_space<hbm>> -> memref<10000x64xf32, #tpu.memory_space<hbm>>
    tpu.wait_indirect_dma semaphore(%arg22 : memref<!tpu.dma_semaphore, #tpu.memory_space<semaphore_mem>>) src(%dma_wait3A_31 : memref<10000x64xf32, #tpu.memory_space<hbm>>) dst(%arg13 : memref<80x64xf32, #tpu.memory_space<vmem>>)
    %dma_wait3A_32 = arith.constant 0 : i32
    %dma_wait3A_33 = arith.constant 0 : i32
    %dma_wait3A_34 = tpu.memref_slice %arg3[%dma_wait3A_32, %dma_wait3A_33] : memref<10000x64xf32, #tpu.memory_space<hbm>> -> memref<10000x64xf32, #tpu.memory_space<hbm>>
    tpu.wait_indirect_dma semaphore(%arg22 : memref<!tpu.dma_semaphore, #tpu.memory_space<semaphore_mem>>) src(%dma_wait3A_34 : memref<10000x64xf32, #tpu.memory_space<hbm>>) dst(%arg15 : memref<80x64xf32, #tpu.memory_space<vmem>>)
    %scan3A_35 = arith.constant 0 : i32
    %scan3A_36 = arith.constant 80 : i32
    %scan3A_37 = arith.addi %scan3A_35, %scan3A_36 : i32
    %scan3A_38 = arith.constant 1 : i32
    scf.for %scan3A_87 = %scan3A_35 to %scan3A_37 step %scan3A_38  : i32 {
      %mul3A_88 = arith.constant 1 : i32
      %mul3A_89 = arith.muli %scan3A_87, %mul3A_88 : i32
      %add3A_90 = arith.constant 0 : i32
      %add3A_91 = arith.addi %add3A_90, %mul3A_89 : i32
      %get3A = arith.index_cast %add3A_91 : i32 to index
      %get3A_92 = arith.constant 0 : index
      %get3A_93 = tpu.vector_load %arg13[%get3A, %get3A_92] {strides = array<i32>} : memref<80x64xf32, #tpu.memory_space<vmem>>, vector<16xf32>,
      %get3A_94 = arith.index_cast %add3A_91 : i32 to index
      %get3A_95 = arith.constant 0 : index
      %get3A_96 = tpu.vector_load %arg15[%get3A_94, %get3A_95] {strides = array<i32>} : memref<80x64xf32, #tpu.memory_space<vmem>>, vector<16xf32>,
      %add3A_97 = arith.addf %get3A_93, %get3A_96 : vector<16xf32>
      %swap3A = arith.index_cast %add3A_91 : i32 to index
      %swap3A_98 = arith.constant 0 : index
      %swap3A_99 = tpu.vector_load %arg13[%swap3A, %swap3A_98] {strides = array<i32>} : memref<80x64xf32, #tpu.memory_space<vmem>>, vector<16xf32>,
      tpu.vector_store %arg13[%swap3A, %swap3A_98], %add3A_97 {strides = array<i32>} : memref<80x64xf32, #tpu.memory_space<vmem>>, vector<16xf32>,
      %get3A_100 = arith.index_cast %add3A_91 : i32 to index
      %get3A_101 = arith.constant 16 : index
      %get3A_102 = tpu.vector_load %arg13[%get3A_100, %get3A_101] {strides = array<i32>} : memref<80x64xf32, #tpu.memory_space<vmem>>, vector<16xf32>,
      %get3A_103 = arith.index_cast %add3A_91 : i32 to index
      %get3A_104 = arith.constant 16 : index
      %get3A_105 = tpu.vector_load %arg15[%get3A_103, %get3A_104] {strides = array<i32>} : memref<80x64xf32, #tpu.memory_space<vmem>>, vector<16xf32>,
      %add3A_106 = arith.addf %get3A_102, %get3A_105 : vector<16xf32>
      %swap3A_107 = arith.index_cast %add3A_91 : i32 to index
      %swap3A_108 = arith.constant 16 : index
      %swap3A_109 = tpu.vector_load %arg13[%swap3A_107, %swap3A_108] {strides = array<i32>} : memref<80x64xf32, #tpu.memory_space<vmem>>, vector<16xf32>,
      tpu.vector_store %arg13[%swap3A_107, %swap3A_108], %add3A_106 {strides = array<i32>} : memref<80x64xf32, #tpu.memory_space<vmem>>, vector<16xf32>,
      %get3A_110 = arith.index_cast %add3A_91 : i32 to index
      %get3A_111 = arith.constant 32 : index
      %get3A_112 = tpu.vector_load %arg13[%get3A_110, %get3A_111] {strides = array<i32>} : memref<80x64xf32, #tpu.memory_space<vmem>>, vector<16xf32>,
      %get3A_113 = arith.index_cast %add3A_91 : i32 to index
      %get3A_114 = arith.constant 32 : index
      %get3A_115 = tpu.vector_load %arg15[%get3A_113, %get3A_114] {strides = array<i32>} : memref<80x64xf32, #tpu.memory_space<vmem>>, vector<16xf32>,
      %add3A_116 = arith.addf %get3A_112, %get3A_115 : vector<16xf32>
      %swap3A_117 = arith.index_cast %add3A_91 : i32 to index
      %swap3A_118 = arith.constant 32 : index
      %swap3A_119 = tpu.vector_load %arg13[%swap3A_117, %swap3A_118] {strides = array<i32>} : memref<80x64xf32, #tpu.memory_space<vmem>>, vector<16xf32>,
      tpu.vector_store %arg13[%swap3A_117, %swap3A_118], %add3A_116 {strides = array<i32>} : memref<80x64xf32, #tpu.memory_space<vmem>>, vector<16xf32>,
      %get3A_120 = arith.index_cast %add3A_91 : i32 to index
      %get3A_121 = arith.constant 48 : index
      %get3A_122 = tpu.vector_load %arg13[%get3A_120, %get3A_121] {strides = array<i32>} : memref<80x64xf32, #tpu.memory_space<vmem>>, vector<16xf32>,
      %get3A_123 = arith.index_cast %add3A_91 : i32 to index
      %get3A_124 = arith.constant 48 : index
      %get3A_125 = tpu.vector_load %arg15[%get3A_123, %get3A_124] {strides = array<i32>} : memref<80x64xf32, #tpu.memory_space<vmem>>, vector<16xf32>,
      %add3A_126 = arith.addf %get3A_122, %get3A_125 : vector<16xf32>
      %swap3A_127 = arith.index_cast %add3A_91 : i32 to index
      %swap3A_128 = arith.constant 48 : index
      %swap3A_129 = tpu.vector_load %arg13[%swap3A_127, %swap3A_128] {strides = array<i32>} : memref<80x64xf32, #tpu.memory_space<vmem>>, vector<16xf32>,
      tpu.vector_store %arg13[%swap3A_127, %swap3A_128], %add3A_126 {strides = array<i32>} : memref<80x64xf32, #tpu.memory_space<vmem>>, vector<16xf32>,
    }
    %scan3A_39 = arith.constant 80 : i32
    %scan3A_40 = arith.constant 0 : i32
    %scan3A_41 = arith.constant 5 : i32
    %scan3A_42 = arith.addi %scan3A_40, %scan3A_41 : i32
    %scan3A_43 = arith.constant 1 : i32
    scf.for %scan3A_87 = %scan3A_40 to %scan3A_42 step %scan3A_43  : i32 {
      %mul3A_88 = arith.constant 1 : i32
      %mul3A_89 = arith.muli %scan3A_87, %mul3A_88 : i32
      %add3A_90 = arith.constant 0 : i32
      %add3A_91 = arith.addi %add3A_90, %mul3A_89 : i32
      %mul3A_92 = arith.constant 16 : i32
      %mul3A_93 = arith.muli %add3A_91, %mul3A_92 : i32
      %get3A = arith.index_cast %mul3A_93 : i32 to index
      %get3A_94 = tpu.vector_load %arg9[%get3A] {strides = array<i32>} : memref<80xi32, #tpu.memory_space<vmem>>, vector<16xi32>,
      %mul3A_95 = arith.constant 16 : i32
      %mul3A_96 = arith.muli %add3A_91, %mul3A_95 : i32
      %get3A_97 = arith.index_cast %mul3A_96 : i32 to index
      %get3A_98 = tpu.vector_load %arg11[%get3A_97] {strides = array<i32>} : memref<80xi32, #tpu.memory_space<vmem>>, vector<16xi32>,
      %iota3A = tpu.iota {dimensions = array<i32: 0>} : vector<16xi32>
      %mul3A_99 = arith.constant 16 : i32
      %mul3A_100 = arith.muli %add3A_91, %mul3A_99 : i32
      %add3A_101 = vector.broadcast %mul3A_100 : i32 to vector<16xi32>
      %add3A_102 = arith.addi %iota3A, %add3A_101 : vector<16xi32>
      %broadcast_in_dim3A = arith.constant 0 : i32
      %broadcast_in_dim3A_103 = vector.broadcast %broadcast_in_dim3A : i32 to vector<16xi32>
      %gather3A = tpu.vector_load_idx %arg19[%broadcast_in_dim3A_103, %get3A_94] : memref<4x10000xf32, #tpu.memory_space<vmem>>[vector<16xi32>, vector<16xi32>], vector<16xf32>,
      %gather3A_104 = tpu.vector_load_idx %arg19[%broadcast_in_dim3A_103, %get3A_98] : memref<4x10000xf32, #tpu.memory_space<vmem>>[vector<16xi32>, vector<16xi32>], vector<16xf32>,
      %mul3A_105 = arith.constant 4 : i32
      %mul3A_106 = vector.broadcast %mul3A_105 : i32 to vector<16xi32>
      %mul3A_107 = arith.muli %add3A_102, %mul3A_106 : vector<16xi32>
      %add3A_108 = arith.constant 0 : i32
      %add3A_109 = vector.broadcast %add3A_108 : i32 to vector<16xi32>
      %add3A_110 = arith.addi %mul3A_107, %add3A_109 : vector<16xi32>
      %shift_right_arithmetic3A = arith.constant 3 : i32
      %shift_right_arithmetic3A_111 = vector.broadcast %shift_right_arithmetic3A : i32 to vector<16xi32>
      %shift_right_arithmetic3A_112 = arith.shrsi %add3A_110, %shift_right_arithmetic3A_111 : vector<16xi32>
      %and3A = arith.constant 7 : i32
      %and3A_113 = vector.broadcast %and3A : i32 to vector<16xi32>
      %and3A_114 = arith.andi %add3A_110, %and3A_113 : vector<16xi32>
      %sub3A = arith.subf %gather3A, %gather3A_104 : vector<16xf32>
      tpu.vector_store_idx %arg17[%shift_right_arithmetic3A_112, %and3A_114], %sub3A : memref<40x8xf32, #tpu.memory_space<vmem>>[vector<16xi32>, vector<16xi32>], vector<16xf32>,
      %broadcast_in_dim3A_115 = arith.constant 1 : i32
      %broadcast_in_dim3A_116 = vector.broadcast %broadcast_in_dim3A_115 : i32 to vector<16xi32>
      %gather3A_117 = tpu.vector_load_idx %arg19[%broadcast_in_dim3A_116, %get3A_94] : memref<4x10000xf32, #tpu.memory_space<vmem>>[vector<16xi32>, vector<16xi32>], vector<16xf32>,
      %gather3A_118 = tpu.vector_load_idx %arg19[%broadcast_in_dim3A_116, %get3A_98] : memref<4x10000xf32, #tpu.memory_space<vmem>>[vector<16xi32>, vector<16xi32>], vector<16xf32>,
      %mul3A_119 = arith.constant 4 : i32
      %mul3A_120 = vector.broadcast %mul3A_119 : i32 to vector<16xi32>
      %mul3A_121 = arith.muli %add3A_102, %mul3A_120 : vector<16xi32>
      %add3A_122 = arith.constant 1 : i32
      %add3A_123 = vector.broadcast %add3A_122 : i32 to vector<16xi32>
      %add3A_124 = arith.addi %mul3A_121, %add3A_123 : vector<16xi32>
      %shift_right_arithmetic3A_125 = arith.constant 3 : i32
      %shift_right_arithmetic3A_126 = vector.broadcast %shift_right_arithmetic3A_125 : i32 to vector<16xi32>
      %shift_right_arithmetic3A_127 = arith.shrsi %add3A_124, %shift_right_arithmetic3A_126 : vector<16xi32>
      %and3A_128 = arith.constant 7 : i32
      %and3A_129 = vector.broadcast %and3A_128 : i32 to vector<16xi32>
      %and3A_130 = arith.andi %add3A_124, %and3A_129 : vector<16xi32>
      %sub3A_131 = arith.subf %gather3A_117, %gather3A_118 : vector<16xf32>
      tpu.vector_store_idx %arg17[%shift_right_arithmetic3A_127, %and3A_130], %sub3A_131 : memref<40x8xf32, #tpu.memory_space<vmem>>[vector<16xi32>, vector<16xi32>], vector<16xf32>,
      %broadcast_in_dim3A_132 = arith.constant 2 : i32
      %broadcast_in_dim3A_133 = vector.broadcast %broadcast_in_dim3A_132 : i32 to vector<16xi32>
      %gather3A_134 = tpu.vector_load_idx %arg19[%broadcast_in_dim3A_133, %get3A_94] : memref<4x10000xf32, #tpu.memory_space<vmem>>[vector<16xi32>, vector<16xi32>], vector<16xf32>,
      %gather3A_135 = tpu.vector_load_idx %arg19[%broadcast_in_dim3A_133, %get3A_98] : memref<4x10000xf32, #tpu.memory_space<vmem>>[vector<16xi32>, vector<16xi32>], vector<16xf32>,
      %mul3A_136 = arith.constant 4 : i32
      %mul3A_137 = vector.broadcast %mul3A_136 : i32 to vector<16xi32>
      %mul3A_138 = arith.muli %add3A_102, %mul3A_137 : vector<16xi32>
      %add3A_139 = arith.constant 2 : i32
      %add3A_140 = vector.broadcast %add3A_139 : i32 to vector<16xi32>
      %add3A_141 = arith.addi %mul3A_138, %add3A_140 : vector<16xi32>
      %shift_right_arithmetic3A_142 = arith.constant 3 : i32
      %shift_right_arithmetic3A_143 = vector.broadcast %shift_right_arithmetic3A_142 : i32 to vector<16xi32>
      %shift_right_arithmetic3A_144 = arith.shrsi %add3A_141, %shift_right_arithmetic3A_143 : vector<16xi32>
      %and3A_145 = arith.constant 7 : i32
      %and3A_146 = vector.broadcast %and3A_145 : i32 to vector<16xi32>
      %and3A_147 = arith.andi %add3A_141, %and3A_146 : vector<16xi32>
      %sub3A_148 = arith.subf %gather3A_134, %gather3A_135 : vector<16xf32>
      tpu.vector_store_idx %arg17[%shift_right_arithmetic3A_144, %and3A_147], %sub3A_148 : memref<40x8xf32, #tpu.memory_space<vmem>>[vector<16xi32>, vector<16xi32>], vector<16xf32>,
      %mul3A_149 = arith.constant 4 : i32
      %mul3A_150 = vector.broadcast %mul3A_149 : i32 to vector<16xi32>
      %mul3A_151 = arith.muli %add3A_102, %mul3A_150 : vector<16xi32>
      %add3A_152 = arith.constant 3 : i32
      %add3A_153 = vector.broadcast %add3A_152 : i32 to vector<16xi32>
      %add3A_154 = arith.addi %mul3A_151, %add3A_153 : vector<16xi32>
      %shift_right_arithmetic3A_155 = arith.constant 3 : i32
      %shift_right_arithmetic3A_156 = vector.broadcast %shift_right_arithmetic3A_155 : i32 to vector<16xi32>
      %shift_right_arithmetic3A_157 = arith.shrsi %add3A_154, %shift_right_arithmetic3A_156 : vector<16xi32>
      %and3A_158 = arith.constant 7 : i32
      %and3A_159 = vector.broadcast %and3A_158 : i32 to vector<16xi32>
      %and3A_160 = arith.andi %add3A_154, %and3A_159 : vector<16xi32>
      %broadcast_in_dim3A_161 = arith.constant 0.000000e+00 : f32
      %broadcast_in_dim3A_162 = vector.broadcast %broadcast_in_dim3A_161 : f32 to vector<16xf32>
      tpu.vector_store_idx %arg17[%shift_right_arithmetic3A_157, %and3A_160], %broadcast_in_dim3A_162 : memref<40x8xf32, #tpu.memory_space<vmem>>[vector<16xi32>, vector<16xi32>], vector<16xf32>,
    }
    %scan3A_44 = arith.constant 5 : i32
    %add3A_45 = arith.constant 4960 : i32
    %add3A_46 = arith.addi %mul3A_2, %add3A_45 : i32
    %mul3A_47 = arith.constant 2520 : i32
    %mul3A_48 = arith.muli %add3A, %mul3A_47 : i32
    %add3A_49 = arith.constant 2480 : i32
    %add3A_50 = arith.addi %mul3A_48, %add3A_49 : i32
    %dma_start3A_51 = arith.constant 0 : i32
    %dma_start3A_52 = tpu.memref_slice %arg7[%add3A_46, %dma_start3A_51] : memref<161280x64xf32, #tpu.memory_space<hbm>> -> memref<80x64xf32, #tpu.memory_space<hbm>>
    %dma_start3A_53 = arith.constant 0 : i32
    %dma_start3A_54 = tpu.memref_slice %arg7[%add3A_46, %dma_start3A_53] : memref<161280x64xf32, #tpu.memory_space<hbm>> -> memref<80x64xf32, #tpu.memory_space<hbm>>
    tpu.enqueue_dma source(%arg13 : memref<80x64xf32, #tpu.memory_space<vmem>>) target(%dma_start3A_54 : memref<80x64xf32, #tpu.memory_space<hbm>>) target_semaphore(%arg24 : memref<!tpu.dma_semaphore, #tpu.memory_space<semaphore_mem>>)
    %dma_start3A_55 = arith.constant 0 : i32
    %dma_start3A_56 = tpu.memref_slice %arg8[%add3A_50, %dma_start3A_55] : memref<80640x8xf32, #tpu.memory_space<hbm>> -> memref<40x8xf32, #tpu.memory_space<hbm>>
    %dma_start3A_57 = arith.constant 0 : i32
    %dma_start3A_58 = tpu.memref_slice %arg8[%add3A_50, %dma_start3A_57] : memref<80640x8xf32, #tpu.memory_space<hbm>> -> memref<40x8xf32, #tpu.memory_space<hbm>>
    tpu.enqueue_dma source(%arg17 : memref<40x8xf32, #tpu.memory_space<vmem>>) target(%dma_start3A_58 : memref<40x8xf32, #tpu.memory_space<hbm>>) target_semaphore(%arg24 : memref<!tpu.dma_semaphore, #tpu.memory_space<semaphore_mem>>)
    %add3A_59 = arith.constant 4880 : i32
    %add3A_60 = arith.addi %mul3A_2, %add3A_59 : i32
    %mul3A_61 = arith.constant 2520 : i32
    %mul3A_62 = arith.muli %add3A, %mul3A_61 : i32
    %add3A_63 = arith.constant 2440 : i32
    %add3A_64 = arith.addi %mul3A_62, %add3A_63 : i32
    %dma_wait3A_65 = arith.constant 0 : i32
    %dma_wait3A_66 = tpu.memref_slice %arg7[%add3A_60, %dma_wait3A_65] : memref<161280x64xf32, #tpu.memory_space<hbm>> -> memref<80x64xf32, #tpu.memory_space<hbm>>
    %dma_wait3A_67 = arith.constant 0 : i32
    %dma_wait3A_68 = tpu.memref_slice %arg7[%add3A_60, %dma_wait3A_67] : memref<161280x64xf32, #tpu.memory_space<hbm>> -> memref<80x64xf32, #tpu.memory_space<hbm>>
    tpu.wait_dma2 semaphore(%arg25 : memref<!tpu.dma_semaphore, #tpu.memory_space<semaphore_mem>>) src(%arg14 : memref<80x64xf32, #tpu.memory_space<vmem>>) dst(%dma_wait3A_68 : memref<80x64xf32, #tpu.memory_space<hbm>>)
    %dma_wait3A_69 = arith.constant 0 : i32
    %dma_wait3A_70 = tpu.memref_slice %arg8[%add3A_64, %dma_wait3A_69] : memref<80640x8xf32, #tpu.memory_space<hbm>> -> memref<40x8xf32, #tpu.memory_space<hbm>>
    %dma_wait3A_71 = arith.constant 0 : i32
    %dma_wait3A_72 = tpu.memref_slice %arg8[%add3A_64, %dma_wait3A_71] : memref<80640x8xf32, #tpu.memory_space<hbm>> -> memref<40x8xf32, #tpu.memory_space<hbm>>
    tpu.wait_dma2 semaphore(%arg25 : memref<!tpu.dma_semaphore, #tpu.memory_space<semaphore_mem>>) src(%arg18 : memref<40x8xf32, #tpu.memory_space<vmem>>) dst(%dma_wait3A_72 : memref<40x8xf32, #tpu.memory_space<hbm>>)
    %add3A_73 = arith.constant 4960 : i32
    %add3A_74 = arith.addi %mul3A_2, %add3A_73 : i32
    %mul3A_75 = arith.constant 2520 : i32
    %mul3A_76 = arith.muli %add3A, %mul3A_75 : i32
    %add3A_77 = arith.constant 2480 : i32
    %add3A_78 = arith.addi %mul3A_76, %add3A_77 : i32
    %dma_wait3A_79 = arith.constant 0 : i32
    %dma_wait3A_80 = tpu.memref_slice %arg7[%add3A_74, %dma_wait3A_79] : memref<161280x64xf32, #tpu.memory_space<hbm>> -> memref<80x64xf32, #tpu.memory_space<hbm>>
    %dma_wait3A_81 = arith.constant 0 : i32
    %dma_wait3A_82 = tpu.memref_slice %arg7[%add3A_74, %dma_wait3A_81] : memref<161280x64xf32, #tpu.memory_space<hbm>> -> memref<80x64xf32, #tpu.memory_space<hbm>>
    tpu.wait_dma2 semaphore(%arg24 : memref<!tpu.dma_semaphore, #tpu.memory_space<semaphore_mem>>) src(%arg13 : memref<80x64xf32, #tpu.memory_space<vmem>>) dst(%dma_wait3A_82 : memref<80x64xf32, #tpu.memory_space<hbm>>)
    %dma_wait3A_83 = arith.constant 0 : i32
    %dma_wait3A_84 = tpu.memref_slice %arg8[%add3A_78, %dma_wait3A_83] : memref<80640x8xf32, #tpu.memory_space<hbm>> -> memref<40x8xf32, #tpu.memory_space<hbm>>
    %dma_wait3A_85 = arith.constant 0 : i32
    %dma_wait3A_86 = tpu.memref_slice %arg8[%add3A_78, %dma_wait3A_85] : memref<80640x8xf32, #tpu.memory_space<hbm>> -> memref<40x8xf32, #tpu.memory_space<hbm>>
    tpu.wait_dma2 semaphore(%arg24 : memref<!tpu.dma_semaphore, #tpu.memory_space<semaphore_mem>>) src(%arg17 : memref<40x8xf32, #tpu.memory_space<vmem>>) dst(%dma_wait3A_86 : memref<40x8xf32, #tpu.memory_space<hbm>>)
    return
  }
}

#map = affine_map<(d0, d1) -> (0, 0)>
#map1 = affine_map<(d0, d1) -> (0)>
#map2 = affine_map<(d0, d1) -> (0, 0, 0)>
module attributes {stable_mosaic.version = 14 : i64} {
  func.func @k4(%arg0: i32, %arg1: i32, %arg2: memref<161280x64xf32, #tpu.memory_space<hbm>>, %arg3: memref<80640x16xf32, #tpu.memory_space<hbm>>, %arg4: memref<161280xi32, #tpu.memory_space<hbm>>, %arg5: memref<2x10000x64xf32, #tpu.memory_space<hbm>>, %arg6: memref<2x10000x8xf32, #tpu.memory_space<hbm>>, %arg7: memref<1x80xi32, #tpu.memory_space<vmem>>, %arg8: memref<1x80xi32, #tpu.memory_space<vmem>>, %arg9: memref<80x64xf32, #tpu.memory_space<vmem>>, %arg10: memref<80x64xf32, #tpu.memory_space<vmem>>, %arg11: memref<40x16xf32, #tpu.memory_space<vmem>>, %arg12: memref<40x16xf32, #tpu.memory_space<vmem>>, %arg13: memref<80x8xf32, #tpu.memory_space<vmem>>, %arg14: memref<80x8xf32, #tpu.memory_space<vmem>>, %arg15: memref<125x64xf32, #tpu.memory_space<vmem>>, %arg16: memref<625x8xf32, #tpu.memory_space<vmem>>, %arg17: memref<10000x64xf32, #tpu.memory_space<vmem_shared>>, %arg18: memref<10000x8xf32, #tpu.memory_space<vmem_shared>>, %arg19: memref<!tpu.dma_semaphore, #tpu.memory_space<semaphore_mem>>, %arg20: memref<!tpu.dma_semaphore, #tpu.memory_space<semaphore_mem>>, %arg21: memref<!tpu.dma_semaphore, #tpu.memory_space<semaphore_mem>>, %arg22: memref<!tpu.dma_semaphore, #tpu.memory_space<semaphore_mem>>) attributes {dimension_semantics = [#tpu.dimension_semantics<core_parallel>, #tpu.dimension_semantics<subcore_parallel>], iteration_bounds = array<i64: 2, 16>, scalar_prefetch = 0 : i64, scratch_operands = 16 : i64, tpu.core_type = #tpu.core_type<sc_vector_subcore>, window_params = [{transform_indices = #map}, {transform_indices = #map}, {transform_indices = #map1}, {transform_indices = #map2}, {transform_indices = #map2}]} {
    %mul3A = arith.constant 16 : i32
    %mul3A_0 = arith.muli %arg0, %mul3A : i32
    %add3A = arith.addi %mul3A_0, %arg1 : i32
    %broadcast_in_dim3A = arith.constant 0.000000e+00 : f32
    %broadcast_in_dim3A_1 = vector.broadcast %broadcast_in_dim3A : f32 to vector<16xf32>
    %scan3A = arith.constant 0 : i32
    %scan3A_2 = arith.constant 125 : i32
    %scan3A_3 = arith.addi %scan3A, %scan3A_2 : i32
    %scan3A_4 = arith.constant 1 : i32
    scf.for %scan3A_125 = %scan3A to %scan3A_3 step %scan3A_4  : i32 {
      %mul3A_126 = arith.constant 1 : i32
      %mul3A_127 = arith.muli %scan3A_125, %mul3A_126 : i32
      %add3A_128 = arith.constant 0 : i32
      %add3A_129 = arith.addi %add3A_128, %mul3A_127 : i32
      %swap3A = arith.index_cast %add3A_129 : i32 to index
      %swap3A_130 = arith.constant 0 : index
      %swap3A_131 = tpu.vector_load %arg15[%swap3A, %swap3A_130] {strides = array<i32>} : memref<125x64xf32, #tpu.memory_space<vmem>>, vector<16xf32>,
      tpu.vector_store %arg15[%swap3A, %swap3A_130], %broadcast_in_dim3A_1 {strides = array<i32>} : memref<125x64xf32, #tpu.memory_space<vmem>>, vector<16xf32>,
      %swap3A_132 = arith.index_cast %add3A_129 : i32 to index
      %swap3A_133 = arith.constant 16 : index
      %swap3A_134 = tpu.vector_load %arg15[%swap3A_132, %swap3A_133] {strides = array<i32>} : memref<125x64xf32, #tpu.memory_space<vmem>>, vector<16xf32>,
      tpu.vector_store %arg15[%swap3A_132, %swap3A_133], %broadcast_in_dim3A_1 {strides = array<i32>} : memref<125x64xf32, #tpu.memory_space<vmem>>, vector<16xf32>,
      %swap3A_135 = arith.index_cast %add3A_129 : i32 to index
      %swap3A_136 = arith.constant 32 : index
      %swap3A_137 = tpu.vector_load %arg15[%swap3A_135, %swap3A_136] {strides = array<i32>} : memref<125x64xf32, #tpu.memory_space<vmem>>, vector<16xf32>,
      tpu.vector_store %arg15[%swap3A_135, %swap3A_136], %broadcast_in_dim3A_1 {strides = array<i32>} : memref<125x64xf32, #tpu.memory_space<vmem>>, vector<16xf32>,
      %swap3A_138 = arith.index_cast %add3A_129 : i32 to index
      %swap3A_139 = arith.constant 48 : index
      %swap3A_140 = tpu.vector_load %arg15[%swap3A_138, %swap3A_139] {strides = array<i32>} : memref<125x64xf32, #tpu.memory_space<vmem>>, vector<16xf32>,
      tpu.vector_store %arg15[%swap3A_138, %swap3A_139], %broadcast_in_dim3A_1 {strides = array<i32>} : memref<125x64xf32, #tpu.memory_space<vmem>>, vector<16xf32>,
    }
    %scan3A_5 = arith.constant 125 : i32
    %scan3A_6 = arith.constant 0 : i32
    %scan3A_7 = arith.constant 312 : i32
    %scan3A_8 = arith.addi %scan3A_6, %scan3A_7 : i32
    %scan3A_9 = arith.constant 1 : i32
    scf.for %scan3A_125 = %scan3A_6 to %scan3A_8 step %scan3A_9  : i32 {
      %mul3A_126 = arith.constant 1 : i32
      %mul3A_127 = arith.muli %scan3A_125, %mul3A_126 : i32
      %add3A_128 = arith.constant 0 : i32
      %add3A_129 = arith.addi %add3A_128, %mul3A_127 : i32
      %iota3A = tpu.iota {dimensions = array<i32: 0>} : vector<16xi32>
      %mul3A_130 = arith.constant 16 : i32
      %mul3A_131 = arith.muli %add3A_129, %mul3A_130 : i32
      %add3A_132 = vector.broadcast %mul3A_131 : i32 to vector<16xi32>
      %add3A_133 = arith.addi %iota3A, %add3A_132 : vector<16xi32>
      %shift_right_arithmetic3A = arith.constant 3 : i32
      %shift_right_arithmetic3A_134 = vector.broadcast %shift_right_arithmetic3A : i32 to vector<16xi32>
      %shift_right_arithmetic3A_135 = arith.shrsi %add3A_133, %shift_right_arithmetic3A_134 : vector<16xi32>
      %and3A = arith.constant 7 : i32
      %and3A_136 = vector.broadcast %and3A : i32 to vector<16xi32>
      %and3A_137 = arith.andi %add3A_133, %and3A_136 : vector<16xi32>
      tpu.vector_store_idx %arg16[%shift_right_arithmetic3A_135, %and3A_137], %broadcast_in_dim3A_1 : memref<625x8xf32, #tpu.memory_space<vmem>>[vector<16xi32>, vector<16xi32>], vector<16xf32>,
    }
    %scan3A_10 = arith.constant 312 : i32
    %scan3A_11 = arith.constant 0 : i32
    %scan3A_12 = arith.constant 5 : i32
    %scan3A_13 = arith.addi %scan3A_11, %scan3A_12 : i32
    %scan3A_14 = arith.constant 1 : i32
    scf.for %scan3A_125 = %scan3A_11 to %scan3A_13 step %scan3A_14  : i32 {
      %mul3A_126 = arith.constant 1 : i32
      %mul3A_127 = arith.muli %scan3A_125, %mul3A_126 : i32
      %add3A_128 = arith.constant 0 : i32
      %add3A_129 = arith.addi %add3A_128, %mul3A_127 : i32
      %mul3A_130 = arith.constant 625 : i32
      %mul3A_131 = arith.muli %arg1, %mul3A_130 : i32
      %mul3A_132 = arith.constant 125 : i32
      %mul3A_133 = arith.muli %add3A_129, %mul3A_132 : i32
      %add3A_134 = arith.addi %mul3A_131, %mul3A_133 : i32
      "tpu.region"() ({
        %run_scoped3A = tpu.sem_alloc : memref<!tpu.dma_semaphore, #tpu.memory_space<semaphore_mem>>
        %dma_start3A_135 = arith.constant 0 : i32
        %dma_start3A_136 = tpu.memref_slice %arg17[%add3A_134, %dma_start3A_135] : memref<10000x64xf32, #tpu.memory_space<vmem_shared>> -> memref<125x64xf32, #tpu.memory_space<vmem_shared>>
        %dma_start3A_137 = arith.constant 0 : i32
        %dma_start3A_138 = tpu.memref_slice %arg17[%add3A_134, %dma_start3A_137] : memref<10000x64xf32, #tpu.memory_space<vmem_shared>> -> memref<125x64xf32, #tpu.memory_space<vmem_shared>>
        tpu.enqueue_dma source(%arg15 : memref<125x64xf32, #tpu.memory_space<vmem>>) target(%dma_start3A_138 : memref<125x64xf32, #tpu.memory_space<vmem_shared>>) target_semaphore(%run_scoped3A : memref<!tpu.dma_semaphore, #tpu.memory_space<semaphore_mem>>)
        %dma_wait3A_139 = arith.constant 0 : i32
        %dma_wait3A_140 = tpu.memref_slice %arg17[%add3A_134, %dma_wait3A_139] : memref<10000x64xf32, #tpu.memory_space<vmem_shared>> -> memref<125x64xf32, #tpu.memory_space<vmem_shared>>
        %dma_wait3A_141 = arith.constant 0 : i32
        %dma_wait3A_142 = tpu.memref_slice %arg17[%add3A_134, %dma_wait3A_141] : memref<10000x64xf32, #tpu.memory_space<vmem_shared>> -> memref<125x64xf32, #tpu.memory_space<vmem_shared>>
        tpu.wait_dma2 semaphore(%run_scoped3A : memref<!tpu.dma_semaphore, #tpu.memory_space<semaphore_mem>>) src(%arg15 : memref<125x64xf32, #tpu.memory_space<vmem>>) dst(%dma_wait3A_142 : memref<125x64xf32, #tpu.memory_space<vmem_shared>>)
        tpu.yield
      }) : () -> ()
    }
    %scan3A_15 = arith.constant 5 : i32
    %mul3A_16 = arith.constant 625 : i32
    %mul3A_17 = arith.muli %arg1, %mul3A_16 : i32
    "tpu.region"() ({
      %run_scoped3A = tpu.sem_alloc : memref<!tpu.dma_semaphore, #tpu.memory_space<semaphore_mem>>
      %dma_start3A_125 = arith.constant 0 : i32
      %dma_start3A_126 = tpu.memref_slice %arg18[%mul3A_17, %dma_start3A_125] : memref<10000x8xf32, #tpu.memory_space<vmem_shared>> -> memref<625x8xf32, #tpu.memory_space<vmem_shared>>
      %dma_start3A_127 = arith.constant 0 : i32
      %dma_start3A_128 = tpu.memref_slice %arg18[%mul3A_17, %dma_start3A_127] : memref<10000x8xf32, #tpu.memory_space<vmem_shared>> -> memref<625x8xf32, #tpu.memory_space<vmem_shared>>
      tpu.enqueue_dma source(%arg16 : memref<625x8xf32, #tpu.memory_space<vmem>>) target(%dma_start3A_128 : memref<625x8xf32, #tpu.memory_space<vmem_shared>>) target_semaphore(%run_scoped3A : memref<!tpu.dma_semaphore, #tpu.memory_space<semaphore_mem>>)
      %dma_wait3A_129 = arith.constant 0 : i32
      %dma_wait3A_130 = tpu.memref_slice %arg18[%mul3A_17, %dma_wait3A_129] : memref<10000x8xf32, #tpu.memory_space<vmem_shared>> -> memref<625x8xf32, #tpu.memory_space<vmem_shared>>
      %dma_wait3A_131 = arith.constant 0 : i32
      %dma_wait3A_132 = tpu.memref_slice %arg18[%mul3A_17, %dma_wait3A_131] : memref<10000x8xf32, #tpu.memory_space<vmem_shared>> -> memref<625x8xf32, #tpu.memory_space<vmem_shared>>
      tpu.wait_dma2 semaphore(%run_scoped3A : memref<!tpu.dma_semaphore, #tpu.memory_space<semaphore_mem>>) src(%arg16 : memref<625x8xf32, #tpu.memory_space<vmem>>) dst(%dma_wait3A_132 : memref<625x8xf32, #tpu.memory_space<vmem_shared>>)
      tpu.yield
    }) : () -> ()
    %barrier3A = arith.constant 0 : index
    tpu.barrier barrier_id(%barrier3A)
    %mul3A_18 = arith.constant 5040 : i32
    %mul3A_19 = arith.muli %add3A, %mul3A_18 : i32
    %add3A_20 = arith.constant 0 : i32
    %add3A_21 = arith.addi %mul3A_19, %add3A_20 : i32
    %mul3A_22 = arith.constant 2520 : i32
    %mul3A_23 = arith.muli %add3A, %mul3A_22 : i32
    %add3A_24 = arith.constant 0 : i32
    %add3A_25 = arith.addi %mul3A_23, %add3A_24 : i32
    %dma_start3A = arith.constant 0 : i32
    %dma_start3A_26 = arith.constant 0 : i32
    %dma_start3A_27 = tpu.memref_slice %arg7[%dma_start3A, %dma_start3A_26] : memref<1x80xi32, #tpu.memory_space<vmem>> -> memref<1x80xi32, #tpu.memory_space<vmem>>
    %dma_start3A_28 = tpu.memref_squeeze %dma_start3A_27 : memref<1x80xi32, #tpu.memory_space<vmem>> -> memref<80xi32, #tpu.memory_space<vmem>>
    %dma_start3A_29 = tpu.memref_slice %arg4[%add3A_21] : memref<161280xi32, #tpu.memory_space<hbm>> -> memref<80xi32, #tpu.memory_space<hbm>>
    %dma_start3A_30 = arith.constant 0 : i32
    %dma_start3A_31 = tpu.memref_slice %arg7[%dma_start3A, %dma_start3A_30] : memref<1x80xi32, #tpu.memory_space<vmem>> -> memref<1x80xi32, #tpu.memory_space<vmem>>
    %dma_start3A_32 = tpu.memref_squeeze %dma_start3A_31 : memref<1x80xi32, #tpu.memory_space<vmem>> -> memref<80xi32, #tpu.memory_space<vmem>>
    %dma_start3A_33 = tpu.memref_slice %arg4[%add3A_21] : memref<161280xi32, #tpu.memory_space<hbm>> -> memref<80xi32, #tpu.memory_space<hbm>>
    tpu.enqueue_dma source(%dma_start3A_33 : memref<80xi32, #tpu.memory_space<hbm>>) target(%dma_start3A_32 : memref<80xi32, #tpu.memory_space<vmem>>) target_semaphore(%arg19 : memref<!tpu.dma_semaphore, #tpu.memory_space<semaphore_mem>>)
    %dma_start3A_34 = arith.constant 0 : i32
    %dma_start3A_35 = tpu.memref_slice %arg2[%add3A_21, %dma_start3A_34] : memref<161280x64xf32, #tpu.memory_space<hbm>> -> memref<80x64xf32, #tpu.memory_space<hbm>>
    %dma_start3A_36 = arith.constant 0 : i32
    %dma_start3A_37 = tpu.memref_slice %arg2[%add3A_21, %dma_start3A_36] : memref<161280x64xf32, #tpu.memory_space<hbm>> -> memref<80x64xf32, #tpu.memory_space<hbm>>
    tpu.enqueue_dma source(%dma_start3A_37 : memref<80x64xf32, #tpu.memory_space<hbm>>) target(%arg9 : memref<80x64xf32, #tpu.memory_space<vmem>>) target_semaphore(%arg19 : memref<!tpu.dma_semaphore, #tpu.memory_space<semaphore_mem>>)
    %dma_start3A_38 = arith.constant 0 : i32
    %dma_start3A_39 = tpu.memref_slice %arg3[%add3A_25, %dma_start3A_38] : memref<80640x16xf32, #tpu.memory_space<hbm>> -> memref<40x16xf32, #tpu.memory_space<hbm>>
    %dma_start3A_40 = arith.constant 0 : i32
    %dma_start3A_41 = tpu.memref_slice %arg3[%add3A_25, %dma_start3A_40] : memref<80640x16xf32, #tpu.memory_space<hbm>> -> memref<40x16xf32, #tpu.memory_space<hbm>>
    tpu.enqueue_dma source(%dma_start3A_41 : memref<40x16xf32, #tpu.memory_space<hbm>>) target(%arg11 : memref<40x16xf32, #tpu.memory_space<vmem>>) target_semaphore(%arg19 : memref<!tpu.dma_semaphore, #tpu.memory_space<semaphore_mem>>)
    %scan3A_42 = arith.constant 0 : i32
    %scan3A_43 = arith.constant 31 : i32
    %scan3A_44 = arith.addi %scan3A_42, %scan3A_43 : i32
    %scan3A_45 = arith.constant 1 : i32
    scf.for %scan3A_125 = %scan3A_42 to %scan3A_44 step %scan3A_45  : i32 {
      %mul3A_126 = arith.constant 1 : i32
      %mul3A_127 = arith.muli %scan3A_125, %mul3A_126 : i32
      %add3A_128 = arith.constant 0 : i32
      %add3A_129 = arith.addi %add3A_128, %mul3A_127 : i32
      %mul3A_130 = arith.constant 2 : i32
      %mul3A_131 = arith.muli %mul3A_130, %add3A_129 : i32
      %mul3A_132 = arith.constant 80 : i32
      %mul3A_133 = arith.muli %mul3A_131, %mul3A_132 : i32
      %add3A_134 = arith.addi %mul3A_19, %mul3A_133 : i32
      %mul3A_135 = arith.constant 2520 : i32
      %mul3A_136 = arith.muli %add3A, %mul3A_135 : i32
      %mul3A_137 = arith.constant 40 : i32
      %mul3A_138 = arith.muli %mul3A_131, %mul3A_137 : i32
      %add3A_139 = arith.addi %mul3A_136, %mul3A_138 : i32
      %dma_wait3A_140 = arith.constant 0 : i32
      %dma_wait3A_141 = arith.constant 0 : i32
      %dma_wait3A_142 = tpu.memref_slice %arg7[%dma_wait3A_140, %dma_wait3A_141] : memref<1x80xi32, #tpu.memory_space<vmem>> -> memref<1x80xi32, #tpu.memory_space<vmem>>
      %dma_wait3A_143 = tpu.memref_squeeze %dma_wait3A_142 : memref<1x80xi32, #tpu.memory_space<vmem>> -> memref<80xi32, #tpu.memory_space<vmem>>
      %dma_wait3A_144 = tpu.memref_slice %arg4[%add3A_134] : memref<161280xi32, #tpu.memory_space<hbm>> -> memref<80xi32, #tpu.memory_space<hbm>>
      %dma_wait3A_145 = arith.constant 0 : i32
      %dma_wait3A_146 = tpu.memref_slice %arg7[%dma_wait3A_140, %dma_wait3A_145] : memref<1x80xi32, #tpu.memory_space<vmem>> -> memref<1x80xi32, #tpu.memory_space<vmem>>
      %dma_wait3A_147 = tpu.memref_squeeze %dma_wait3A_146 : memref<1x80xi32, #tpu.memory_space<vmem>> -> memref<80xi32, #tpu.memory_space<vmem>>
      %dma_wait3A_148 = tpu.memref_slice %arg4[%add3A_134] : memref<161280xi32, #tpu.memory_space<hbm>> -> memref<80xi32, #tpu.memory_space<hbm>>
      tpu.wait_dma2 semaphore(%arg19 : memref<!tpu.dma_semaphore, #tpu.memory_space<semaphore_mem>>) src(%dma_wait3A_148 : memref<80xi32, #tpu.memory_space<hbm>>) dst(%dma_wait3A_147 : memref<80xi32, #tpu.memory_space<vmem>>)
      %dma_wait3A_149 = arith.constant 0 : i32
      %dma_wait3A_150 = tpu.memref_slice %arg2[%add3A_134, %dma_wait3A_149] : memref<161280x64xf32, #tpu.memory_space<hbm>> -> memref<80x64xf32, #tpu.memory_space<hbm>>
      %dma_wait3A_151 = arith.constant 0 : i32
      %dma_wait3A_152 = tpu.memref_slice %arg2[%add3A_134, %dma_wait3A_151] : memref<161280x64xf32, #tpu.memory_space<hbm>> -> memref<80x64xf32, #tpu.memory_space<hbm>>
      tpu.wait_dma2 semaphore(%arg19 : memref<!tpu.dma_semaphore, #tpu.memory_space<semaphore_mem>>) src(%dma_wait3A_152 : memref<80x64xf32, #tpu.memory_space<hbm>>) dst(%arg9 : memref<80x64xf32, #tpu.memory_space<vmem>>)
      %dma_wait3A_153 = arith.constant 0 : i32
      %dma_wait3A_154 = tpu.memref_slice %arg3[%add3A_139, %dma_wait3A_153] : memref<80640x16xf32, #tpu.memory_space<hbm>> -> memref<40x16xf32, #tpu.memory_space<hbm>>
      %dma_wait3A_155 = arith.constant 0 : i32
      %dma_wait3A_156 = tpu.memref_slice %arg3[%add3A_139, %dma_wait3A_155] : memref<80640x16xf32, #tpu.memory_space<hbm>> -> memref<40x16xf32, #tpu.memory_space<hbm>>
      tpu.wait_dma2 semaphore(%arg19 : memref<!tpu.dma_semaphore, #tpu.memory_space<semaphore_mem>>) src(%dma_wait3A_156 : memref<40x16xf32, #tpu.memory_space<hbm>>) dst(%arg11 : memref<40x16xf32, #tpu.memory_space<vmem>>)
      %add3A_157 = arith.constant 1 : i32
      %add3A_158 = arith.addi %mul3A_131, %add3A_157 : i32
      %le3A = arith.constant 62 : i32
      %le3A_159 = arith.cmpi sle, %add3A_158, %le3A : i32
      %convert_element_type3A = arith.extui %le3A_159 : i1 to i32
      %cond3A = arith.constant 0 : i32
      %cond3A_160 = arith.cmpi ne, %convert_element_type3A, %cond3A : i32
      scf.if %cond3A_160 {
        %ge3A = arith.constant 1 : i32
        %ge3A_235 = arith.cmpi sge, %mul3A_131, %ge3A : i32
        %convert_element_type3A_236 = arith.extui %ge3A_235 : i1 to i32
        %cond3A_237 = arith.constant 0 : i32
        %cond3A_238 = arith.cmpi ne, %convert_element_type3A_236, %cond3A_237 : i32
        scf.if %cond3A_238 {
          %dma_wait3A_266 = arith.constant 0 : i32
          %dma_wait3A_267 = arith.constant 0 : i32
          %dma_wait3A_268 = tpu.memref_slice %arg8[%dma_wait3A_266, %dma_wait3A_267] : memref<1x80xi32, #tpu.memory_space<vmem>> -> memref<1x80xi32, #tpu.memory_space<vmem>>
          %dma_wait3A_269 = tpu.memref_squeeze %dma_wait3A_268 : memref<1x80xi32, #tpu.memory_space<vmem>> -> memref<80xi32, #tpu.memory_space<vmem>>
          %dma_wait3A_270 = arith.constant 0 : i32
          %dma_wait3A_271 = arith.constant 0 : i32
          %dma_wait3A_272 = tpu.memref_slice %arg17[%dma_wait3A_270, %dma_wait3A_271] : memref<10000x64xf32, #tpu.memory_space<vmem_shared>> -> memref<10000x64xf32, #tpu.memory_space<vmem_shared>>
          tpu.wait_indirect_dma semaphore(%arg22 : memref<!tpu.dma_semaphore, #tpu.memory_space<semaphore_mem>>) src(%arg10 : memref<80x64xf32, #tpu.memory_space<vmem>>) dst(%dma_wait3A_272 : memref<10000x64xf32, #tpu.memory_space<vmem_shared>>)
          %dma_wait3A_273 = arith.constant 0 : i32
          %dma_wait3A_274 = arith.constant 0 : i32
          %dma_wait3A_275 = tpu.memref_slice %arg8[%dma_wait3A_273, %dma_wait3A_274] : memref<1x80xi32, #tpu.memory_space<vmem>> -> memref<1x80xi32, #tpu.memory_space<vmem>>
          %dma_wait3A_276 = tpu.memref_squeeze %dma_wait3A_275 : memref<1x80xi32, #tpu.memory_space<vmem>> -> memref<80xi32, #tpu.memory_space<vmem>>
          %dma_wait3A_277 = arith.constant 0 : i32
          %dma_wait3A_278 = arith.constant 0 : i32
          %dma_wait3A_279 = tpu.memref_slice %arg18[%dma_wait3A_277, %dma_wait3A_278] : memref<10000x8xf32, #tpu.memory_space<vmem_shared>> -> memref<10000x8xf32, #tpu.memory_space<vmem_shared>>
          tpu.wait_indirect_dma semaphore(%arg22 : memref<!tpu.dma_semaphore, #tpu.memory_space<semaphore_mem>>) src(%arg14 : memref<80x8xf32, #tpu.memory_space<vmem>>) dst(%dma_wait3A_279 : memref<10000x8xf32, #tpu.memory_space<vmem_shared>>)
        } else {
        }
        %add3A_239 = arith.constant 1 : i32
        %add3A_240 = arith.addi %mul3A_131, %add3A_239 : i32
        %mul3A_241 = arith.constant 80 : i32
        %mul3A_242 = arith.muli %add3A_240, %mul3A_241 : i32
        %add3A_243 = arith.addi %mul3A_19, %mul3A_242 : i32
        %mul3A_244 = arith.constant 2520 : i32
        %mul3A_245 = arith.muli %add3A, %mul3A_244 : i32
        %mul3A_246 = arith.constant 40 : i32
        %mul3A_247 = arith.muli %add3A_240, %mul3A_246 : i32
        %add3A_248 = arith.addi %mul3A_245, %mul3A_247 : i32
        %dma_start3A_249 = arith.constant 0 : i32
        %dma_start3A_250 = arith.constant 0 : i32
        %dma_start3A_251 = tpu.memref_slice %arg8[%dma_start3A_249, %dma_start3A_250] : memref<1x80xi32, #tpu.memory_space<vmem>> -> memref<1x80xi32, #tpu.memory_space<vmem>>
        %dma_start3A_252 = tpu.memref_squeeze %dma_start3A_251 : memref<1x80xi32, #tpu.memory_space<vmem>> -> memref<80xi32, #tpu.memory_space<vmem>>
        %dma_start3A_253 = tpu.memref_slice %arg4[%add3A_243] : memref<161280xi32, #tpu.memory_space<hbm>> -> memref<80xi32, #tpu.memory_space<hbm>>
        %dma_start3A_254 = arith.constant 0 : i32
        %dma_start3A_255 = tpu.memref_slice %arg8[%dma_start3A_249, %dma_start3A_254] : memref<1x80xi32, #tpu.memory_space<vmem>> -> memref<1x80xi32, #tpu.memory_space<vmem>>
        %dma_start3A_256 = tpu.memref_squeeze %dma_start3A_255 : memref<1x80xi32, #tpu.memory_space<vmem>> -> memref<80xi32, #tpu.memory_space<vmem>>
        %dma_start3A_257 = tpu.memref_slice %arg4[%add3A_243] : memref<161280xi32, #tpu.memory_space<hbm>> -> memref<80xi32, #tpu.memory_space<hbm>>
        tpu.enqueue_dma source(%dma_start3A_257 : memref<80xi32, #tpu.memory_space<hbm>>) target(%dma_start3A_256 : memref<80xi32, #tpu.memory_space<vmem>>) target_semaphore(%arg20 : memref<!tpu.dma_semaphore, #tpu.memory_space<semaphore_mem>>)
        %dma_start3A_258 = arith.constant 0 : i32
        %dma_start3A_259 = tpu.memref_slice %arg2[%add3A_243, %dma_start3A_258] : memref<161280x64xf32, #tpu.memory_space<hbm>> -> memref<80x64xf32, #tpu.memory_space<hbm>>
        %dma_start3A_260 = arith.constant 0 : i32
        %dma_start3A_261 = tpu.memref_slice %arg2[%add3A_243, %dma_start3A_260] : memref<161280x64xf32, #tpu.memory_space<hbm>> -> memref<80x64xf32, #tpu.memory_space<hbm>>
        tpu.enqueue_dma source(%dma_start3A_261 : memref<80x64xf32, #tpu.memory_space<hbm>>) target(%arg10 : memref<80x64xf32, #tpu.memory_space<vmem>>) target_semaphore(%arg20 : memref<!tpu.dma_semaphore, #tpu.memory_space<semaphore_mem>>)
        %dma_start3A_262 = arith.constant 0 : i32
        %dma_start3A_263 = tpu.memref_slice %arg3[%add3A_248, %dma_start3A_262] : memref<80640x16xf32, #tpu.memory_space<hbm>> -> memref<40x16xf32, #tpu.memory_space<hbm>>
        %dma_start3A_264 = arith.constant 0 : i32
        %dma_start3A_265 = tpu.memref_slice %arg3[%add3A_248, %dma_start3A_264] : memref<80640x16xf32, #tpu.memory_space<hbm>> -> memref<40x16xf32, #tpu.memory_space<hbm>>
        tpu.enqueue_dma source(%dma_start3A_265 : memref<40x16xf32, #tpu.memory_space<hbm>>) target(%arg12 : memref<40x16xf32, #tpu.memory_space<vmem>>) target_semaphore(%arg20 : memref<!tpu.dma_semaphore, #tpu.memory_space<semaphore_mem>>)
      } else {
      }
      %scan3A_161 = arith.constant 0 : i32
      %scan3A_162 = arith.constant 40 : i32
      %scan3A_163 = arith.addi %scan3A_161, %scan3A_162 : i32
      %scan3A_164 = arith.constant 1 : i32
      scf.for %scan3A_235 = %scan3A_161 to %scan3A_163 step %scan3A_164  : i32 {
        %mul3A_236 = arith.constant 1 : i32
        %mul3A_237 = arith.muli %scan3A_235, %mul3A_236 : i32
        %add3A_238 = arith.constant 0 : i32
        %add3A_239 = arith.addi %add3A_238, %mul3A_237 : i32
        %get3A = arith.index_cast %add3A_239 : i32 to index
        %get3A_240 = arith.constant 0 : index
        %get3A_241 = tpu.vector_load %arg11[%get3A, %get3A_240] {strides = array<i32>} : memref<40x16xf32, #tpu.memory_space<vmem>>, vector<16xf32>,
        %iota3A = tpu.iota {dimensions = array<i32: 0>} : vector<16xi32>
        %mul3A_242 = arith.constant 16 : i32
        %mul3A_243 = arith.muli %add3A_239, %mul3A_242 : i32
        %add3A_244 = vector.broadcast %mul3A_243 : i32 to vector<16xi32>
        %add3A_245 = arith.addi %iota3A, %add3A_244 : vector<16xi32>
        %shift_right_arithmetic3A = arith.constant 3 : i32
        %shift_right_arithmetic3A_246 = vector.broadcast %shift_right_arithmetic3A : i32 to vector<16xi32>
        %shift_right_arithmetic3A_247 = arith.shrsi %add3A_245, %shift_right_arithmetic3A_246 : vector<16xi32>
        %and3A = arith.constant 7 : i32
        %and3A_248 = vector.broadcast %and3A : i32 to vector<16xi32>
        %and3A_249 = arith.andi %add3A_245, %and3A_248 : vector<16xi32>
        tpu.vector_store_idx %arg13[%shift_right_arithmetic3A_247, %and3A_249], %get3A_241 : memref<80x8xf32, #tpu.memory_space<vmem>>[vector<16xi32>, vector<16xi32>], vector<16xf32>,
      }
      %scan3A_165 = arith.constant 40 : i32
      %dma_start3A_166 = arith.constant 0 : i32
      %dma_start3A_167 = arith.constant 0 : i32
      %dma_start3A_168 = tpu.memref_slice %arg7[%dma_start3A_166, %dma_start3A_167] : memref<1x80xi32, #tpu.memory_space<vmem>> -> memref<1x80xi32, #tpu.memory_space<vmem>>
      %dma_start3A_169 = tpu.memref_squeeze %dma_start3A_168 : memref<1x80xi32, #tpu.memory_space<vmem>> -> memref<80xi32, #tpu.memory_space<vmem>>
      %dma_start3A_170 = arith.constant 0 : i32
      %dma_start3A_171 = arith.constant 0 : i32
      %dma_start3A_172 = tpu.memref_slice %arg17[%dma_start3A_170, %dma_start3A_171] : memref<10000x64xf32, #tpu.memory_space<vmem_shared>> -> memref<10000x64xf32, #tpu.memory_space<vmem_shared>>
      tpu.enqueue_indirect_dma source(%arg9 : memref<80x64xf32, #tpu.memory_space<vmem>>) target(%dma_start3A_172 : memref<10000x64xf32, #tpu.memory_space<vmem_shared>>) offsets(%dma_start3A_169 : memref<80xi32, #tpu.memory_space<vmem>>) semaphore(%arg21 : memref<!tpu.dma_semaphore, #tpu.memory_space<semaphore_mem>>) {add = true}
      %dma_start3A_173 = arith.constant 0 : i32
      %dma_start3A_174 = arith.constant 0 : i32
      %dma_start3A_175 = tpu.memref_slice %arg7[%dma_start3A_173, %dma_start3A_174] : memref<1x80xi32, #tpu.memory_space<vmem>> -> memref<1x80xi32, #tpu.memory_space<vmem>>
      %dma_start3A_176 = tpu.memref_squeeze %dma_start3A_175 : memref<1x80xi32, #tpu.memory_space<vmem>> -> memref<80xi32, #tpu.memory_space<vmem>>
      %dma_start3A_177 = arith.constant 0 : i32
      %dma_start3A_178 = arith.constant 0 : i32
      %dma_start3A_179 = tpu.memref_slice %arg18[%dma_start3A_177, %dma_start3A_178] : memref<10000x8xf32, #tpu.memory_space<vmem_shared>> -> memref<10000x8xf32, #tpu.memory_space<vmem_shared>>
      tpu.enqueue_indirect_dma source(%arg13 : memref<80x8xf32, #tpu.memory_space<vmem>>) target(%dma_start3A_179 : memref<10000x8xf32, #tpu.memory_space<vmem_shared>>) offsets(%dma_start3A_176 : memref<80xi32, #tpu.memory_space<vmem>>) semaphore(%arg21 : memref<!tpu.dma_semaphore, #tpu.memory_space<semaphore_mem>>) {add = true}
      %mul3A_180 = arith.constant 2 : i32
      %mul3A_181 = arith.muli %mul3A_180, %add3A_129 : i32
      %add3A_182 = arith.constant 1 : i32
      %add3A_183 = arith.addi %mul3A_181, %add3A_182 : i32
      %mul3A_184 = arith.constant 80 : i32
      %mul3A_185 = arith.muli %add3A_183, %mul3A_184 : i32
      %add3A_186 = arith.addi %mul3A_19, %mul3A_185 : i32
      %mul3A_187 = arith.constant 2520 : i32
      %mul3A_188 = arith.muli %add3A, %mul3A_187 : i32
      %mul3A_189 = arith.constant 40 : i32
      %mul3A_190 = arith.muli %add3A_183, %mul3A_189 : i32
      %add3A_191 = arith.addi %mul3A_188, %mul3A_190 : i32
      %dma_wait3A_192 = arith.constant 0 : i32
      %dma_wait3A_193 = arith.constant 0 : i32
      %dma_wait3A_194 = tpu.memref_slice %arg8[%dma_wait3A_192, %dma_wait3A_193] : memref<1x80xi32, #tpu.memory_space<vmem>> -> memref<1x80xi32, #tpu.memory_space<vmem>>
      %dma_wait3A_195 = tpu.memref_squeeze %dma_wait3A_194 : memref<1x80xi32, #tpu.memory_space<vmem>> -> memref<80xi32, #tpu.memory_space<vmem>>
      %dma_wait3A_196 = tpu.memref_slice %arg4[%add3A_186] : memref<161280xi32, #tpu.memory_space<hbm>> -> memref<80xi32, #tpu.memory_space<hbm>>
      %dma_wait3A_197 = arith.constant 0 : i32
      %dma_wait3A_198 = tpu.memref_slice %arg8[%dma_wait3A_192, %dma_wait3A_197] : memref<1x80xi32, #tpu.memory_space<vmem>> -> memref<1x80xi32, #tpu.memory_space<vmem>>
      %dma_wait3A_199 = tpu.memref_squeeze %dma_wait3A_198 : memref<1x80xi32, #tpu.memory_space<vmem>> -> memref<80xi32, #tpu.memory_space<vmem>>
      %dma_wait3A_200 = tpu.memref_slice %arg4[%add3A_186] : memref<161280xi32, #tpu.memory_space<hbm>> -> memref<80xi32, #tpu.memory_space<hbm>>
      tpu.wait_dma2 semaphore(%arg20 : memref<!tpu.dma_semaphore, #tpu.memory_space<semaphore_mem>>) src(%dma_wait3A_200 : memref<80xi32, #tpu.memory_space<hbm>>) dst(%dma_wait3A_199 : memref<80xi32, #tpu.memory_space<vmem>>)
      %dma_wait3A_201 = arith.constant 0 : i32
      %dma_wait3A_202 = tpu.memref_slice %arg2[%add3A_186, %dma_wait3A_201] : memref<161280x64xf32, #tpu.memory_space<hbm>> -> memref<80x64xf32, #tpu.memory_space<hbm>>
      %dma_wait3A_203 = arith.constant 0 : i32
      %dma_wait3A_204 = tpu.memref_slice %arg2[%add3A_186, %dma_wait3A_203] : memref<161280x64xf32, #tpu.memory_space<hbm>> -> memref<80x64xf32, #tpu.memory_space<hbm>>
      tpu.wait_dma2 semaphore(%arg20 : memref<!tpu.dma_semaphore, #tpu.memory_space<semaphore_mem>>) src(%dma_wait3A_204 : memref<80x64xf32, #tpu.memory_space<hbm>>) dst(%arg10 : memref<80x64xf32, #tpu.memory_space<vmem>>)
      %dma_wait3A_205 = arith.constant 0 : i32
      %dma_wait3A_206 = tpu.memref_slice %arg3[%add3A_191, %dma_wait3A_205] : memref<80640x16xf32, #tpu.memory_space<hbm>> -> memref<40x16xf32, #tpu.memory_space<hbm>>
      %dma_wait3A_207 = arith.constant 0 : i32
      %dma_wait3A_208 = tpu.memref_slice %arg3[%add3A_191, %dma_wait3A_207] : memref<80640x16xf32, #tpu.memory_space<hbm>> -> memref<40x16xf32, #tpu.memory_space<hbm>>
      tpu.wait_dma2 semaphore(%arg20 : memref<!tpu.dma_semaphore, #tpu.memory_space<semaphore_mem>>) src(%dma_wait3A_208 : memref<40x16xf32, #tpu.memory_space<hbm>>) dst(%arg12 : memref<40x16xf32, #tpu.memory_space<vmem>>)
      %add3A_209 = arith.constant 1 : i32
      %add3A_210 = arith.addi %add3A_183, %add3A_209 : i32
      %le3A_211 = arith.constant 62 : i32
      %le3A_212 = arith.cmpi sle, %add3A_210, %le3A_211 : i32
      %convert_element_type3A_213 = arith.extui %le3A_212 : i1 to i32
      %cond3A_214 = arith.constant 0 : i32
      %cond3A_215 = arith.cmpi ne, %convert_element_type3A_213, %cond3A_214 : i32
      scf.if %cond3A_215 {
        %ge3A = arith.constant 1 : i32
        %ge3A_235 = arith.cmpi sge, %add3A_183, %ge3A : i32
        %convert_element_type3A_236 = arith.extui %ge3A_235 : i1 to i32
        %cond3A_237 = arith.constant 0 : i32
        %cond3A_238 = arith.cmpi ne, %convert_element_type3A_236, %cond3A_237 : i32
        scf.if %cond3A_238 {
          %dma_wait3A_266 = arith.constant 0 : i32
          %dma_wait3A_267 = arith.constant 0 : i32
          %dma_wait3A_268 = tpu.memref_slice %arg7[%dma_wait3A_266, %dma_wait3A_267] : memref<1x80xi32, #tpu.memory_space<vmem>> -> memref<1x80xi32, #tpu.memory_space<vmem>>
          %dma_wait3A_269 = tpu.memref_squeeze %dma_wait3A_268 : memref<1x80xi32, #tpu.memory_space<vmem>> -> memref<80xi32, #tpu.memory_space<vmem>>
          %dma_wait3A_270 = arith.constant 0 : i32
          %dma_wait3A_271 = arith.constant 0 : i32
          %dma_wait3A_272 = tpu.memref_slice %arg17[%dma_wait3A_270, %dma_wait3A_271] : memref<10000x64xf32, #tpu.memory_space<vmem_shared>> -> memref<10000x64xf32, #tpu.memory_space<vmem_shared>>
          tpu.wait_indirect_dma semaphore(%arg21 : memref<!tpu.dma_semaphore, #tpu.memory_space<semaphore_mem>>) src(%arg9 : memref<80x64xf32, #tpu.memory_space<vmem>>) dst(%dma_wait3A_272 : memref<10000x64xf32, #tpu.memory_space<vmem_shared>>)
          %dma_wait3A_273 = arith.constant 0 : i32
          %dma_wait3A_274 = arith.constant 0 : i32
          %dma_wait3A_275 = tpu.memref_slice %arg7[%dma_wait3A_273, %dma_wait3A_274] : memref<1x80xi32, #tpu.memory_space<vmem>> -> memref<1x80xi32, #tpu.memory_space<vmem>>
          %dma_wait3A_276 = tpu.memref_squeeze %dma_wait3A_275 : memref<1x80xi32, #tpu.memory_space<vmem>> -> memref<80xi32, #tpu.memory_space<vmem>>
          %dma_wait3A_277 = arith.constant 0 : i32
          %dma_wait3A_278 = arith.constant 0 : i32
          %dma_wait3A_279 = tpu.memref_slice %arg18[%dma_wait3A_277, %dma_wait3A_278] : memref<10000x8xf32, #tpu.memory_space<vmem_shared>> -> memref<10000x8xf32, #tpu.memory_space<vmem_shared>>
          tpu.wait_indirect_dma semaphore(%arg21 : memref<!tpu.dma_semaphore, #tpu.memory_space<semaphore_mem>>) src(%arg13 : memref<80x8xf32, #tpu.memory_space<vmem>>) dst(%dma_wait3A_279 : memref<10000x8xf32, #tpu.memory_space<vmem_shared>>)
        } else {
        }
        %add3A_239 = arith.constant 1 : i32
        %add3A_240 = arith.addi %add3A_183, %add3A_239 : i32
        %mul3A_241 = arith.constant 80 : i32
        %mul3A_242 = arith.muli %add3A_240, %mul3A_241 : i32
        %add3A_243 = arith.addi %mul3A_19, %mul3A_242 : i32
        %mul3A_244 = arith.constant 2520 : i32
        %mul3A_245 = arith.muli %add3A, %mul3A_244 : i32
        %mul3A_246 = arith.constant 40 : i32
        %mul3A_247 = arith.muli %add3A_240, %mul3A_246 : i32
        %add3A_248 = arith.addi %mul3A_245, %mul3A_247 : i32
        %dma_start3A_249 = arith.constant 0 : i32
        %dma_start3A_250 = arith.constant 0 : i32
        %dma_start3A_251 = tpu.memref_slice %arg7[%dma_start3A_249, %dma_start3A_250] : memref<1x80xi32, #tpu.memory_space<vmem>> -> memref<1x80xi32, #tpu.memory_space<vmem>>
        %dma_start3A_252 = tpu.memref_squeeze %dma_start3A_251 : memref<1x80xi32, #tpu.memory_space<vmem>> -> memref<80xi32, #tpu.memory_space<vmem>>
        %dma_start3A_253 = tpu.memref_slice %arg4[%add3A_243] : memref<161280xi32, #tpu.memory_space<hbm>> -> memref<80xi32, #tpu.memory_space<hbm>>
        %dma_start3A_254 = arith.constant 0 : i32
        %dma_start3A_255 = tpu.memref_slice %arg7[%dma_start3A_249, %dma_start3A_254] : memref<1x80xi32, #tpu.memory_space<vmem>> -> memref<1x80xi32, #tpu.memory_space<vmem>>
        %dma_start3A_256 = tpu.memref_squeeze %dma_start3A_255 : memref<1x80xi32, #tpu.memory_space<vmem>> -> memref<80xi32, #tpu.memory_space<vmem>>
        %dma_start3A_257 = tpu.memref_slice %arg4[%add3A_243] : memref<161280xi32, #tpu.memory_space<hbm>> -> memref<80xi32, #tpu.memory_space<hbm>>
        tpu.enqueue_dma source(%dma_start3A_257 : memref<80xi32, #tpu.memory_space<hbm>>) target(%dma_start3A_256 : memref<80xi32, #tpu.memory_space<vmem>>) target_semaphore(%arg19 : memref<!tpu.dma_semaphore, #tpu.memory_space<semaphore_mem>>)
        %dma_start3A_258 = arith.constant 0 : i32
        %dma_start3A_259 = tpu.memref_slice %arg2[%add3A_243, %dma_start3A_258] : memref<161280x64xf32, #tpu.memory_space<hbm>> -> memref<80x64xf32, #tpu.memory_space<hbm>>
        %dma_start3A_260 = arith.constant 0 : i32
        %dma_start3A_261 = tpu.memref_slice %arg2[%add3A_243, %dma_start3A_260] : memref<161280x64xf32, #tpu.memory_space<hbm>> -> memref<80x64xf32, #tpu.memory_space<hbm>>
        tpu.enqueue_dma source(%dma_start3A_261 : memref<80x64xf32, #tpu.memory_space<hbm>>) target(%arg9 : memref<80x64xf32, #tpu.memory_space<vmem>>) target_semaphore(%arg19 : memref<!tpu.dma_semaphore, #tpu.memory_space<semaphore_mem>>)
        %dma_start3A_262 = arith.constant 0 : i32
        %dma_start3A_263 = tpu.memref_slice %arg3[%add3A_248, %dma_start3A_262] : memref<80640x16xf32, #tpu.memory_space<hbm>> -> memref<40x16xf32, #tpu.memory_space<hbm>>
        %dma_start3A_264 = arith.constant 0 : i32
        %dma_start3A_265 = tpu.memref_slice %arg3[%add3A_248, %dma_start3A_264] : memref<80640x16xf32, #tpu.memory_space<hbm>> -> memref<40x16xf32, #tpu.memory_space<hbm>>
        tpu.enqueue_dma source(%dma_start3A_265 : memref<40x16xf32, #tpu.memory_space<hbm>>) target(%arg11 : memref<40x16xf32, #tpu.memory_space<vmem>>) target_semaphore(%arg19 : memref<!tpu.dma_semaphore, #tpu.memory_space<semaphore_mem>>)
      } else {
      }
      %scan3A_216 = arith.constant 0 : i32
      %scan3A_217 = arith.constant 40 : i32
      %scan3A_218 = arith.addi %scan3A_216, %scan3A_217 : i32
      %scan3A_219 = arith.constant 1 : i32
      scf.for %scan3A_235 = %scan3A_216 to %scan3A_218 step %scan3A_219  : i32 {
        %mul3A_236 = arith.constant 1 : i32
        %mul3A_237 = arith.muli %scan3A_235, %mul3A_236 : i32
        %add3A_238 = arith.constant 0 : i32
        %add3A_239 = arith.addi %add3A_238, %mul3A_237 : i32
        %get3A = arith.index_cast %add3A_239 : i32 to index
        %get3A_240 = arith.constant 0 : index
        %get3A_241 = tpu.vector_load %arg12[%get3A, %get3A_240] {strides = array<i32>} : memref<40x16xf32, #tpu.memory_space<vmem>>, vector<16xf32>,
        %iota3A = tpu.iota {dimensions = array<i32: 0>} : vector<16xi32>
        %mul3A_242 = arith.constant 16 : i32
        %mul3A_243 = arith.muli %add3A_239, %mul3A_242 : i32
        %add3A_244 = vector.broadcast %mul3A_243 : i32 to vector<16xi32>
        %add3A_245 = arith.addi %iota3A, %add3A_244 : vector<16xi32>
        %shift_right_arithmetic3A = arith.constant 3 : i32
        %shift_right_arithmetic3A_246 = vector.broadcast %shift_right_arithmetic3A : i32 to vector<16xi32>
        %shift_right_arithmetic3A_247 = arith.shrsi %add3A_245, %shift_right_arithmetic3A_246 : vector<16xi32>
        %and3A = arith.constant 7 : i32
        %and3A_248 = vector.broadcast %and3A : i32 to vector<16xi32>
        %and3A_249 = arith.andi %add3A_245, %and3A_248 : vector<16xi32>
        tpu.vector_store_idx %arg14[%shift_right_arithmetic3A_247, %and3A_249], %get3A_241 : memref<80x8xf32, #tpu.memory_space<vmem>>[vector<16xi32>, vector<16xi32>], vector<16xf32>,
      }
      %scan3A_220 = arith.constant 40 : i32
      %dma_start3A_221 = arith.constant 0 : i32
      %dma_start3A_222 = arith.constant 0 : i32
      %dma_start3A_223 = tpu.memref_slice %arg8[%dma_start3A_221, %dma_start3A_222] : memref<1x80xi32, #tpu.memory_space<vmem>> -> memref<1x80xi32, #tpu.memory_space<vmem>>
      %dma_start3A_224 = tpu.memref_squeeze %dma_start3A_223 : memref<1x80xi32, #tpu.memory_space<vmem>> -> memref<80xi32, #tpu.memory_space<vmem>>
      %dma_start3A_225 = arith.constant 0 : i32
      %dma_start3A_226 = arith.constant 0 : i32
      %dma_start3A_227 = tpu.memref_slice %arg17[%dma_start3A_225, %dma_start3A_226] : memref<10000x64xf32, #tpu.memory_space<vmem_shared>> -> memref<10000x64xf32, #tpu.memory_space<vmem_shared>>
      tpu.enqueue_indirect_dma source(%arg10 : memref<80x64xf32, #tpu.memory_space<vmem>>) target(%dma_start3A_227 : memref<10000x64xf32, #tpu.memory_space<vmem_shared>>) offsets(%dma_start3A_224 : memref<80xi32, #tpu.memory_space<vmem>>) semaphore(%arg22 : memref<!tpu.dma_semaphore, #tpu.memory_space<semaphore_mem>>) {add = true}
      %dma_start3A_228 = arith.constant 0 : i32
      %dma_start3A_229 = arith.constant 0 : i32
      %dma_start3A_230 = tpu.memref_slice %arg8[%dma_start3A_228, %dma_start3A_229] : memref<1x80xi32, #tpu.memory_space<vmem>> -> memref<1x80xi32, #tpu.memory_space<vmem>>
      %dma_start3A_231 = tpu.memref_squeeze %dma_start3A_230 : memref<1x80xi32, #tpu.memory_space<vmem>> -> memref<80xi32, #tpu.memory_space<vmem>>
      %dma_start3A_232 = arith.constant 0 : i32
      %dma_start3A_233 = arith.constant 0 : i32
      %dma_start3A_234 = tpu.memref_slice %arg18[%dma_start3A_232, %dma_start3A_233] : memref<10000x8xf32, #tpu.memory_space<vmem_shared>> -> memref<10000x8xf32, #tpu.memory_space<vmem_shared>>
      tpu.enqueue_indirect_dma source(%arg14 : memref<80x8xf32, #tpu.memory_space<vmem>>) target(%dma_start3A_234 : memref<10000x8xf32, #tpu.memory_space<vmem_shared>>) offsets(%dma_start3A_231 : memref<80xi32, #tpu.memory_space<vmem>>) semaphore(%arg22 : memref<!tpu.dma_semaphore, #tpu.memory_space<semaphore_mem>>) {add = true}
    }
    %scan3A_46 = arith.constant 31 : i32
    %add3A_47 = arith.constant 4960 : i32
    %add3A_48 = arith.addi %mul3A_19, %add3A_47 : i32
    %mul3A_49 = arith.constant 2520 : i32
    %mul3A_50 = arith.muli %add3A, %mul3A_49 : i32
    %add3A_51 = arith.constant 2480 : i32
    %add3A_52 = arith.addi %mul3A_50, %add3A_51 : i32
    %dma_wait3A = arith.constant 0 : i32
    %dma_wait3A_53 = arith.constant 0 : i32
    %dma_wait3A_54 = tpu.memref_slice %arg7[%dma_wait3A, %dma_wait3A_53] : memref<1x80xi32, #tpu.memory_space<vmem>> -> memref<1x80xi32, #tpu.memory_space<vmem>>
    %dma_wait3A_55 = tpu.memref_squeeze %dma_wait3A_54 : memref<1x80xi32, #tpu.memory_space<vmem>> -> memref<80xi32, #tpu.memory_space<vmem>>
    %dma_wait3A_56 = tpu.memref_slice %arg4[%add3A_48] : memref<161280xi32, #tpu.memory_space<hbm>> -> memref<80xi32, #tpu.memory_space<hbm>>
    %dma_wait3A_57 = arith.constant 0 : i32
    %dma_wait3A_58 = tpu.memref_slice %arg7[%dma_wait3A, %dma_wait3A_57] : memref<1x80xi32, #tpu.memory_space<vmem>> -> memref<1x80xi32, #tpu.memory_space<vmem>>
    %dma_wait3A_59 = tpu.memref_squeeze %dma_wait3A_58 : memref<1x80xi32, #tpu.memory_space<vmem>> -> memref<80xi32, #tpu.memory_space<vmem>>
    %dma_wait3A_60 = tpu.memref_slice %arg4[%add3A_48] : memref<161280xi32, #tpu.memory_space<hbm>> -> memref<80xi32, #tpu.memory_space<hbm>>
    tpu.wait_dma2 semaphore(%arg19 : memref<!tpu.dma_semaphore, #tpu.memory_space<semaphore_mem>>) src(%dma_wait3A_60 : memref<80xi32, #tpu.memory_space<hbm>>) dst(%dma_wait3A_59 : memref<80xi32, #tpu.memory_space<vmem>>)
    %dma_wait3A_61 = arith.constant 0 : i32
    %dma_wait3A_62 = tpu.memref_slice %arg2[%add3A_48, %dma_wait3A_61] : memref<161280x64xf32, #tpu.memory_space<hbm>> -> memref<80x64xf32, #tpu.memory_space<hbm>>
    %dma_wait3A_63 = arith.constant 0 : i32
    %dma_wait3A_64 = tpu.memref_slice %arg2[%add3A_48, %dma_wait3A_63] : memref<161280x64xf32, #tpu.memory_space<hbm>> -> memref<80x64xf32, #tpu.memory_space<hbm>>
    tpu.wait_dma2 semaphore(%arg19 : memref<!tpu.dma_semaphore, #tpu.memory_space<semaphore_mem>>) src(%dma_wait3A_64 : memref<80x64xf32, #tpu.memory_space<hbm>>) dst(%arg9 : memref<80x64xf32, #tpu.memory_space<vmem>>)
    %dma_wait3A_65 = arith.constant 0 : i32
    %dma_wait3A_66 = tpu.memref_slice %arg3[%add3A_52, %dma_wait3A_65] : memref<80640x16xf32, #tpu.memory_space<hbm>> -> memref<40x16xf32, #tpu.memory_space<hbm>>
    %dma_wait3A_67 = arith.constant 0 : i32
    %dma_wait3A_68 = tpu.memref_slice %arg3[%add3A_52, %dma_wait3A_67] : memref<80640x16xf32, #tpu.memory_space<hbm>> -> memref<40x16xf32, #tpu.memory_space<hbm>>
    tpu.wait_dma2 semaphore(%arg19 : memref<!tpu.dma_semaphore, #tpu.memory_space<semaphore_mem>>) src(%dma_wait3A_68 : memref<40x16xf32, #tpu.memory_space<hbm>>) dst(%arg11 : memref<40x16xf32, #tpu.memory_space<vmem>>)
    %scan3A_69 = arith.constant 0 : i32
    %scan3A_70 = arith.constant 40 : i32
    %scan3A_71 = arith.addi %scan3A_69, %scan3A_70 : i32
    %scan3A_72 = arith.constant 1 : i32
    scf.for %scan3A_125 = %scan3A_69 to %scan3A_71 step %scan3A_72  : i32 {
      %mul3A_126 = arith.constant 1 : i32
      %mul3A_127 = arith.muli %scan3A_125, %mul3A_126 : i32
      %add3A_128 = arith.constant 0 : i32
      %add3A_129 = arith.addi %add3A_128, %mul3A_127 : i32
      %get3A = arith.index_cast %add3A_129 : i32 to index
      %get3A_130 = arith.constant 0 : index
      %get3A_131 = tpu.vector_load %arg11[%get3A, %get3A_130] {strides = array<i32>} : memref<40x16xf32, #tpu.memory_space<vmem>>, vector<16xf32>,
      %iota3A = tpu.iota {dimensions = array<i32: 0>} : vector<16xi32>
      %mul3A_132 = arith.constant 16 : i32
      %mul3A_133 = arith.muli %add3A_129, %mul3A_132 : i32
      %add3A_134 = vector.broadcast %mul3A_133 : i32 to vector<16xi32>
      %add3A_135 = arith.addi %iota3A, %add3A_134 : vector<16xi32>
      %shift_right_arithmetic3A = arith.constant 3 : i32
      %shift_right_arithmetic3A_136 = vector.broadcast %shift_right_arithmetic3A : i32 to vector<16xi32>
      %shift_right_arithmetic3A_137 = arith.shrsi %add3A_135, %shift_right_arithmetic3A_136 : vector<16xi32>
      %and3A = arith.constant 7 : i32
      %and3A_138 = vector.broadcast %and3A : i32 to vector<16xi32>
      %and3A_139 = arith.andi %add3A_135, %and3A_138 : vector<16xi32>
      tpu.vector_store_idx %arg13[%shift_right_arithmetic3A_137, %and3A_139], %get3A_131 : memref<80x8xf32, #tpu.memory_space<vmem>>[vector<16xi32>, vector<16xi32>], vector<16xf32>,
    }
    %scan3A_73 = arith.constant 40 : i32
    %dma_start3A_74 = arith.constant 0 : i32
    %dma_start3A_75 = arith.constant 0 : i32
    %dma_start3A_76 = tpu.memref_slice %arg7[%dma_start3A_74, %dma_start3A_75] : memref<1x80xi32, #tpu.memory_space<vmem>> -> memref<1x80xi32, #tpu.memory_space<vmem>>
    %dma_start3A_77 = tpu.memref_squeeze %dma_start3A_76 : memref<1x80xi32, #tpu.memory_space<vmem>> -> memref<80xi32, #tpu.memory_space<vmem>>
    %dma_start3A_78 = arith.constant 0 : i32
    %dma_start3A_79 = arith.constant 0 : i32
    %dma_start3A_80 = tpu.memref_slice %arg17[%dma_start3A_78, %dma_start3A_79] : memref<10000x64xf32, #tpu.memory_space<vmem_shared>> -> memref<10000x64xf32, #tpu.memory_space<vmem_shared>>
    tpu.enqueue_indirect_dma source(%arg9 : memref<80x64xf32, #tpu.memory_space<vmem>>) target(%dma_start3A_80 : memref<10000x64xf32, #tpu.memory_space<vmem_shared>>) offsets(%dma_start3A_77 : memref<80xi32, #tpu.memory_space<vmem>>) semaphore(%arg21 : memref<!tpu.dma_semaphore, #tpu.memory_space<semaphore_mem>>) {add = true}
    %dma_start3A_81 = arith.constant 0 : i32
    %dma_start3A_82 = arith.constant 0 : i32
    %dma_start3A_83 = tpu.memref_slice %arg7[%dma_start3A_81, %dma_start3A_82] : memref<1x80xi32, #tpu.memory_space<vmem>> -> memref<1x80xi32, #tpu.memory_space<vmem>>
    %dma_start3A_84 = tpu.memref_squeeze %dma_start3A_83 : memref<1x80xi32, #tpu.memory_space<vmem>> -> memref<80xi32, #tpu.memory_space<vmem>>
    %dma_start3A_85 = arith.constant 0 : i32
    %dma_start3A_86 = arith.constant 0 : i32
    %dma_start3A_87 = tpu.memref_slice %arg18[%dma_start3A_85, %dma_start3A_86] : memref<10000x8xf32, #tpu.memory_space<vmem_shared>> -> memref<10000x8xf32, #tpu.memory_space<vmem_shared>>
    tpu.enqueue_indirect_dma source(%arg13 : memref<80x8xf32, #tpu.memory_space<vmem>>) target(%dma_start3A_87 : memref<10000x8xf32, #tpu.memory_space<vmem_shared>>) offsets(%dma_start3A_84 : memref<80xi32, #tpu.memory_space<vmem>>) semaphore(%arg21 : memref<!tpu.dma_semaphore, #tpu.memory_space<semaphore_mem>>) {add = true}
    %dma_wait3A_88 = arith.constant 0 : i32
    %dma_wait3A_89 = arith.constant 0 : i32
    %dma_wait3A_90 = tpu.memref_slice %arg8[%dma_wait3A_88, %dma_wait3A_89] : memref<1x80xi32, #tpu.memory_space<vmem>> -> memref<1x80xi32, #tpu.memory_space<vmem>>
    %dma_wait3A_91 = tpu.memref_squeeze %dma_wait3A_90 : memref<1x80xi32, #tpu.memory_space<vmem>> -> memref<80xi32, #tpu.memory_space<vmem>>
    %dma_wait3A_92 = arith.constant 0 : i32
    %dma_wait3A_93 = arith.constant 0 : i32
    %dma_wait3A_94 = tpu.memref_slice %arg17[%dma_wait3A_92, %dma_wait3A_93] : memref<10000x64xf32, #tpu.memory_space<vmem_shared>> -> memref<10000x64xf32, #tpu.memory_space<vmem_shared>>
    tpu.wait_indirect_dma semaphore(%arg22 : memref<!tpu.dma_semaphore, #tpu.memory_space<semaphore_mem>>) src(%arg10 : memref<80x64xf32, #tpu.memory_space<vmem>>) dst(%dma_wait3A_94 : memref<10000x64xf32, #tpu.memory_space<vmem_shared>>)
    %dma_wait3A_95 = arith.constant 0 : i32
    %dma_wait3A_96 = arith.constant 0 : i32
    %dma_wait3A_97 = tpu.memref_slice %arg8[%dma_wait3A_95, %dma_wait3A_96] : memref<1x80xi32, #tpu.memory_space<vmem>> -> memref<1x80xi32, #tpu.memory_space<vmem>>
    %dma_wait3A_98 = tpu.memref_squeeze %dma_wait3A_97 : memref<1x80xi32, #tpu.memory_space<vmem>> -> memref<80xi32, #tpu.memory_space<vmem>>
    %dma_wait3A_99 = arith.constant 0 : i32
    %dma_wait3A_100 = arith.constant 0 : i32
    %dma_wait3A_101 = tpu.memref_slice %arg18[%dma_wait3A_99, %dma_wait3A_100] : memref<10000x8xf32, #tpu.memory_space<vmem_shared>> -> memref<10000x8xf32, #tpu.memory_space<vmem_shared>>
    tpu.wait_indirect_dma semaphore(%arg22 : memref<!tpu.dma_semaphore, #tpu.memory_space<semaphore_mem>>) src(%arg14 : memref<80x8xf32, #tpu.memory_space<vmem>>) dst(%dma_wait3A_101 : memref<10000x8xf32, #tpu.memory_space<vmem_shared>>)
    %dma_wait3A_102 = arith.constant 0 : i32
    %dma_wait3A_103 = arith.constant 0 : i32
    %dma_wait3A_104 = tpu.memref_slice %arg7[%dma_wait3A_102, %dma_wait3A_103] : memref<1x80xi32, #tpu.memory_space<vmem>> -> memref<1x80xi32, #tpu.memory_space<vmem>>
    %dma_wait3A_105 = tpu.memref_squeeze %dma_wait3A_104 : memref<1x80xi32, #tpu.memory_space<vmem>> -> memref<80xi32, #tpu.memory_space<vmem>>
    %dma_wait3A_106 = arith.constant 0 : i32
    %dma_wait3A_107 = arith.constant 0 : i32
    %dma_wait3A_108 = tpu.memref_slice %arg17[%dma_wait3A_106, %dma_wait3A_107] : memref<10000x64xf32, #tpu.memory_space<vmem_shared>> -> memref<10000x64xf32, #tpu.memory_space<vmem_shared>>
    tpu.wait_indirect_dma semaphore(%arg21 : memref<!tpu.dma_semaphore, #tpu.memory_space<semaphore_mem>>) src(%arg9 : memref<80x64xf32, #tpu.memory_space<vmem>>) dst(%dma_wait3A_108 : memref<10000x64xf32, #tpu.memory_space<vmem_shared>>)
    %dma_wait3A_109 = arith.constant 0 : i32
    %dma_wait3A_110 = arith.constant 0 : i32
    %dma_wait3A_111 = tpu.memref_slice %arg7[%dma_wait3A_109, %dma_wait3A_110] : memref<1x80xi32, #tpu.memory_space<vmem>> -> memref<1x80xi32, #tpu.memory_space<vmem>>
    %dma_wait3A_112 = tpu.memref_squeeze %dma_wait3A_111 : memref<1x80xi32, #tpu.memory_space<vmem>> -> memref<80xi32, #tpu.memory_space<vmem>>
    %dma_wait3A_113 = arith.constant 0 : i32
    %dma_wait3A_114 = arith.constant 0 : i32
    %dma_wait3A_115 = tpu.memref_slice %arg18[%dma_wait3A_113, %dma_wait3A_114] : memref<10000x8xf32, #tpu.memory_space<vmem_shared>> -> memref<10000x8xf32, #tpu.memory_space<vmem_shared>>
    tpu.wait_indirect_dma semaphore(%arg21 : memref<!tpu.dma_semaphore, #tpu.memory_space<semaphore_mem>>) src(%arg13 : memref<80x8xf32, #tpu.memory_space<vmem>>) dst(%dma_wait3A_115 : memref<10000x8xf32, #tpu.memory_space<vmem_shared>>)
    %barrier3A_116 = arith.constant 0 : index
    tpu.barrier barrier_id(%barrier3A_116)
    %mul3A_117 = arith.constant 625 : i32
    %mul3A_118 = arith.muli %arg1, %mul3A_117 : i32
    %mul3A_119 = arith.constant 625 : i32
    %mul3A_120 = arith.muli %arg1, %mul3A_119 : i32
    "tpu.region"() ({
      %run_scoped3A = tpu.sem_alloc : memref<!tpu.dma_semaphore, #tpu.memory_space<semaphore_mem>>
      %dma_start3A_125 = arith.constant 0 : i32
      %dma_start3A_126 = tpu.memref_slice %arg5[%arg0, %mul3A_120, %dma_start3A_125] : memref<2x10000x64xf32, #tpu.memory_space<hbm>> -> memref<1x625x64xf32, #tpu.memory_space<hbm>>
      %dma_start3A_127 = tpu.memref_squeeze %dma_start3A_126 : memref<1x625x64xf32, #tpu.memory_space<hbm>> -> memref<625x64xf32, #tpu.memory_space<hbm>>
      %dma_start3A_128 = arith.constant 0 : i32
      %dma_start3A_129 = tpu.memref_slice %arg17[%mul3A_118, %dma_start3A_128] : memref<10000x64xf32, #tpu.memory_space<vmem_shared>> -> memref<625x64xf32, #tpu.memory_space<vmem_shared>>
      tpu.enqueue_dma source(%dma_start3A_129 : memref<625x64xf32, #tpu.memory_space<vmem_shared>>) target(%dma_start3A_127 : memref<625x64xf32, #tpu.memory_space<hbm>>) target_semaphore(%run_scoped3A : memref<!tpu.dma_semaphore, #tpu.memory_space<semaphore_mem>>)
      %dma_wait3A_130 = arith.constant 0 : i32
      %dma_wait3A_131 = tpu.memref_slice %arg5[%arg0, %mul3A_120, %dma_wait3A_130] : memref<2x10000x64xf32, #tpu.memory_space<hbm>> -> memref<1x625x64xf32, #tpu.memory_space<hbm>>
      %dma_wait3A_132 = tpu.memref_squeeze %dma_wait3A_131 : memref<1x625x64xf32, #tpu.memory_space<hbm>> -> memref<625x64xf32, #tpu.memory_space<hbm>>
      %dma_wait3A_133 = arith.constant 0 : i32
      %dma_wait3A_134 = tpu.memref_slice %arg17[%mul3A_118, %dma_wait3A_133] : memref<10000x64xf32, #tpu.memory_space<vmem_shared>> -> memref<625x64xf32, #tpu.memory_space<vmem_shared>>
      tpu.wait_dma2 semaphore(%run_scoped3A : memref<!tpu.dma_semaphore, #tpu.memory_space<semaphore_mem>>) src(%dma_wait3A_134 : memref<625x64xf32, #tpu.memory_space<vmem_shared>>) dst(%dma_wait3A_132 : memref<625x64xf32, #tpu.memory_space<hbm>>)
      tpu.yield
    }) : () -> ()
    %mul3A_121 = arith.constant 625 : i32
    %mul3A_122 = arith.muli %arg1, %mul3A_121 : i32
    %mul3A_123 = arith.constant 625 : i32
    %mul3A_124 = arith.muli %arg1, %mul3A_123 : i32
    "tpu.region"() ({
      %run_scoped3A = tpu.sem_alloc : memref<!tpu.dma_semaphore, #tpu.memory_space<semaphore_mem>>
      %dma_start3A_125 = arith.constant 0 : i32
      %dma_start3A_126 = tpu.memref_slice %arg6[%arg0, %mul3A_124, %dma_start3A_125] : memref<2x10000x8xf32, #tpu.memory_space<hbm>> -> memref<1x625x8xf32, #tpu.memory_space<hbm>>
      %dma_start3A_127 = tpu.memref_squeeze %dma_start3A_126 : memref<1x625x8xf32, #tpu.memory_space<hbm>> -> memref<625x8xf32, #tpu.memory_space<hbm>>
      %dma_start3A_128 = arith.constant 0 : i32
      %dma_start3A_129 = tpu.memref_slice %arg18[%mul3A_122, %dma_start3A_128] : memref<10000x8xf32, #tpu.memory_space<vmem_shared>> -> memref<625x8xf32, #tpu.memory_space<vmem_shared>>
      tpu.enqueue_dma source(%dma_start3A_129 : memref<625x8xf32, #tpu.memory_space<vmem_shared>>) target(%dma_start3A_127 : memref<625x8xf32, #tpu.memory_space<hbm>>) target_semaphore(%run_scoped3A : memref<!tpu.dma_semaphore, #tpu.memory_space<semaphore_mem>>)
      %dma_wait3A_130 = arith.constant 0 : i32
      %dma_wait3A_131 = tpu.memref_slice %arg6[%arg0, %mul3A_124, %dma_wait3A_130] : memref<2x10000x8xf32, #tpu.memory_space<hbm>> -> memref<1x625x8xf32, #tpu.memory_space<hbm>>
      %dma_wait3A_132 = tpu.memref_squeeze %dma_wait3A_131 : memref<1x625x8xf32, #tpu.memory_space<hbm>> -> memref<625x8xf32, #tpu.memory_space<hbm>>
      %dma_wait3A_133 = arith.constant 0 : i32
      %dma_wait3A_134 = tpu.memref_slice %arg18[%mul3A_122, %dma_wait3A_133] : memref<10000x8xf32, #tpu.memory_space<vmem_shared>> -> memref<625x8xf32, #tpu.memory_space<vmem_shared>>
      tpu.wait_dma2 semaphore(%run_scoped3A : memref<!tpu.dma_semaphore, #tpu.memory_space<semaphore_mem>>) src(%dma_wait3A_134 : memref<625x8xf32, #tpu.memory_space<vmem_shared>>) dst(%dma_wait3A_132 : memref<625x8xf32, #tpu.memory_space<hbm>>)
      tpu.yield
    }) : () -> ()
    return
  }
}

#map = affine_map<(d0, d1) -> (0, 0)>
#map1 = affine_map<(d0, d1) -> (0)>
module attributes {stable_mosaic.version = 14 : i64} {
  func.func @k2(%arg0: i32, %arg1: i32, %arg2: memref<10000x64xf32, #tpu.memory_space<hbm>>, %arg3: memref<10000x64xf32, #tpu.memory_space<hbm>>, %arg4: memref<4x10000xf32, #tpu.memory_space<hbm>>, %arg5: memref<158720xi32, #tpu.memory_space<hbm>>, %arg6: memref<158720xi32, #tpu.memory_space<hbm>>, %arg7: memref<158720x64xf32, #tpu.memory_space<hbm>>, %arg8: memref<79360x8xf32, #tpu.memory_space<hbm>>, %arg9: memref<80xi32, #tpu.memory_space<vmem>>, %arg10: memref<80xi32, #tpu.memory_space<vmem>>, %arg11: memref<80xi32, #tpu.memory_space<vmem>>, %arg12: memref<80xi32, #tpu.memory_space<vmem>>, %arg13: memref<80x64xf32, #tpu.memory_space<vmem>>, %arg14: memref<80x64xf32, #tpu.memory_space<vmem>>, %arg15: memref<80x64xf32, #tpu.memory_space<vmem>>, %arg16: memref<80x64xf32, #tpu.memory_space<vmem>>, %arg17: memref<40x8xf32, #tpu.memory_space<vmem>>, %arg18: memref<40x8xf32, #tpu.memory_space<vmem>>, %arg19: memref<4x10000xf32, #tpu.memory_space<vmem>>, %arg20: memref<!tpu.dma_semaphore, #tpu.memory_space<semaphore_mem>>, %arg21: memref<!tpu.dma_semaphore, #tpu.memory_space<semaphore_mem>>, %arg22: memref<!tpu.dma_semaphore, #tpu.memory_space<semaphore_mem>>, %arg23: memref<!tpu.dma_semaphore, #tpu.memory_space<semaphore_mem>>, %arg24: memref<!tpu.dma_semaphore, #tpu.memory_space<semaphore_mem>>, %arg25: memref<!tpu.dma_semaphore, #tpu.memory_space<semaphore_mem>>) attributes {dimension_semantics = [#tpu.dimension_semantics<core_parallel>, #tpu.dimension_semantics<subcore_parallel>], iteration_bounds = array<i64: 2, 16>, scalar_prefetch = 0 : i64, scratch_operands = 17 : i64, tpu.core_type = #tpu.core_type<sc_vector_subcore>, window_params = [{transform_indices = #map}, {transform_indices = #map}, {transform_indices = #map}, {transform_indices = #map1}, {transform_indices = #map1}, {transform_indices = #map}, {transform_indices = #map}]} {
    %mul3A = arith.constant 16 : i32
    %mul3A_0 = arith.muli %arg0, %mul3A : i32
    %add3A = arith.addi %mul3A_0, %arg1 : i32
    "tpu.region"() ({
      %run_scoped3A = tpu.sem_alloc : memref<!tpu.dma_semaphore, #tpu.memory_space<semaphore_mem>>
      tpu.enqueue_dma source(%arg4 : memref<4x10000xf32, #tpu.memory_space<hbm>>) target(%arg19 : memref<4x10000xf32, #tpu.memory_space<vmem>>) target_semaphore(%run_scoped3A : memref<!tpu.dma_semaphore, #tpu.memory_space<semaphore_mem>>)
      tpu.wait_dma2 semaphore(%run_scoped3A : memref<!tpu.dma_semaphore, #tpu.memory_space<semaphore_mem>>) src(%arg4 : memref<4x10000xf32, #tpu.memory_space<hbm>>) dst(%arg19 : memref<4x10000xf32, #tpu.memory_space<vmem>>)
      tpu.yield
    }) : () -> ()
    %mul3A_1 = arith.constant 4960 : i32
    %mul3A_2 = arith.muli %add3A, %mul3A_1 : i32
    %add3A_3 = arith.constant 0 : i32
    %add3A_4 = arith.addi %mul3A_2, %add3A_3 : i32
    %dma_start3A = tpu.memref_slice %arg5[%add3A_4] : memref<158720xi32, #tpu.memory_space<hbm>> -> memref<80xi32, #tpu.memory_space<hbm>>
    %dma_start3A_5 = tpu.memref_slice %arg5[%add3A_4] : memref<158720xi32, #tpu.memory_space<hbm>> -> memref<80xi32, #tpu.memory_space<hbm>>
    tpu.enqueue_dma source(%dma_start3A_5 : memref<80xi32, #tpu.memory_space<hbm>>) target(%arg9 : memref<80xi32, #tpu.memory_space<vmem>>) target_semaphore(%arg20 : memref<!tpu.dma_semaphore, #tpu.memory_space<semaphore_mem>>)
    %dma_start3A_6 = tpu.memref_slice %arg6[%add3A_4] : memref<158720xi32, #tpu.memory_space<hbm>> -> memref<80xi32, #tpu.memory_space<hbm>>
    %dma_start3A_7 = tpu.memref_slice %arg6[%add3A_4] : memref<158720xi32, #tpu.memory_space<hbm>> -> memref<80xi32, #tpu.memory_space<hbm>>
    tpu.enqueue_dma source(%dma_start3A_7 : memref<80xi32, #tpu.memory_space<hbm>>) target(%arg11 : memref<80xi32, #tpu.memory_space<vmem>>) target_semaphore(%arg20 : memref<!tpu.dma_semaphore, #tpu.memory_space<semaphore_mem>>)
    %add3A_8 = arith.constant 0 : i32
    %add3A_9 = arith.addi %mul3A_2, %add3A_8 : i32
    %dma_wait3A = tpu.memref_slice %arg5[%add3A_9] : memref<158720xi32, #tpu.memory_space<hbm>> -> memref<80xi32, #tpu.memory_space<hbm>>
    %dma_wait3A_10 = tpu.memref_slice %arg5[%add3A_9] : memref<158720xi32, #tpu.memory_space<hbm>> -> memref<80xi32, #tpu.memory_space<hbm>>
    tpu.wait_dma2 semaphore(%arg20 : memref<!tpu.dma_semaphore, #tpu.memory_space<semaphore_mem>>) src(%dma_wait3A_10 : memref<80xi32, #tpu.memory_space<hbm>>) dst(%arg9 : memref<80xi32, #tpu.memory_space<vmem>>)
    %dma_wait3A_11 = tpu.memref_slice %arg6[%add3A_9] : memref<158720xi32, #tpu.memory_space<hbm>> -> memref<80xi32, #tpu.memory_space<hbm>>
    %dma_wait3A_12 = tpu.memref_slice %arg6[%add3A_9] : memref<158720xi32, #tpu.memory_space<hbm>> -> memref<80xi32, #tpu.memory_space<hbm>>
    tpu.wait_dma2 semaphore(%arg20 : memref<!tpu.dma_semaphore, #tpu.memory_space<semaphore_mem>>) src(%dma_wait3A_12 : memref<80xi32, #tpu.memory_space<hbm>>) dst(%arg11 : memref<80xi32, #tpu.memory_space<vmem>>)
    %dma_start3A_13 = arith.constant 0 : i32
    %dma_start3A_14 = arith.constant 0 : i32
    %dma_start3A_15 = tpu.memref_slice %arg2[%dma_start3A_13, %dma_start3A_14] : memref<10000x64xf32, #tpu.memory_space<hbm>> -> memref<10000x64xf32, #tpu.memory_space<hbm>>
    tpu.enqueue_indirect_dma source(%dma_start3A_15 : memref<10000x64xf32, #tpu.memory_space<hbm>>) target(%arg13 : memref<80x64xf32, #tpu.memory_space<vmem>>) offsets(%arg9 : memref<80xi32, #tpu.memory_space<vmem>>) semaphore(%arg22 : memref<!tpu.dma_semaphore, #tpu.memory_space<semaphore_mem>>)
    %dma_start3A_16 = arith.constant 0 : i32
    %dma_start3A_17 = arith.constant 0 : i32
    %dma_start3A_18 = tpu.memref_slice %arg3[%dma_start3A_16, %dma_start3A_17] : memref<10000x64xf32, #tpu.memory_space<hbm>> -> memref<10000x64xf32, #tpu.memory_space<hbm>>
    tpu.enqueue_indirect_dma source(%dma_start3A_18 : memref<10000x64xf32, #tpu.memory_space<hbm>>) target(%arg15 : memref<80x64xf32, #tpu.memory_space<vmem>>) offsets(%arg11 : memref<80xi32, #tpu.memory_space<vmem>>) semaphore(%arg22 : memref<!tpu.dma_semaphore, #tpu.memory_space<semaphore_mem>>)
    %add3A_19 = arith.constant 80 : i32
    %add3A_20 = arith.addi %mul3A_2, %add3A_19 : i32
    %dma_start3A_21 = tpu.memref_slice %arg5[%add3A_20] : memref<158720xi32, #tpu.memory_space<hbm>> -> memref<80xi32, #tpu.memory_space<hbm>>
    %dma_start3A_22 = tpu.memref_slice %arg5[%add3A_20] : memref<158720xi32, #tpu.memory_space<hbm>> -> memref<80xi32, #tpu.memory_space<hbm>>
    tpu.enqueue_dma source(%dma_start3A_22 : memref<80xi32, #tpu.memory_space<hbm>>) target(%arg10 : memref<80xi32, #tpu.memory_space<vmem>>) target_semaphore(%arg21 : memref<!tpu.dma_semaphore, #tpu.memory_space<semaphore_mem>>)
    %dma_start3A_23 = tpu.memref_slice %arg6[%add3A_20] : memref<158720xi32, #tpu.memory_space<hbm>> -> memref<80xi32, #tpu.memory_space<hbm>>
    %dma_start3A_24 = tpu.memref_slice %arg6[%add3A_20] : memref<158720xi32, #tpu.memory_space<hbm>> -> memref<80xi32, #tpu.memory_space<hbm>>
    tpu.enqueue_dma source(%dma_start3A_24 : memref<80xi32, #tpu.memory_space<hbm>>) target(%arg12 : memref<80xi32, #tpu.memory_space<vmem>>) target_semaphore(%arg21 : memref<!tpu.dma_semaphore, #tpu.memory_space<semaphore_mem>>)
    %scan3A = arith.constant 0 : i32
    %scan3A_25 = arith.constant 31 : i32
    %scan3A_26 = arith.addi %scan3A, %scan3A_25 : i32
    %scan3A_27 = arith.constant 1 : i32
    scf.for %scan3A_57 = %scan3A to %scan3A_26 step %scan3A_27  : i32 {
      %mul3A_58 = arith.constant 1 : i32
      %mul3A_59 = arith.muli %scan3A_57, %mul3A_58 : i32
      %add3A_60 = arith.constant 0 : i32
      %add3A_61 = arith.addi %add3A_60, %mul3A_59 : i32
      %mul3A_62 = arith.constant 2 : i32
      %mul3A_63 = arith.muli %mul3A_62, %add3A_61 : i32
      %add3A_64 = arith.constant 1 : i32
      %add3A_65 = arith.addi %mul3A_63, %add3A_64 : i32
      %le3A = arith.constant 61 : i32
      %le3A_66 = arith.cmpi sle, %add3A_65, %le3A : i32
      %convert_element_type3A = arith.extui %le3A_66 : i1 to i32
      %cond3A = arith.constant 0 : i32
      %cond3A_67 = arith.cmpi ne, %convert_element_type3A, %cond3A : i32
      scf.if %cond3A_67 {
        %add3A_157 = arith.constant 1 : i32
        %add3A_158 = arith.addi %mul3A_63, %add3A_157 : i32
        %mul3A_159 = arith.constant 80 : i32
        %mul3A_160 = arith.muli %add3A_158, %mul3A_159 : i32
        %add3A_161 = arith.addi %mul3A_2, %mul3A_160 : i32
        %dma_wait3A_162 = tpu.memref_slice %arg5[%add3A_161] : memref<158720xi32, #tpu.memory_space<hbm>> -> memref<80xi32, #tpu.memory_space<hbm>>
        %dma_wait3A_163 = tpu.memref_slice %arg5[%add3A_161] : memref<158720xi32, #tpu.memory_space<hbm>> -> memref<80xi32, #tpu.memory_space<hbm>>
        tpu.wait_dma2 semaphore(%arg21 : memref<!tpu.dma_semaphore, #tpu.memory_space<semaphore_mem>>) src(%dma_wait3A_163 : memref<80xi32, #tpu.memory_space<hbm>>) dst(%arg10 : memref<80xi32, #tpu.memory_space<vmem>>)
        %dma_wait3A_164 = tpu.memref_slice %arg6[%add3A_161] : memref<158720xi32, #tpu.memory_space<hbm>> -> memref<80xi32, #tpu.memory_space<hbm>>
        %dma_wait3A_165 = tpu.memref_slice %arg6[%add3A_161] : memref<158720xi32, #tpu.memory_space<hbm>> -> memref<80xi32, #tpu.memory_space<hbm>>
        tpu.wait_dma2 semaphore(%arg21 : memref<!tpu.dma_semaphore, #tpu.memory_space<semaphore_mem>>) src(%dma_wait3A_165 : memref<80xi32, #tpu.memory_space<hbm>>) dst(%arg12 : memref<80xi32, #tpu.memory_space<vmem>>)
        %ge3A = arith.constant 1 : i32
        %ge3A_166 = arith.cmpi sge, %mul3A_63, %ge3A : i32
        %convert_element_type3A_167 = arith.extui %ge3A_166 : i1 to i32
        %cond3A_168 = arith.constant 0 : i32
        %cond3A_169 = arith.cmpi ne, %convert_element_type3A_167, %cond3A_168 : i32
        scf.if %cond3A_169 {
          %sub3A = arith.constant 1 : i32
          %sub3A_176 = arith.subi %mul3A_63, %sub3A : i32
          %mul3A_177 = arith.constant 80 : i32
          %mul3A_178 = arith.muli %sub3A_176, %mul3A_177 : i32
          %add3A_179 = arith.addi %mul3A_2, %mul3A_178 : i32
          %mul3A_180 = arith.constant 2480 : i32
          %mul3A_181 = arith.muli %add3A, %mul3A_180 : i32
          %mul3A_182 = arith.constant 40 : i32
          %mul3A_183 = arith.muli %sub3A_176, %mul3A_182 : i32
          %add3A_184 = arith.addi %mul3A_181, %mul3A_183 : i32
          %dma_wait3A_185 = arith.constant 0 : i32
          %dma_wait3A_186 = tpu.memref_slice %arg7[%add3A_179, %dma_wait3A_185] : memref<158720x64xf32, #tpu.memory_space<hbm>> -> memref<80x64xf32, #tpu.memory_space<hbm>>
          %dma_wait3A_187 = arith.constant 0 : i32
          %dma_wait3A_188 = tpu.memref_slice %arg7[%add3A_179, %dma_wait3A_187] : memref<158720x64xf32, #tpu.memory_space<hbm>> -> memref<80x64xf32, #tpu.memory_space<hbm>>
          tpu.wait_dma2 semaphore(%arg25 : memref<!tpu.dma_semaphore, #tpu.memory_space<semaphore_mem>>) src(%arg14 : memref<80x64xf32, #tpu.memory_space<vmem>>) dst(%dma_wait3A_188 : memref<80x64xf32, #tpu.memory_space<hbm>>)
          %dma_wait3A_189 = arith.constant 0 : i32
          %dma_wait3A_190 = tpu.memref_slice %arg8[%add3A_184, %dma_wait3A_189] : memref<79360x8xf32, #tpu.memory_space<hbm>> -> memref<40x8xf32, #tpu.memory_space<hbm>>
          %dma_wait3A_191 = arith.constant 0 : i32
          %dma_wait3A_192 = tpu.memref_slice %arg8[%add3A_184, %dma_wait3A_191] : memref<79360x8xf32, #tpu.memory_space<hbm>> -> memref<40x8xf32, #tpu.memory_space<hbm>>
          tpu.wait_dma2 semaphore(%arg25 : memref<!tpu.dma_semaphore, #tpu.memory_space<semaphore_mem>>) src(%arg18 : memref<40x8xf32, #tpu.memory_space<vmem>>) dst(%dma_wait3A_192 : memref<40x8xf32, #tpu.memory_space<hbm>>)
        } else {
        }
        %dma_start3A_170 = arith.constant 0 : i32
        %dma_start3A_171 = arith.constant 0 : i32
        %dma_start3A_172 = tpu.memref_slice %arg2[%dma_start3A_170, %dma_start3A_171] : memref<10000x64xf32, #tpu.memory_space<hbm>> -> memref<10000x64xf32, #tpu.memory_space<hbm>>
        tpu.enqueue_indirect_dma source(%dma_start3A_172 : memref<10000x64xf32, #tpu.memory_space<hbm>>) target(%arg14 : memref<80x64xf32, #tpu.memory_space<vmem>>) offsets(%arg10 : memref<80xi32, #tpu.memory_space<vmem>>) semaphore(%arg23 : memref<!tpu.dma_semaphore, #tpu.memory_space<semaphore_mem>>)
        %dma_start3A_173 = arith.constant 0 : i32
        %dma_start3A_174 = arith.constant 0 : i32
        %dma_start3A_175 = tpu.memref_slice %arg3[%dma_start3A_173, %dma_start3A_174] : memref<10000x64xf32, #tpu.memory_space<hbm>> -> memref<10000x64xf32, #tpu.memory_space<hbm>>
        tpu.enqueue_indirect_dma source(%dma_start3A_175 : memref<10000x64xf32, #tpu.memory_space<hbm>>) target(%arg16 : memref<80x64xf32, #tpu.memory_space<vmem>>) offsets(%arg12 : memref<80xi32, #tpu.memory_space<vmem>>) semaphore(%arg23 : memref<!tpu.dma_semaphore, #tpu.memory_space<semaphore_mem>>)
      } else {
      }
      %dma_wait3A_68 = arith.constant 0 : i32
      %dma_wait3A_69 = arith.constant 0 : i32
      %dma_wait3A_70 = tpu.memref_slice %arg2[%dma_wait3A_68, %dma_wait3A_69] : memref<10000x64xf32, #tpu.memory_space<hbm>> -> memref<10000x64xf32, #tpu.memory_space<hbm>>
      tpu.wait_indirect_dma semaphore(%arg22 : memref<!tpu.dma_semaphore, #tpu.memory_space<semaphore_mem>>) src(%dma_wait3A_70 : memref<10000x64xf32, #tpu.memory_space<hbm>>) dst(%arg13 : memref<80x64xf32, #tpu.memory_space<vmem>>)
      %dma_wait3A_71 = arith.constant 0 : i32
      %dma_wait3A_72 = arith.constant 0 : i32
      %dma_wait3A_73 = tpu.memref_slice %arg3[%dma_wait3A_71, %dma_wait3A_72] : memref<10000x64xf32, #tpu.memory_space<hbm>> -> memref<10000x64xf32, #tpu.memory_space<hbm>>
      tpu.wait_indirect_dma semaphore(%arg22 : memref<!tpu.dma_semaphore, #tpu.memory_space<semaphore_mem>>) src(%dma_wait3A_73 : memref<10000x64xf32, #tpu.memory_space<hbm>>) dst(%arg15 : memref<80x64xf32, #tpu.memory_space<vmem>>)
      %scan3A_74 = arith.constant 0 : i32
      %scan3A_75 = arith.constant 80 : i32
      %scan3A_76 = arith.addi %scan3A_74, %scan3A_75 : i32
      %scan3A_77 = arith.constant 1 : i32
      scf.for %scan3A_157 = %scan3A_74 to %scan3A_76 step %scan3A_77  : i32 {
        %mul3A_158 = arith.constant 1 : i32
        %mul3A_159 = arith.muli %scan3A_157, %mul3A_158 : i32
        %add3A_160 = arith.constant 0 : i32
        %add3A_161 = arith.addi %add3A_160, %mul3A_159 : i32
        %get3A = arith.index_cast %add3A_161 : i32 to index
        %get3A_162 = arith.constant 0 : index
        %get3A_163 = tpu.vector_load %arg13[%get3A, %get3A_162] {strides = array<i32>} : memref<80x64xf32, #tpu.memory_space<vmem>>, vector<16xf32>,
        %get3A_164 = arith.index_cast %add3A_161 : i32 to index
        %get3A_165 = arith.constant 0 : index
        %get3A_166 = tpu.vector_load %arg15[%get3A_164, %get3A_165] {strides = array<i32>} : memref<80x64xf32, #tpu.memory_space<vmem>>, vector<16xf32>,
        %add3A_167 = arith.addf %get3A_163, %get3A_166 : vector<16xf32>
        %swap3A = arith.index_cast %add3A_161 : i32 to index
        %swap3A_168 = arith.constant 0 : index
        %swap3A_169 = tpu.vector_load %arg13[%swap3A, %swap3A_168] {strides = array<i32>} : memref<80x64xf32, #tpu.memory_space<vmem>>, vector<16xf32>,
        tpu.vector_store %arg13[%swap3A, %swap3A_168], %add3A_167 {strides = array<i32>} : memref<80x64xf32, #tpu.memory_space<vmem>>, vector<16xf32>,
        %get3A_170 = arith.index_cast %add3A_161 : i32 to index
        %get3A_171 = arith.constant 16 : index
        %get3A_172 = tpu.vector_load %arg13[%get3A_170, %get3A_171] {strides = array<i32>} : memref<80x64xf32, #tpu.memory_space<vmem>>, vector<16xf32>,
        %get3A_173 = arith.index_cast %add3A_161 : i32 to index
        %get3A_174 = arith.constant 16 : index
        %get3A_175 = tpu.vector_load %arg15[%get3A_173, %get3A_174] {strides = array<i32>} : memref<80x64xf32, #tpu.memory_space<vmem>>, vector<16xf32>,
        %add3A_176 = arith.addf %get3A_172, %get3A_175 : vector<16xf32>
        %swap3A_177 = arith.index_cast %add3A_161 : i32 to index
        %swap3A_178 = arith.constant 16 : index
        %swap3A_179 = tpu.vector_load %arg13[%swap3A_177, %swap3A_178] {strides = array<i32>} : memref<80x64xf32, #tpu.memory_space<vmem>>, vector<16xf32>,
        tpu.vector_store %arg13[%swap3A_177, %swap3A_178], %add3A_176 {strides = array<i32>} : memref<80x64xf32, #tpu.memory_space<vmem>>, vector<16xf32>,
        %get3A_180 = arith.index_cast %add3A_161 : i32 to index
        %get3A_181 = arith.constant 32 : index
        %get3A_182 = tpu.vector_load %arg13[%get3A_180, %get3A_181] {strides = array<i32>} : memref<80x64xf32, #tpu.memory_space<vmem>>, vector<16xf32>,
        %get3A_183 = arith.index_cast %add3A_161 : i32 to index
        %get3A_184 = arith.constant 32 : index
        %get3A_185 = tpu.vector_load %arg15[%get3A_183, %get3A_184] {strides = array<i32>} : memref<80x64xf32, #tpu.memory_space<vmem>>, vector<16xf32>,
        %add3A_186 = arith.addf %get3A_182, %get3A_185 : vector<16xf32>
        %swap3A_187 = arith.index_cast %add3A_161 : i32 to index
        %swap3A_188 = arith.constant 32 : index
        %swap3A_189 = tpu.vector_load %arg13[%swap3A_187, %swap3A_188] {strides = array<i32>} : memref<80x64xf32, #tpu.memory_space<vmem>>, vector<16xf32>,
        tpu.vector_store %arg13[%swap3A_187, %swap3A_188], %add3A_186 {strides = array<i32>} : memref<80x64xf32, #tpu.memory_space<vmem>>, vector<16xf32>,
        %get3A_190 = arith.index_cast %add3A_161 : i32 to index
        %get3A_191 = arith.constant 48 : index
        %get3A_192 = tpu.vector_load %arg13[%get3A_190, %get3A_191] {strides = array<i32>} : memref<80x64xf32, #tpu.memory_space<vmem>>, vector<16xf32>,
        %get3A_193 = arith.index_cast %add3A_161 : i32 to index
        %get3A_194 = arith.constant 48 : index
        %get3A_195 = tpu.vector_load %arg15[%get3A_193, %get3A_194] {strides = array<i32>} : memref<80x64xf32, #tpu.memory_space<vmem>>, vector<16xf32>,
        %add3A_196 = arith.addf %get3A_192, %get3A_195 : vector<16xf32>
        %swap3A_197 = arith.index_cast %add3A_161 : i32 to index
        %swap3A_198 = arith.constant 48 : index
        %swap3A_199 = tpu.vector_load %arg13[%swap3A_197, %swap3A_198] {strides = array<i32>} : memref<80x64xf32, #tpu.memory_space<vmem>>, vector<16xf32>,
        tpu.vector_store %arg13[%swap3A_197, %swap3A_198], %add3A_196 {strides = array<i32>} : memref<80x64xf32, #tpu.memory_space<vmem>>, vector<16xf32>,
      }
      %scan3A_78 = arith.constant 80 : i32
      %scan3A_79 = arith.constant 0 : i32
      %scan3A_80 = arith.constant 5 : i32
      %scan3A_81 = arith.addi %scan3A_79, %scan3A_80 : i32
      %scan3A_82 = arith.constant 1 : i32
      scf.for %scan3A_157 = %scan3A_79 to %scan3A_81 step %scan3A_82  : i32 {
        %mul3A_158 = arith.constant 1 : i32
        %mul3A_159 = arith.muli %scan3A_157, %mul3A_158 : i32
        %add3A_160 = arith.constant 0 : i32
        %add3A_161 = arith.addi %add3A_160, %mul3A_159 : i32
        %mul3A_162 = arith.constant 16 : i32
        %mul3A_163 = arith.muli %add3A_161, %mul3A_162 : i32
        %get3A = arith.index_cast %mul3A_163 : i32 to index
        %get3A_164 = tpu.vector_load %arg9[%get3A] {strides = array<i32>} : memref<80xi32, #tpu.memory_space<vmem>>, vector<16xi32>,
        %mul3A_165 = arith.constant 16 : i32
        %mul3A_166 = arith.muli %add3A_161, %mul3A_165 : i32
        %get3A_167 = arith.index_cast %mul3A_166 : i32 to index
        %get3A_168 = tpu.vector_load %arg11[%get3A_167] {strides = array<i32>} : memref<80xi32, #tpu.memory_space<vmem>>, vector<16xi32>,
        %iota3A = tpu.iota {dimensions = array<i32: 0>} : vector<16xi32>
        %mul3A_169 = arith.constant 16 : i32
        %mul3A_170 = arith.muli %add3A_161, %mul3A_169 : i32
        %add3A_171 = vector.broadcast %mul3A_170 : i32 to vector<16xi32>
        %add3A_172 = arith.addi %iota3A, %add3A_171 : vector<16xi32>
        %broadcast_in_dim3A = arith.constant 0 : i32
        %broadcast_in_dim3A_173 = vector.broadcast %broadcast_in_dim3A : i32 to vector<16xi32>
        %gather3A = tpu.vector_load_idx %arg19[%broadcast_in_dim3A_173, %get3A_164] : memref<4x10000xf32, #tpu.memory_space<vmem>>[vector<16xi32>, vector<16xi32>], vector<16xf32>,
        %gather3A_174 = tpu.vector_load_idx %arg19[%broadcast_in_dim3A_173, %get3A_168] : memref<4x10000xf32, #tpu.memory_space<vmem>>[vector<16xi32>, vector<16xi32>], vector<16xf32>,
        %mul3A_175 = arith.constant 4 : i32
        %mul3A_176 = vector.broadcast %mul3A_175 : i32 to vector<16xi32>
        %mul3A_177 = arith.muli %add3A_172, %mul3A_176 : vector<16xi32>
        %add3A_178 = arith.constant 0 : i32
        %add3A_179 = vector.broadcast %add3A_178 : i32 to vector<16xi32>
        %add3A_180 = arith.addi %mul3A_177, %add3A_179 : vector<16xi32>
        %shift_right_arithmetic3A = arith.constant 3 : i32
        %shift_right_arithmetic3A_181 = vector.broadcast %shift_right_arithmetic3A : i32 to vector<16xi32>
        %shift_right_arithmetic3A_182 = arith.shrsi %add3A_180, %shift_right_arithmetic3A_181 : vector<16xi32>
        %and3A = arith.constant 7 : i32
        %and3A_183 = vector.broadcast %and3A : i32 to vector<16xi32>
        %and3A_184 = arith.andi %add3A_180, %and3A_183 : vector<16xi32>
        %sub3A = arith.subf %gather3A, %gather3A_174 : vector<16xf32>
        tpu.vector_store_idx %arg17[%shift_right_arithmetic3A_182, %and3A_184], %sub3A : memref<40x8xf32, #tpu.memory_space<vmem>>[vector<16xi32>, vector<16xi32>], vector<16xf32>,
        %broadcast_in_dim3A_185 = arith.constant 1 : i32
        %broadcast_in_dim3A_186 = vector.broadcast %broadcast_in_dim3A_185 : i32 to vector<16xi32>
        %gather3A_187 = tpu.vector_load_idx %arg19[%broadcast_in_dim3A_186, %get3A_164] : memref<4x10000xf32, #tpu.memory_space<vmem>>[vector<16xi32>, vector<16xi32>], vector<16xf32>,
        %gather3A_188 = tpu.vector_load_idx %arg19[%broadcast_in_dim3A_186, %get3A_168] : memref<4x10000xf32, #tpu.memory_space<vmem>>[vector<16xi32>, vector<16xi32>], vector<16xf32>,
        %mul3A_189 = arith.constant 4 : i32
        %mul3A_190 = vector.broadcast %mul3A_189 : i32 to vector<16xi32>
        %mul3A_191 = arith.muli %add3A_172, %mul3A_190 : vector<16xi32>
        %add3A_192 = arith.constant 1 : i32
        %add3A_193 = vector.broadcast %add3A_192 : i32 to vector<16xi32>
        %add3A_194 = arith.addi %mul3A_191, %add3A_193 : vector<16xi32>
        %shift_right_arithmetic3A_195 = arith.constant 3 : i32
        %shift_right_arithmetic3A_196 = vector.broadcast %shift_right_arithmetic3A_195 : i32 to vector<16xi32>
        %shift_right_arithmetic3A_197 = arith.shrsi %add3A_194, %shift_right_arithmetic3A_196 : vector<16xi32>
        %and3A_198 = arith.constant 7 : i32
        %and3A_199 = vector.broadcast %and3A_198 : i32 to vector<16xi32>
        %and3A_200 = arith.andi %add3A_194, %and3A_199 : vector<16xi32>
        %sub3A_201 = arith.subf %gather3A_187, %gather3A_188 : vector<16xf32>
        tpu.vector_store_idx %arg17[%shift_right_arithmetic3A_197, %and3A_200], %sub3A_201 : memref<40x8xf32, #tpu.memory_space<vmem>>[vector<16xi32>, vector<16xi32>], vector<16xf32>,
        %broadcast_in_dim3A_202 = arith.constant 2 : i32
        %broadcast_in_dim3A_203 = vector.broadcast %broadcast_in_dim3A_202 : i32 to vector<16xi32>
        %gather3A_204 = tpu.vector_load_idx %arg19[%broadcast_in_dim3A_203, %get3A_164] : memref<4x10000xf32, #tpu.memory_space<vmem>>[vector<16xi32>, vector<16xi32>], vector<16xf32>,
        %gather3A_205 = tpu.vector_load_idx %arg19[%broadcast_in_dim3A_203, %get3A_168] : memref<4x10000xf32, #tpu.memory_space<vmem>>[vector<16xi32>, vector<16xi32>], vector<16xf32>,
        %mul3A_206 = arith.constant 4 : i32
        %mul3A_207 = vector.broadcast %mul3A_206 : i32 to vector<16xi32>
        %mul3A_208 = arith.muli %add3A_172, %mul3A_207 : vector<16xi32>
        %add3A_209 = arith.constant 2 : i32
        %add3A_210 = vector.broadcast %add3A_209 : i32 to vector<16xi32>
        %add3A_211 = arith.addi %mul3A_208, %add3A_210 : vector<16xi32>
        %shift_right_arithmetic3A_212 = arith.constant 3 : i32
        %shift_right_arithmetic3A_213 = vector.broadcast %shift_right_arithmetic3A_212 : i32 to vector<16xi32>
        %shift_right_arithmetic3A_214 = arith.shrsi %add3A_211, %shift_right_arithmetic3A_213 : vector<16xi32>
        %and3A_215 = arith.constant 7 : i32
        %and3A_216 = vector.broadcast %and3A_215 : i32 to vector<16xi32>
        %and3A_217 = arith.andi %add3A_211, %and3A_216 : vector<16xi32>
        %sub3A_218 = arith.subf %gather3A_204, %gather3A_205 : vector<16xf32>
        tpu.vector_store_idx %arg17[%shift_right_arithmetic3A_214, %and3A_217], %sub3A_218 : memref<40x8xf32, #tpu.memory_space<vmem>>[vector<16xi32>, vector<16xi32>], vector<16xf32>,
        %mul3A_219 = arith.constant 4 : i32
        %mul3A_220 = vector.broadcast %mul3A_219 : i32 to vector<16xi32>
        %mul3A_221 = arith.muli %add3A_172, %mul3A_220 : vector<16xi32>
        %add3A_222 = arith.constant 3 : i32
        %add3A_223 = vector.broadcast %add3A_222 : i32 to vector<16xi32>
        %add3A_224 = arith.addi %mul3A_221, %add3A_223 : vector<16xi32>
        %shift_right_arithmetic3A_225 = arith.constant 3 : i32
        %shift_right_arithmetic3A_226 = vector.broadcast %shift_right_arithmetic3A_225 : i32 to vector<16xi32>
        %shift_right_arithmetic3A_227 = arith.shrsi %add3A_224, %shift_right_arithmetic3A_226 : vector<16xi32>
        %and3A_228 = arith.constant 7 : i32
        %and3A_229 = vector.broadcast %and3A_228 : i32 to vector<16xi32>
        %and3A_230 = arith.andi %add3A_224, %and3A_229 : vector<16xi32>
        %broadcast_in_dim3A_231 = arith.constant 0.000000e+00 : f32
        %broadcast_in_dim3A_232 = vector.broadcast %broadcast_in_dim3A_231 : f32 to vector<16xf32>
        tpu.vector_store_idx %arg17[%shift_right_arithmetic3A_227, %and3A_230], %broadcast_in_dim3A_232 : memref<40x8xf32, #tpu.memory_space<vmem>>[vector<16xi32>, vector<16xi32>], vector<16xf32>,
      }
      %scan3A_83 = arith.constant 5 : i32
      %mul3A_84 = arith.constant 80 : i32
      %mul3A_85 = arith.muli %mul3A_63, %mul3A_84 : i32
      %add3A_86 = arith.addi %mul3A_2, %mul3A_85 : i32
      %mul3A_87 = arith.constant 2480 : i32
      %mul3A_88 = arith.muli %add3A, %mul3A_87 : i32
      %mul3A_89 = arith.constant 40 : i32
      %mul3A_90 = arith.muli %mul3A_63, %mul3A_89 : i32
      %add3A_91 = arith.addi %mul3A_88, %mul3A_90 : i32
      %dma_start3A_92 = arith.constant 0 : i32
      %dma_start3A_93 = tpu.memref_slice %arg7[%add3A_86, %dma_start3A_92] : memref<158720x64xf32, #tpu.memory_space<hbm>> -> memref<80x64xf32, #tpu.memory_space<hbm>>
      %dma_start3A_94 = arith.constant 0 : i32
      %dma_start3A_95 = tpu.memref_slice %arg7[%add3A_86, %dma_start3A_94] : memref<158720x64xf32, #tpu.memory_space<hbm>> -> memref<80x64xf32, #tpu.memory_space<hbm>>
      tpu.enqueue_dma source(%arg13 : memref<80x64xf32, #tpu.memory_space<vmem>>) target(%dma_start3A_95 : memref<80x64xf32, #tpu.memory_space<hbm>>) target_semaphore(%arg24 : memref<!tpu.dma_semaphore, #tpu.memory_space<semaphore_mem>>)
      %dma_start3A_96 = arith.constant 0 : i32
      %dma_start3A_97 = tpu.memref_slice %arg8[%add3A_91, %dma_start3A_96] : memref<79360x8xf32, #tpu.memory_space<hbm>> -> memref<40x8xf32, #tpu.memory_space<hbm>>
      %dma_start3A_98 = arith.constant 0 : i32
      %dma_start3A_99 = tpu.memref_slice %arg8[%add3A_91, %dma_start3A_98] : memref<79360x8xf32, #tpu.memory_space<hbm>> -> memref<40x8xf32, #tpu.memory_space<hbm>>
      tpu.enqueue_dma source(%arg17 : memref<40x8xf32, #tpu.memory_space<vmem>>) target(%dma_start3A_99 : memref<40x8xf32, #tpu.memory_space<hbm>>) target_semaphore(%arg24 : memref<!tpu.dma_semaphore, #tpu.memory_space<semaphore_mem>>)
      %add3A_100 = arith.constant 2 : i32
      %add3A_101 = arith.addi %mul3A_63, %add3A_100 : i32
      %le3A_102 = arith.constant 61 : i32
      %le3A_103 = arith.cmpi sle, %add3A_101, %le3A_102 : i32
      %convert_element_type3A_104 = arith.extui %le3A_103 : i1 to i32
      %cond3A_105 = arith.constant 0 : i32
      %cond3A_106 = arith.cmpi ne, %convert_element_type3A_104, %cond3A_105 : i32
      scf.if %cond3A_106 {
        %add3A_157 = arith.constant 2 : i32
        %add3A_158 = arith.addi %mul3A_63, %add3A_157 : i32
        %mul3A_159 = arith.constant 80 : i32
        %mul3A_160 = arith.muli %add3A_158, %mul3A_159 : i32
        %add3A_161 = arith.addi %mul3A_2, %mul3A_160 : i32
        %dma_start3A_162 = tpu.memref_slice %arg5[%add3A_161] : memref<158720xi32, #tpu.memory_space<hbm>> -> memref<80xi32, #tpu.memory_space<hbm>>
        %dma_start3A_163 = tpu.memref_slice %arg5[%add3A_161] : memref<158720xi32, #tpu.memory_space<hbm>> -> memref<80xi32, #tpu.memory_space<hbm>>
        tpu.enqueue_dma source(%dma_start3A_163 : memref<80xi32, #tpu.memory_space<hbm>>) target(%arg9 : memref<80xi32, #tpu.memory_space<vmem>>) target_semaphore(%arg20 : memref<!tpu.dma_semaphore, #tpu.memory_space<semaphore_mem>>)
        %dma_start3A_164 = tpu.memref_slice %arg6[%add3A_161] : memref<158720xi32, #tpu.memory_space<hbm>> -> memref<80xi32, #tpu.memory_space<hbm>>
        %dma_start3A_165 = tpu.memref_slice %arg6[%add3A_161] : memref<158720xi32, #tpu.memory_space<hbm>> -> memref<80xi32, #tpu.memory_space<hbm>>
        tpu.enqueue_dma source(%dma_start3A_165 : memref<80xi32, #tpu.memory_space<hbm>>) target(%arg11 : memref<80xi32, #tpu.memory_space<vmem>>) target_semaphore(%arg20 : memref<!tpu.dma_semaphore, #tpu.memory_space<semaphore_mem>>)
      } else {
      }
      %mul3A_107 = arith.constant 2 : i32
      %mul3A_108 = arith.muli %mul3A_107, %add3A_61 : i32
      %add3A_109 = arith.constant 1 : i32
      %add3A_110 = arith.addi %mul3A_108, %add3A_109 : i32
      %add3A_111 = arith.constant 1 : i32
      %add3A_112 = arith.addi %add3A_110, %add3A_111 : i32
      %le3A_113 = arith.constant 61 : i32
      %le3A_114 = arith.cmpi sle, %add3A_112, %le3A_113 : i32
      %convert_element_type3A_115 = arith.extui %le3A_114 : i1 to i32
      %cond3A_116 = arith.constant 0 : i32
      %cond3A_117 = arith.cmpi ne, %convert_element_type3A_115, %cond3A_116 : i32
      scf.if %cond3A_117 {
        %add3A_157 = arith.constant 1 : i32
        %add3A_158 = arith.addi %add3A_110, %add3A_157 : i32
        %mul3A_159 = arith.constant 80 : i32
        %mul3A_160 = arith.muli %add3A_158, %mul3A_159 : i32
        %add3A_161 = arith.addi %mul3A_2, %mul3A_160 : i32
        %dma_wait3A_162 = tpu.memref_slice %arg5[%add3A_161] : memref<158720xi32, #tpu.memory_space<hbm>> -> memref<80xi32, #tpu.memory_space<hbm>>
        %dma_wait3A_163 = tpu.memref_slice %arg5[%add3A_161] : memref<158720xi32, #tpu.memory_space<hbm>> -> memref<80xi32, #tpu.memory_space<hbm>>
        tpu.wait_dma2 semaphore(%arg20 : memref<!tpu.dma_semaphore, #tpu.memory_space<semaphore_mem>>) src(%dma_wait3A_163 : memref<80xi32, #tpu.memory_space<hbm>>) dst(%arg9 : memref<80xi32, #tpu.memory_space<vmem>>)
        %dma_wait3A_164 = tpu.memref_slice %arg6[%add3A_161] : memref<158720xi32, #tpu.memory_space<hbm>> -> memref<80xi32, #tpu.memory_space<hbm>>
        %dma_wait3A_165 = tpu.memref_slice %arg6[%add3A_161] : memref<158720xi32, #tpu.memory_space<hbm>> -> memref<80xi32, #tpu.memory_space<hbm>>
        tpu.wait_dma2 semaphore(%arg20 : memref<!tpu.dma_semaphore, #tpu.memory_space<semaphore_mem>>) src(%dma_wait3A_165 : memref<80xi32, #tpu.memory_space<hbm>>) dst(%arg11 : memref<80xi32, #tpu.memory_space<vmem>>)
        %ge3A = arith.constant 1 : i32
        %ge3A_166 = arith.cmpi sge, %add3A_110, %ge3A : i32
        %convert_element_type3A_167 = arith.extui %ge3A_166 : i1 to i32
        %cond3A_168 = arith.constant 0 : i32
        %cond3A_169 = arith.cmpi ne, %convert_element_type3A_167, %cond3A_168 : i32
        scf.if %cond3A_169 {
          %sub3A = arith.constant 1 : i32
          %sub3A_176 = arith.subi %add3A_110, %sub3A : i32
          %mul3A_177 = arith.constant 80 : i32
          %mul3A_178 = arith.muli %sub3A_176, %mul3A_177 : i32
          %add3A_179 = arith.addi %mul3A_2, %mul3A_178 : i32
          %mul3A_180 = arith.constant 2480 : i32
          %mul3A_181 = arith.muli %add3A, %mul3A_180 : i32
          %mul3A_182 = arith.constant 40 : i32
          %mul3A_183 = arith.muli %sub3A_176, %mul3A_182 : i32
          %add3A_184 = arith.addi %mul3A_181, %mul3A_183 : i32
          %dma_wait3A_185 = arith.constant 0 : i32
          %dma_wait3A_186 = tpu.memref_slice %arg7[%add3A_179, %dma_wait3A_185] : memref<158720x64xf32, #tpu.memory_space<hbm>> -> memref<80x64xf32, #tpu.memory_space<hbm>>
          %dma_wait3A_187 = arith.constant 0 : i32
          %dma_wait3A_188 = tpu.memref_slice %arg7[%add3A_179, %dma_wait3A_187] : memref<158720x64xf32, #tpu.memory_space<hbm>> -> memref<80x64xf32, #tpu.memory_space<hbm>>
          tpu.wait_dma2 semaphore(%arg24 : memref<!tpu.dma_semaphore, #tpu.memory_space<semaphore_mem>>) src(%arg13 : memref<80x64xf32, #tpu.memory_space<vmem>>) dst(%dma_wait3A_188 : memref<80x64xf32, #tpu.memory_space<hbm>>)
          %dma_wait3A_189 = arith.constant 0 : i32
          %dma_wait3A_190 = tpu.memref_slice %arg8[%add3A_184, %dma_wait3A_189] : memref<79360x8xf32, #tpu.memory_space<hbm>> -> memref<40x8xf32, #tpu.memory_space<hbm>>
          %dma_wait3A_191 = arith.constant 0 : i32
          %dma_wait3A_192 = tpu.memref_slice %arg8[%add3A_184, %dma_wait3A_191] : memref<79360x8xf32, #tpu.memory_space<hbm>> -> memref<40x8xf32, #tpu.memory_space<hbm>>
          tpu.wait_dma2 semaphore(%arg24 : memref<!tpu.dma_semaphore, #tpu.memory_space<semaphore_mem>>) src(%arg17 : memref<40x8xf32, #tpu.memory_space<vmem>>) dst(%dma_wait3A_192 : memref<40x8xf32, #tpu.memory_space<hbm>>)
        } else {
        }
        %dma_start3A_170 = arith.constant 0 : i32
        %dma_start3A_171 = arith.constant 0 : i32
        %dma_start3A_172 = tpu.memref_slice %arg2[%dma_start3A_170, %dma_start3A_171] : memref<10000x64xf32, #tpu.memory_space<hbm>> -> memref<10000x64xf32, #tpu.memory_space<hbm>>
        tpu.enqueue_indirect_dma source(%dma_start3A_172 : memref<10000x64xf32, #tpu.memory_space<hbm>>) target(%arg13 : memref<80x64xf32, #tpu.memory_space<vmem>>) offsets(%arg9 : memref<80xi32, #tpu.memory_space<vmem>>) semaphore(%arg22 : memref<!tpu.dma_semaphore, #tpu.memory_space<semaphore_mem>>)
        %dma_start3A_173 = arith.constant 0 : i32
        %dma_start3A_174 = arith.constant 0 : i32
        %dma_start3A_175 = tpu.memref_slice %arg3[%dma_start3A_173, %dma_start3A_174] : memref<10000x64xf32, #tpu.memory_space<hbm>> -> memref<10000x64xf32, #tpu.memory_space<hbm>>
        tpu.enqueue_indirect_dma source(%dma_start3A_175 : memref<10000x64xf32, #tpu.memory_space<hbm>>) target(%arg15 : memref<80x64xf32, #tpu.memory_space<vmem>>) offsets(%arg11 : memref<80xi32, #tpu.memory_space<vmem>>) semaphore(%arg22 : memref<!tpu.dma_semaphore, #tpu.memory_space<semaphore_mem>>)
      } else {
      }
      %dma_wait3A_118 = arith.constant 0 : i32
      %dma_wait3A_119 = arith.constant 0 : i32
      %dma_wait3A_120 = tpu.memref_slice %arg2[%dma_wait3A_118, %dma_wait3A_119] : memref<10000x64xf32, #tpu.memory_space<hbm>> -> memref<10000x64xf32, #tpu.memory_space<hbm>>
      tpu.wait_indirect_dma semaphore(%arg23 : memref<!tpu.dma_semaphore, #tpu.memory_space<semaphore_mem>>) src(%dma_wait3A_120 : memref<10000x64xf32, #tpu.memory_space<hbm>>) dst(%arg14 : memref<80x64xf32, #tpu.memory_space<vmem>>)
      %dma_wait3A_121 = arith.constant 0 : i32
      %dma_wait3A_122 = arith.constant 0 : i32
      %dma_wait3A_123 = tpu.memref_slice %arg3[%dma_wait3A_121, %dma_wait3A_122] : memref<10000x64xf32, #tpu.memory_space<hbm>> -> memref<10000x64xf32, #tpu.memory_space<hbm>>
      tpu.wait_indirect_dma semaphore(%arg23 : memref<!tpu.dma_semaphore, #tpu.memory_space<semaphore_mem>>) src(%dma_wait3A_123 : memref<10000x64xf32, #tpu.memory_space<hbm>>) dst(%arg16 : memref<80x64xf32, #tpu.memory_space<vmem>>)
      %scan3A_124 = arith.constant 0 : i32
      %scan3A_125 = arith.constant 80 : i32
      %scan3A_126 = arith.addi %scan3A_124, %scan3A_125 : i32
      %scan3A_127 = arith.constant 1 : i32
      scf.for %scan3A_157 = %scan3A_124 to %scan3A_126 step %scan3A_127  : i32 {
        %mul3A_158 = arith.constant 1 : i32
        %mul3A_159 = arith.muli %scan3A_157, %mul3A_158 : i32
        %add3A_160 = arith.constant 0 : i32
        %add3A_161 = arith.addi %add3A_160, %mul3A_159 : i32
        %get3A = arith.index_cast %add3A_161 : i32 to index
        %get3A_162 = arith.constant 0 : index
        %get3A_163 = tpu.vector_load %arg14[%get3A, %get3A_162] {strides = array<i32>} : memref<80x64xf32, #tpu.memory_space<vmem>>, vector<16xf32>,
        %get3A_164 = arith.index_cast %add3A_161 : i32 to index
        %get3A_165 = arith.constant 0 : index
        %get3A_166 = tpu.vector_load %arg16[%get3A_164, %get3A_165] {strides = array<i32>} : memref<80x64xf32, #tpu.memory_space<vmem>>, vector<16xf32>,
        %add3A_167 = arith.addf %get3A_163, %get3A_166 : vector<16xf32>
        %swap3A = arith.index_cast %add3A_161 : i32 to index
        %swap3A_168 = arith.constant 0 : index
        %swap3A_169 = tpu.vector_load %arg14[%swap3A, %swap3A_168] {strides = array<i32>} : memref<80x64xf32, #tpu.memory_space<vmem>>, vector<16xf32>,
        tpu.vector_store %arg14[%swap3A, %swap3A_168], %add3A_167 {strides = array<i32>} : memref<80x64xf32, #tpu.memory_space<vmem>>, vector<16xf32>,
        %get3A_170 = arith.index_cast %add3A_161 : i32 to index
        %get3A_171 = arith.constant 16 : index
        %get3A_172 = tpu.vector_load %arg14[%get3A_170, %get3A_171] {strides = array<i32>} : memref<80x64xf32, #tpu.memory_space<vmem>>, vector<16xf32>,
        %get3A_173 = arith.index_cast %add3A_161 : i32 to index
        %get3A_174 = arith.constant 16 : index
        %get3A_175 = tpu.vector_load %arg16[%get3A_173, %get3A_174] {strides = array<i32>} : memref<80x64xf32, #tpu.memory_space<vmem>>, vector<16xf32>,
        %add3A_176 = arith.addf %get3A_172, %get3A_175 : vector<16xf32>
        %swap3A_177 = arith.index_cast %add3A_161 : i32 to index
        %swap3A_178 = arith.constant 16 : index
        %swap3A_179 = tpu.vector_load %arg14[%swap3A_177, %swap3A_178] {strides = array<i32>} : memref<80x64xf32, #tpu.memory_space<vmem>>, vector<16xf32>,
        tpu.vector_store %arg14[%swap3A_177, %swap3A_178], %add3A_176 {strides = array<i32>} : memref<80x64xf32, #tpu.memory_space<vmem>>, vector<16xf32>,
        %get3A_180 = arith.index_cast %add3A_161 : i32 to index
        %get3A_181 = arith.constant 32 : index
        %get3A_182 = tpu.vector_load %arg14[%get3A_180, %get3A_181] {strides = array<i32>} : memref<80x64xf32, #tpu.memory_space<vmem>>, vector<16xf32>,
        %get3A_183 = arith.index_cast %add3A_161 : i32 to index
        %get3A_184 = arith.constant 32 : index
        %get3A_185 = tpu.vector_load %arg16[%get3A_183, %get3A_184] {strides = array<i32>} : memref<80x64xf32, #tpu.memory_space<vmem>>, vector<16xf32>,
        %add3A_186 = arith.addf %get3A_182, %get3A_185 : vector<16xf32>
        %swap3A_187 = arith.index_cast %add3A_161 : i32 to index
        %swap3A_188 = arith.constant 32 : index
        %swap3A_189 = tpu.vector_load %arg14[%swap3A_187, %swap3A_188] {strides = array<i32>} : memref<80x64xf32, #tpu.memory_space<vmem>>, vector<16xf32>,
        tpu.vector_store %arg14[%swap3A_187, %swap3A_188], %add3A_186 {strides = array<i32>} : memref<80x64xf32, #tpu.memory_space<vmem>>, vector<16xf32>,
        %get3A_190 = arith.index_cast %add3A_161 : i32 to index
        %get3A_191 = arith.constant 48 : index
        %get3A_192 = tpu.vector_load %arg14[%get3A_190, %get3A_191] {strides = array<i32>} : memref<80x64xf32, #tpu.memory_space<vmem>>, vector<16xf32>,
        %get3A_193 = arith.index_cast %add3A_161 : i32 to index
        %get3A_194 = arith.constant 48 : index
        %get3A_195 = tpu.vector_load %arg16[%get3A_193, %get3A_194] {strides = array<i32>} : memref<80x64xf32, #tpu.memory_space<vmem>>, vector<16xf32>,
        %add3A_196 = arith.addf %get3A_192, %get3A_195 : vector<16xf32>
        %swap3A_197 = arith.index_cast %add3A_161 : i32 to index
        %swap3A_198 = arith.constant 48 : index
        %swap3A_199 = tpu.vector_load %arg14[%swap3A_197, %swap3A_198] {strides = array<i32>} : memref<80x64xf32, #tpu.memory_space<vmem>>, vector<16xf32>,
        tpu.vector_store %arg14[%swap3A_197, %swap3A_198], %add3A_196 {strides = array<i32>} : memref<80x64xf32, #tpu.memory_space<vmem>>, vector<16xf32>,
      }
      %scan3A_128 = arith.constant 80 : i32
      %scan3A_129 = arith.constant 0 : i32
      %scan3A_130 = arith.constant 5 : i32
      %scan3A_131 = arith.addi %scan3A_129, %scan3A_130 : i32
      %scan3A_132 = arith.constant 1 : i32
      scf.for %scan3A_157 = %scan3A_129 to %scan3A_131 step %scan3A_132  : i32 {
        %mul3A_158 = arith.constant 1 : i32
        %mul3A_159 = arith.muli %scan3A_157, %mul3A_158 : i32
        %add3A_160 = arith.constant 0 : i32
        %add3A_161 = arith.addi %add3A_160, %mul3A_159 : i32
        %mul3A_162 = arith.constant 16 : i32
        %mul3A_163 = arith.muli %add3A_161, %mul3A_162 : i32
        %get3A = arith.index_cast %mul3A_163 : i32 to index
        %get3A_164 = tpu.vector_load %arg10[%get3A] {strides = array<i32>} : memref<80xi32, #tpu.memory_space<vmem>>, vector<16xi32>,
        %mul3A_165 = arith.constant 16 : i32
        %mul3A_166 = arith.muli %add3A_161, %mul3A_165 : i32
        %get3A_167 = arith.index_cast %mul3A_166 : i32 to index
        %get3A_168 = tpu.vector_load %arg12[%get3A_167] {strides = array<i32>} : memref<80xi32, #tpu.memory_space<vmem>>, vector<16xi32>,
        %iota3A = tpu.iota {dimensions = array<i32: 0>} : vector<16xi32>
        %mul3A_169 = arith.constant 16 : i32
        %mul3A_170 = arith.muli %add3A_161, %mul3A_169 : i32
        %add3A_171 = vector.broadcast %mul3A_170 : i32 to vector<16xi32>
        %add3A_172 = arith.addi %iota3A, %add3A_171 : vector<16xi32>
        %broadcast_in_dim3A = arith.constant 0 : i32
        %broadcast_in_dim3A_173 = vector.broadcast %broadcast_in_dim3A : i32 to vector<16xi32>
        %gather3A = tpu.vector_load_idx %arg19[%broadcast_in_dim3A_173, %get3A_164] : memref<4x10000xf32, #tpu.memory_space<vmem>>[vector<16xi32>, vector<16xi32>], vector<16xf32>,
        %gather3A_174 = tpu.vector_load_idx %arg19[%broadcast_in_dim3A_173, %get3A_168] : memref<4x10000xf32, #tpu.memory_space<vmem>>[vector<16xi32>, vector<16xi32>], vector<16xf32>,
        %mul3A_175 = arith.constant 4 : i32
        %mul3A_176 = vector.broadcast %mul3A_175 : i32 to vector<16xi32>
        %mul3A_177 = arith.muli %add3A_172, %mul3A_176 : vector<16xi32>
        %add3A_178 = arith.constant 0 : i32
        %add3A_179 = vector.broadcast %add3A_178 : i32 to vector<16xi32>
        %add3A_180 = arith.addi %mul3A_177, %add3A_179 : vector<16xi32>
        %shift_right_arithmetic3A = arith.constant 3 : i32
        %shift_right_arithmetic3A_181 = vector.broadcast %shift_right_arithmetic3A : i32 to vector<16xi32>
        %shift_right_arithmetic3A_182 = arith.shrsi %add3A_180, %shift_right_arithmetic3A_181 : vector<16xi32>
        %and3A = arith.constant 7 : i32
        %and3A_183 = vector.broadcast %and3A : i32 to vector<16xi32>
        %and3A_184 = arith.andi %add3A_180, %and3A_183 : vector<16xi32>
        %sub3A = arith.subf %gather3A, %gather3A_174 : vector<16xf32>
        tpu.vector_store_idx %arg18[%shift_right_arithmetic3A_182, %and3A_184], %sub3A : memref<40x8xf32, #tpu.memory_space<vmem>>[vector<16xi32>, vector<16xi32>], vector<16xf32>,
        %broadcast_in_dim3A_185 = arith.constant 1 : i32
        %broadcast_in_dim3A_186 = vector.broadcast %broadcast_in_dim3A_185 : i32 to vector<16xi32>
        %gather3A_187 = tpu.vector_load_idx %arg19[%broadcast_in_dim3A_186, %get3A_164] : memref<4x10000xf32, #tpu.memory_space<vmem>>[vector<16xi32>, vector<16xi32>], vector<16xf32>,
        %gather3A_188 = tpu.vector_load_idx %arg19[%broadcast_in_dim3A_186, %get3A_168] : memref<4x10000xf32, #tpu.memory_space<vmem>>[vector<16xi32>, vector<16xi32>], vector<16xf32>,
        %mul3A_189 = arith.constant 4 : i32
        %mul3A_190 = vector.broadcast %mul3A_189 : i32 to vector<16xi32>
        %mul3A_191 = arith.muli %add3A_172, %mul3A_190 : vector<16xi32>
        %add3A_192 = arith.constant 1 : i32
        %add3A_193 = vector.broadcast %add3A_192 : i32 to vector<16xi32>
        %add3A_194 = arith.addi %mul3A_191, %add3A_193 : vector<16xi32>
        %shift_right_arithmetic3A_195 = arith.constant 3 : i32
        %shift_right_arithmetic3A_196 = vector.broadcast %shift_right_arithmetic3A_195 : i32 to vector<16xi32>
        %shift_right_arithmetic3A_197 = arith.shrsi %add3A_194, %shift_right_arithmetic3A_196 : vector<16xi32>
        %and3A_198 = arith.constant 7 : i32
        %and3A_199 = vector.broadcast %and3A_198 : i32 to vector<16xi32>
        %and3A_200 = arith.andi %add3A_194, %and3A_199 : vector<16xi32>
        %sub3A_201 = arith.subf %gather3A_187, %gather3A_188 : vector<16xf32>
        tpu.vector_store_idx %arg18[%shift_right_arithmetic3A_197, %and3A_200], %sub3A_201 : memref<40x8xf32, #tpu.memory_space<vmem>>[vector<16xi32>, vector<16xi32>], vector<16xf32>,
        %broadcast_in_dim3A_202 = arith.constant 2 : i32
        %broadcast_in_dim3A_203 = vector.broadcast %broadcast_in_dim3A_202 : i32 to vector<16xi32>
        %gather3A_204 = tpu.vector_load_idx %arg19[%broadcast_in_dim3A_203, %get3A_164] : memref<4x10000xf32, #tpu.memory_space<vmem>>[vector<16xi32>, vector<16xi32>], vector<16xf32>,
        %gather3A_205 = tpu.vector_load_idx %arg19[%broadcast_in_dim3A_203, %get3A_168] : memref<4x10000xf32, #tpu.memory_space<vmem>>[vector<16xi32>, vector<16xi32>], vector<16xf32>,
        %mul3A_206 = arith.constant 4 : i32
        %mul3A_207 = vector.broadcast %mul3A_206 : i32 to vector<16xi32>
        %mul3A_208 = arith.muli %add3A_172, %mul3A_207 : vector<16xi32>
        %add3A_209 = arith.constant 2 : i32
        %add3A_210 = vector.broadcast %add3A_209 : i32 to vector<16xi32>
        %add3A_211 = arith.addi %mul3A_208, %add3A_210 : vector<16xi32>
        %shift_right_arithmetic3A_212 = arith.constant 3 : i32
        %shift_right_arithmetic3A_213 = vector.broadcast %shift_right_arithmetic3A_212 : i32 to vector<16xi32>
        %shift_right_arithmetic3A_214 = arith.shrsi %add3A_211, %shift_right_arithmetic3A_213 : vector<16xi32>
        %and3A_215 = arith.constant 7 : i32
        %and3A_216 = vector.broadcast %and3A_215 : i32 to vector<16xi32>
        %and3A_217 = arith.andi %add3A_211, %and3A_216 : vector<16xi32>
        %sub3A_218 = arith.subf %gather3A_204, %gather3A_205 : vector<16xf32>
        tpu.vector_store_idx %arg18[%shift_right_arithmetic3A_214, %and3A_217], %sub3A_218 : memref<40x8xf32, #tpu.memory_space<vmem>>[vector<16xi32>, vector<16xi32>], vector<16xf32>,
        %mul3A_219 = arith.constant 4 : i32
        %mul3A_220 = vector.broadcast %mul3A_219 : i32 to vector<16xi32>
        %mul3A_221 = arith.muli %add3A_172, %mul3A_220 : vector<16xi32>
        %add3A_222 = arith.constant 3 : i32
        %add3A_223 = vector.broadcast %add3A_222 : i32 to vector<16xi32>
        %add3A_224 = arith.addi %mul3A_221, %add3A_223 : vector<16xi32>
        %shift_right_arithmetic3A_225 = arith.constant 3 : i32
        %shift_right_arithmetic3A_226 = vector.broadcast %shift_right_arithmetic3A_225 : i32 to vector<16xi32>
        %shift_right_arithmetic3A_227 = arith.shrsi %add3A_224, %shift_right_arithmetic3A_226 : vector<16xi32>
        %and3A_228 = arith.constant 7 : i32
        %and3A_229 = vector.broadcast %and3A_228 : i32 to vector<16xi32>
        %and3A_230 = arith.andi %add3A_224, %and3A_229 : vector<16xi32>
        %broadcast_in_dim3A_231 = arith.constant 0.000000e+00 : f32
        %broadcast_in_dim3A_232 = vector.broadcast %broadcast_in_dim3A_231 : f32 to vector<16xf32>
        tpu.vector_store_idx %arg18[%shift_right_arithmetic3A_227, %and3A_230], %broadcast_in_dim3A_232 : memref<40x8xf32, #tpu.memory_space<vmem>>[vector<16xi32>, vector<16xi32>], vector<16xf32>,
      }
      %scan3A_133 = arith.constant 5 : i32
      %mul3A_134 = arith.constant 80 : i32
      %mul3A_135 = arith.muli %add3A_110, %mul3A_134 : i32
      %add3A_136 = arith.addi %mul3A_2, %mul3A_135 : i32
      %mul3A_137 = arith.constant 2480 : i32
      %mul3A_138 = arith.muli %add3A, %mul3A_137 : i32
      %mul3A_139 = arith.constant 40 : i32
      %mul3A_140 = arith.muli %add3A_110, %mul3A_139 : i32
      %add3A_141 = arith.addi %mul3A_138, %mul3A_140 : i32
      %dma_start3A_142 = arith.constant 0 : i32
      %dma_start3A_143 = tpu.memref_slice %arg7[%add3A_136, %dma_start3A_142] : memref<158720x64xf32, #tpu.memory_space<hbm>> -> memref<80x64xf32, #tpu.memory_space<hbm>>
      %dma_start3A_144 = arith.constant 0 : i32
      %dma_start3A_145 = tpu.memref_slice %arg7[%add3A_136, %dma_start3A_144] : memref<158720x64xf32, #tpu.memory_space<hbm>> -> memref<80x64xf32, #tpu.memory_space<hbm>>
      tpu.enqueue_dma source(%arg14 : memref<80x64xf32, #tpu.memory_space<vmem>>) target(%dma_start3A_145 : memref<80x64xf32, #tpu.memory_space<hbm>>) target_semaphore(%arg25 : memref<!tpu.dma_semaphore, #tpu.memory_space<semaphore_mem>>)
      %dma_start3A_146 = arith.constant 0 : i32
      %dma_start3A_147 = tpu.memref_slice %arg8[%add3A_141, %dma_start3A_146] : memref<79360x8xf32, #tpu.memory_space<hbm>> -> memref<40x8xf32, #tpu.memory_space<hbm>>
      %dma_start3A_148 = arith.constant 0 : i32
      %dma_start3A_149 = tpu.memref_slice %arg8[%add3A_141, %dma_start3A_148] : memref<79360x8xf32, #tpu.memory_space<hbm>> -> memref<40x8xf32, #tpu.memory_space<hbm>>
      tpu.enqueue_dma source(%arg18 : memref<40x8xf32, #tpu.memory_space<vmem>>) target(%dma_start3A_149 : memref<40x8xf32, #tpu.memory_space<hbm>>) target_semaphore(%arg25 : memref<!tpu.dma_semaphore, #tpu.memory_space<semaphore_mem>>)
      %add3A_150 = arith.constant 2 : i32
      %add3A_151 = arith.addi %add3A_110, %add3A_150 : i32
      %le3A_152 = arith.constant 61 : i32
      %le3A_153 = arith.cmpi sle, %add3A_151, %le3A_152 : i32
      %convert_element_type3A_154 = arith.extui %le3A_153 : i1 to i32
      %cond3A_155 = arith.constant 0 : i32
      %cond3A_156 = arith.cmpi ne, %convert_element_type3A_154, %cond3A_155 : i32
      scf.if %cond3A_156 {
        %add3A_157 = arith.constant 2 : i32
        %add3A_158 = arith.addi %add3A_110, %add3A_157 : i32
        %mul3A_159 = arith.constant 80 : i32
        %mul3A_160 = arith.muli %add3A_158, %mul3A_159 : i32
        %add3A_161 = arith.addi %mul3A_2, %mul3A_160 : i32
        %dma_start3A_162 = tpu.memref_slice %arg5[%add3A_161] : memref<158720xi32, #tpu.memory_space<hbm>> -> memref<80xi32, #tpu.memory_space<hbm>>
        %dma_start3A_163 = tpu.memref_slice %arg5[%add3A_161] : memref<158720xi32, #tpu.memory_space<hbm>> -> memref<80xi32, #tpu.memory_space<hbm>>
        tpu.enqueue_dma source(%dma_start3A_163 : memref<80xi32, #tpu.memory_space<hbm>>) target(%arg10 : memref<80xi32, #tpu.memory_space<vmem>>) target_semaphore(%arg21 : memref<!tpu.dma_semaphore, #tpu.memory_space<semaphore_mem>>)
        %dma_start3A_164 = tpu.memref_slice %arg6[%add3A_161] : memref<158720xi32, #tpu.memory_space<hbm>> -> memref<80xi32, #tpu.memory_space<hbm>>
        %dma_start3A_165 = tpu.memref_slice %arg6[%add3A_161] : memref<158720xi32, #tpu.memory_space<hbm>> -> memref<80xi32, #tpu.memory_space<hbm>>
        tpu.enqueue_dma source(%dma_start3A_165 : memref<80xi32, #tpu.memory_space<hbm>>) target(%arg12 : memref<80xi32, #tpu.memory_space<vmem>>) target_semaphore(%arg21 : memref<!tpu.dma_semaphore, #tpu.memory_space<semaphore_mem>>)
      } else {
      }
    }
    %scan3A_28 = arith.constant 31 : i32
    %add3A_29 = arith.constant 4800 : i32
    %add3A_30 = arith.addi %mul3A_2, %add3A_29 : i32
    %mul3A_31 = arith.constant 2480 : i32
    %mul3A_32 = arith.muli %add3A, %mul3A_31 : i32
    %add3A_33 = arith.constant 2400 : i32
    %add3A_34 = arith.addi %mul3A_32, %add3A_33 : i32
    %dma_wait3A_35 = arith.constant 0 : i32
    %dma_wait3A_36 = tpu.memref_slice %arg7[%add3A_30, %dma_wait3A_35] : memref<158720x64xf32, #tpu.memory_space<hbm>> -> memref<80x64xf32, #tpu.memory_space<hbm>>
    %dma_wait3A_37 = arith.constant 0 : i32
    %dma_wait3A_38 = tpu.memref_slice %arg7[%add3A_30, %dma_wait3A_37] : memref<158720x64xf32, #tpu.memory_space<hbm>> -> memref<80x64xf32, #tpu.memory_space<hbm>>
    tpu.wait_dma2 semaphore(%arg24 : memref<!tpu.dma_semaphore, #tpu.memory_space<semaphore_mem>>) src(%arg13 : memref<80x64xf32, #tpu.memory_space<vmem>>) dst(%dma_wait3A_38 : memref<80x64xf32, #tpu.memory_space<hbm>>)
    %dma_wait3A_39 = arith.constant 0 : i32
    %dma_wait3A_40 = tpu.memref_slice %arg8[%add3A_34, %dma_wait3A_39] : memref<79360x8xf32, #tpu.memory_space<hbm>> -> memref<40x8xf32, #tpu.memory_space<hbm>>
    %dma_wait3A_41 = arith.constant 0 : i32
    %dma_wait3A_42 = tpu.memref_slice %arg8[%add3A_34, %dma_wait3A_41] : memref<79360x8xf32, #tpu.memory_space<hbm>> -> memref<40x8xf32, #tpu.memory_space<hbm>>
    tpu.wait_dma2 semaphore(%arg24 : memref<!tpu.dma_semaphore, #tpu.memory_space<semaphore_mem>>) src(%arg17 : memref<40x8xf32, #tpu.memory_space<vmem>>) dst(%dma_wait3A_42 : memref<40x8xf32, #tpu.memory_space<hbm>>)
    %add3A_43 = arith.constant 4880 : i32
    %add3A_44 = arith.addi %mul3A_2, %add3A_43 : i32
    %mul3A_45 = arith.constant 2480 : i32
    %mul3A_46 = arith.muli %add3A, %mul3A_45 : i32
    %add3A_47 = arith.constant 2440 : i32
    %add3A_48 = arith.addi %mul3A_46, %add3A_47 : i32
    %dma_wait3A_49 = arith.constant 0 : i32
    %dma_wait3A_50 = tpu.memref_slice %arg7[%add3A_44, %dma_wait3A_49] : memref<158720x64xf32, #tpu.memory_space<hbm>> -> memref<80x64xf32, #tpu.memory_space<hbm>>
    %dma_wait3A_51 = arith.constant 0 : i32
    %dma_wait3A_52 = tpu.memref_slice %arg7[%add3A_44, %dma_wait3A_51] : memref<158720x64xf32, #tpu.memory_space<hbm>> -> memref<80x64xf32, #tpu.memory_space<hbm>>
    tpu.wait_dma2 semaphore(%arg25 : memref<!tpu.dma_semaphore, #tpu.memory_space<semaphore_mem>>) src(%arg14 : memref<80x64xf32, #tpu.memory_space<vmem>>) dst(%dma_wait3A_52 : memref<80x64xf32, #tpu.memory_space<hbm>>)
    %dma_wait3A_53 = arith.constant 0 : i32
    %dma_wait3A_54 = tpu.memref_slice %arg8[%add3A_48, %dma_wait3A_53] : memref<79360x8xf32, #tpu.memory_space<hbm>> -> memref<40x8xf32, #tpu.memory_space<hbm>>
    %dma_wait3A_55 = arith.constant 0 : i32
    %dma_wait3A_56 = tpu.memref_slice %arg8[%add3A_48, %dma_wait3A_55] : memref<79360x8xf32, #tpu.memory_space<hbm>> -> memref<40x8xf32, #tpu.memory_space<hbm>>
    tpu.wait_dma2 semaphore(%arg25 : memref<!tpu.dma_semaphore, #tpu.memory_space<semaphore_mem>>) src(%arg18 : memref<40x8xf32, #tpu.memory_space<vmem>>) dst(%dma_wait3A_56 : memref<40x8xf32, #tpu.memory_space<hbm>>)
    return
  }
}

#map = affine_map<(d0, d1) -> (0, 0)>
#map1 = affine_map<(d0, d1) -> (0)>
#map2 = affine_map<(d0, d1) -> (0, 0, 0)>
module attributes {stable_mosaic.version = 14 : i64} {
  func.func @k4(%arg0: i32, %arg1: i32, %arg2: memref<158720x64xf32, #tpu.memory_space<hbm>>, %arg3: memref<79360x16xf32, #tpu.memory_space<hbm>>, %arg4: memref<158720xi32, #tpu.memory_space<hbm>>, %arg5: memref<2x10000x64xf32, #tpu.memory_space<hbm>>, %arg6: memref<2x10000x8xf32, #tpu.memory_space<hbm>>, %arg7: memref<1x80xi32, #tpu.memory_space<vmem>>, %arg8: memref<1x80xi32, #tpu.memory_space<vmem>>, %arg9: memref<80x64xf32, #tpu.memory_space<vmem>>, %arg10: memref<80x64xf32, #tpu.memory_space<vmem>>, %arg11: memref<40x16xf32, #tpu.memory_space<vmem>>, %arg12: memref<40x16xf32, #tpu.memory_space<vmem>>, %arg13: memref<80x8xf32, #tpu.memory_space<vmem>>, %arg14: memref<80x8xf32, #tpu.memory_space<vmem>>, %arg15: memref<125x64xf32, #tpu.memory_space<vmem>>, %arg16: memref<625x8xf32, #tpu.memory_space<vmem>>, %arg17: memref<10000x64xf32, #tpu.memory_space<vmem_shared>>, %arg18: memref<10000x8xf32, #tpu.memory_space<vmem_shared>>, %arg19: memref<!tpu.dma_semaphore, #tpu.memory_space<semaphore_mem>>, %arg20: memref<!tpu.dma_semaphore, #tpu.memory_space<semaphore_mem>>, %arg21: memref<!tpu.dma_semaphore, #tpu.memory_space<semaphore_mem>>, %arg22: memref<!tpu.dma_semaphore, #tpu.memory_space<semaphore_mem>>) attributes {dimension_semantics = [#tpu.dimension_semantics<core_parallel>, #tpu.dimension_semantics<subcore_parallel>], iteration_bounds = array<i64: 2, 16>, scalar_prefetch = 0 : i64, scratch_operands = 16 : i64, tpu.core_type = #tpu.core_type<sc_vector_subcore>, window_params = [{transform_indices = #map}, {transform_indices = #map}, {transform_indices = #map1}, {transform_indices = #map2}, {transform_indices = #map2}]} {
    %mul3A = arith.constant 16 : i32
    %mul3A_0 = arith.muli %arg0, %mul3A : i32
    %add3A = arith.addi %mul3A_0, %arg1 : i32
    %broadcast_in_dim3A = arith.constant 0.000000e+00 : f32
    %broadcast_in_dim3A_1 = vector.broadcast %broadcast_in_dim3A : f32 to vector<16xf32>
    %scan3A = arith.constant 0 : i32
    %scan3A_2 = arith.constant 125 : i32
    %scan3A_3 = arith.addi %scan3A, %scan3A_2 : i32
    %scan3A_4 = arith.constant 1 : i32
    scf.for %scan3A_83 = %scan3A to %scan3A_3 step %scan3A_4  : i32 {
      %mul3A_84 = arith.constant 1 : i32
      %mul3A_85 = arith.muli %scan3A_83, %mul3A_84 : i32
      %add3A_86 = arith.constant 0 : i32
      %add3A_87 = arith.addi %add3A_86, %mul3A_85 : i32
      %swap3A = arith.index_cast %add3A_87 : i32 to index
      %swap3A_88 = arith.constant 0 : index
      %swap3A_89 = tpu.vector_load %arg15[%swap3A, %swap3A_88] {strides = array<i32>} : memref<125x64xf32, #tpu.memory_space<vmem>>, vector<16xf32>,
      tpu.vector_store %arg15[%swap3A, %swap3A_88], %broadcast_in_dim3A_1 {strides = array<i32>} : memref<125x64xf32, #tpu.memory_space<vmem>>, vector<16xf32>,
      %swap3A_90 = arith.index_cast %add3A_87 : i32 to index
      %swap3A_91 = arith.constant 16 : index
      %swap3A_92 = tpu.vector_load %arg15[%swap3A_90, %swap3A_91] {strides = array<i32>} : memref<125x64xf32, #tpu.memory_space<vmem>>, vector<16xf32>,
      tpu.vector_store %arg15[%swap3A_90, %swap3A_91], %broadcast_in_dim3A_1 {strides = array<i32>} : memref<125x64xf32, #tpu.memory_space<vmem>>, vector<16xf32>,
      %swap3A_93 = arith.index_cast %add3A_87 : i32 to index
      %swap3A_94 = arith.constant 32 : index
      %swap3A_95 = tpu.vector_load %arg15[%swap3A_93, %swap3A_94] {strides = array<i32>} : memref<125x64xf32, #tpu.memory_space<vmem>>, vector<16xf32>,
      tpu.vector_store %arg15[%swap3A_93, %swap3A_94], %broadcast_in_dim3A_1 {strides = array<i32>} : memref<125x64xf32, #tpu.memory_space<vmem>>, vector<16xf32>,
      %swap3A_96 = arith.index_cast %add3A_87 : i32 to index
      %swap3A_97 = arith.constant 48 : index
      %swap3A_98 = tpu.vector_load %arg15[%swap3A_96, %swap3A_97] {strides = array<i32>} : memref<125x64xf32, #tpu.memory_space<vmem>>, vector<16xf32>,
      tpu.vector_store %arg15[%swap3A_96, %swap3A_97], %broadcast_in_dim3A_1 {strides = array<i32>} : memref<125x64xf32, #tpu.memory_space<vmem>>, vector<16xf32>,
    }
    %scan3A_5 = arith.constant 125 : i32
    %scan3A_6 = arith.constant 0 : i32
    %scan3A_7 = arith.constant 312 : i32
    %scan3A_8 = arith.addi %scan3A_6, %scan3A_7 : i32
    %scan3A_9 = arith.constant 1 : i32
    scf.for %scan3A_83 = %scan3A_6 to %scan3A_8 step %scan3A_9  : i32 {
      %mul3A_84 = arith.constant 1 : i32
      %mul3A_85 = arith.muli %scan3A_83, %mul3A_84 : i32
      %add3A_86 = arith.constant 0 : i32
      %add3A_87 = arith.addi %add3A_86, %mul3A_85 : i32
      %iota3A = tpu.iota {dimensions = array<i32: 0>} : vector<16xi32>
      %mul3A_88 = arith.constant 16 : i32
      %mul3A_89 = arith.muli %add3A_87, %mul3A_88 : i32
      %add3A_90 = vector.broadcast %mul3A_89 : i32 to vector<16xi32>
      %add3A_91 = arith.addi %iota3A, %add3A_90 : vector<16xi32>
      %shift_right_arithmetic3A = arith.constant 3 : i32
      %shift_right_arithmetic3A_92 = vector.broadcast %shift_right_arithmetic3A : i32 to vector<16xi32>
      %shift_right_arithmetic3A_93 = arith.shrsi %add3A_91, %shift_right_arithmetic3A_92 : vector<16xi32>
      %and3A = arith.constant 7 : i32
      %and3A_94 = vector.broadcast %and3A : i32 to vector<16xi32>
      %and3A_95 = arith.andi %add3A_91, %and3A_94 : vector<16xi32>
      tpu.vector_store_idx %arg16[%shift_right_arithmetic3A_93, %and3A_95], %broadcast_in_dim3A_1 : memref<625x8xf32, #tpu.memory_space<vmem>>[vector<16xi32>, vector<16xi32>], vector<16xf32>,
    }
    %scan3A_10 = arith.constant 312 : i32
    %scan3A_11 = arith.constant 0 : i32
    %scan3A_12 = arith.constant 5 : i32
    %scan3A_13 = arith.addi %scan3A_11, %scan3A_12 : i32
    %scan3A_14 = arith.constant 1 : i32
    scf.for %scan3A_83 = %scan3A_11 to %scan3A_13 step %scan3A_14  : i32 {
      %mul3A_84 = arith.constant 1 : i32
      %mul3A_85 = arith.muli %scan3A_83, %mul3A_84 : i32
      %add3A_86 = arith.constant 0 : i32
      %add3A_87 = arith.addi %add3A_86, %mul3A_85 : i32
      %mul3A_88 = arith.constant 625 : i32
      %mul3A_89 = arith.muli %arg1, %mul3A_88 : i32
      %mul3A_90 = arith.constant 125 : i32
      %mul3A_91 = arith.muli %add3A_87, %mul3A_90 : i32
      %add3A_92 = arith.addi %mul3A_89, %mul3A_91 : i32
      "tpu.region"() ({
        %run_scoped3A = tpu.sem_alloc : memref<!tpu.dma_semaphore, #tpu.memory_space<semaphore_mem>>
        %dma_start3A_93 = arith.constant 0 : i32
        %dma_start3A_94 = tpu.memref_slice %arg17[%add3A_92, %dma_start3A_93] : memref<10000x64xf32, #tpu.memory_space<vmem_shared>> -> memref<125x64xf32, #tpu.memory_space<vmem_shared>>
        %dma_start3A_95 = arith.constant 0 : i32
        %dma_start3A_96 = tpu.memref_slice %arg17[%add3A_92, %dma_start3A_95] : memref<10000x64xf32, #tpu.memory_space<vmem_shared>> -> memref<125x64xf32, #tpu.memory_space<vmem_shared>>
        tpu.enqueue_dma source(%arg15 : memref<125x64xf32, #tpu.memory_space<vmem>>) target(%dma_start3A_96 : memref<125x64xf32, #tpu.memory_space<vmem_shared>>) target_semaphore(%run_scoped3A : memref<!tpu.dma_semaphore, #tpu.memory_space<semaphore_mem>>)
        %dma_wait3A_97 = arith.constant 0 : i32
        %dma_wait3A_98 = tpu.memref_slice %arg17[%add3A_92, %dma_wait3A_97] : memref<10000x64xf32, #tpu.memory_space<vmem_shared>> -> memref<125x64xf32, #tpu.memory_space<vmem_shared>>
        %dma_wait3A_99 = arith.constant 0 : i32
        %dma_wait3A_100 = tpu.memref_slice %arg17[%add3A_92, %dma_wait3A_99] : memref<10000x64xf32, #tpu.memory_space<vmem_shared>> -> memref<125x64xf32, #tpu.memory_space<vmem_shared>>
        tpu.wait_dma2 semaphore(%run_scoped3A : memref<!tpu.dma_semaphore, #tpu.memory_space<semaphore_mem>>) src(%arg15 : memref<125x64xf32, #tpu.memory_space<vmem>>) dst(%dma_wait3A_100 : memref<125x64xf32, #tpu.memory_space<vmem_shared>>)
        tpu.yield
      }) : () -> ()
    }
    %scan3A_15 = arith.constant 5 : i32
    %mul3A_16 = arith.constant 625 : i32
    %mul3A_17 = arith.muli %arg1, %mul3A_16 : i32
    "tpu.region"() ({
      %run_scoped3A = tpu.sem_alloc : memref<!tpu.dma_semaphore, #tpu.memory_space<semaphore_mem>>
      %dma_start3A_83 = arith.constant 0 : i32
      %dma_start3A_84 = tpu.memref_slice %arg18[%mul3A_17, %dma_start3A_83] : memref<10000x8xf32, #tpu.memory_space<vmem_shared>> -> memref<625x8xf32, #tpu.memory_space<vmem_shared>>
      %dma_start3A_85 = arith.constant 0 : i32
      %dma_start3A_86 = tpu.memref_slice %arg18[%mul3A_17, %dma_start3A_85] : memref<10000x8xf32, #tpu.memory_space<vmem_shared>> -> memref<625x8xf32, #tpu.memory_space<vmem_shared>>
      tpu.enqueue_dma source(%arg16 : memref<625x8xf32, #tpu.memory_space<vmem>>) target(%dma_start3A_86 : memref<625x8xf32, #tpu.memory_space<vmem_shared>>) target_semaphore(%run_scoped3A : memref<!tpu.dma_semaphore, #tpu.memory_space<semaphore_mem>>)
      %dma_wait3A_87 = arith.constant 0 : i32
      %dma_wait3A_88 = tpu.memref_slice %arg18[%mul3A_17, %dma_wait3A_87] : memref<10000x8xf32, #tpu.memory_space<vmem_shared>> -> memref<625x8xf32, #tpu.memory_space<vmem_shared>>
      %dma_wait3A_89 = arith.constant 0 : i32
      %dma_wait3A_90 = tpu.memref_slice %arg18[%mul3A_17, %dma_wait3A_89] : memref<10000x8xf32, #tpu.memory_space<vmem_shared>> -> memref<625x8xf32, #tpu.memory_space<vmem_shared>>
      tpu.wait_dma2 semaphore(%run_scoped3A : memref<!tpu.dma_semaphore, #tpu.memory_space<semaphore_mem>>) src(%arg16 : memref<625x8xf32, #tpu.memory_space<vmem>>) dst(%dma_wait3A_90 : memref<625x8xf32, #tpu.memory_space<vmem_shared>>)
      tpu.yield
    }) : () -> ()
    %barrier3A = arith.constant 0 : index
    tpu.barrier barrier_id(%barrier3A)
    %mul3A_18 = arith.constant 4960 : i32
    %mul3A_19 = arith.muli %add3A, %mul3A_18 : i32
    %add3A_20 = arith.constant 0 : i32
    %add3A_21 = arith.addi %mul3A_19, %add3A_20 : i32
    %mul3A_22 = arith.constant 2480 : i32
    %mul3A_23 = arith.muli %add3A, %mul3A_22 : i32
    %add3A_24 = arith.constant 0 : i32
    %add3A_25 = arith.addi %mul3A_23, %add3A_24 : i32
    %dma_start3A = arith.constant 0 : i32
    %dma_start3A_26 = arith.constant 0 : i32
    %dma_start3A_27 = tpu.memref_slice %arg7[%dma_start3A, %dma_start3A_26] : memref<1x80xi32, #tpu.memory_space<vmem>> -> memref<1x80xi32, #tpu.memory_space<vmem>>
    %dma_start3A_28 = tpu.memref_squeeze %dma_start3A_27 : memref<1x80xi32, #tpu.memory_space<vmem>> -> memref<80xi32, #tpu.memory_space<vmem>>
    %dma_start3A_29 = tpu.memref_slice %arg4[%add3A_21] : memref<158720xi32, #tpu.memory_space<hbm>> -> memref<80xi32, #tpu.memory_space<hbm>>
    %dma_start3A_30 = arith.constant 0 : i32
    %dma_start3A_31 = tpu.memref_slice %arg7[%dma_start3A, %dma_start3A_30] : memref<1x80xi32, #tpu.memory_space<vmem>> -> memref<1x80xi32, #tpu.memory_space<vmem>>
    %dma_start3A_32 = tpu.memref_squeeze %dma_start3A_31 : memref<1x80xi32, #tpu.memory_space<vmem>> -> memref<80xi32, #tpu.memory_space<vmem>>
    %dma_start3A_33 = tpu.memref_slice %arg4[%add3A_21] : memref<158720xi32, #tpu.memory_space<hbm>> -> memref<80xi32, #tpu.memory_space<hbm>>
    tpu.enqueue_dma source(%dma_start3A_33 : memref<80xi32, #tpu.memory_space<hbm>>) target(%dma_start3A_32 : memref<80xi32, #tpu.memory_space<vmem>>) target_semaphore(%arg19 : memref<!tpu.dma_semaphore, #tpu.memory_space<semaphore_mem>>)
    %dma_start3A_34 = arith.constant 0 : i32
    %dma_start3A_35 = tpu.memref_slice %arg2[%add3A_21, %dma_start3A_34] : memref<158720x64xf32, #tpu.memory_space<hbm>> -> memref<80x64xf32, #tpu.memory_space<hbm>>
    %dma_start3A_36 = arith.constant 0 : i32
    %dma_start3A_37 = tpu.memref_slice %arg2[%add3A_21, %dma_start3A_36] : memref<158720x64xf32, #tpu.memory_space<hbm>> -> memref<80x64xf32, #tpu.memory_space<hbm>>
    tpu.enqueue_dma source(%dma_start3A_37 : memref<80x64xf32, #tpu.memory_space<hbm>>) target(%arg9 : memref<80x64xf32, #tpu.memory_space<vmem>>) target_semaphore(%arg19 : memref<!tpu.dma_semaphore, #tpu.memory_space<semaphore_mem>>)
    %dma_start3A_38 = arith.constant 0 : i32
    %dma_start3A_39 = tpu.memref_slice %arg3[%add3A_25, %dma_start3A_38] : memref<79360x16xf32, #tpu.memory_space<hbm>> -> memref<40x16xf32, #tpu.memory_space<hbm>>
    %dma_start3A_40 = arith.constant 0 : i32
    %dma_start3A_41 = tpu.memref_slice %arg3[%add3A_25, %dma_start3A_40] : memref<79360x16xf32, #tpu.memory_space<hbm>> -> memref<40x16xf32, #tpu.memory_space<hbm>>
    tpu.enqueue_dma source(%dma_start3A_41 : memref<40x16xf32, #tpu.memory_space<hbm>>) target(%arg11 : memref<40x16xf32, #tpu.memory_space<vmem>>) target_semaphore(%arg19 : memref<!tpu.dma_semaphore, #tpu.memory_space<semaphore_mem>>)
    %scan3A_42 = arith.constant 0 : i32
    %scan3A_43 = arith.constant 31 : i32
    %scan3A_44 = arith.addi %scan3A_42, %scan3A_43 : i32
    %scan3A_45 = arith.constant 1 : i32
    scf.for %scan3A_83 = %scan3A_42 to %scan3A_44 step %scan3A_45  : i32 {
      %mul3A_84 = arith.constant 1 : i32
      %mul3A_85 = arith.muli %scan3A_83, %mul3A_84 : i32
      %add3A_86 = arith.constant 0 : i32
      %add3A_87 = arith.addi %add3A_86, %mul3A_85 : i32
      %mul3A_88 = arith.constant 2 : i32
      %mul3A_89 = arith.muli %mul3A_88, %add3A_87 : i32
      %mul3A_90 = arith.constant 80 : i32
      %mul3A_91 = arith.muli %mul3A_89, %mul3A_90 : i32
      %add3A_92 = arith.addi %mul3A_19, %mul3A_91 : i32
      %mul3A_93 = arith.constant 2480 : i32
      %mul3A_94 = arith.muli %add3A, %mul3A_93 : i32
      %mul3A_95 = arith.constant 40 : i32
      %mul3A_96 = arith.muli %mul3A_89, %mul3A_95 : i32
      %add3A_97 = arith.addi %mul3A_94, %mul3A_96 : i32
      %dma_wait3A_98 = arith.constant 0 : i32
      %dma_wait3A_99 = arith.constant 0 : i32
      %dma_wait3A_100 = tpu.memref_slice %arg7[%dma_wait3A_98, %dma_wait3A_99] : memref<1x80xi32, #tpu.memory_space<vmem>> -> memref<1x80xi32, #tpu.memory_space<vmem>>
      %dma_wait3A_101 = tpu.memref_squeeze %dma_wait3A_100 : memref<1x80xi32, #tpu.memory_space<vmem>> -> memref<80xi32, #tpu.memory_space<vmem>>
      %dma_wait3A_102 = tpu.memref_slice %arg4[%add3A_92] : memref<158720xi32, #tpu.memory_space<hbm>> -> memref<80xi32, #tpu.memory_space<hbm>>
      %dma_wait3A_103 = arith.constant 0 : i32
      %dma_wait3A_104 = tpu.memref_slice %arg7[%dma_wait3A_98, %dma_wait3A_103] : memref<1x80xi32, #tpu.memory_space<vmem>> -> memref<1x80xi32, #tpu.memory_space<vmem>>
      %dma_wait3A_105 = tpu.memref_squeeze %dma_wait3A_104 : memref<1x80xi32, #tpu.memory_space<vmem>> -> memref<80xi32, #tpu.memory_space<vmem>>
      %dma_wait3A_106 = tpu.memref_slice %arg4[%add3A_92] : memref<158720xi32, #tpu.memory_space<hbm>> -> memref<80xi32, #tpu.memory_space<hbm>>
      tpu.wait_dma2 semaphore(%arg19 : memref<!tpu.dma_semaphore, #tpu.memory_space<semaphore_mem>>) src(%dma_wait3A_106 : memref<80xi32, #tpu.memory_space<hbm>>) dst(%dma_wait3A_105 : memref<80xi32, #tpu.memory_space<vmem>>)
      %dma_wait3A_107 = arith.constant 0 : i32
      %dma_wait3A_108 = tpu.memref_slice %arg2[%add3A_92, %dma_wait3A_107] : memref<158720x64xf32, #tpu.memory_space<hbm>> -> memref<80x64xf32, #tpu.memory_space<hbm>>
      %dma_wait3A_109 = arith.constant 0 : i32
      %dma_wait3A_110 = tpu.memref_slice %arg2[%add3A_92, %dma_wait3A_109] : memref<158720x64xf32, #tpu.memory_space<hbm>> -> memref<80x64xf32, #tpu.memory_space<hbm>>
      tpu.wait_dma2 semaphore(%arg19 : memref<!tpu.dma_semaphore, #tpu.memory_space<semaphore_mem>>) src(%dma_wait3A_110 : memref<80x64xf32, #tpu.memory_space<hbm>>) dst(%arg9 : memref<80x64xf32, #tpu.memory_space<vmem>>)
      %dma_wait3A_111 = arith.constant 0 : i32
      %dma_wait3A_112 = tpu.memref_slice %arg3[%add3A_97, %dma_wait3A_111] : memref<79360x16xf32, #tpu.memory_space<hbm>> -> memref<40x16xf32, #tpu.memory_space<hbm>>
      %dma_wait3A_113 = arith.constant 0 : i32
      %dma_wait3A_114 = tpu.memref_slice %arg3[%add3A_97, %dma_wait3A_113] : memref<79360x16xf32, #tpu.memory_space<hbm>> -> memref<40x16xf32, #tpu.memory_space<hbm>>
      tpu.wait_dma2 semaphore(%arg19 : memref<!tpu.dma_semaphore, #tpu.memory_space<semaphore_mem>>) src(%dma_wait3A_114 : memref<40x16xf32, #tpu.memory_space<hbm>>) dst(%arg11 : memref<40x16xf32, #tpu.memory_space<vmem>>)
      %add3A_115 = arith.constant 1 : i32
      %add3A_116 = arith.addi %mul3A_89, %add3A_115 : i32
      %le3A = arith.constant 61 : i32
      %le3A_117 = arith.cmpi sle, %add3A_116, %le3A : i32
      %convert_element_type3A = arith.extui %le3A_117 : i1 to i32
      %cond3A = arith.constant 0 : i32
      %cond3A_118 = arith.cmpi ne, %convert_element_type3A, %cond3A : i32
      scf.if %cond3A_118 {
        %ge3A = arith.constant 1 : i32
        %ge3A_193 = arith.cmpi sge, %mul3A_89, %ge3A : i32
        %convert_element_type3A_194 = arith.extui %ge3A_193 : i1 to i32
        %cond3A_195 = arith.constant 0 : i32
        %cond3A_196 = arith.cmpi ne, %convert_element_type3A_194, %cond3A_195 : i32
        scf.if %cond3A_196 {
          %dma_wait3A_224 = arith.constant 0 : i32
          %dma_wait3A_225 = arith.constant 0 : i32
          %dma_wait3A_226 = tpu.memref_slice %arg8[%dma_wait3A_224, %dma_wait3A_225] : memref<1x80xi32, #tpu.memory_space<vmem>> -> memref<1x80xi32, #tpu.memory_space<vmem>>
          %dma_wait3A_227 = tpu.memref_squeeze %dma_wait3A_226 : memref<1x80xi32, #tpu.memory_space<vmem>> -> memref<80xi32, #tpu.memory_space<vmem>>
          %dma_wait3A_228 = arith.constant 0 : i32
          %dma_wait3A_229 = arith.constant 0 : i32
          %dma_wait3A_230 = tpu.memref_slice %arg17[%dma_wait3A_228, %dma_wait3A_229] : memref<10000x64xf32, #tpu.memory_space<vmem_shared>> -> memref<10000x64xf32, #tpu.memory_space<vmem_shared>>
          tpu.wait_indirect_dma semaphore(%arg22 : memref<!tpu.dma_semaphore, #tpu.memory_space<semaphore_mem>>) src(%arg10 : memref<80x64xf32, #tpu.memory_space<vmem>>) dst(%dma_wait3A_230 : memref<10000x64xf32, #tpu.memory_space<vmem_shared>>)
          %dma_wait3A_231 = arith.constant 0 : i32
          %dma_wait3A_232 = arith.constant 0 : i32
          %dma_wait3A_233 = tpu.memref_slice %arg8[%dma_wait3A_231, %dma_wait3A_232] : memref<1x80xi32, #tpu.memory_space<vmem>> -> memref<1x80xi32, #tpu.memory_space<vmem>>
          %dma_wait3A_234 = tpu.memref_squeeze %dma_wait3A_233 : memref<1x80xi32, #tpu.memory_space<vmem>> -> memref<80xi32, #tpu.memory_space<vmem>>
          %dma_wait3A_235 = arith.constant 0 : i32
          %dma_wait3A_236 = arith.constant 0 : i32
          %dma_wait3A_237 = tpu.memref_slice %arg18[%dma_wait3A_235, %dma_wait3A_236] : memref<10000x8xf32, #tpu.memory_space<vmem_shared>> -> memref<10000x8xf32, #tpu.memory_space<vmem_shared>>
          tpu.wait_indirect_dma semaphore(%arg22 : memref<!tpu.dma_semaphore, #tpu.memory_space<semaphore_mem>>) src(%arg14 : memref<80x8xf32, #tpu.memory_space<vmem>>) dst(%dma_wait3A_237 : memref<10000x8xf32, #tpu.memory_space<vmem_shared>>)
        } else {
        }
        %add3A_197 = arith.constant 1 : i32
        %add3A_198 = arith.addi %mul3A_89, %add3A_197 : i32
        %mul3A_199 = arith.constant 80 : i32
        %mul3A_200 = arith.muli %add3A_198, %mul3A_199 : i32
        %add3A_201 = arith.addi %mul3A_19, %mul3A_200 : i32
        %mul3A_202 = arith.constant 2480 : i32
        %mul3A_203 = arith.muli %add3A, %mul3A_202 : i32
        %mul3A_204 = arith.constant 40 : i32
        %mul3A_205 = arith.muli %add3A_198, %mul3A_204 : i32
        %add3A_206 = arith.addi %mul3A_203, %mul3A_205 : i32
        %dma_start3A_207 = arith.constant 0 : i32
        %dma_start3A_208 = arith.constant 0 : i32
        %dma_start3A_209 = tpu.memref_slice %arg8[%dma_start3A_207, %dma_start3A_208] : memref<1x80xi32, #tpu.memory_space<vmem>> -> memref<1x80xi32, #tpu.memory_space<vmem>>
        %dma_start3A_210 = tpu.memref_squeeze %dma_start3A_209 : memref<1x80xi32, #tpu.memory_space<vmem>> -> memref<80xi32, #tpu.memory_space<vmem>>
        %dma_start3A_211 = tpu.memref_slice %arg4[%add3A_201] : memref<158720xi32, #tpu.memory_space<hbm>> -> memref<80xi32, #tpu.memory_space<hbm>>
        %dma_start3A_212 = arith.constant 0 : i32
        %dma_start3A_213 = tpu.memref_slice %arg8[%dma_start3A_207, %dma_start3A_212] : memref<1x80xi32, #tpu.memory_space<vmem>> -> memref<1x80xi32, #tpu.memory_space<vmem>>
        %dma_start3A_214 = tpu.memref_squeeze %dma_start3A_213 : memref<1x80xi32, #tpu.memory_space<vmem>> -> memref<80xi32, #tpu.memory_space<vmem>>
        %dma_start3A_215 = tpu.memref_slice %arg4[%add3A_201] : memref<158720xi32, #tpu.memory_space<hbm>> -> memref<80xi32, #tpu.memory_space<hbm>>
        tpu.enqueue_dma source(%dma_start3A_215 : memref<80xi32, #tpu.memory_space<hbm>>) target(%dma_start3A_214 : memref<80xi32, #tpu.memory_space<vmem>>) target_semaphore(%arg20 : memref<!tpu.dma_semaphore, #tpu.memory_space<semaphore_mem>>)
        %dma_start3A_216 = arith.constant 0 : i32
        %dma_start3A_217 = tpu.memref_slice %arg2[%add3A_201, %dma_start3A_216] : memref<158720x64xf32, #tpu.memory_space<hbm>> -> memref<80x64xf32, #tpu.memory_space<hbm>>
        %dma_start3A_218 = arith.constant 0 : i32
        %dma_start3A_219 = tpu.memref_slice %arg2[%add3A_201, %dma_start3A_218] : memref<158720x64xf32, #tpu.memory_space<hbm>> -> memref<80x64xf32, #tpu.memory_space<hbm>>
        tpu.enqueue_dma source(%dma_start3A_219 : memref<80x64xf32, #tpu.memory_space<hbm>>) target(%arg10 : memref<80x64xf32, #tpu.memory_space<vmem>>) target_semaphore(%arg20 : memref<!tpu.dma_semaphore, #tpu.memory_space<semaphore_mem>>)
        %dma_start3A_220 = arith.constant 0 : i32
        %dma_start3A_221 = tpu.memref_slice %arg3[%add3A_206, %dma_start3A_220] : memref<79360x16xf32, #tpu.memory_space<hbm>> -> memref<40x16xf32, #tpu.memory_space<hbm>>
        %dma_start3A_222 = arith.constant 0 : i32
        %dma_start3A_223 = tpu.memref_slice %arg3[%add3A_206, %dma_start3A_222] : memref<79360x16xf32, #tpu.memory_space<hbm>> -> memref<40x16xf32, #tpu.memory_space<hbm>>
        tpu.enqueue_dma source(%dma_start3A_223 : memref<40x16xf32, #tpu.memory_space<hbm>>) target(%arg12 : memref<40x16xf32, #tpu.memory_space<vmem>>) target_semaphore(%arg20 : memref<!tpu.dma_semaphore, #tpu.memory_space<semaphore_mem>>)
      } else {
      }
      %scan3A_119 = arith.constant 0 : i32
      %scan3A_120 = arith.constant 40 : i32
      %scan3A_121 = arith.addi %scan3A_119, %scan3A_120 : i32
      %scan3A_122 = arith.constant 1 : i32
      scf.for %scan3A_193 = %scan3A_119 to %scan3A_121 step %scan3A_122  : i32 {
        %mul3A_194 = arith.constant 1 : i32
        %mul3A_195 = arith.muli %scan3A_193, %mul3A_194 : i32
        %add3A_196 = arith.constant 0 : i32
        %add3A_197 = arith.addi %add3A_196, %mul3A_195 : i32
        %get3A = arith.index_cast %add3A_197 : i32 to index
        %get3A_198 = arith.constant 0 : index
        %get3A_199 = tpu.vector_load %arg11[%get3A, %get3A_198] {strides = array<i32>} : memref<40x16xf32, #tpu.memory_space<vmem>>, vector<16xf32>,
        %iota3A = tpu.iota {dimensions = array<i32: 0>} : vector<16xi32>
        %mul3A_200 = arith.constant 16 : i32
        %mul3A_201 = arith.muli %add3A_197, %mul3A_200 : i32
        %add3A_202 = vector.broadcast %mul3A_201 : i32 to vector<16xi32>
        %add3A_203 = arith.addi %iota3A, %add3A_202 : vector<16xi32>
        %shift_right_arithmetic3A = arith.constant 3 : i32
        %shift_right_arithmetic3A_204 = vector.broadcast %shift_right_arithmetic3A : i32 to vector<16xi32>
        %shift_right_arithmetic3A_205 = arith.shrsi %add3A_203, %shift_right_arithmetic3A_204 : vector<16xi32>
        %and3A = arith.constant 7 : i32
        %and3A_206 = vector.broadcast %and3A : i32 to vector<16xi32>
        %and3A_207 = arith.andi %add3A_203, %and3A_206 : vector<16xi32>
        tpu.vector_store_idx %arg13[%shift_right_arithmetic3A_205, %and3A_207], %get3A_199 : memref<80x8xf32, #tpu.memory_space<vmem>>[vector<16xi32>, vector<16xi32>], vector<16xf32>,
      }
      %scan3A_123 = arith.constant 40 : i32
      %dma_start3A_124 = arith.constant 0 : i32
      %dma_start3A_125 = arith.constant 0 : i32
      %dma_start3A_126 = tpu.memref_slice %arg7[%dma_start3A_124, %dma_start3A_125] : memref<1x80xi32, #tpu.memory_space<vmem>> -> memref<1x80xi32, #tpu.memory_space<vmem>>
      %dma_start3A_127 = tpu.memref_squeeze %dma_start3A_126 : memref<1x80xi32, #tpu.memory_space<vmem>> -> memref<80xi32, #tpu.memory_space<vmem>>
      %dma_start3A_128 = arith.constant 0 : i32
      %dma_start3A_129 = arith.constant 0 : i32
      %dma_start3A_130 = tpu.memref_slice %arg17[%dma_start3A_128, %dma_start3A_129] : memref<10000x64xf32, #tpu.memory_space<vmem_shared>> -> memref<10000x64xf32, #tpu.memory_space<vmem_shared>>
      tpu.enqueue_indirect_dma source(%arg9 : memref<80x64xf32, #tpu.memory_space<vmem>>) target(%dma_start3A_130 : memref<10000x64xf32, #tpu.memory_space<vmem_shared>>) offsets(%dma_start3A_127 : memref<80xi32, #tpu.memory_space<vmem>>) semaphore(%arg21 : memref<!tpu.dma_semaphore, #tpu.memory_space<semaphore_mem>>) {add = true}
      %dma_start3A_131 = arith.constant 0 : i32
      %dma_start3A_132 = arith.constant 0 : i32
      %dma_start3A_133 = tpu.memref_slice %arg7[%dma_start3A_131, %dma_start3A_132] : memref<1x80xi32, #tpu.memory_space<vmem>> -> memref<1x80xi32, #tpu.memory_space<vmem>>
      %dma_start3A_134 = tpu.memref_squeeze %dma_start3A_133 : memref<1x80xi32, #tpu.memory_space<vmem>> -> memref<80xi32, #tpu.memory_space<vmem>>
      %dma_start3A_135 = arith.constant 0 : i32
      %dma_start3A_136 = arith.constant 0 : i32
      %dma_start3A_137 = tpu.memref_slice %arg18[%dma_start3A_135, %dma_start3A_136] : memref<10000x8xf32, #tpu.memory_space<vmem_shared>> -> memref<10000x8xf32, #tpu.memory_space<vmem_shared>>
      tpu.enqueue_indirect_dma source(%arg13 : memref<80x8xf32, #tpu.memory_space<vmem>>) target(%dma_start3A_137 : memref<10000x8xf32, #tpu.memory_space<vmem_shared>>) offsets(%dma_start3A_134 : memref<80xi32, #tpu.memory_space<vmem>>) semaphore(%arg21 : memref<!tpu.dma_semaphore, #tpu.memory_space<semaphore_mem>>) {add = true}
      %mul3A_138 = arith.constant 2 : i32
      %mul3A_139 = arith.muli %mul3A_138, %add3A_87 : i32
      %add3A_140 = arith.constant 1 : i32
      %add3A_141 = arith.addi %mul3A_139, %add3A_140 : i32
      %mul3A_142 = arith.constant 80 : i32
      %mul3A_143 = arith.muli %add3A_141, %mul3A_142 : i32
      %add3A_144 = arith.addi %mul3A_19, %mul3A_143 : i32
      %mul3A_145 = arith.constant 2480 : i32
      %mul3A_146 = arith.muli %add3A, %mul3A_145 : i32
      %mul3A_147 = arith.constant 40 : i32
      %mul3A_148 = arith.muli %add3A_141, %mul3A_147 : i32
      %add3A_149 = arith.addi %mul3A_146, %mul3A_148 : i32
      %dma_wait3A_150 = arith.constant 0 : i32
      %dma_wait3A_151 = arith.constant 0 : i32
      %dma_wait3A_152 = tpu.memref_slice %arg8[%dma_wait3A_150, %dma_wait3A_151] : memref<1x80xi32, #tpu.memory_space<vmem>> -> memref<1x80xi32, #tpu.memory_space<vmem>>
      %dma_wait3A_153 = tpu.memref_squeeze %dma_wait3A_152 : memref<1x80xi32, #tpu.memory_space<vmem>> -> memref<80xi32, #tpu.memory_space<vmem>>
      %dma_wait3A_154 = tpu.memref_slice %arg4[%add3A_144] : memref<158720xi32, #tpu.memory_space<hbm>> -> memref<80xi32, #tpu.memory_space<hbm>>
      %dma_wait3A_155 = arith.constant 0 : i32
      %dma_wait3A_156 = tpu.memref_slice %arg8[%dma_wait3A_150, %dma_wait3A_155] : memref<1x80xi32, #tpu.memory_space<vmem>> -> memref<1x80xi32, #tpu.memory_space<vmem>>
      %dma_wait3A_157 = tpu.memref_squeeze %dma_wait3A_156 : memref<1x80xi32, #tpu.memory_space<vmem>> -> memref<80xi32, #tpu.memory_space<vmem>>
      %dma_wait3A_158 = tpu.memref_slice %arg4[%add3A_144] : memref<158720xi32, #tpu.memory_space<hbm>> -> memref<80xi32, #tpu.memory_space<hbm>>
      tpu.wait_dma2 semaphore(%arg20 : memref<!tpu.dma_semaphore, #tpu.memory_space<semaphore_mem>>) src(%dma_wait3A_158 : memref<80xi32, #tpu.memory_space<hbm>>) dst(%dma_wait3A_157 : memref<80xi32, #tpu.memory_space<vmem>>)
      %dma_wait3A_159 = arith.constant 0 : i32
      %dma_wait3A_160 = tpu.memref_slice %arg2[%add3A_144, %dma_wait3A_159] : memref<158720x64xf32, #tpu.memory_space<hbm>> -> memref<80x64xf32, #tpu.memory_space<hbm>>
      %dma_wait3A_161 = arith.constant 0 : i32
      %dma_wait3A_162 = tpu.memref_slice %arg2[%add3A_144, %dma_wait3A_161] : memref<158720x64xf32, #tpu.memory_space<hbm>> -> memref<80x64xf32, #tpu.memory_space<hbm>>
      tpu.wait_dma2 semaphore(%arg20 : memref<!tpu.dma_semaphore, #tpu.memory_space<semaphore_mem>>) src(%dma_wait3A_162 : memref<80x64xf32, #tpu.memory_space<hbm>>) dst(%arg10 : memref<80x64xf32, #tpu.memory_space<vmem>>)
      %dma_wait3A_163 = arith.constant 0 : i32
      %dma_wait3A_164 = tpu.memref_slice %arg3[%add3A_149, %dma_wait3A_163] : memref<79360x16xf32, #tpu.memory_space<hbm>> -> memref<40x16xf32, #tpu.memory_space<hbm>>
      %dma_wait3A_165 = arith.constant 0 : i32
      %dma_wait3A_166 = tpu.memref_slice %arg3[%add3A_149, %dma_wait3A_165] : memref<79360x16xf32, #tpu.memory_space<hbm>> -> memref<40x16xf32, #tpu.memory_space<hbm>>
      tpu.wait_dma2 semaphore(%arg20 : memref<!tpu.dma_semaphore, #tpu.memory_space<semaphore_mem>>) src(%dma_wait3A_166 : memref<40x16xf32, #tpu.memory_space<hbm>>) dst(%arg12 : memref<40x16xf32, #tpu.memory_space<vmem>>)
      %add3A_167 = arith.constant 1 : i32
      %add3A_168 = arith.addi %add3A_141, %add3A_167 : i32
      %le3A_169 = arith.constant 61 : i32
      %le3A_170 = arith.cmpi sle, %add3A_168, %le3A_169 : i32
      %convert_element_type3A_171 = arith.extui %le3A_170 : i1 to i32
      %cond3A_172 = arith.constant 0 : i32
      %cond3A_173 = arith.cmpi ne, %convert_element_type3A_171, %cond3A_172 : i32
      scf.if %cond3A_173 {
        %ge3A = arith.constant 1 : i32
        %ge3A_193 = arith.cmpi sge, %add3A_141, %ge3A : i32
        %convert_element_type3A_194 = arith.extui %ge3A_193 : i1 to i32
        %cond3A_195 = arith.constant 0 : i32
        %cond3A_196 = arith.cmpi ne, %convert_element_type3A_194, %cond3A_195 : i32
        scf.if %cond3A_196 {
          %dma_wait3A_224 = arith.constant 0 : i32
          %dma_wait3A_225 = arith.constant 0 : i32
          %dma_wait3A_226 = tpu.memref_slice %arg7[%dma_wait3A_224, %dma_wait3A_225] : memref<1x80xi32, #tpu.memory_space<vmem>> -> memref<1x80xi32, #tpu.memory_space<vmem>>
          %dma_wait3A_227 = tpu.memref_squeeze %dma_wait3A_226 : memref<1x80xi32, #tpu.memory_space<vmem>> -> memref<80xi32, #tpu.memory_space<vmem>>
          %dma_wait3A_228 = arith.constant 0 : i32
          %dma_wait3A_229 = arith.constant 0 : i32
          %dma_wait3A_230 = tpu.memref_slice %arg17[%dma_wait3A_228, %dma_wait3A_229] : memref<10000x64xf32, #tpu.memory_space<vmem_shared>> -> memref<10000x64xf32, #tpu.memory_space<vmem_shared>>
          tpu.wait_indirect_dma semaphore(%arg21 : memref<!tpu.dma_semaphore, #tpu.memory_space<semaphore_mem>>) src(%arg9 : memref<80x64xf32, #tpu.memory_space<vmem>>) dst(%dma_wait3A_230 : memref<10000x64xf32, #tpu.memory_space<vmem_shared>>)
          %dma_wait3A_231 = arith.constant 0 : i32
          %dma_wait3A_232 = arith.constant 0 : i32
          %dma_wait3A_233 = tpu.memref_slice %arg7[%dma_wait3A_231, %dma_wait3A_232] : memref<1x80xi32, #tpu.memory_space<vmem>> -> memref<1x80xi32, #tpu.memory_space<vmem>>
          %dma_wait3A_234 = tpu.memref_squeeze %dma_wait3A_233 : memref<1x80xi32, #tpu.memory_space<vmem>> -> memref<80xi32, #tpu.memory_space<vmem>>
          %dma_wait3A_235 = arith.constant 0 : i32
          %dma_wait3A_236 = arith.constant 0 : i32
          %dma_wait3A_237 = tpu.memref_slice %arg18[%dma_wait3A_235, %dma_wait3A_236] : memref<10000x8xf32, #tpu.memory_space<vmem_shared>> -> memref<10000x8xf32, #tpu.memory_space<vmem_shared>>
          tpu.wait_indirect_dma semaphore(%arg21 : memref<!tpu.dma_semaphore, #tpu.memory_space<semaphore_mem>>) src(%arg13 : memref<80x8xf32, #tpu.memory_space<vmem>>) dst(%dma_wait3A_237 : memref<10000x8xf32, #tpu.memory_space<vmem_shared>>)
        } else {
        }
        %add3A_197 = arith.constant 1 : i32
        %add3A_198 = arith.addi %add3A_141, %add3A_197 : i32
        %mul3A_199 = arith.constant 80 : i32
        %mul3A_200 = arith.muli %add3A_198, %mul3A_199 : i32
        %add3A_201 = arith.addi %mul3A_19, %mul3A_200 : i32
        %mul3A_202 = arith.constant 2480 : i32
        %mul3A_203 = arith.muli %add3A, %mul3A_202 : i32
        %mul3A_204 = arith.constant 40 : i32
        %mul3A_205 = arith.muli %add3A_198, %mul3A_204 : i32
        %add3A_206 = arith.addi %mul3A_203, %mul3A_205 : i32
        %dma_start3A_207 = arith.constant 0 : i32
        %dma_start3A_208 = arith.constant 0 : i32
        %dma_start3A_209 = tpu.memref_slice %arg7[%dma_start3A_207, %dma_start3A_208] : memref<1x80xi32, #tpu.memory_space<vmem>> -> memref<1x80xi32, #tpu.memory_space<vmem>>
        %dma_start3A_210 = tpu.memref_squeeze %dma_start3A_209 : memref<1x80xi32, #tpu.memory_space<vmem>> -> memref<80xi32, #tpu.memory_space<vmem>>
        %dma_start3A_211 = tpu.memref_slice %arg4[%add3A_201] : memref<158720xi32, #tpu.memory_space<hbm>> -> memref<80xi32, #tpu.memory_space<hbm>>
        %dma_start3A_212 = arith.constant 0 : i32
        %dma_start3A_213 = tpu.memref_slice %arg7[%dma_start3A_207, %dma_start3A_212] : memref<1x80xi32, #tpu.memory_space<vmem>> -> memref<1x80xi32, #tpu.memory_space<vmem>>
        %dma_start3A_214 = tpu.memref_squeeze %dma_start3A_213 : memref<1x80xi32, #tpu.memory_space<vmem>> -> memref<80xi32, #tpu.memory_space<vmem>>
        %dma_start3A_215 = tpu.memref_slice %arg4[%add3A_201] : memref<158720xi32, #tpu.memory_space<hbm>> -> memref<80xi32, #tpu.memory_space<hbm>>
        tpu.enqueue_dma source(%dma_start3A_215 : memref<80xi32, #tpu.memory_space<hbm>>) target(%dma_start3A_214 : memref<80xi32, #tpu.memory_space<vmem>>) target_semaphore(%arg19 : memref<!tpu.dma_semaphore, #tpu.memory_space<semaphore_mem>>)
        %dma_start3A_216 = arith.constant 0 : i32
        %dma_start3A_217 = tpu.memref_slice %arg2[%add3A_201, %dma_start3A_216] : memref<158720x64xf32, #tpu.memory_space<hbm>> -> memref<80x64xf32, #tpu.memory_space<hbm>>
        %dma_start3A_218 = arith.constant 0 : i32
        %dma_start3A_219 = tpu.memref_slice %arg2[%add3A_201, %dma_start3A_218] : memref<158720x64xf32, #tpu.memory_space<hbm>> -> memref<80x64xf32, #tpu.memory_space<hbm>>
        tpu.enqueue_dma source(%dma_start3A_219 : memref<80x64xf32, #tpu.memory_space<hbm>>) target(%arg9 : memref<80x64xf32, #tpu.memory_space<vmem>>) target_semaphore(%arg19 : memref<!tpu.dma_semaphore, #tpu.memory_space<semaphore_mem>>)
        %dma_start3A_220 = arith.constant 0 : i32
        %dma_start3A_221 = tpu.memref_slice %arg3[%add3A_206, %dma_start3A_220] : memref<79360x16xf32, #tpu.memory_space<hbm>> -> memref<40x16xf32, #tpu.memory_space<hbm>>
        %dma_start3A_222 = arith.constant 0 : i32
        %dma_start3A_223 = tpu.memref_slice %arg3[%add3A_206, %dma_start3A_222] : memref<79360x16xf32, #tpu.memory_space<hbm>> -> memref<40x16xf32, #tpu.memory_space<hbm>>
        tpu.enqueue_dma source(%dma_start3A_223 : memref<40x16xf32, #tpu.memory_space<hbm>>) target(%arg11 : memref<40x16xf32, #tpu.memory_space<vmem>>) target_semaphore(%arg19 : memref<!tpu.dma_semaphore, #tpu.memory_space<semaphore_mem>>)
      } else {
      }
      %scan3A_174 = arith.constant 0 : i32
      %scan3A_175 = arith.constant 40 : i32
      %scan3A_176 = arith.addi %scan3A_174, %scan3A_175 : i32
      %scan3A_177 = arith.constant 1 : i32
      scf.for %scan3A_193 = %scan3A_174 to %scan3A_176 step %scan3A_177  : i32 {
        %mul3A_194 = arith.constant 1 : i32
        %mul3A_195 = arith.muli %scan3A_193, %mul3A_194 : i32
        %add3A_196 = arith.constant 0 : i32
        %add3A_197 = arith.addi %add3A_196, %mul3A_195 : i32
        %get3A = arith.index_cast %add3A_197 : i32 to index
        %get3A_198 = arith.constant 0 : index
        %get3A_199 = tpu.vector_load %arg12[%get3A, %get3A_198] {strides = array<i32>} : memref<40x16xf32, #tpu.memory_space<vmem>>, vector<16xf32>,
        %iota3A = tpu.iota {dimensions = array<i32: 0>} : vector<16xi32>
        %mul3A_200 = arith.constant 16 : i32
        %mul3A_201 = arith.muli %add3A_197, %mul3A_200 : i32
        %add3A_202 = vector.broadcast %mul3A_201 : i32 to vector<16xi32>
        %add3A_203 = arith.addi %iota3A, %add3A_202 : vector<16xi32>
        %shift_right_arithmetic3A = arith.constant 3 : i32
        %shift_right_arithmetic3A_204 = vector.broadcast %shift_right_arithmetic3A : i32 to vector<16xi32>
        %shift_right_arithmetic3A_205 = arith.shrsi %add3A_203, %shift_right_arithmetic3A_204 : vector<16xi32>
        %and3A = arith.constant 7 : i32
        %and3A_206 = vector.broadcast %and3A : i32 to vector<16xi32>
        %and3A_207 = arith.andi %add3A_203, %and3A_206 : vector<16xi32>
        tpu.vector_store_idx %arg14[%shift_right_arithmetic3A_205, %and3A_207], %get3A_199 : memref<80x8xf32, #tpu.memory_space<vmem>>[vector<16xi32>, vector<16xi32>], vector<16xf32>,
      }
      %scan3A_178 = arith.constant 40 : i32
      %dma_start3A_179 = arith.constant 0 : i32
      %dma_start3A_180 = arith.constant 0 : i32
      %dma_start3A_181 = tpu.memref_slice %arg8[%dma_start3A_179, %dma_start3A_180] : memref<1x80xi32, #tpu.memory_space<vmem>> -> memref<1x80xi32, #tpu.memory_space<vmem>>
      %dma_start3A_182 = tpu.memref_squeeze %dma_start3A_181 : memref<1x80xi32, #tpu.memory_space<vmem>> -> memref<80xi32, #tpu.memory_space<vmem>>
      %dma_start3A_183 = arith.constant 0 : i32
      %dma_start3A_184 = arith.constant 0 : i32
      %dma_start3A_185 = tpu.memref_slice %arg17[%dma_start3A_183, %dma_start3A_184] : memref<10000x64xf32, #tpu.memory_space<vmem_shared>> -> memref<10000x64xf32, #tpu.memory_space<vmem_shared>>
      tpu.enqueue_indirect_dma source(%arg10 : memref<80x64xf32, #tpu.memory_space<vmem>>) target(%dma_start3A_185 : memref<10000x64xf32, #tpu.memory_space<vmem_shared>>) offsets(%dma_start3A_182 : memref<80xi32, #tpu.memory_space<vmem>>) semaphore(%arg22 : memref<!tpu.dma_semaphore, #tpu.memory_space<semaphore_mem>>) {add = true}
      %dma_start3A_186 = arith.constant 0 : i32
      %dma_start3A_187 = arith.constant 0 : i32
      %dma_start3A_188 = tpu.memref_slice %arg8[%dma_start3A_186, %dma_start3A_187] : memref<1x80xi32, #tpu.memory_space<vmem>> -> memref<1x80xi32, #tpu.memory_space<vmem>>
      %dma_start3A_189 = tpu.memref_squeeze %dma_start3A_188 : memref<1x80xi32, #tpu.memory_space<vmem>> -> memref<80xi32, #tpu.memory_space<vmem>>
      %dma_start3A_190 = arith.constant 0 : i32
      %dma_start3A_191 = arith.constant 0 : i32
      %dma_start3A_192 = tpu.memref_slice %arg18[%dma_start3A_190, %dma_start3A_191] : memref<10000x8xf32, #tpu.memory_space<vmem_shared>> -> memref<10000x8xf32, #tpu.memory_space<vmem_shared>>
      tpu.enqueue_indirect_dma source(%arg14 : memref<80x8xf32, #tpu.memory_space<vmem>>) target(%dma_start3A_192 : memref<10000x8xf32, #tpu.memory_space<vmem_shared>>) offsets(%dma_start3A_189 : memref<80xi32, #tpu.memory_space<vmem>>) semaphore(%arg22 : memref<!tpu.dma_semaphore, #tpu.memory_space<semaphore_mem>>) {add = true}
    }
    %scan3A_46 = arith.constant 31 : i32
    %dma_wait3A = arith.constant 0 : i32
    %dma_wait3A_47 = arith.constant 0 : i32
    %dma_wait3A_48 = tpu.memref_slice %arg7[%dma_wait3A, %dma_wait3A_47] : memref<1x80xi32, #tpu.memory_space<vmem>> -> memref<1x80xi32, #tpu.memory_space<vmem>>
    %dma_wait3A_49 = tpu.memref_squeeze %dma_wait3A_48 : memref<1x80xi32, #tpu.memory_space<vmem>> -> memref<80xi32, #tpu.memory_space<vmem>>
    %dma_wait3A_50 = arith.constant 0 : i32
    %dma_wait3A_51 = arith.constant 0 : i32
    %dma_wait3A_52 = tpu.memref_slice %arg17[%dma_wait3A_50, %dma_wait3A_51] : memref<10000x64xf32, #tpu.memory_space<vmem_shared>> -> memref<10000x64xf32, #tpu.memory_space<vmem_shared>>
    tpu.wait_indirect_dma semaphore(%arg21 : memref<!tpu.dma_semaphore, #tpu.memory_space<semaphore_mem>>) src(%arg9 : memref<80x64xf32, #tpu.memory_space<vmem>>) dst(%dma_wait3A_52 : memref<10000x64xf32, #tpu.memory_space<vmem_shared>>)
    %dma_wait3A_53 = arith.constant 0 : i32
    %dma_wait3A_54 = arith.constant 0 : i32
    %dma_wait3A_55 = tpu.memref_slice %arg7[%dma_wait3A_53, %dma_wait3A_54] : memref<1x80xi32, #tpu.memory_space<vmem>> -> memref<1x80xi32, #tpu.memory_space<vmem>>
    %dma_wait3A_56 = tpu.memref_squeeze %dma_wait3A_55 : memref<1x80xi32, #tpu.memory_space<vmem>> -> memref<80xi32, #tpu.memory_space<vmem>>
    %dma_wait3A_57 = arith.constant 0 : i32
    %dma_wait3A_58 = arith.constant 0 : i32
    %dma_wait3A_59 = tpu.memref_slice %arg18[%dma_wait3A_57, %dma_wait3A_58] : memref<10000x8xf32, #tpu.memory_space<vmem_shared>> -> memref<10000x8xf32, #tpu.memory_space<vmem_shared>>
    tpu.wait_indirect_dma semaphore(%arg21 : memref<!tpu.dma_semaphore, #tpu.memory_space<semaphore_mem>>) src(%arg13 : memref<80x8xf32, #tpu.memory_space<vmem>>) dst(%dma_wait3A_59 : memref<10000x8xf32, #tpu.memory_space<vmem_shared>>)
    %dma_wait3A_60 = arith.constant 0 : i32
    %dma_wait3A_61 = arith.constant 0 : i32
    %dma_wait3A_62 = tpu.memref_slice %arg8[%dma_wait3A_60, %dma_wait3A_61] : memref<1x80xi32, #tpu.memory_space<vmem>> -> memref<1x80xi32, #tpu.memory_space<vmem>>
    %dma_wait3A_63 = tpu.memref_squeeze %dma_wait3A_62 : memref<1x80xi32, #tpu.memory_space<vmem>> -> memref<80xi32, #tpu.memory_space<vmem>>
    %dma_wait3A_64 = arith.constant 0 : i32
    %dma_wait3A_65 = arith.constant 0 : i32
    %dma_wait3A_66 = tpu.memref_slice %arg17[%dma_wait3A_64, %dma_wait3A_65] : memref<10000x64xf32, #tpu.memory_space<vmem_shared>> -> memref<10000x64xf32, #tpu.memory_space<vmem_shared>>
    tpu.wait_indirect_dma semaphore(%arg22 : memref<!tpu.dma_semaphore, #tpu.memory_space<semaphore_mem>>) src(%arg10 : memref<80x64xf32, #tpu.memory_space<vmem>>) dst(%dma_wait3A_66 : memref<10000x64xf32, #tpu.memory_space<vmem_shared>>)
    %dma_wait3A_67 = arith.constant 0 : i32
    %dma_wait3A_68 = arith.constant 0 : i32
    %dma_wait3A_69 = tpu.memref_slice %arg8[%dma_wait3A_67, %dma_wait3A_68] : memref<1x80xi32, #tpu.memory_space<vmem>> -> memref<1x80xi32, #tpu.memory_space<vmem>>
    %dma_wait3A_70 = tpu.memref_squeeze %dma_wait3A_69 : memref<1x80xi32, #tpu.memory_space<vmem>> -> memref<80xi32, #tpu.memory_space<vmem>>
    %dma_wait3A_71 = arith.constant 0 : i32
    %dma_wait3A_72 = arith.constant 0 : i32
    %dma_wait3A_73 = tpu.memref_slice %arg18[%dma_wait3A_71, %dma_wait3A_72] : memref<10000x8xf32, #tpu.memory_space<vmem_shared>> -> memref<10000x8xf32, #tpu.memory_space<vmem_shared>>
    tpu.wait_indirect_dma semaphore(%arg22 : memref<!tpu.dma_semaphore, #tpu.memory_space<semaphore_mem>>) src(%arg14 : memref<80x8xf32, #tpu.memory_space<vmem>>) dst(%dma_wait3A_73 : memref<10000x8xf32, #tpu.memory_space<vmem_shared>>)
    %barrier3A_74 = arith.constant 0 : index
    tpu.barrier barrier_id(%barrier3A_74)
    %mul3A_75 = arith.constant 625 : i32
    %mul3A_76 = arith.muli %arg1, %mul3A_75 : i32
    %mul3A_77 = arith.constant 625 : i32
    %mul3A_78 = arith.muli %arg1, %mul3A_77 : i32
    "tpu.region"() ({
      %run_scoped3A = tpu.sem_alloc : memref<!tpu.dma_semaphore, #tpu.memory_space<semaphore_mem>>
      %dma_start3A_83 = arith.constant 0 : i32
      %dma_start3A_84 = tpu.memref_slice %arg5[%arg0, %mul3A_78, %dma_start3A_83] : memref<2x10000x64xf32, #tpu.memory_space<hbm>> -> memref<1x625x64xf32, #tpu.memory_space<hbm>>
      %dma_start3A_85 = tpu.memref_squeeze %dma_start3A_84 : memref<1x625x64xf32, #tpu.memory_space<hbm>> -> memref<625x64xf32, #tpu.memory_space<hbm>>
      %dma_start3A_86 = arith.constant 0 : i32
      %dma_start3A_87 = tpu.memref_slice %arg17[%mul3A_76, %dma_start3A_86] : memref<10000x64xf32, #tpu.memory_space<vmem_shared>> -> memref<625x64xf32, #tpu.memory_space<vmem_shared>>
      tpu.enqueue_dma source(%dma_start3A_87 : memref<625x64xf32, #tpu.memory_space<vmem_shared>>) target(%dma_start3A_85 : memref<625x64xf32, #tpu.memory_space<hbm>>) target_semaphore(%run_scoped3A : memref<!tpu.dma_semaphore, #tpu.memory_space<semaphore_mem>>)
      %dma_wait3A_88 = arith.constant 0 : i32
      %dma_wait3A_89 = tpu.memref_slice %arg5[%arg0, %mul3A_78, %dma_wait3A_88] : memref<2x10000x64xf32, #tpu.memory_space<hbm>> -> memref<1x625x64xf32, #tpu.memory_space<hbm>>
      %dma_wait3A_90 = tpu.memref_squeeze %dma_wait3A_89 : memref<1x625x64xf32, #tpu.memory_space<hbm>> -> memref<625x64xf32, #tpu.memory_space<hbm>>
      %dma_wait3A_91 = arith.constant 0 : i32
      %dma_wait3A_92 = tpu.memref_slice %arg17[%mul3A_76, %dma_wait3A_91] : memref<10000x64xf32, #tpu.memory_space<vmem_shared>> -> memref<625x64xf32, #tpu.memory_space<vmem_shared>>
      tpu.wait_dma2 semaphore(%run_scoped3A : memref<!tpu.dma_semaphore, #tpu.memory_space<semaphore_mem>>) src(%dma_wait3A_92 : memref<625x64xf32, #tpu.memory_space<vmem_shared>>) dst(%dma_wait3A_90 : memref<625x64xf32, #tpu.memory_space<hbm>>)
      tpu.yield
    }) : () -> ()
    %mul3A_79 = arith.constant 625 : i32
    %mul3A_80 = arith.muli %arg1, %mul3A_79 : i32
    %mul3A_81 = arith.constant 625 : i32
    %mul3A_82 = arith.muli %arg1, %mul3A_81 : i32
    "tpu.region"() ({
      %run_scoped3A = tpu.sem_alloc : memref<!tpu.dma_semaphore, #tpu.memory_space<semaphore_mem>>
      %dma_start3A_83 = arith.constant 0 : i32
      %dma_start3A_84 = tpu.memref_slice %arg6[%arg0, %mul3A_82, %dma_start3A_83] : memref<2x10000x8xf32, #tpu.memory_space<hbm>> -> memref<1x625x8xf32, #tpu.memory_space<hbm>>
      %dma_start3A_85 = tpu.memref_squeeze %dma_start3A_84 : memref<1x625x8xf32, #tpu.memory_space<hbm>> -> memref<625x8xf32, #tpu.memory_space<hbm>>
      %dma_start3A_86 = arith.constant 0 : i32
      %dma_start3A_87 = tpu.memref_slice %arg18[%mul3A_80, %dma_start3A_86] : memref<10000x8xf32, #tpu.memory_space<vmem_shared>> -> memref<625x8xf32, #tpu.memory_space<vmem_shared>>
      tpu.enqueue_dma source(%dma_start3A_87 : memref<625x8xf32, #tpu.memory_space<vmem_shared>>) target(%dma_start3A_85 : memref<625x8xf32, #tpu.memory_space<hbm>>) target_semaphore(%run_scoped3A : memref<!tpu.dma_semaphore, #tpu.memory_space<semaphore_mem>>)
      %dma_wait3A_88 = arith.constant 0 : i32
      %dma_wait3A_89 = tpu.memref_slice %arg6[%arg0, %mul3A_82, %dma_wait3A_88] : memref<2x10000x8xf32, #tpu.memory_space<hbm>> -> memref<1x625x8xf32, #tpu.memory_space<hbm>>
      %dma_wait3A_90 = tpu.memref_squeeze %dma_wait3A_89 : memref<1x625x8xf32, #tpu.memory_space<hbm>> -> memref<625x8xf32, #tpu.memory_space<hbm>>
      %dma_wait3A_91 = arith.constant 0 : i32
      %dma_wait3A_92 = tpu.memref_slice %arg18[%mul3A_80, %dma_wait3A_91] : memref<10000x8xf32, #tpu.memory_space<vmem_shared>> -> memref<625x8xf32, #tpu.memory_space<vmem_shared>>
      tpu.wait_dma2 semaphore(%run_scoped3A : memref<!tpu.dma_semaphore, #tpu.memory_space<semaphore_mem>>) src(%dma_wait3A_92 : memref<625x8xf32, #tpu.memory_space<vmem_shared>>) dst(%dma_wait3A_90 : memref<625x8xf32, #tpu.memory_space<hbm>>)
      tpu.yield
    }) : () -> ()
    return
  }
}

module attributes {stable_mosaic.version = 14 : i64} {
  func.func @_k1_body(%arg0: i32, %arg1: memref<2000x128xf32, #tpu.memory_space<vmem>>, %arg2: memref<128x64xf32, #tpu.memory_space<vmem>>, %arg3: memref<128x64xf32, #tpu.memory_space<vmem>>, %arg4: memref<1x64xf32, #tpu.memory_space<vmem>>, %arg5: memref<2000x64xf32, #tpu.memory_space<vmem>>, %arg6: memref<2000x64xf32, #tpu.memory_space<vmem>>) attributes {dimension_semantics = [#tpu.dimension_semantics<arbitrary>], iteration_bounds = array<i64: 5>, scalar_prefetch = 0 : i64, scratch_operands = 0 : i64, tpu.core_type = #tpu.core_type<tc>, window_params = [{transform_indices = @transform_0, window_bounds = array<i64: 2000, 128>}, {pipeline_mode = #tpu.pipeline_mode<synchronous>, transform_indices = @transform_1, window_bounds = array<i64: 128, 64>}, {pipeline_mode = #tpu.pipeline_mode<synchronous>, transform_indices = @transform_2, window_bounds = array<i64: 128, 64>}, {pipeline_mode = #tpu.pipeline_mode<synchronous>, transform_indices = @transform_3, window_bounds = array<i64: 1, 64>}, {transform_indices = @transform_4, window_bounds = array<i64: 2000, 64>}, {transform_indices = @transform_5, window_bounds = array<i64: 2000, 64>}]} {
    %get3A = arith.constant 0 : index
    %get3A_0 = arith.constant 0 : index
    %get3A_1 = vector.load %arg1[%get3A, %get3A_0] : memref<2000x128xf32, #tpu.memory_space<vmem>>, vector<2000x128xf32>
    %get3A_2 = arith.constant 0 : index
    %get3A_3 = arith.constant 0 : index
    %get3A_4 = vector.load %arg2[%get3A_2, %get3A_3] : memref<128x64xf32, #tpu.memory_space<vmem>>, vector<128x64xf32>
    %dot_general3A = arith.constant dense<0.000000e+00> : vector<2000x64xf32>
    %dot_general3A_5 = tpu.matmul %get3A_1, %get3A_4, %dot_general3A {dimension_numbers = #tpu.dot_dimension_numbers<[1], [0], [0], [1], [0, 0, 1, 1], [], []>, transpose_lhs_hint = false} : vector<2000x128xf32>, vector<128x64xf32>, vector<2000x64xf32> -> vector<2000x64xf32>
    %get3A_6 = arith.constant 0 : index
    %get3A_7 = arith.constant 0 : index
    %get3A_8 = vector.load %arg4[%get3A_6, %get3A_7] : memref<1x64xf32, #tpu.memory_space<vmem>>, vector<1x64xf32>
    %add3A = vector.broadcast %get3A_8 : vector<1x64xf32> to vector<2000x64xf32>
    %add3A_9 = arith.addf %dot_general3A_5, %add3A : vector<2000x64xf32>
    %swap3A = arith.constant 0 : index
    %swap3A_10 = arith.constant 0 : index
    %swap3A_11 = vector.load %arg5[%swap3A, %swap3A_10] : memref<2000x64xf32, #tpu.memory_space<vmem>>, vector<2000x64xf32>
    tpu.vector_store %arg5[%swap3A, %swap3A_10], %add3A_9 {strides = array<i32>} : memref<2000x64xf32, #tpu.memory_space<vmem>>, vector<2000x64xf32>,
    %get3A_12 = arith.constant 0 : index
    %get3A_13 = arith.constant 0 : index
    %get3A_14 = vector.load %arg3[%get3A_12, %get3A_13] : memref<128x64xf32, #tpu.memory_space<vmem>>, vector<128x64xf32>
    %dot_general3A_15 = arith.constant dense<0.000000e+00> : vector<2000x64xf32>
    %dot_general3A_16 = tpu.matmul %get3A_1, %get3A_14, %dot_general3A_15 {dimension_numbers = #tpu.dot_dimension_numbers<[1], [0], [0], [1], [0, 0, 1, 1], [], []>, transpose_lhs_hint = false} : vector<2000x128xf32>, vector<128x64xf32>, vector<2000x64xf32> -> vector<2000x64xf32>
    %swap3A_17 = arith.constant 0 : index
    %swap3A_18 = arith.constant 0 : index
    %swap3A_19 = vector.load %arg6[%swap3A_17, %swap3A_18] : memref<2000x64xf32, #tpu.memory_space<vmem>>, vector<2000x64xf32>
    tpu.vector_store %arg6[%swap3A_17, %swap3A_18], %dot_general3A_16 {strides = array<i32>} : memref<2000x64xf32, #tpu.memory_space<vmem>>, vector<2000x64xf32>,
    return
  }
  func.func @transform_0(%arg0: i32) -> (i32, i32) {
    %c0_i32 = arith.constant 0 : i32
    %c0_i32_0 = arith.constant 0 : i32
    return %arg0, %c0_i32 : i32, i32
  }
  func.func @transform_1(%arg0: i32) -> (i32, i32) {
    %c0_i32 = arith.constant 0 : i32
    %c0_i32_0 = arith.constant 0 : i32
    %c0_i32_1 = arith.constant 0 : i32
    return %c0_i32, %c0_i32_0 : i32, i32
  }
  func.func @transform_2(%arg0: i32) -> (i32, i32) {
    %c0_i32 = arith.constant 0 : i32
    %c0_i32_0 = arith.constant 0 : i32
    %c0_i32_1 = arith.constant 0 : i32
    return %c0_i32, %c0_i32_0 : i32, i32
  }
  func.func @transform_3(%arg0: i32) -> (i32, i32) {
    %c0_i32 = arith.constant 0 : i32
    %c0_i32_0 = arith.constant 0 : i32
    %c0_i32_1 = arith.constant 0 : i32
    return %c0_i32, %c0_i32_0 : i32, i32
  }
  func.func @transform_4(%arg0: i32) -> (i32, i32) {
    %c0_i32 = arith.constant 0 : i32
    %c0_i32_0 = arith.constant 0 : i32
    return %arg0, %c0_i32 : i32, i32
  }
  func.func @transform_5(%arg0: i32) -> (i32, i32) {
    %c0_i32 = arith.constant 0 : i32
    %c0_i32_0 = arith.constant 0 : i32
    return %arg0, %c0_i32 : i32, i32
  }
}

module attributes {stable_mosaic.version = 14 : i64} {
  func.func @_k3_body(%arg0: i32, %arg1: memref<1280x128xf32, #tpu.memory_space<vmem>>, %arg2: memref<1280x8xf32, #tpu.memory_space<vmem>>, %arg3: memref<1x128xf32, #tpu.memory_space<vmem>>, %arg4: memref<128x128xf32, #tpu.memory_space<vmem>>, %arg5: memref<1x128xf32, #tpu.memory_space<vmem>>, %arg6: memref<1x128xf32, #tpu.memory_space<vmem>>, %arg7: memref<1x128xf32, #tpu.memory_space<vmem>>, %arg8: memref<128x128xf32, #tpu.memory_space<vmem>>, %arg9: memref<128x128xf32, #tpu.memory_space<vmem>>, %arg10: memref<1x128xf32, #tpu.memory_space<vmem>>, %arg11: memref<128x128xf32, #tpu.memory_space<vmem>>, %arg12: memref<1x128xf32, #tpu.memory_space<vmem>>, %arg13: memref<8x128xf32, #tpu.memory_space<vmem>>, %arg14: memref<128x8xf32, #tpu.memory_space<vmem>>, %arg15: memref<8x16xf32, #tpu.memory_space<vmem>>, %arg16: memref<1x16xf32, #tpu.memory_space<vmem>>, %arg17: memref<1280x128xf32, #tpu.memory_space<vmem>>, %arg18: memref<1280x16xf32, #tpu.memory_space<vmem>>) attributes {dimension_semantics = [#tpu.dimension_semantics<arbitrary>], iteration_bounds = array<i64: 62>, scalar_prefetch = 0 : i64, scratch_operands = 0 : i64, tpu.core_type = #tpu.core_type<tc>, window_params = [{transform_indices = @transform_0, window_bounds = array<i64: 1280, 128>}, {transform_indices = @transform_1, window_bounds = array<i64: 1280, 8>}, {pipeline_mode = #tpu.pipeline_mode<synchronous>, transform_indices = @transform_2, window_bounds = array<i64: 1, 128>}, {pipeline_mode = #tpu.pipeline_mode<synchronous>, transform_indices = @transform_3, window_bounds = array<i64: 128, 128>}, {pipeline_mode = #tpu.pipeline_mode<synchronous>, transform_indices = @transform_4, window_bounds = array<i64: 1, 128>}, {pipeline_mode = #tpu.pipeline_mode<synchronous>, transform_indices = @transform_5, window_bounds = array<i64: 1, 128>}, {pipeline_mode = #tpu.pipeline_mode<synchronous>, transform_indices = @transform_6, window_bounds = array<i64: 1, 128>}, {pipeline_mode = #tpu.pipeline_mode<synchronous>, transform_indices = @transform_7, window_bounds = array<i64: 128, 128>}, {pipeline_mode = #tpu.pipeline_mode<synchronous>, transform_indices = @transform_8, window_bounds = array<i64: 128, 128>}, {pipeline_mode = #tpu.pipeline_mode<synchronous>, transform_indices = @transform_9, window_bounds = array<i64: 1, 128>}, {pipeline_mode = #tpu.pipeline_mode<synchronous>, transform_indices = @transform_10, window_bounds = array<i64: 128, 128>}, {pipeline_mode = #tpu.pipeline_mode<synchronous>, transform_indices = @transform_11, window_bounds = array<i64: 1, 128>}, {pipeline_mode = #tpu.pipeline_mode<synchronous>, transform_indices = @transform_12, window_bounds = array<i64: 8, 128>}, {pipeline_mode = #tpu.pipeline_mode<synchronous>, transform_indices = @transform_13, window_bounds = array<i64: 128, 8>}, {pipeline_mode = #tpu.pipeline_mode<synchronous>, transform_indices = @transform_14, window_bounds = array<i64: 8, 16>}, {pipeline_mode = #tpu.pipeline_mode<synchronous>, transform_indices = @transform_15, window_bounds = array<i64: 1, 16>}, {transform_indices = @transform_16, window_bounds = array<i64: 1280, 128>}, {transform_indices = @transform_17, window_bounds = array<i64: 1280, 16>}]} {
    %get3A = arith.constant 0 : index
    %get3A_0 = arith.constant 0 : index
    %get3A_1 = vector.load %arg1[%get3A, %get3A_0] : memref<1280x128xf32, #tpu.memory_space<vmem>>, vector<1280x128xf32>
    %get3A_2 = arith.constant 0 : index
    %get3A_3 = arith.constant 0 : index
    %get3A_4 = vector.load %arg2[%get3A_2, %get3A_3] : memref<1280x8xf32, #tpu.memory_space<vmem>>, vector<1280x8xf32>
    %mul3A = arith.mulf %get3A_4, %get3A_4 : vector<1280x8xf32>
    %get3A_5 = arith.constant 0 : index
    %get3A_6 = arith.constant 0 : index
    %get3A_7 = vector.load %arg13[%get3A_5, %get3A_6] : memref<8x128xf32, #tpu.memory_space<vmem>>, vector<8x128xf32>
    %dot_general3A = arith.constant dense<0.000000e+00> : vector<1280x128xf32>
    %dot_general3A_8 = tpu.matmul %mul3A, %get3A_7, %dot_general3A {dimension_numbers = #tpu.dot_dimension_numbers<[1], [0], [0], [1], [0, 0, 1, 1], [], []>, transpose_lhs_hint = false} : vector<1280x8xf32>, vector<8x128xf32>, vector<1280x128xf32> -> vector<1280x128xf32>
    %get3A_9 = arith.constant 0 : index
    %get3A_10 = arith.constant 0 : index
    %get3A_11 = vector.load %arg3[%get3A_9, %get3A_10] : memref<1x128xf32, #tpu.memory_space<vmem>>, vector<1x128xf32>
    %mul3A_12 = vector.broadcast %get3A_11 : vector<1x128xf32> to vector<1280x128xf32>
    %mul3A_13 = arith.mulf %dot_general3A_8, %mul3A_12 : vector<1280x128xf32>
    %add3A = arith.addf %get3A_1, %mul3A_13 : vector<1280x128xf32>
    %logistic3A = arith.negf %add3A : vector<1280x128xf32>
    %logistic3A_14 = math.exp %logistic3A : vector<1280x128xf32>
    %logistic3A_15 = arith.constant 1.000000e+00 : f32
    %logistic3A_16 = vector.broadcast %logistic3A_15 : f32 to vector<1280x128xf32>
    %logistic3A_17 = arith.addf %logistic3A_16, %logistic3A_14 : vector<1280x128xf32>
    %logistic3A_18 = arith.divf %logistic3A_16, %logistic3A_17 : vector<1280x128xf32>
    %mul3A_19 = arith.mulf %add3A, %logistic3A_18 : vector<1280x128xf32>
    %get3A_20 = arith.constant 0 : index
    %get3A_21 = arith.constant 0 : index
    %get3A_22 = vector.load %arg4[%get3A_20, %get3A_21] : memref<128x128xf32, #tpu.memory_space<vmem>>, vector<128x128xf32>
    %dot_general3A_23 = arith.constant dense<0.000000e+00> : vector<1280x128xf32>
    %dot_general3A_24 = tpu.matmul %mul3A_19, %get3A_22, %dot_general3A_23 {dimension_numbers = #tpu.dot_dimension_numbers<[1], [0], [0], [1], [0, 0, 1, 1], [], []>, transpose_lhs_hint = false} : vector<1280x128xf32>, vector<128x128xf32>, vector<1280x128xf32> -> vector<1280x128xf32>
    %get3A_25 = arith.constant 0 : index
    %get3A_26 = arith.constant 0 : index
    %get3A_27 = vector.load %arg5[%get3A_25, %get3A_26] : memref<1x128xf32, #tpu.memory_space<vmem>>, vector<1x128xf32>
    %add3A_28 = vector.broadcast %get3A_27 : vector<1x128xf32> to vector<1280x128xf32>
    %add3A_29 = arith.addf %dot_general3A_24, %add3A_28 : vector<1280x128xf32>
    %logistic3A_30 = arith.negf %add3A_29 : vector<1280x128xf32>
    %logistic3A_31 = math.exp %logistic3A_30 : vector<1280x128xf32>
    %logistic3A_32 = arith.constant 1.000000e+00 : f32
    %logistic3A_33 = vector.broadcast %logistic3A_32 : f32 to vector<1280x128xf32>
    %logistic3A_34 = arith.addf %logistic3A_33, %logistic3A_31 : vector<1280x128xf32>
    %logistic3A_35 = arith.divf %logistic3A_33, %logistic3A_34 : vector<1280x128xf32>
    %mul3A_36 = arith.mulf %add3A_29, %logistic3A_35 : vector<1280x128xf32>
    %get3A_37 = arith.constant 0 : index
    %get3A_38 = arith.constant 0 : index
    %get3A_39 = vector.load %arg8[%get3A_37, %get3A_38] : memref<128x128xf32, #tpu.memory_space<vmem>>, vector<128x128xf32>
    %dot_general3A_40 = arith.constant dense<0.000000e+00> : vector<1280x128xf32>
    %dot_general3A_41 = tpu.matmul %mul3A_36, %get3A_39, %dot_general3A_40 {dimension_numbers = #tpu.dot_dimension_numbers<[1], [0], [0], [1], [0, 0, 1, 1], [], []>, transpose_lhs_hint = false} : vector<1280x128xf32>, vector<128x128xf32>, vector<1280x128xf32> -> vector<1280x128xf32>
    %sub3A = arith.subf %mul3A_36, %dot_general3A_41 : vector<1280x128xf32>
    %mul3A_42 = arith.mulf %sub3A, %sub3A : vector<1280x128xf32>
    %get3A_43 = arith.constant 0 : index
    %get3A_44 = arith.constant 0 : index
    %get3A_45 = vector.load %arg8[%get3A_43, %get3A_44] : memref<128x128xf32, #tpu.memory_space<vmem>>, vector<128x128xf32>
    %dot_general3A_46 = arith.constant dense<0.000000e+00> : vector<1280x128xf32>
    %dot_general3A_47 = tpu.matmul %mul3A_42, %get3A_45, %dot_general3A_46 {dimension_numbers = #tpu.dot_dimension_numbers<[1], [0], [0], [1], [0, 0, 1, 1], [], []>, transpose_lhs_hint = false} : vector<1280x128xf32>, vector<128x128xf32>, vector<1280x128xf32> -> vector<1280x128xf32>
    %add3A_48 = arith.constant 9.99999974E-6 : f32
    %add3A_49 = vector.broadcast %add3A_48 : f32 to vector<1280x128xf32>
    %add3A_50 = arith.addf %dot_general3A_47, %add3A_49 : vector<1280x128xf32>
    %sqrt3A = math.sqrt %add3A_50 : vector<1280x128xf32>
    %div3A = arith.divf %sub3A, %sqrt3A : vector<1280x128xf32>
    %get3A_51 = arith.constant 0 : index
    %get3A_52 = arith.constant 0 : index
    %get3A_53 = vector.load %arg6[%get3A_51, %get3A_52] : memref<1x128xf32, #tpu.memory_space<vmem>>, vector<1x128xf32>
    %mul3A_54 = vector.broadcast %get3A_53 : vector<1x128xf32> to vector<1280x128xf32>
    %mul3A_55 = arith.mulf %div3A, %mul3A_54 : vector<1280x128xf32>
    %get3A_56 = arith.constant 0 : index
    %get3A_57 = arith.constant 0 : index
    %get3A_58 = vector.load %arg7[%get3A_56, %get3A_57] : memref<1x128xf32, #tpu.memory_space<vmem>>, vector<1x128xf32>
    %add3A_59 = vector.broadcast %get3A_58 : vector<1x128xf32> to vector<1280x128xf32>
    %add3A_60 = arith.addf %mul3A_55, %add3A_59 : vector<1280x128xf32>
    %get3A_61 = arith.constant 0 : index
    %get3A_62 = arith.constant 0 : index
    %get3A_63 = vector.load %arg9[%get3A_61, %get3A_62] : memref<128x128xf32, #tpu.memory_space<vmem>>, vector<128x128xf32>
    %dot_general3A_64 = arith.constant dense<0.000000e+00> : vector<1280x128xf32>
    %dot_general3A_65 = tpu.matmul %add3A_60, %get3A_63, %dot_general3A_64 {dimension_numbers = #tpu.dot_dimension_numbers<[1], [0], [0], [1], [0, 0, 1, 1], [], []>, transpose_lhs_hint = false} : vector<1280x128xf32>, vector<128x128xf32>, vector<1280x128xf32> -> vector<1280x128xf32>
    %get3A_66 = arith.constant 0 : index
    %get3A_67 = arith.constant 0 : index
    %get3A_68 = vector.load %arg10[%get3A_66, %get3A_67] : memref<1x128xf32, #tpu.memory_space<vmem>>, vector<1x128xf32>
    %add3A_69 = vector.broadcast %get3A_68 : vector<1x128xf32> to vector<1280x128xf32>
    %add3A_70 = arith.addf %dot_general3A_65, %add3A_69 : vector<1280x128xf32>
    %logistic3A_71 = arith.negf %add3A_70 : vector<1280x128xf32>
    %logistic3A_72 = math.exp %logistic3A_71 : vector<1280x128xf32>
    %logistic3A_73 = arith.constant 1.000000e+00 : f32
    %logistic3A_74 = vector.broadcast %logistic3A_73 : f32 to vector<1280x128xf32>
    %logistic3A_75 = arith.addf %logistic3A_74, %logistic3A_72 : vector<1280x128xf32>
    %logistic3A_76 = arith.divf %logistic3A_74, %logistic3A_75 : vector<1280x128xf32>
    %mul3A_77 = arith.mulf %add3A_60, %logistic3A_76 : vector<1280x128xf32>
    %get3A_78 = arith.constant 0 : index
    %get3A_79 = arith.constant 0 : index
    %get3A_80 = vector.load %arg11[%get3A_78, %get3A_79] : memref<128x128xf32, #tpu.memory_space<vmem>>, vector<128x128xf32>
    %dot_general3A_81 = arith.constant dense<0.000000e+00> : vector<1280x128xf32>
    %dot_general3A_82 = tpu.matmul %mul3A_77, %get3A_80, %dot_general3A_81 {dimension_numbers = #tpu.dot_dimension_numbers<[1], [0], [0], [1], [0, 0, 1, 1], [], []>, transpose_lhs_hint = false} : vector<1280x128xf32>, vector<128x128xf32>, vector<1280x128xf32> -> vector<1280x128xf32>
    %get3A_83 = arith.constant 0 : index
    %get3A_84 = arith.constant 0 : index
    %get3A_85 = vector.load %arg12[%get3A_83, %get3A_84] : memref<1x128xf32, #tpu.memory_space<vmem>>, vector<1x128xf32>
    %add3A_86 = vector.broadcast %get3A_85 : vector<1x128xf32> to vector<1280x128xf32>
    %add3A_87 = arith.addf %dot_general3A_82, %add3A_86 : vector<1280x128xf32>
    %tanh3A = math.tanh %add3A_87 : vector<1280x128xf32>
    %sqrt3A_88 = math.sqrt %dot_general3A_8 : vector<1280x128xf32>
    %add3A_89 = arith.constant 9.99999993E-9 : f32
    %add3A_90 = vector.broadcast %add3A_89 : f32 to vector<1280x128xf32>
    %add3A_91 = arith.addf %sqrt3A_88, %add3A_90 : vector<1280x128xf32>
    %div3A_92 = arith.divf %tanh3A, %add3A_91 : vector<1280x128xf32>
    %get3A_93 = arith.constant 0 : index
    %get3A_94 = arith.constant 0 : index
    %get3A_95 = vector.load %arg14[%get3A_93, %get3A_94] : memref<128x8xf32, #tpu.memory_space<vmem>>, vector<128x8xf32>
    %dot_general3A_96 = arith.constant dense<0.000000e+00> : vector<1280x8xf32>
    %dot_general3A_97 = tpu.matmul %div3A_92, %get3A_95, %dot_general3A_96 {dimension_numbers = #tpu.dot_dimension_numbers<[1], [0], [0], [1], [0, 0, 1, 1], [], []>, transpose_lhs_hint = false} : vector<1280x128xf32>, vector<128x8xf32>, vector<1280x8xf32> -> vector<1280x8xf32>
    %mul3A_98 = arith.mulf %get3A_4, %dot_general3A_97 : vector<1280x8xf32>
    %get3A_99 = arith.constant 0 : index
    %get3A_100 = arith.constant 0 : index
    %get3A_101 = vector.load %arg15[%get3A_99, %get3A_100] : memref<8x16xf32, #tpu.memory_space<vmem>>, vector<8x16xf32>
    %dot_general3A_102 = arith.constant dense<0.000000e+00> : vector<1280x16xf32>
    %dot_general3A_103 = tpu.matmul %mul3A_98, %get3A_101, %dot_general3A_102 {dimension_numbers = #tpu.dot_dimension_numbers<[1], [0], [0], [1], [0, 0, 1, 1], [], []>, transpose_lhs_hint = false} : vector<1280x8xf32>, vector<8x16xf32>, vector<1280x16xf32> -> vector<1280x16xf32>
    %get3A_104 = arith.constant 0 : index
    %get3A_105 = arith.constant 0 : index
    %get3A_106 = vector.load %arg16[%get3A_104, %get3A_105] : memref<1x16xf32, #tpu.memory_space<vmem>>, vector<1x16xf32>
    %add3A_107 = vector.broadcast %get3A_106 : vector<1x16xf32> to vector<1280x16xf32>
    %add3A_108 = arith.addf %dot_general3A_103, %add3A_107 : vector<1280x16xf32>
    %swap3A = arith.constant 0 : index
    %swap3A_109 = arith.constant 0 : index
    %swap3A_110 = vector.load %arg17[%swap3A, %swap3A_109] : memref<1280x128xf32, #tpu.memory_space<vmem>>, vector<1280x128xf32>
    tpu.vector_store %arg17[%swap3A, %swap3A_109], %mul3A_77 {strides = array<i32>} : memref<1280x128xf32, #tpu.memory_space<vmem>>, vector<1280x128xf32>,
    %swap3A_111 = arith.constant 0 : index
    %swap3A_112 = arith.constant 0 : index
    %swap3A_113 = vector.load %arg18[%swap3A_111, %swap3A_112] : memref<1280x16xf32, #tpu.memory_space<vmem>>, vector<1280x16xf32>
    tpu.vector_store %arg18[%swap3A_111, %swap3A_112], %add3A_108 {strides = array<i32>} : memref<1280x16xf32, #tpu.memory_space<vmem>>, vector<1280x16xf32>,
    return
  }
  func.func @transform_0(%arg0: i32) -> (i32, i32) {
    %c0_i32 = arith.constant 0 : i32
    %c0_i32_0 = arith.constant 0 : i32
    return %arg0, %c0_i32 : i32, i32
  }
  func.func @transform_1(%arg0: i32) -> (i32, i32) {
    %c0_i32 = arith.constant 0 : i32
    %c0_i32_0 = arith.constant 0 : i32
    return %arg0, %c0_i32 : i32, i32
  }
  func.func @transform_2(%arg0: i32) -> (i32, i32) {
    %c0_i32 = arith.constant 0 : i32
    %c0_i32_0 = arith.constant 0 : i32
    %c0_i32_1 = arith.constant 0 : i32
    return %c0_i32, %c0_i32_0 : i32, i32
  }
  func.func @transform_3(%arg0: i32) -> (i32, i32) {
    %c0_i32 = arith.constant 0 : i32
    %c0_i32_0 = arith.constant 0 : i32
    %c0_i32_1 = arith.constant 0 : i32
    return %c0_i32, %c0_i32_0 : i32, i32
  }
  func.func @transform_4(%arg0: i32) -> (i32, i32) {
    %c0_i32 = arith.constant 0 : i32
    %c0_i32_0 = arith.constant 0 : i32
    %c0_i32_1 = arith.constant 0 : i32
    return %c0_i32, %c0_i32_0 : i32, i32
  }
  func.func @transform_5(%arg0: i32) -> (i32, i32) {
    %c0_i32 = arith.constant 0 : i32
    %c0_i32_0 = arith.constant 0 : i32
    %c0_i32_1 = arith.constant 0 : i32
    return %c0_i32, %c0_i32_0 : i32, i32
  }
  func.func @transform_6(%arg0: i32) -> (i32, i32) {
    %c0_i32 = arith.constant 0 : i32
    %c0_i32_0 = arith.constant 0 : i32
    %c0_i32_1 = arith.constant 0 : i32
    return %c0_i32, %c0_i32_0 : i32, i32
  }
  func.func @transform_7(%arg0: i32) -> (i32, i32) {
    %c0_i32 = arith.constant 0 : i32
    %c0_i32_0 = arith.constant 0 : i32
    %c0_i32_1 = arith.constant 0 : i32
    return %c0_i32, %c0_i32_0 : i32, i32
  }
  func.func @transform_8(%arg0: i32) -> (i32, i32) {
    %c0_i32 = arith.constant 0 : i32
    %c0_i32_0 = arith.constant 0 : i32
    %c0_i32_1 = arith.constant 0 : i32
    return %c0_i32, %c0_i32_0 : i32, i32
  }
  func.func @transform_9(%arg0: i32) -> (i32, i32) {
    %c0_i32 = arith.constant 0 : i32
    %c0_i32_0 = arith.constant 0 : i32
    %c0_i32_1 = arith.constant 0 : i32
    return %c0_i32, %c0_i32_0 : i32, i32
  }
  func.func @transform_10(%arg0: i32) -> (i32, i32) {
    %c0_i32 = arith.constant 0 : i32
    %c0_i32_0 = arith.constant 0 : i32
    %c0_i32_1 = arith.constant 0 : i32
    return %c0_i32, %c0_i32_0 : i32, i32
  }
  func.func @transform_11(%arg0: i32) -> (i32, i32) {
    %c0_i32 = arith.constant 0 : i32
    %c0_i32_0 = arith.constant 0 : i32
    %c0_i32_1 = arith.constant 0 : i32
    return %c0_i32, %c0_i32_0 : i32, i32
  }
  func.func @transform_12(%arg0: i32) -> (i32, i32) {
    %c0_i32 = arith.constant 0 : i32
    %c0_i32_0 = arith.constant 0 : i32
    %c0_i32_1 = arith.constant 0 : i32
    return %c0_i32, %c0_i32_0 : i32, i32
  }
  func.func @transform_13(%arg0: i32) -> (i32, i32) {
    %c0_i32 = arith.constant 0 : i32
    %c0_i32_0 = arith.constant 0 : i32
    %c0_i32_1 = arith.constant 0 : i32
    return %c0_i32, %c0_i32_0 : i32, i32
  }
  func.func @transform_14(%arg0: i32) -> (i32, i32) {
    %c0_i32 = arith.constant 0 : i32
    %c0_i32_0 = arith.constant 0 : i32
    %c0_i32_1 = arith.constant 0 : i32
    return %c0_i32, %c0_i32_0 : i32, i32
  }
  func.func @transform_15(%arg0: i32) -> (i32, i32) {
    %c0_i32 = arith.constant 0 : i32
    %c0_i32_0 = arith.constant 0 : i32
    %c0_i32_1 = arith.constant 0 : i32
    return %c0_i32, %c0_i32_0 : i32, i32
  }
  func.func @transform_16(%arg0: i32) -> (i32, i32) {
    %c0_i32 = arith.constant 0 : i32
    %c0_i32_0 = arith.constant 0 : i32
    return %arg0, %c0_i32 : i32, i32
  }
  func.func @transform_17(%arg0: i32) -> (i32, i32) {
    %c0_i32 = arith.constant 0 : i32
    %c0_i32_0 = arith.constant 0 : i32
    return %arg0, %c0_i32 : i32, i32
  }
}

module attributes {stable_mosaic.version = 14 : i64} {
  func.func @_k3_body(%arg0: i32, %arg1: memref<1280x128xf32, #tpu.memory_space<vmem>>, %arg2: memref<1280x8xf32, #tpu.memory_space<vmem>>, %arg3: memref<1x128xf32, #tpu.memory_space<vmem>>, %arg4: memref<128x128xf32, #tpu.memory_space<vmem>>, %arg5: memref<1x128xf32, #tpu.memory_space<vmem>>, %arg6: memref<1x128xf32, #tpu.memory_space<vmem>>, %arg7: memref<1x128xf32, #tpu.memory_space<vmem>>, %arg8: memref<128x128xf32, #tpu.memory_space<vmem>>, %arg9: memref<128x128xf32, #tpu.memory_space<vmem>>, %arg10: memref<1x128xf32, #tpu.memory_space<vmem>>, %arg11: memref<128x128xf32, #tpu.memory_space<vmem>>, %arg12: memref<1x128xf32, #tpu.memory_space<vmem>>, %arg13: memref<8x128xf32, #tpu.memory_space<vmem>>, %arg14: memref<128x8xf32, #tpu.memory_space<vmem>>, %arg15: memref<8x16xf32, #tpu.memory_space<vmem>>, %arg16: memref<1x16xf32, #tpu.memory_space<vmem>>, %arg17: memref<1280x128xf32, #tpu.memory_space<vmem>>, %arg18: memref<1280x16xf32, #tpu.memory_space<vmem>>) attributes {dimension_semantics = [#tpu.dimension_semantics<arbitrary>], iteration_bounds = array<i64: 63>, scalar_prefetch = 0 : i64, scratch_operands = 0 : i64, tpu.core_type = #tpu.core_type<tc>, window_params = [{transform_indices = @transform_0, window_bounds = array<i64: 1280, 128>}, {transform_indices = @transform_1, window_bounds = array<i64: 1280, 8>}, {pipeline_mode = #tpu.pipeline_mode<synchronous>, transform_indices = @transform_2, window_bounds = array<i64: 1, 128>}, {pipeline_mode = #tpu.pipeline_mode<synchronous>, transform_indices = @transform_3, window_bounds = array<i64: 128, 128>}, {pipeline_mode = #tpu.pipeline_mode<synchronous>, transform_indices = @transform_4, window_bounds = array<i64: 1, 128>}, {pipeline_mode = #tpu.pipeline_mode<synchronous>, transform_indices = @transform_5, window_bounds = array<i64: 1, 128>}, {pipeline_mode = #tpu.pipeline_mode<synchronous>, transform_indices = @transform_6, window_bounds = array<i64: 1, 128>}, {pipeline_mode = #tpu.pipeline_mode<synchronous>, transform_indices = @transform_7, window_bounds = array<i64: 128, 128>}, {pipeline_mode = #tpu.pipeline_mode<synchronous>, transform_indices = @transform_8, window_bounds = array<i64: 128, 128>}, {pipeline_mode = #tpu.pipeline_mode<synchronous>, transform_indices = @transform_9, window_bounds = array<i64: 1, 128>}, {pipeline_mode = #tpu.pipeline_mode<synchronous>, transform_indices = @transform_10, window_bounds = array<i64: 128, 128>}, {pipeline_mode = #tpu.pipeline_mode<synchronous>, transform_indices = @transform_11, window_bounds = array<i64: 1, 128>}, {pipeline_mode = #tpu.pipeline_mode<synchronous>, transform_indices = @transform_12, window_bounds = array<i64: 8, 128>}, {pipeline_mode = #tpu.pipeline_mode<synchronous>, transform_indices = @transform_13, window_bounds = array<i64: 128, 8>}, {pipeline_mode = #tpu.pipeline_mode<synchronous>, transform_indices = @transform_14, window_bounds = array<i64: 8, 16>}, {pipeline_mode = #tpu.pipeline_mode<synchronous>, transform_indices = @transform_15, window_bounds = array<i64: 1, 16>}, {transform_indices = @transform_16, window_bounds = array<i64: 1280, 128>}, {transform_indices = @transform_17, window_bounds = array<i64: 1280, 16>}]} {
    %get3A = arith.constant 0 : index
    %get3A_0 = arith.constant 0 : index
    %get3A_1 = vector.load %arg1[%get3A, %get3A_0] : memref<1280x128xf32, #tpu.memory_space<vmem>>, vector<1280x128xf32>
    %get3A_2 = arith.constant 0 : index
    %get3A_3 = arith.constant 0 : index
    %get3A_4 = vector.load %arg2[%get3A_2, %get3A_3] : memref<1280x8xf32, #tpu.memory_space<vmem>>, vector<1280x8xf32>
    %mul3A = arith.mulf %get3A_4, %get3A_4 : vector<1280x8xf32>
    %get3A_5 = arith.constant 0 : index
    %get3A_6 = arith.constant 0 : index
    %get3A_7 = vector.load %arg13[%get3A_5, %get3A_6] : memref<8x128xf32, #tpu.memory_space<vmem>>, vector<8x128xf32>
    %dot_general3A = arith.constant dense<0.000000e+00> : vector<1280x128xf32>
    %dot_general3A_8 = tpu.matmul %mul3A, %get3A_7, %dot_general3A {dimension_numbers = #tpu.dot_dimension_numbers<[1], [0], [0], [1], [0, 0, 1, 1], [], []>, transpose_lhs_hint = false} : vector<1280x8xf32>, vector<8x128xf32>, vector<1280x128xf32> -> vector<1280x128xf32>
    %get3A_9 = arith.constant 0 : index
    %get3A_10 = arith.constant 0 : index
    %get3A_11 = vector.load %arg3[%get3A_9, %get3A_10] : memref<1x128xf32, #tpu.memory_space<vmem>>, vector<1x128xf32>
    %mul3A_12 = vector.broadcast %get3A_11 : vector<1x128xf32> to vector<1280x128xf32>
    %mul3A_13 = arith.mulf %dot_general3A_8, %mul3A_12 : vector<1280x128xf32>
    %add3A = arith.addf %get3A_1, %mul3A_13 : vector<1280x128xf32>
    %logistic3A = arith.negf %add3A : vector<1280x128xf32>
    %logistic3A_14 = math.exp %logistic3A : vector<1280x128xf32>
    %logistic3A_15 = arith.constant 1.000000e+00 : f32
    %logistic3A_16 = vector.broadcast %logistic3A_15 : f32 to vector<1280x128xf32>
    %logistic3A_17 = arith.addf %logistic3A_16, %logistic3A_14 : vector<1280x128xf32>
    %logistic3A_18 = arith.divf %logistic3A_16, %logistic3A_17 : vector<1280x128xf32>
    %mul3A_19 = arith.mulf %add3A, %logistic3A_18 : vector<1280x128xf32>
    %get3A_20 = arith.constant 0 : index
    %get3A_21 = arith.constant 0 : index
    %get3A_22 = vector.load %arg4[%get3A_20, %get3A_21] : memref<128x128xf32, #tpu.memory_space<vmem>>, vector<128x128xf32>
    %dot_general3A_23 = arith.constant dense<0.000000e+00> : vector<1280x128xf32>
    %dot_general3A_24 = tpu.matmul %mul3A_19, %get3A_22, %dot_general3A_23 {dimension_numbers = #tpu.dot_dimension_numbers<[1], [0], [0], [1], [0, 0, 1, 1], [], []>, transpose_lhs_hint = false} : vector<1280x128xf32>, vector<128x128xf32>, vector<1280x128xf32> -> vector<1280x128xf32>
    %get3A_25 = arith.constant 0 : index
    %get3A_26 = arith.constant 0 : index
    %get3A_27 = vector.load %arg5[%get3A_25, %get3A_26] : memref<1x128xf32, #tpu.memory_space<vmem>>, vector<1x128xf32>
    %add3A_28 = vector.broadcast %get3A_27 : vector<1x128xf32> to vector<1280x128xf32>
    %add3A_29 = arith.addf %dot_general3A_24, %add3A_28 : vector<1280x128xf32>
    %logistic3A_30 = arith.negf %add3A_29 : vector<1280x128xf32>
    %logistic3A_31 = math.exp %logistic3A_30 : vector<1280x128xf32>
    %logistic3A_32 = arith.constant 1.000000e+00 : f32
    %logistic3A_33 = vector.broadcast %logistic3A_32 : f32 to vector<1280x128xf32>
    %logistic3A_34 = arith.addf %logistic3A_33, %logistic3A_31 : vector<1280x128xf32>
    %logistic3A_35 = arith.divf %logistic3A_33, %logistic3A_34 : vector<1280x128xf32>
    %mul3A_36 = arith.mulf %add3A_29, %logistic3A_35 : vector<1280x128xf32>
    %get3A_37 = arith.constant 0 : index
    %get3A_38 = arith.constant 0 : index
    %get3A_39 = vector.load %arg8[%get3A_37, %get3A_38] : memref<128x128xf32, #tpu.memory_space<vmem>>, vector<128x128xf32>
    %dot_general3A_40 = arith.constant dense<0.000000e+00> : vector<1280x128xf32>
    %dot_general3A_41 = tpu.matmul %mul3A_36, %get3A_39, %dot_general3A_40 {dimension_numbers = #tpu.dot_dimension_numbers<[1], [0], [0], [1], [0, 0, 1, 1], [], []>, transpose_lhs_hint = false} : vector<1280x128xf32>, vector<128x128xf32>, vector<1280x128xf32> -> vector<1280x128xf32>
    %sub3A = arith.subf %mul3A_36, %dot_general3A_41 : vector<1280x128xf32>
    %mul3A_42 = arith.mulf %sub3A, %sub3A : vector<1280x128xf32>
    %get3A_43 = arith.constant 0 : index
    %get3A_44 = arith.constant 0 : index
    %get3A_45 = vector.load %arg8[%get3A_43, %get3A_44] : memref<128x128xf32, #tpu.memory_space<vmem>>, vector<128x128xf32>
    %dot_general3A_46 = arith.constant dense<0.000000e+00> : vector<1280x128xf32>
    %dot_general3A_47 = tpu.matmul %mul3A_42, %get3A_45, %dot_general3A_46 {dimension_numbers = #tpu.dot_dimension_numbers<[1], [0], [0], [1], [0, 0, 1, 1], [], []>, transpose_lhs_hint = false} : vector<1280x128xf32>, vector<128x128xf32>, vector<1280x128xf32> -> vector<1280x128xf32>
    %add3A_48 = arith.constant 9.99999974E-6 : f32
    %add3A_49 = vector.broadcast %add3A_48 : f32 to vector<1280x128xf32>
    %add3A_50 = arith.addf %dot_general3A_47, %add3A_49 : vector<1280x128xf32>
    %sqrt3A = math.sqrt %add3A_50 : vector<1280x128xf32>
    %div3A = arith.divf %sub3A, %sqrt3A : vector<1280x128xf32>
    %get3A_51 = arith.constant 0 : index
    %get3A_52 = arith.constant 0 : index
    %get3A_53 = vector.load %arg6[%get3A_51, %get3A_52] : memref<1x128xf32, #tpu.memory_space<vmem>>, vector<1x128xf32>
    %mul3A_54 = vector.broadcast %get3A_53 : vector<1x128xf32> to vector<1280x128xf32>
    %mul3A_55 = arith.mulf %div3A, %mul3A_54 : vector<1280x128xf32>
    %get3A_56 = arith.constant 0 : index
    %get3A_57 = arith.constant 0 : index
    %get3A_58 = vector.load %arg7[%get3A_56, %get3A_57] : memref<1x128xf32, #tpu.memory_space<vmem>>, vector<1x128xf32>
    %add3A_59 = vector.broadcast %get3A_58 : vector<1x128xf32> to vector<1280x128xf32>
    %add3A_60 = arith.addf %mul3A_55, %add3A_59 : vector<1280x128xf32>
    %get3A_61 = arith.constant 0 : index
    %get3A_62 = arith.constant 0 : index
    %get3A_63 = vector.load %arg9[%get3A_61, %get3A_62] : memref<128x128xf32, #tpu.memory_space<vmem>>, vector<128x128xf32>
    %dot_general3A_64 = arith.constant dense<0.000000e+00> : vector<1280x128xf32>
    %dot_general3A_65 = tpu.matmul %add3A_60, %get3A_63, %dot_general3A_64 {dimension_numbers = #tpu.dot_dimension_numbers<[1], [0], [0], [1], [0, 0, 1, 1], [], []>, transpose_lhs_hint = false} : vector<1280x128xf32>, vector<128x128xf32>, vector<1280x128xf32> -> vector<1280x128xf32>
    %get3A_66 = arith.constant 0 : index
    %get3A_67 = arith.constant 0 : index
    %get3A_68 = vector.load %arg10[%get3A_66, %get3A_67] : memref<1x128xf32, #tpu.memory_space<vmem>>, vector<1x128xf32>
    %add3A_69 = vector.broadcast %get3A_68 : vector<1x128xf32> to vector<1280x128xf32>
    %add3A_70 = arith.addf %dot_general3A_65, %add3A_69 : vector<1280x128xf32>
    %logistic3A_71 = arith.negf %add3A_70 : vector<1280x128xf32>
    %logistic3A_72 = math.exp %logistic3A_71 : vector<1280x128xf32>
    %logistic3A_73 = arith.constant 1.000000e+00 : f32
    %logistic3A_74 = vector.broadcast %logistic3A_73 : f32 to vector<1280x128xf32>
    %logistic3A_75 = arith.addf %logistic3A_74, %logistic3A_72 : vector<1280x128xf32>
    %logistic3A_76 = arith.divf %logistic3A_74, %logistic3A_75 : vector<1280x128xf32>
    %mul3A_77 = arith.mulf %add3A_60, %logistic3A_76 : vector<1280x128xf32>
    %get3A_78 = arith.constant 0 : index
    %get3A_79 = arith.constant 0 : index
    %get3A_80 = vector.load %arg11[%get3A_78, %get3A_79] : memref<128x128xf32, #tpu.memory_space<vmem>>, vector<128x128xf32>
    %dot_general3A_81 = arith.constant dense<0.000000e+00> : vector<1280x128xf32>
    %dot_general3A_82 = tpu.matmul %mul3A_77, %get3A_80, %dot_general3A_81 {dimension_numbers = #tpu.dot_dimension_numbers<[1], [0], [0], [1], [0, 0, 1, 1], [], []>, transpose_lhs_hint = false} : vector<1280x128xf32>, vector<128x128xf32>, vector<1280x128xf32> -> vector<1280x128xf32>
    %get3A_83 = arith.constant 0 : index
    %get3A_84 = arith.constant 0 : index
    %get3A_85 = vector.load %arg12[%get3A_83, %get3A_84] : memref<1x128xf32, #tpu.memory_space<vmem>>, vector<1x128xf32>
    %add3A_86 = vector.broadcast %get3A_85 : vector<1x128xf32> to vector<1280x128xf32>
    %add3A_87 = arith.addf %dot_general3A_82, %add3A_86 : vector<1280x128xf32>
    %tanh3A = math.tanh %add3A_87 : vector<1280x128xf32>
    %sqrt3A_88 = math.sqrt %dot_general3A_8 : vector<1280x128xf32>
    %add3A_89 = arith.constant 9.99999993E-9 : f32
    %add3A_90 = vector.broadcast %add3A_89 : f32 to vector<1280x128xf32>
    %add3A_91 = arith.addf %sqrt3A_88, %add3A_90 : vector<1280x128xf32>
    %div3A_92 = arith.divf %tanh3A, %add3A_91 : vector<1280x128xf32>
    %get3A_93 = arith.constant 0 : index
    %get3A_94 = arith.constant 0 : index
    %get3A_95 = vector.load %arg14[%get3A_93, %get3A_94] : memref<128x8xf32, #tpu.memory_space<vmem>>, vector<128x8xf32>
    %dot_general3A_96 = arith.constant dense<0.000000e+00> : vector<1280x8xf32>
    %dot_general3A_97 = tpu.matmul %div3A_92, %get3A_95, %dot_general3A_96 {dimension_numbers = #tpu.dot_dimension_numbers<[1], [0], [0], [1], [0, 0, 1, 1], [], []>, transpose_lhs_hint = false} : vector<1280x128xf32>, vector<128x8xf32>, vector<1280x8xf32> -> vector<1280x8xf32>
    %mul3A_98 = arith.mulf %get3A_4, %dot_general3A_97 : vector<1280x8xf32>
    %get3A_99 = arith.constant 0 : index
    %get3A_100 = arith.constant 0 : index
    %get3A_101 = vector.load %arg15[%get3A_99, %get3A_100] : memref<8x16xf32, #tpu.memory_space<vmem>>, vector<8x16xf32>
    %dot_general3A_102 = arith.constant dense<0.000000e+00> : vector<1280x16xf32>
    %dot_general3A_103 = tpu.matmul %mul3A_98, %get3A_101, %dot_general3A_102 {dimension_numbers = #tpu.dot_dimension_numbers<[1], [0], [0], [1], [0, 0, 1, 1], [], []>, transpose_lhs_hint = false} : vector<1280x8xf32>, vector<8x16xf32>, vector<1280x16xf32> -> vector<1280x16xf32>
    %get3A_104 = arith.constant 0 : index
    %get3A_105 = arith.constant 0 : index
    %get3A_106 = vector.load %arg16[%get3A_104, %get3A_105] : memref<1x16xf32, #tpu.memory_space<vmem>>, vector<1x16xf32>
    %add3A_107 = vector.broadcast %get3A_106 : vector<1x16xf32> to vector<1280x16xf32>
    %add3A_108 = arith.addf %dot_general3A_103, %add3A_107 : vector<1280x16xf32>
    %swap3A = arith.constant 0 : index
    %swap3A_109 = arith.constant 0 : index
    %swap3A_110 = vector.load %arg17[%swap3A, %swap3A_109] : memref<1280x128xf32, #tpu.memory_space<vmem>>, vector<1280x128xf32>
    tpu.vector_store %arg17[%swap3A, %swap3A_109], %mul3A_77 {strides = array<i32>} : memref<1280x128xf32, #tpu.memory_space<vmem>>, vector<1280x128xf32>,
    %swap3A_111 = arith.constant 0 : index
    %swap3A_112 = arith.constant 0 : index
    %swap3A_113 = vector.load %arg18[%swap3A_111, %swap3A_112] : memref<1280x16xf32, #tpu.memory_space<vmem>>, vector<1280x16xf32>
    tpu.vector_store %arg18[%swap3A_111, %swap3A_112], %add3A_108 {strides = array<i32>} : memref<1280x16xf32, #tpu.memory_space<vmem>>, vector<1280x16xf32>,
    return
  }
  func.func @transform_0(%arg0: i32) -> (i32, i32) {
    %c0_i32 = arith.constant 0 : i32
    %c0_i32_0 = arith.constant 0 : i32
    return %arg0, %c0_i32 : i32, i32
  }
  func.func @transform_1(%arg0: i32) -> (i32, i32) {
    %c0_i32 = arith.constant 0 : i32
    %c0_i32_0 = arith.constant 0 : i32
    return %arg0, %c0_i32 : i32, i32
  }
  func.func @transform_2(%arg0: i32) -> (i32, i32) {
    %c0_i32 = arith.constant 0 : i32
    %c0_i32_0 = arith.constant 0 : i32
    %c0_i32_1 = arith.constant 0 : i32
    return %c0_i32, %c0_i32_0 : i32, i32
  }
  func.func @transform_3(%arg0: i32) -> (i32, i32) {
    %c0_i32 = arith.constant 0 : i32
    %c0_i32_0 = arith.constant 0 : i32
    %c0_i32_1 = arith.constant 0 : i32
    return %c0_i32, %c0_i32_0 : i32, i32
  }
  func.func @transform_4(%arg0: i32) -> (i32, i32) {
    %c0_i32 = arith.constant 0 : i32
    %c0_i32_0 = arith.constant 0 : i32
    %c0_i32_1 = arith.constant 0 : i32
    return %c0_i32, %c0_i32_0 : i32, i32
  }
  func.func @transform_5(%arg0: i32) -> (i32, i32) {
    %c0_i32 = arith.constant 0 : i32
    %c0_i32_0 = arith.constant 0 : i32
    %c0_i32_1 = arith.constant 0 : i32
    return %c0_i32, %c0_i32_0 : i32, i32
  }
  func.func @transform_6(%arg0: i32) -> (i32, i32) {
    %c0_i32 = arith.constant 0 : i32
    %c0_i32_0 = arith.constant 0 : i32
    %c0_i32_1 = arith.constant 0 : i32
    return %c0_i32, %c0_i32_0 : i32, i32
  }
  func.func @transform_7(%arg0: i32) -> (i32, i32) {
    %c0_i32 = arith.constant 0 : i32
    %c0_i32_0 = arith.constant 0 : i32
    %c0_i32_1 = arith.constant 0 : i32
    return %c0_i32, %c0_i32_0 : i32, i32
  }
  func.func @transform_8(%arg0: i32) -> (i32, i32) {
    %c0_i32 = arith.constant 0 : i32
    %c0_i32_0 = arith.constant 0 : i32
    %c0_i32_1 = arith.constant 0 : i32
    return %c0_i32, %c0_i32_0 : i32, i32
  }
  func.func @transform_9(%arg0: i32) -> (i32, i32) {
    %c0_i32 = arith.constant 0 : i32
    %c0_i32_0 = arith.constant 0 : i32
    %c0_i32_1 = arith.constant 0 : i32
    return %c0_i32, %c0_i32_0 : i32, i32
  }
  func.func @transform_10(%arg0: i32) -> (i32, i32) {
    %c0_i32 = arith.constant 0 : i32
    %c0_i32_0 = arith.constant 0 : i32
    %c0_i32_1 = arith.constant 0 : i32
    return %c0_i32, %c0_i32_0 : i32, i32
  }
  func.func @transform_11(%arg0: i32) -> (i32, i32) {
    %c0_i32 = arith.constant 0 : i32
    %c0_i32_0 = arith.constant 0 : i32
    %c0_i32_1 = arith.constant 0 : i32
    return %c0_i32, %c0_i32_0 : i32, i32
  }
  func.func @transform_12(%arg0: i32) -> (i32, i32) {
    %c0_i32 = arith.constant 0 : i32
    %c0_i32_0 = arith.constant 0 : i32
    %c0_i32_1 = arith.constant 0 : i32
    return %c0_i32, %c0_i32_0 : i32, i32
  }
  func.func @transform_13(%arg0: i32) -> (i32, i32) {
    %c0_i32 = arith.constant 0 : i32
    %c0_i32_0 = arith.constant 0 : i32
    %c0_i32_1 = arith.constant 0 : i32
    return %c0_i32, %c0_i32_0 : i32, i32
  }
  func.func @transform_14(%arg0: i32) -> (i32, i32) {
    %c0_i32 = arith.constant 0 : i32
    %c0_i32_0 = arith.constant 0 : i32
    %c0_i32_1 = arith.constant 0 : i32
    return %c0_i32, %c0_i32_0 : i32, i32
  }
  func.func @transform_15(%arg0: i32) -> (i32, i32) {
    %c0_i32 = arith.constant 0 : i32
    %c0_i32_0 = arith.constant 0 : i32
    %c0_i32_1 = arith.constant 0 : i32
    return %c0_i32, %c0_i32_0 : i32, i32
  }
  func.func @transform_16(%arg0: i32) -> (i32, i32) {
    %c0_i32 = arith.constant 0 : i32
    %c0_i32_0 = arith.constant 0 : i32
    return %arg0, %c0_i32 : i32, i32
  }
  func.func @transform_17(%arg0: i32) -> (i32, i32) {
    %c0_i32 = arith.constant 0 : i32
    %c0_i32_0 = arith.constant 0 : i32
    return %arg0, %c0_i32 : i32, i32
  }
}

module attributes {stable_mosaic.version = 14 : i64} {
  func.func @_k5_body(%arg0: i32, %arg1: memref<2000x128xf32, #tpu.memory_space<vmem>>, %arg2: memref<2000x3xf32, #tpu.memory_space<vmem>>, %arg3: memref<2x2000x64xf32, #tpu.memory_space<vmem>>, %arg4: memref<2x2000x8xf32, #tpu.memory_space<vmem>>, %arg5: memref<2x2000x64xf32, #tpu.memory_space<vmem>>, %arg6: memref<2x2000x8xf32, #tpu.memory_space<vmem>>, %arg7: memref<128x64xf32, #tpu.memory_space<vmem>>, %arg8: memref<64x64xf32, #tpu.memory_space<vmem>>, %arg9: memref<1x64xf32, #tpu.memory_space<vmem>>, %arg10: memref<64x128xf32, #tpu.memory_space<vmem>>, %arg11: memref<1x128xf32, #tpu.memory_space<vmem>>, %arg12: memref<2000x128xf32, #tpu.memory_space<vmem>>, %arg13: memref<2000x3xf32, #tpu.memory_space<vmem>>) attributes {dimension_semantics = [#tpu.dimension_semantics<arbitrary>], iteration_bounds = array<i64: 5>, scalar_prefetch = 0 : i64, scratch_operands = 0 : i64, tpu.core_type = #tpu.core_type<tc>, window_params = [{transform_indices = @transform_0, window_bounds = array<i64: 2000, 128>}, {transform_indices = @transform_1, window_bounds = array<i64: 2000, 3>}, {transform_indices = @transform_2, window_bounds = array<i64: 2, 2000, 64>}, {transform_indices = @transform_3, window_bounds = array<i64: 2, 2000, 8>}, {transform_indices = @transform_4, window_bounds = array<i64: 2, 2000, 64>}, {transform_indices = @transform_5, window_bounds = array<i64: 2, 2000, 8>}, {pipeline_mode = #tpu.pipeline_mode<synchronous>, transform_indices = @transform_6, window_bounds = array<i64: 128, 64>}, {pipeline_mode = #tpu.pipeline_mode<synchronous>, transform_indices = @transform_7, window_bounds = array<i64: 64, 64>}, {pipeline_mode = #tpu.pipeline_mode<synchronous>, transform_indices = @transform_8, window_bounds = array<i64: 1, 64>}, {pipeline_mode = #tpu.pipeline_mode<synchronous>, transform_indices = @transform_9, window_bounds = array<i64: 64, 128>}, {pipeline_mode = #tpu.pipeline_mode<synchronous>, transform_indices = @transform_10, window_bounds = array<i64: 1, 128>}, {transform_indices = @transform_11, window_bounds = array<i64: 2000, 128>}, {transform_indices = @transform_12, window_bounds = array<i64: 2000, 3>}]} {
    %get3A = arith.constant 0 : index
    %get3A_0 = arith.constant 0 : index
    %get3A_1 = vector.load %arg1[%get3A, %get3A_0] : memref<2000x128xf32, #tpu.memory_space<vmem>>, vector<2000x128xf32>
    %get3A_2 = arith.constant 0 : index
    %get3A_3 = arith.constant 0 : index
    %get3A_4 = arith.constant 0 : index
    %get3A_5 = vector.load %arg3[%get3A_2, %get3A_3, %get3A_4] : memref<2x2000x64xf32, #tpu.memory_space<vmem>>, vector<1x2000x64xf32>
    %get3A_6 = vector.shape_cast %get3A_5 : vector<1x2000x64xf32> to vector<2000x64xf32>
    %get3A_7 = arith.constant 1 : index
    %get3A_8 = arith.constant 0 : index
    %get3A_9 = arith.constant 0 : index
    %get3A_10 = vector.load %arg3[%get3A_7, %get3A_8, %get3A_9] : memref<2x2000x64xf32, #tpu.memory_space<vmem>>, vector<1x2000x64xf32>
    %get3A_11 = vector.shape_cast %get3A_10 : vector<1x2000x64xf32> to vector<2000x64xf32>
    %add3A = arith.addf %get3A_6, %get3A_11 : vector<2000x64xf32>
    %get3A_12 = arith.constant 0 : index
    %get3A_13 = arith.constant 0 : index
    %get3A_14 = arith.constant 0 : index
    %get3A_15 = vector.load %arg5[%get3A_12, %get3A_13, %get3A_14] : memref<2x2000x64xf32, #tpu.memory_space<vmem>>, vector<1x2000x64xf32>
    %get3A_16 = vector.shape_cast %get3A_15 : vector<1x2000x64xf32> to vector<2000x64xf32>
    %add3A_17 = arith.addf %add3A, %get3A_16 : vector<2000x64xf32>
    %get3A_18 = arith.constant 1 : index
    %get3A_19 = arith.constant 0 : index
    %get3A_20 = arith.constant 0 : index
    %get3A_21 = vector.load %arg5[%get3A_18, %get3A_19, %get3A_20] : memref<2x2000x64xf32, #tpu.memory_space<vmem>>, vector<1x2000x64xf32>
    %get3A_22 = vector.shape_cast %get3A_21 : vector<1x2000x64xf32> to vector<2000x64xf32>
    %add3A_23 = arith.addf %add3A_17, %get3A_22 : vector<2000x64xf32>
    %get3A_24 = arith.constant 0 : index
    %get3A_25 = arith.constant 0 : index
    %get3A_26 = arith.constant 0 : index
    %get3A_27 = vector.load %arg4[%get3A_24, %get3A_25, %get3A_26] : memref<2x2000x8xf32, #tpu.memory_space<vmem>>, vector<1x2000x8xf32>
    %get3A_28 = vector.shape_cast %get3A_27 : vector<1x2000x8xf32> to vector<2000x8xf32>
    %get3A_29 = arith.constant 1 : index
    %get3A_30 = arith.constant 0 : index
    %get3A_31 = arith.constant 0 : index
    %get3A_32 = vector.load %arg4[%get3A_29, %get3A_30, %get3A_31] : memref<2x2000x8xf32, #tpu.memory_space<vmem>>, vector<1x2000x8xf32>
    %get3A_33 = vector.shape_cast %get3A_32 : vector<1x2000x8xf32> to vector<2000x8xf32>
    %add3A_34 = arith.addf %get3A_28, %get3A_33 : vector<2000x8xf32>
    %get3A_35 = arith.constant 0 : index
    %get3A_36 = arith.constant 0 : index
    %get3A_37 = arith.constant 0 : index
    %get3A_38 = vector.load %arg6[%get3A_35, %get3A_36, %get3A_37] : memref<2x2000x8xf32, #tpu.memory_space<vmem>>, vector<1x2000x8xf32>
    %get3A_39 = vector.shape_cast %get3A_38 : vector<1x2000x8xf32> to vector<2000x8xf32>
    %add3A_40 = arith.addf %add3A_34, %get3A_39 : vector<2000x8xf32>
    %get3A_41 = arith.constant 1 : index
    %get3A_42 = arith.constant 0 : index
    %get3A_43 = arith.constant 0 : index
    %get3A_44 = vector.load %arg6[%get3A_41, %get3A_42, %get3A_43] : memref<2x2000x8xf32, #tpu.memory_space<vmem>>, vector<1x2000x8xf32>
    %get3A_45 = vector.shape_cast %get3A_44 : vector<1x2000x8xf32> to vector<2000x8xf32>
    %add3A_46 = arith.addf %add3A_40, %get3A_45 : vector<2000x8xf32>
    %slice3A = vector.extract_strided_slice %add3A_46 {offsets = [0, 3], sizes = [2000, 1], strides = [1, 1]} : vector<2000x8xf32> to vector<2000x1xf32>
    %max3A = arith.constant 1.000000e+00 : f32
    %max3A_47 = vector.broadcast %max3A : f32 to vector<2000x1xf32>
    %max3A_48 = arith.maximumf %slice3A, %max3A_47 : vector<2000x1xf32>
    %get3A_49 = arith.constant 0 : index
    %get3A_50 = arith.constant 0 : index
    %get3A_51 = vector.load %arg7[%get3A_49, %get3A_50] : memref<128x64xf32, #tpu.memory_space<vmem>>, vector<128x64xf32>
    %dot_general3A = arith.constant dense<0.000000e+00> : vector<2000x64xf32>
    %dot_general3A_52 = tpu.matmul %get3A_1, %get3A_51, %dot_general3A {dimension_numbers = #tpu.dot_dimension_numbers<[1], [0], [0], [1], [0, 0, 1, 1], [], []>, transpose_lhs_hint = false} : vector<2000x128xf32>, vector<128x64xf32>, vector<2000x64xf32> -> vector<2000x64xf32>
    %get3A_53 = arith.constant 0 : index
    %get3A_54 = arith.constant 0 : index
    %get3A_55 = vector.load %arg8[%get3A_53, %get3A_54] : memref<64x64xf32, #tpu.memory_space<vmem>>, vector<64x64xf32>
    %dot_general3A_56 = arith.constant dense<0.000000e+00> : vector<2000x64xf32>
    %dot_general3A_57 = tpu.matmul %add3A_23, %get3A_55, %dot_general3A_56 {dimension_numbers = #tpu.dot_dimension_numbers<[1], [0], [0], [1], [0, 0, 1, 1], [], []>, transpose_lhs_hint = false} : vector<2000x64xf32>, vector<64x64xf32>, vector<2000x64xf32> -> vector<2000x64xf32>
    %add3A_58 = arith.addf %dot_general3A_52, %dot_general3A_57 : vector<2000x64xf32>
    %get3A_59 = arith.constant 0 : index
    %get3A_60 = arith.constant 0 : index
    %get3A_61 = vector.load %arg9[%get3A_59, %get3A_60] : memref<1x64xf32, #tpu.memory_space<vmem>>, vector<1x64xf32>
    %add3A_62 = vector.broadcast %get3A_61 : vector<1x64xf32> to vector<2000x64xf32>
    %add3A_63 = arith.addf %add3A_58, %add3A_62 : vector<2000x64xf32>
    %logistic3A = arith.negf %add3A_63 : vector<2000x64xf32>
    %logistic3A_64 = math.exp %logistic3A : vector<2000x64xf32>
    %logistic3A_65 = arith.constant 1.000000e+00 : f32
    %logistic3A_66 = vector.broadcast %logistic3A_65 : f32 to vector<2000x64xf32>
    %logistic3A_67 = arith.addf %logistic3A_66, %logistic3A_64 : vector<2000x64xf32>
    %logistic3A_68 = arith.divf %logistic3A_66, %logistic3A_67 : vector<2000x64xf32>
    %mul3A = arith.mulf %add3A_63, %logistic3A_68 : vector<2000x64xf32>
    %get3A_69 = arith.constant 0 : index
    %get3A_70 = arith.constant 0 : index
    %get3A_71 = vector.load %arg10[%get3A_69, %get3A_70] : memref<64x128xf32, #tpu.memory_space<vmem>>, vector<64x128xf32>
    %dot_general3A_72 = arith.constant dense<0.000000e+00> : vector<2000x128xf32>
    %dot_general3A_73 = tpu.matmul %mul3A, %get3A_71, %dot_general3A_72 {dimension_numbers = #tpu.dot_dimension_numbers<[1], [0], [0], [1], [0, 0, 1, 1], [], []>, transpose_lhs_hint = false} : vector<2000x64xf32>, vector<64x128xf32>, vector<2000x128xf32> -> vector<2000x128xf32>
    %add3A_74 = arith.addf %get3A_1, %dot_general3A_73 : vector<2000x128xf32>
    %get3A_75 = arith.constant 0 : index
    %get3A_76 = arith.constant 0 : index
    %get3A_77 = vector.load %arg11[%get3A_75, %get3A_76] : memref<1x128xf32, #tpu.memory_space<vmem>>, vector<1x128xf32>
    %add3A_78 = vector.broadcast %get3A_77 : vector<1x128xf32> to vector<2000x128xf32>
    %add3A_79 = arith.addf %add3A_74, %add3A_78 : vector<2000x128xf32>
    %swap3A = arith.constant 0 : index
    %swap3A_80 = arith.constant 0 : index
    %swap3A_81 = vector.load %arg12[%swap3A, %swap3A_80] : memref<2000x128xf32, #tpu.memory_space<vmem>>, vector<2000x128xf32>
    tpu.vector_store %arg12[%swap3A, %swap3A_80], %add3A_79 {strides = array<i32>} : memref<2000x128xf32, #tpu.memory_space<vmem>>, vector<2000x128xf32>,
    %get3A_82 = arith.constant 0 : index
    %get3A_83 = arith.constant 0 : index
    %get3A_84 = vector.load %arg2[%get3A_82, %get3A_83] : memref<2000x3xf32, #tpu.memory_space<vmem>>, vector<2000x3xf32>
    %slice3A_85 = vector.extract_strided_slice %add3A_46 {offsets = [0, 0], sizes = [2000, 3], strides = [1, 1]} : vector<2000x8xf32> to vector<2000x3xf32>
    %div3A = vector.broadcast %max3A_48 : vector<2000x1xf32> to vector<2000x3xf32>
    %div3A_86 = arith.divf %slice3A_85, %div3A : vector<2000x3xf32>
    %add3A_87 = arith.addf %get3A_84, %div3A_86 : vector<2000x3xf32>
    %swap3A_88 = arith.constant 0 : index
    %swap3A_89 = arith.constant 0 : index
    %swap3A_90 = vector.load %arg13[%swap3A_88, %swap3A_89] : memref<2000x3xf32, #tpu.memory_space<vmem>>, vector<2000x3xf32>
    tpu.vector_store %arg13[%swap3A_88, %swap3A_89], %add3A_87 {strides = array<i32>} : memref<2000x3xf32, #tpu.memory_space<vmem>>, vector<2000x3xf32>,
    return
  }
  func.func @transform_0(%arg0: i32) -> (i32, i32) {
    %c0_i32 = arith.constant 0 : i32
    %c0_i32_0 = arith.constant 0 : i32
    return %arg0, %c0_i32 : i32, i32
  }
  func.func @transform_1(%arg0: i32) -> (i32, i32) {
    %c0_i32 = arith.constant 0 : i32
    %c0_i32_0 = arith.constant 0 : i32
    return %arg0, %c0_i32 : i32, i32
  }
  func.func @transform_2(%arg0: i32) -> (i32, i32, i32) {
    %c0_i32 = arith.constant 0 : i32
    %c0_i32_0 = arith.constant 0 : i32
    %c0_i32_1 = arith.constant 0 : i32
    return %c0_i32, %arg0, %c0_i32_0 : i32, i32, i32
  }
  func.func @transform_3(%arg0: i32) -> (i32, i32, i32) {
    %c0_i32 = arith.constant 0 : i32
    %c0_i32_0 = arith.constant 0 : i32
    %c0_i32_1 = arith.constant 0 : i32
    return %c0_i32, %arg0, %c0_i32_0 : i32, i32, i32
  }
  func.func @transform_4(%arg0: i32) -> (i32, i32, i32) {
    %c0_i32 = arith.constant 0 : i32
    %c0_i32_0 = arith.constant 0 : i32
    %c0_i32_1 = arith.constant 0 : i32
    return %c0_i32, %arg0, %c0_i32_0 : i32, i32, i32
  }
  func.func @transform_5(%arg0: i32) -> (i32, i32, i32) {
    %c0_i32 = arith.constant 0 : i32
    %c0_i32_0 = arith.constant 0 : i32
    %c0_i32_1 = arith.constant 0 : i32
    return %c0_i32, %arg0, %c0_i32_0 : i32, i32, i32
  }
  func.func @transform_6(%arg0: i32) -> (i32, i32) {
    %c0_i32 = arith.constant 0 : i32
    %c0_i32_0 = arith.constant 0 : i32
    %c0_i32_1 = arith.constant 0 : i32
    return %c0_i32, %c0_i32_0 : i32, i32
  }
  func.func @transform_7(%arg0: i32) -> (i32, i32) {
    %c0_i32 = arith.constant 0 : i32
    %c0_i32_0 = arith.constant 0 : i32
    %c0_i32_1 = arith.constant 0 : i32
    return %c0_i32, %c0_i32_0 : i32, i32
  }
  func.func @transform_8(%arg0: i32) -> (i32, i32) {
    %c0_i32 = arith.constant 0 : i32
    %c0_i32_0 = arith.constant 0 : i32
    %c0_i32_1 = arith.constant 0 : i32
    return %c0_i32, %c0_i32_0 : i32, i32
  }
  func.func @transform_9(%arg0: i32) -> (i32, i32) {
    %c0_i32 = arith.constant 0 : i32
    %c0_i32_0 = arith.constant 0 : i32
    %c0_i32_1 = arith.constant 0 : i32
    return %c0_i32, %c0_i32_0 : i32, i32
  }
  func.func @transform_10(%arg0: i32) -> (i32, i32) {
    %c0_i32 = arith.constant 0 : i32
    %c0_i32_0 = arith.constant 0 : i32
    %c0_i32_1 = arith.constant 0 : i32
    return %c0_i32, %c0_i32_0 : i32, i32
  }
  func.func @transform_11(%arg0: i32) -> (i32, i32) {
    %c0_i32 = arith.constant 0 : i32
    %c0_i32_0 = arith.constant 0 : i32
    return %arg0, %c0_i32 : i32, i32
  }
  func.func @transform_12(%arg0: i32) -> (i32, i32) {
    %c0_i32 = arith.constant 0 : i32
    %c0_i32_0 = arith.constant 0 : i32
    return %arg0, %c0_i32 : i32, i32
  }
}

</mosaic_0001>

<sc_bundles>
// kernel: kernel.10.cloned.1.call-start
scs
__scs_entry_jumppad:
0x0: {  	(pc) =	sbr.rel $0x88, $3  }
0x1: {  	(tag) =	ssettag $0x0;
	lr =	simm.s32 $0x1  }
0x2: {  	[smem:$0x3F90] =	sst lr;
	_ =	strace $0xD0000000  }
0x3: {  	_ = 	snop  }
0x4: {  	_ = 	snop  }
0x5: {  	_ = 	snop  }
0x6: {  	_ = 	snop  }
0x7: {  	_ = 	snop  }
__scs_overlays_trampoline_lowered:
0x8: {  	[smem:$0x3F9F] =	sst s0  }
0x9: {  	[smem:$0x3FA0] =	sst s1  }
0xa: {  	[smem:$0x3FA1] =	sst s2  }
0xb: {  	[smem:$0x3FA2] =	sst s3  }
0xc: {  	[smem:$0x3FA3] =	sst s4  }
0xd: {  	[smem:$0x3FA4] =	sst s5  }
0xe: {  	[smem:$0x3FA5] =	sst s6  }
0xf: {  	[smem:$0x3FA6] =	sst s7  }
0x10: {  	[smem:$0x3FA7] =	sst s8  }
0x11: {  	[smem:$0x3FA8] =	sst s9;
	s0 =	simm.s32 @!p0 $0x0  }
0x12: {  	s1 =	sld [smem:$0x3F8E];
	s0 =	simm.s32 @p0 $0x1  }
0x13: {  	[smem:$0x3FA9] =	sst s0;
	s0 =	simm.s32 @!p1 $0x0  }
0x14: {  	s2 =	sld [smem:$0x3F8D];
	s0 =	simm.s32 @p1 $0x1  }
0x15: {  	[smem:$0x3FAA] =	sst s0;
	s0 =	simm.s32 @!p2 $0x0  }
0x16: {  	s3 =	sld [smem:$0x3FDB];
	s0 =	simm.s32 @p2 $0x1  }
0x17: {  	s4 =	simm.s32 $0x1BF5;
	[smem:$0x3FAC] =	sst s0  }
0x18: {  	s0 =	sld [smem:$0x3F8F];
	_ =	swait.ge [sflag:s4], $0x0  }
0x19: {  	s7 =	sld [smem:$0x3F90]  }
0x1a: {  	s8 =	sadd.s32 $0xFFFFE003, lr  }
0x1b: {  	s9 =	sadd.s32 $0xFFFFFEF7, lr;
	s5 =	simm.s32 $0xFFFFFFFF;
	p2 =	slt.u32 s8, $0xFFFFF086  }
0x1c: {  	p1 =	slt.u32 s9, $0xF7A;
	s5 =	simm.s32 @!p2 $0x0  }
0x1d: {  	s5 =	simm.s32 @p1 $0x1;
	p0 =	seq.s32 s7, s2  }
0x1e: {  	s7 =	smul.u32 @!p0 $0xF7A, s2;
	p2 =	seq.s32 @!p0 s5, $0x0  }
0x1f: {  	s9 =	smul.u32 $0xF7A, s1;
	s8 =	simm.s32 @!p0 $0x1BF5;
	p2 =	por !p2, p0  }
0x20: {  	[sflag:s8] =	ssyncset.s32 @!p0 $0xFFFFF086;
	s6 =	sadd.s32 @!p0 s3, s7;
	s7 =	simm.s32 @!p0 $0x108  }
0x21: {  	s3 =	sadd.s32 s3, s9;
	s6 =	sadd.s32 @!p0 $0x88, s6;
	s7 =	simm.s32 @p2 $0x1082  }
0x22: {  	[simem:s7], [sflag:s8] =	dma.local @!p0 [hbm:s6], $0xF7A  }
0x23: {  	s9 =	sor.u32 $0xD0000000, s2;
	s6 =	simm.s32 $0x108;
	_ =	swait.ge @!p0 [sflag:s8], $0x0  }
0x24: {  	s3 =	sadd.s32 $0x88, s3;
	s6 =	simm.s32 @!p1 $0x1082;
	[sflag:s4] =	ssyncset.s32 $0xFFFFF086  }
0x25: {  	[simem:s6], [sflag:s4] =	dma.local [hbm:s3], $0xF7A  }
0x26: {  	[smem:$0x3F90] =	sst s1;
	(tag) =	ssettag s2;
	_ =	strace s9  }
0x27: {  	s1 =	sld [smem:$0x3FA0]  }
0x28: {  	s2 =	sld [smem:$0x3FA1]  }
0x29: {  	s4 =	sld [smem:$0x3FA3]  }
0x2a: {  	p0 =	seq.s32 s5, $0x0;
	s5 =	sld [smem:$0x3FA4]  }
0x2b: {  	s6 =	sld [smem:$0x3FA5]  }
0x2c: {  	s7 =	sld [smem:$0x3FA6]  }
0x2d: {  	s3 =	simm.s32 $0x108;
	s8 =	sld [smem:$0x3FA7]  }
0x2e: {  	s3 =	simm.s32 @!p0 $0x1082;
	s9 =	sld [smem:$0x3FA8]  }
0x2f: {  	lr =	sadd.s32 s0, s3;
	s0 =	sld [smem:$0x3F9F]  }
0x30: {  	s3 =	sld [smem:$0x3FA2]  }
0x31: {  	[smem:$0x3FAB] =	sst s10  }
0x32: {  	s10 =	sld [smem:$0x3FA9];
	_ =	sdelay $0x3  }
0x33: {  	p0 =	seq.s32 s10, $0x1;
	s10 =	sld [smem:$0x3FAB];
	_ =	sdelay $0x3  }
0x34: {  	[smem:$0x3FAB] =	sst s10  }
0x35: {  	s10 =	sld [smem:$0x3FAA];
	_ =	sdelay $0x3  }
0x36: {  	p1 =	seq.s32 s10, $0x1;
	s10 =	sld [smem:$0x3FAB];
	_ =	sdelay $0x3  }
0x37: {  	[smem:$0x3FAB] =	sst s10  }
0x38: {  	s10 =	sld [smem:$0x3FAC]  }
0x39: {  	_ = 	snop;
	(pc) =	sbr.ind lr, $3  }
0x3a: {  	_ = 	snop  }
0x3b: {  	_ = 	snop  }
0x3c: {  	p2 =	seq.s32 s10, $0x1;
	s10 =	sld [smem:$0x3FAB]  }
0x3d: {  	_ =	shalt  }
0x3e: {  	_ =	shalt  }
0x3f: {  	_ =	shalt  }
0x40: {  	_ =	shalt  }
0x41: {  	_ =	shalt  }
0x42: {  	_ =	shalt  }
0x43: {  	_ =	shalt  }
0x44: {  	_ =	shalt  }
0x45: {  	_ =	shalt  }
0x46: {  	_ =	shalt  }
0x47: {  	_ =	shalt  }
0x48: {  	_ =	shalt  }
0x49: {  	_ =	shalt  }
0x4a: {  	_ =	shalt  }
0x4b: {  	_ =	shalt  }
0x4c: {  	_ =	shalt  }
0x4d: {  	_ =	shalt  }
0x4e: {  	_ =	shalt  }
0x4f: {  	_ =	shalt  }
0x50: {  	_ =	shalt  }
0x51: {  	_ =	shalt  }
0x52: {  	_ =	shalt  }
0x53: {  	_ =	shalt  }
0x54: {  	_ =	shalt  }
0x55: {  	_ =	shalt  }
0x56: {  	_ =	shalt  }
0x57: {  	_ =	shalt  }
0x58: {  	_ =	shalt  }
0x59: {  	_ =	shalt  }
0x5a: {  	_ =	shalt  }
0x5b: {  	_ =	shalt  }
0x5c: {  	_ =	shalt  }
0x5d: {  	_ =	shalt  }
0x5e: {  	_ =	shalt  }
0x5f: {  	_ =	shalt  }
0x60: {  	_ =	shalt  }
0x61: {  	_ =	shalt  }
0x62: {  	_ =	shalt  }
0x63: {  	_ =	shalt  }
0x64: {  	_ =	shalt  }
0x65: {  	_ =	shalt  }
0x66: {  	_ =	shalt  }
0x67: {  	_ =	shalt  }
0x68: {  	_ =	shalt  }
0x69: {  	_ =	shalt  }
0x6a: {  	_ =	shalt  }
0x6b: {  	_ =	shalt  }
0x6c: {  	_ =	shalt  }
0x6d: {  	_ =	shalt  }
0x6e: {  	_ =	shalt  }
0x6f: {  	_ =	shalt  }
0x70: {  	_ =	shalt  }
0x71: {  	_ =	shalt  }
0x72: {  	_ =	shalt  }
0x73: {  	_ =	shalt  }
0x74: {  	_ =	shalt  }
0x75: {  	_ =	shalt  }
0x76: {  	_ =	shalt  }
0x77: {  	_ =	shalt  }
0x78: {  	_ =	shalt  }
0x79: {  	_ =	shalt  }
0x7a: {  	_ =	shalt  }
0x7b: {  	_ =	shalt  }
0x7c: {  	_ =	shalt  }
0x7d: {  	_ =	shalt  }
0x7e: {  	_ =	shalt  }
0x7f: {  	_ =	shalt  }
0x80: {  	_ =	shalt  }
0x81: {  	_ =	shalt  }
0x82: {  	_ =	shalt  }
0x83: {  	_ =	shalt  }
0x84: {  	_ =	shalt  }
0x85: {  	_ =	shalt  }
0x86: {  	_ =	shalt  }
0x87: {  	_ =	shalt  }
.Lfunc_end0:
.L_simem_size_0:
called_computation_lowered:
.L_overlay_start_0:
0x88: {  	s2 =	sld [smem:$0x3FD9]  }
0x89: {  	s3 =	sld [smem:$0x3FFE];
	_ =	sdelay $0x1  }
0x8a: {  	s1 =	srdreg.scid  }
0x8b: {  	s0 =	sand.u32 $0x1, s1  }
0x8c: {  	s15 =	sshll.u32 s0, $0xA;
	s2 =	sadd.s32 s3, s2  }
0x8d: {  	s2 =	sadd.s32 s2, s15  }
0x8e: {  	[smem:$0x3FB7] =	sst s2  }
0x8f: {  	_ = 	snop  }
0x90: {  	s2 =	sld [smem:$0x3FD0];
	_ =	sdelay $0x2  }
0x91: {  	s16 =	simm.s32 $0xB;
	s4 =	simm.s32 $0x10  }
0x92: {  	[smem:s4], [sflag:s16] =	dma.local [hbm:s2], $0x1  }
0x93: {  	_ =	swait.eq [sflag:s16], $0x1  }
0x94: {  	[sflag:s16] =	ssyncset.done $0x0  }
0x95: {  	[sflag:s16] =	ssyncadd.s32 $0xFFFFFFFF  }
0x96: {  	s17 =	sld [smem:$0x10];
	(tm) =	ssettm $0x1  }
0x97: {  	s18 =	sld [smem:$0x3FFB];
	_ =	sdelay $0x3  }
0x98: {  	_ =	strace s18  }
0x99: {  	s2 =	sld [smem:$0x3FFC];
	_ =	sdelay $0x3  }
0x9a: {  	_ =	strace s2  }
0x9b: {  	s2 =	sld [smem:$0x3FFD];
	_ =	sdelay $0x3  }
0x9c: {  	_ =	strace s2  }
0x9d: {  	_ =	strace $0x8FFFFFFF  }
0x9e: {  	s19 =	sld [smem:$0x3FDB];
	_ =	sdelay $0x1  }
0x9f: {  	s20 =	simm.s32 $_scs_section_size  }
0xa0: {  	s5 =	simm.s32 $_size__tile_overlayer_lowered;
	s6 =	simm.s32 $_tile_overlayer_lowered  }
0xa1: {  	s7 =	simm.s32 $0x1BFF;
	s21 =	sshll.u32 s6, $0x1;
	s4 =	sadd.s32 s20, s19  }
0xa2: {  	s22 =	simm.s32 $0x0;
	s5 =	sshll.u32 s5, $0x1;
	s6 =	sadd.s32 s21, s4  }
0xa3: {  	[timem:s22], [sflag:s7] =	dma.local [hbm:s6], s5  }
0xa4: {  	_ =	swait.ge [sflag:s7], s5  }
0xa5: {  	s5 =	ssub.s32 $0x0, s5;
	[sflag:s7] =	ssyncset.done $0x0  }
0xa6: {  	[sflag:s7] =	ssyncadd.s32 s5;
	_ =	sdelay $0x1  }
0xa7: {  	s23 =	simm.s32 $0x1B8B  }
0xa8: {  	_ =	swait.ge [sflag:s23], $0x1  }
0xa9: {  	[sflag:s23] =	ssyncset.done $0x0  }
0xaa: {  	[sflag:s23] =	ssyncadd.s32 $0xFFFFFFFF  }
0xab: {  	s5 =	sld [smem:$0x0]  }
0xac: {  	s6 =	sand.u32 $0xFFFFFFFE, s1  }
0xad: {  	p0 =	sne.s32 s1, s6  }
0xae: {  	s6 =	sshll.u32 @p0 s6, $0xE  }
0xaf: {  	s6 =	sadd.s32 @p0 $0x11B8D, s6;
	s7 =	sshll.u32 @p0 s5, $0x11  }
0xb0: {  	s6 =	sor.u32 @p0 s7, s6  }
0xb1: {  	[sflag:s6] =	ssyncadd.remote.s32 @p0 $0x1;
	_ =	sdelay $0x1  }
0xb2: {  	s6 =	simm.s32 @p0 $0x1B8D  }
0xb3: {  	_ =	swait.eq @p0 [sflag:s6], $0x1  }
0xb4: {  	[sflag:s6] =	ssyncadd.s32 @p0 $0xFFFFFFFF  }
0xb5: {  	s7 =	sshll.u32 @!p0 s1, $0xE  }
0xb6: {  	s7 =	sor.u32 @!p0 $0x4000, s7;
	s6 =	simm.s32 @!p0 $0x1B8D  }
0xb7: {  	s5 =	sshll.u32 @!p0 s5, $0x11;
	s7 =	sadd.s32 @!p0 $0x11B8D, s7;
	_ =	swait.eq @!p0 [sflag:s6], $0x1  }
0xb8: {  	s5 =	sor.u32 @!p0 s5, s7;
	[sflag:s6] =	ssyncadd.s32 @!p0 $0xFFFFFFFF  }
0xb9: {  	s25 =	simm.s32 $0x1B8E;
	s24 =	sld [smem:$0x3FFE];
	[sflag:s5] =	ssyncadd.remote.s32 @!p0 $0x1  }
0xba: {  	s26 =	simm.s32 $execute0_lowered;
	[smem:$0x3FD2] =	sst s25  }
0xbb: {  	s6 =	sshll.u32 s26, $0x1;
	_ =	strace $0x80000049;
	[dreg:$0x1] =	wrdreg $0xFFFFFFFF  }
0xbc: {  	s28 =	simm.s32 $_size_execute0_lowered;
	s4 =	sadd.s32 s4, s6;
	[dreg:$0x0] =	wrdreg $0x0  }
0xbd: {  	s6 =	sshll.u32 s28, $0x1;
	[dreg:$0x2] =	wrdreg s4  }
0xbe: {  	[dreg:$0x3] =	wrdreg s6  }
0xbf: {  	[dreg:$0x4] =	wrdreg $0xC0  }
0xc0: {  	_ =	task [dreg:s22], $0x5FFFF  }
0xc1: {  	[dreg:$0x1] =	wrdreg $0xFFFFFFFF  }
0xc2: {  	[dreg:$0x0] =	wrdreg $0x60  }
0xc3: {  	[dreg:$0x2] =	wrdreg s24  }
0xc4: {  	[dreg:$0x3] =	wrdreg s17  }
0xc5: {  	[dreg:$0x4] =	wrdreg $0x9  }
0xc6: {  	_ =	task.clear_ibuf [dreg:s22], $0x5FFFF;
	_ =	strace $0x90000049  }
0xc7: {  	s29 =	simm.s32 $0x9;
	_ =	strace $0x8000004B  }
0xc8: {  	_ =	swait.ge [sflag:s29], $0x1  }
0xc9: {  	[sflag:s29] =	ssyncadd.s32 $0xFFFFFFFF  }
0xca: {  	_ =	strace $0x9000004B  }
0xcb: {  	_ =	sfence  }
0xcc: {  	s30 =	sld [smem:$0x0];
	_ =	sdelay $0x2  }
0xcd: {  	s31 =	sshll.u32 s1, $0xD;
	s1 =	sshrl.u32 s1, $0x2  }
0xce: {  	s4 =	sand.u32 $0x4000, s31;
	s1 =	sadd.s32 s1, s30  }
0xcf: {  	s0 =	sor.u32 s4, s0;
	s1 =	sshll.u32 s1, $0x11  }
0xd0: {  	s0 =	sor.u32 s1, s0  }
0xd1: {  	s0 =	sadd.s32 $0x8F2B, s0  }
0xd2: {  	[sflag:s0] =	ssyncadd.remote.s32 $0x1  }
0xd3: {  	_ =	sfence.sel $0xFFFF  }
0xd4: {  	[dreg:$0x0] =	wrdreg $0xFFFFFFFF;
	(pc) =	sbr.abs _section_cstart, $3  }
0xd5: {  	[dreg:$0x1] =	wrdreg $0xFFFFFFFF  }
0xd6: {  	_ =	task.clear_ibuf [dreg:s22], $0x2FFFF;
	_ =	strace $0x9FFFFFFF  }
0xd7: {  	(tm) =	ssettm $0x7FFFFFFF  }
tec
execute0_lowered:
.L_overlay_start_1:
0x0: {  	(tag) =	ssettag $0x1  }
0x1: {  	s0 =	rddreg [dreg:$0x0]  }
0x2: {  	s2 =	rddreg [dreg:$0x1]  }
0x3: {  	s1 =	simm.s32 $0x0;
	s3 =	srdreg.scid;
	s7 =	stileid.u32  }
0x4: {  	s20 =	simm.s32 $0x53C0;
	s22 =	simm.s32 $0xA0;
	s28 =	simm.s32 $0xF0  }
0x5: {  	s29 =	simm.s32 $0x2;
	s30 =	simm.s32 $0x1540;
	[smem:$0x7FF] =	sst s1  }
0x6: {  	s5 =	sand.u32 $0x1, s3;
	s3 =	sadd.s32 $0x17800, s0;
	s4 =	sadd.s32 $0x3E00, s0  }
0x7: {  	s23 =	sadd.s32 $0x34E00, s0;
	s8 =	sadd.s32 $0x184800, s0;
	s6 =	sshll.u32 s5, $0x4  }
0x8: {  	s9 =	sadd.s32 $0x189800, s0;
	_ =	strace $0x8000004A;
	s10 =	sor.u32 s7, s6  }
0x9: {  	[dreg:$0x3] =	wrdreg s23;
	s24 =	ssub.s32 $0x2, s5;
	s7 =	smul.u32 $0x13B0, s10  }
0xa: {  	s23 =	simm.s32 $0x1;
	s5 =	sshrl.u32 s24, $0x1;
	s12 =	smul.u32 $0x9D8, s10  }
0xb: {  	s6 =	sadd.s32 $0x17F800, s0;
	s0 =	ssub.s32 s24, s5;
	s26 =	smul.u32 $0x4EC00, s10  }
0xc: {  	s10 =	smul.u32 $0x4EC0, s10;
	s24 =	simm.s32 $0x50;
	s0 =	smax.u32 s0, $0x1  }
0xd: {  	s11 =	sshrl.u32 s7, $0x3;
	s14 =	sadd.s32 s2, s12;
	s15 =	sadd.s32 $0xA0, s7  }
0xe: {  	s5 =	sshrl.u32 s26, $0x3;
	s10 =	sshrl.u32 s10, $0x3;
	s16 =	sadd.s32 $0xF0, s7  }
0xf: {  	[dreg:$0xa] =	wrdreg s0;
	s26 =	simm.s32 $0x2940;
	s25 =	sadd.s32 s6, s11  }
0x10: {  	s13 =	sadd.s32 s8, s11;
	s11 =	sadd.s32 $0xA, s11;
	[dreg:$0x4] =	wrdreg s25  }
0x11: {  	s0 =	simm.s32 $0x3;
	[dreg:$0x5] =	wrdreg s13;
	s31 =	sadd.s32 s6, s11  }
0x12: {  	s5 =	sadd.s32 s9, s5;
	s11 =	sadd.s32 s8, s11;
	[dreg:$0x6] =	wrdreg s31  }
0x13: {  	s2 =	sadd.s32 s2, s10;
	s5 =	sadd.s32 $0x9B00, s5;
	[dreg:$0x7] =	wrdreg s11  }
0x14: {  	s10 =	simm.s32 $0x4;
	s2 =	sadd.s32 $0x9B0, s2;
	[dreg:$0x8] =	wrdreg s5  }
0x15: {  	v0 =	vlaneseq.u32;
	s25 =	simm.s32 $0x140;
	s13 =	simm.s32 $0x0;
	[dreg:$0x9] =	wrdreg s2  }
0x16: {  	v1 =	vimm.f32 $0.0e+00;
	v0 =	vmul.u32 $0x4, v0;
	s2 =	simm.s32 $0x5140;
	s5 =	simm.s32 $0x5;
	s11 =	simm.s32 $0x5280  }
.LBB2_1:
0x17: {  	[dreg:$0xb] =	wrdreg s13  }
0x18: {  	s12 =	rddreg [dreg:$0x3];
	s17 =	simm.s32 $0x7  }
0x19: {  	[tilespmem:s20], [sflag:$0x7] =	stream.linear.gather [hbm4b:s12+s1], $0x9C40, $0x38;
	[tilespmem:$0xF000] =	vst v63  }
0x1a: {  	_ =	swait.ge [sflag:s17], $0x9C40  }
0x1b: {  	[sflag:s17] =	ssyncset.done $0x0  }
0x1c: {  	s18 =	rddreg [dreg:$0x4];
	[sflag:s17] =	ssyncadd.s32 $0xFFFF63C0  }
0x1d: {  	[tilespmem:s1], [sflag:$0x1] =	stream.linear.gather [hbm4b:s18+s1], $0x50, $0x38;
	[tilespmem:$0xF000] =	vst v63  }
0x1e: {  	s19 =	rddreg [dreg:$0x5]  }
0x1f: {  	[tilespmem:s22], [sflag:$0x1] =	stream.linear.gather [hbm4b:s19+s1], $0x50, $0x38;
	[tilespmem:$0xF000] =	vst v63  }
0x20: {  	_ =	swait.ge [sflag:s23], $0x50  }
0x21: {  	[sflag:s23] =	ssyncset.done $0x0  }
0x22: {  	[sflag:s23] =	ssyncadd.s32 $0xFFFFFFB0  }
0x23: {  	_ =	swait.ge [sflag:s23], $0x50  }
0x24: {  	[sflag:s23] =	ssyncset.done $0x0  }
0x25: {  	[sflag:s23] =	ssyncadd.s32 $0xFFFFFFB0  }
0x26: {  	[tilespmem:s25], [sflag:$0x3] =	stream.indirect.gather [hbm4b:s3+s24], $0x40, s1, s24, $0xb8;
	[tilespmem:$0xF000] =	vst v63  }
0x27: {  	_ = 	snop  }
0x28: {  	[tilespmem:s26], [sflag:$0x3] =	stream.indirect.gather [hbm4b:s4+s24], $0x40, s22, s24, $0xb8;
	[tilespmem:$0xF000] =	vst v63  }
0x29: {  	s21 =	rddreg [dreg:$0x6]  }
0x2a: {  	[tilespmem:s24], [sflag:$0x2] =	stream.linear.gather [hbm4b:s21+s1], $0x50, $0x38;
	[tilespmem:$0xF000] =	vst v63  }
0x2b: {  	s17 =	simm.s32 $0x0;
	s31 =	rddreg [dreg:$0x7]  }
0x2c: {  	[tilespmem:s28], [sflag:$0x2] =	stream.linear.gather [hbm4b:s31+s1], $0x50, $0x38;
	[tilespmem:$0xF000] =	vst v63  }
.LBB2_2:
0x2d: {  	_ =	swait.ge [sflag:s29], $0x50  }
0x2e: {  	[sflag:s29] =	ssyncset.done $0x0  }
0x2f: {  	[sflag:s29] =	ssyncadd.s32 $0xFFFFFFB0  }
0x30: {  	_ =	swait.ge [sflag:s29], $0x50  }
0x31: {  	p0 =	seq.s32 s17, $0x0;
	[sflag:s29] =	ssyncset.done $0x0  }
0x32: {  	s12 =	simm.s32 @!p0 $0x6;
	[sflag:s29] =	ssyncadd.s32 $0xFFFFFFB0  }
0x33: {  	_ =	swait.ge @!p0 [sflag:s12], $0x1400  }
0x34: {  	[sflag:s12] =	ssyncset.done @!p0 $0x0  }
0x35: {  	[sflag:s12] =	ssyncadd.s32 @!p0 $0xFFFFEC00  }
0x36: {  	_ =	swait.ge @!p0 [sflag:s12], $0x140  }
0x37: {  	[sflag:s12] =	ssyncset.done @!p0 $0x0  }
0x38: {  	[sflag:s12] =	ssyncadd.s32 @!p0 $0xFFFFFEC0  }
0x39: {  	[tilespmem:s30], [sflag:$0x4] =	stream.indirect.gather [hbm4b:s3+s24], $0x40, s24, s24, $0xb8;
	[tilespmem:$0xF000] =	vst v63  }
0x3a: {  	s31 =	simm.s32 $0x3D40  }
0x3b: {  	[tilespmem:s31], [sflag:$0x4] =	stream.indirect.gather [hbm4b:s4+s24], $0x40, s28, s24, $0xb8;
	[tilespmem:$0xF000] =	vst v63  }
0x3c: {  	_ =	swait.ge [sflag:s0], $0x1400  }
0x3d: {  	[sflag:s0] =	ssyncset.done $0x0  }
0x3e: {  	[sflag:s0] =	ssyncadd.s32 $0xFFFFEC00  }
0x3f: {  	_ =	swait.ge [sflag:s0], $0x1400  }
0x40: {  	[sflag:s0] =	ssyncset.done $0x0  }
0x41: {  	s12 =	simm.s32 $0x0;
	[sflag:s0] =	ssyncadd.s32 $0xFFFFEC00  }
0x42: {  	v6 =	vld [tilespmem:s12+$0x2940]  }
0x43: {  	v8 =	vld [tilespmem:s12+$0x2950]  }
0x44: {  	v3 =	vld [tilespmem:s12+$0x2960]  }
0x45: {  	v2 =	vld [tilespmem:s12+$0x2970]  }
0x46: {  	v4 =	vld [tilespmem:s12+$0x140]  }
0x47: {  	v5 =	vld [tilespmem:s12+$0x150]  }
0x48: {  	s18 =	sshllo.u32 s17, $0x1;
	s19 =	simm.s32 $0x0;
	s13 =	simm.s32 $0x100;
	v7 =	vld [tilespmem:s12+$0x160]  }
.LBB2_3:
0x49: {  	s21 =	sshra.s32 s13, $0x2;
	p0 =	sne.s32 s13, $0x4F00;
	v9 =	vld [tilespmem:s12+$0x170];
	v10 =	vmov v3  }
0x4a: {  	v11 =	vld [tilespmem:s21+$0x2940];
	v12 =	vmov v2  }
0x4b: {  	v13 =	vld [tilespmem:s21+$0x2950];
	v4 =	vadd.f32 v6, v4  }
.Ltmp0:
0x4c: {  	v3 =	vld [tilespmem:s21+$0x2960];
	v5 =	vadd.f32 v8, v5;
	(pc) =	sbr.rel @p0 .LBB2_3-.Ltmp0, $4  }
0x4d: {  	v2 =	vld [tilespmem:s21+$0x2970];
	[tilespmem:s12+$0x140] =	vst v4;
	v7 =	vadd.f32 v10, v7  }
0x4e: {  	v4 =	vld [tilespmem:s21+$0x140];
	[tilespmem:s12+$0x150] =	vst v5;
	v9 =	vadd.f32 v12, v9  }
0x4f: {  	v5 =	vld [tilespmem:s21+$0x150];
	[tilespmem:s12+$0x160] =	vst v7;
	v6 =	vmov v11  }
0x50: {  	s13 =	sadd.s32 $0x100, s13;
	v7 =	vld [tilespmem:s21+$0x160];
	[tilespmem:s12+$0x170] =	vst v9;
	v8 =	vmov v13;
	s12 =	smov.u32 s21  }
0x51: {  	v9 =	vld [tilespmem:s12+$0x170];
	_ =	sdelay $0x1  }
0x52: {  	v4 =	vadd.f32 v6, v4  }
0x53: {  	v5 =	vadd.f32 v8, v5  }
0x54: {  	[tilespmem:s12+$0x140] =	vst v4;
	v3 =	vadd.f32 v3, v7  }
0x55: {  	[tilespmem:s12+$0x150] =	vst v5;
	v2 =	vadd.f32 v2, v9  }
0x56: {  	[tilespmem:s12+$0x160] =	vst v3  }
0x57: {  	[tilespmem:s12+$0x170] =	vst v2  }
0x58: {  	s21 =	simm.s32 $0xA0;
	v2 =	vld [tilespmem:s19+$0x0]  }
0x59: {  	v3 =	vld [tilespmem:s21+$0x0];
	_ =	sdelay $0x6  }
0x5a: {  	v4 =	vld.idx.msk [tilespmem:v2+s20+$0x0], $0xffff  }
0x5b: {  	v6 =	vmov s19;
	v5 =	vld.idx.msk [tilespmem:v3+s20+$0x0], $0xffff  }
0x5c: {  	v6 =	vshll.u32 v6, $0x2  }
0x5d: {  	v6 =	vor.u32 v0, v6  }
0x5e: {  	v7 =	vadd.s32 $0x2710, v3  }
0x5f: {  	v63 =	vadd.s32 $0x2710, v2  }
0x60: {  	v4 =	vsub.f32 v4, v5;
	_ =	sdelay $0x1  }
0x61: {  	[tilespmem:v6+s2+$0x0] =	vst.idx.msk $0xffff, v4  }
0x62: {  	v4 =	vld.idx.msk [tilespmem:v7+s20+$0x0], $0xffff  }
0x63: {  	v5 =	vld.idx.msk [tilespmem:v63+s20+$0x0], $0xffff;
	_ =	sdelay $0x1  }
0x64: {  	v7 =	vor.u32 $0x1, v6  }
0x65: {  	v2 =	vadd.s32 $0x4E20, v2  }
0x66: {  	v3 =	vadd.s32 $0x4E20, v3  }
0x67: {  	v4 =	vsub.f32 v5, v4;
	_ =	sdelay $0x1  }
0x68: {  	[tilespmem:v7+s2+$0x0] =	vst.idx.msk $0xffff, v4  }
0x69: {  	v4 =	vld.idx.msk [tilespmem:v2+s20+$0x0], $0xffff  }
0x6a: {  	v5 =	vld.idx.msk [tilespmem:v3+s20+$0x0], $0xffff;
	_ =	sdelay $0x1  }
0x6b: {  	v3 =	vor.u32 $0x2, v6  }
0x6c: {  	v2 =	vor.u32 $0x3, v6;
	_ =	sdelay $0x1  }
0x6d: {  	s12 =	simm.s32 $0x10;
	v4 =	vsub.f32 v4, v5  }
.LBB2_5:
0x6e: {  	p0 =	sne.s32 s12, $0x40;
	s19 =	sadd.s32 $0x10, s19;
	s21 =	sadd.s32 $0x10, s21  }
0x6f: {  	s13 =	smov.u32 s12;
	s12 =	sadd.s32 $0x10, s12;
	[tilespmem:v3+s2+$0x0] =	vst.idx.msk $0xffff, v4  }
0x70: {  	[tilespmem:v2+s2+$0x0] =	vst.idx.msk $0xffff, v1  }
0x71: {  	v2 =	vld [tilespmem:s19+$0x0]  }
0x72: {  	v3 =	vld [tilespmem:s21+$0x0];
	_ =	sdelay $0x6  }
0x73: {  	v4 =	vld.idx.msk [tilespmem:v2+s20+$0x0], $0xffff  }
0x74: {  	v5 =	vld.idx.msk [tilespmem:v3+s20+$0x0], $0xffff  }
0x75: {  	v6 =	vmov s13  }
0x76: {  	v6 =	vshll.u32 v6, $0x2  }
0x77: {  	v6 =	vor.u32 v0, v6  }
0x78: {  	v7 =	vadd.s32 $0x2710, v2;
	v8 =	vadd.s32 $0x2710, v3;
	_ =	sdelay $0x1  }
0x79: {  	v4 =	vsub.f32 v4, v5;
	_ =	sdelay $0x1  }
0x7a: {  	[tilespmem:v6+s2+$0x0] =	vst.idx.msk $0xffff, v4  }
0x7b: {  	v4 =	vld.idx.msk [tilespmem:v8+s20+$0x0], $0xffff  }
0x7c: {  	v5 =	vld.idx.msk [tilespmem:v7+s20+$0x0], $0xffff;
	_ =	sdelay $0x1  }
0x7d: {  	v7 =	vor.u32 $0x1, v6;
	_ =	sdelay $0x1  }
0x7e: {  	v2 =	vadd.s32 $0x4E20, v2;
	v3 =	vadd.s32 $0x4E20, v3;
	_ =	sdelay $0x1  }
0x7f: {  	v4 =	vsub.f32 v5, v4;
	_ =	sdelay $0x1  }
0x80: {  	[tilespmem:v7+s2+$0x0] =	vst.idx.msk $0xffff, v4  }
0x81: {  	v4 =	vld.idx.msk [tilespmem:v2+s20+$0x0], $0xffff  }
0x82: {  	v5 =	vld.idx.msk [tilespmem:v3+s20+$0x0], $0xffff  }
0x83: {  	v3 =	vor.u32 $0x2, v6  }
.Ltmp1:
0x84: {  	v2 =	vor.u32 $0x3, v6;
	(pc) =	sbr.rel @p0 .LBB2_5-.Ltmp1, $2  }
0x85: {  	_ =	sdelay $0x2  }
0x86: {  	v4 =	vsub.f32 v4, v5  }
0x87: {  	_ = 	snop  }
0x88: {  	s19 =	smul.u32 $0xA0, s17;
	_ =	sdelay $0x1  }
0x89: {  	s21 =	smul.u32 $0x50, s17;
	s12 =	sadd.s32 s7, s19  }
0x8a: {  	s13 =	simm.s32 $0x0;
	[tilespmem:v3+s2+$0x0] =	vst.idx.msk $0xffff, v4;
	s12 =	sshll.u32 s12, $0x3  }
0x8b: {  	[tilespmem:v2+s2+$0x0] =	vst.idx.msk $0xffff, v1;
	s31 =	sadd.s32 s21, s14;
	s21 =	sadd.s32 s19, s15;
	s12 =	sadd.s32 s9, s12  }
0x8c: {  	[hbm4b:s12+s13] =	stream.linear.scatter [tilespmem:s25], [sflag:$0x5], $0x1400, $0x38;
	[tilespmem:$0xF000] =	vst v63  }
0x8d: {  	s12 =	sshrl.u32 s21, $0x3  }
0x8e: {  	[hbm4b:s31+s13] =	stream.linear.scatter [tilespmem:s2], [sflag:$0x5], $0x140, $0x38;
	[tilespmem:$0xF000] =	vst v63  }
0x8f: {  	s31 =	sadd.s32 s6, s12  }
0x90: {  	[tilespmem:s13], [sflag:$0x1] =	stream.linear.gather [hbm4b:s31+s13], $0x50, $0x38;
	[tilespmem:$0xF000] =	vst v63  }
0x91: {  	s12 =	sadd.s32 s8, s12  }
0x92: {  	[tilespmem:s22], [sflag:$0x1] =	stream.linear.gather [hbm4b:s12+s13], $0x50, $0x38;
	[tilespmem:$0xF000] =	vst v63  }
0x93: {  	_ =	swait.ge [sflag:s23], $0x50  }
0x94: {  	[sflag:s23] =	ssyncset.done $0x0  }
0x95: {  	[sflag:s23] =	ssyncadd.s32 $0xFFFFFFB0  }
0x96: {  	_ =	swait.ge [sflag:s23], $0x50  }
0x97: {  	[sflag:s23] =	ssyncset.done $0x0  }
0x98: {  	[sflag:s23] =	ssyncadd.s32 $0xFFFFFFB0  }
0x99: {  	_ =	swait.ge [sflag:s5], $0x1400  }
0x9a: {  	[sflag:s5] =	ssyncset.done $0x0  }
0x9b: {  	[sflag:s5] =	ssyncadd.s32 $0xFFFFEC00  }
0x9c: {  	_ =	swait.ge [sflag:s5], $0x140  }
0x9d: {  	[sflag:s5] =	ssyncset.done $0x0  }
0x9e: {  	[sflag:s5] =	ssyncadd.s32 $0xFFFFFEC0  }
0x9f: {  	[tilespmem:s25], [sflag:$0x3] =	stream.indirect.gather [hbm4b:s3+s24], $0x40, s13, s24, $0xb8;
	[tilespmem:$0xF000] =	vst v63  }
0xa0: {  	_ = 	snop  }
0xa1: {  	[tilespmem:s26], [sflag:$0x3] =	stream.indirect.gather [hbm4b:s4+s24], $0x40, s22, s24, $0xb8;
	[tilespmem:$0xF000] =	vst v63  }
0xa2: {  	_ =	swait.ge [sflag:s10], $0x1400  }
0xa3: {  	[sflag:s10] =	ssyncset.done $0x0  }
0xa4: {  	[sflag:s10] =	ssyncadd.s32 $0xFFFFEC00  }
0xa5: {  	_ =	swait.ge [sflag:s10], $0x1400  }
0xa6: {  	[sflag:s10] =	ssyncset.done $0x0  }
0xa7: {  	s12 =	simm.s32 $0x0;
	[sflag:s10] =	ssyncadd.s32 $0xFFFFEC00  }
0xa8: {  	v7 =	vld [tilespmem:s12+$0x3D40]  }
0xa9: {  	v8 =	vld [tilespmem:s12+$0x3D50]  }
0xaa: {  	v3 =	vld [tilespmem:s12+$0x3D60]  }
0xab: {  	v2 =	vld [tilespmem:s12+$0x3D70]  }
0xac: {  	v4 =	vld [tilespmem:s12+$0x1540]  }
0xad: {  	v6 =	vld [tilespmem:s12+$0x1550]  }
0xae: {  	s21 =	simm.s32 $0x100;
	v5 =	vld [tilespmem:s12+$0x1560]  }
.LBB2_7:
0xaf: {  	s31 =	sshra.s32 s21, $0x2;
	p0 =	sne.s32 s21, $0x4F00;
	v9 =	vld [tilespmem:s12+$0x1570];
	v10 =	vmov v3  }
0xb0: {  	v11 =	vld [tilespmem:s31+$0x3D40];
	v12 =	vmov v2  }
0xb1: {  	v13 =	vld [tilespmem:s31+$0x3D50];
	v4 =	vadd.f32 v7, v4  }
.Ltmp2:
0xb2: {  	v3 =	vld [tilespmem:s31+$0x3D60];
	v6 =	vadd.f32 v8, v6;
	(pc) =	sbr.rel @p0 .LBB2_7-.Ltmp2, $4  }
0xb3: {  	v2 =	vld [tilespmem:s31+$0x3D70];
	[tilespmem:s12+$0x1540] =	vst v4;
	v5 =	vadd.f32 v10, v5  }
0xb4: {  	v4 =	vld [tilespmem:s31+$0x1540];
	[tilespmem:s12+$0x1550] =	vst v6;
	v9 =	vadd.f32 v12, v9  }
0xb5: {  	v6 =	vld [tilespmem:s31+$0x1550];
	[tilespmem:s12+$0x1560] =	vst v5;
	v7 =	vmov v11  }
0xb6: {  	s21 =	sadd.s32 $0x100, s21;
	v5 =	vld [tilespmem:s31+$0x1560];
	[tilespmem:s12+$0x1570] =	vst v9;
	v8 =	vmov v13;
	s12 =	smov.u32 s31  }
0xb7: {  	v9 =	vld [tilespmem:s12+$0x1570];
	_ =	sdelay $0x1  }
0xb8: {  	v4 =	vadd.f32 v7, v4  }
0xb9: {  	v6 =	vadd.f32 v8, v6  }
0xba: {  	[tilespmem:s12+$0x1540] =	vst v4;
	v3 =	vadd.f32 v3, v5  }
0xbb: {  	[tilespmem:s12+$0x1550] =	vst v6;
	v2 =	vadd.f32 v2, v9  }
0xbc: {  	[tilespmem:s12+$0x1560] =	vst v3  }
0xbd: {  	s21 =	simm.s32 $0x50;
	[tilespmem:s12+$0x1570] =	vst v2  }
0xbe: {  	s12 =	simm.s32 $0xF0;
	v2 =	vld [tilespmem:s21+$0x0]  }
0xbf: {  	v3 =	vld [tilespmem:s12+$0x0];
	_ =	sdelay $0x6  }
0xc0: {  	v4 =	vld.idx.msk [tilespmem:v2+s20+$0x0], $0xffff  }
0xc1: {  	v6 =	vmov s13;
	v5 =	vld.idx.msk [tilespmem:v3+s20+$0x0], $0xffff  }
0xc2: {  	v6 =	vshll.u32 v6, $0x2  }
0xc3: {  	v6 =	vor.u32 v0, v6  }
0xc4: {  	v7 =	vadd.s32 $0x2710, v3  }
0xc5: {  	v63 =	vadd.s32 $0x2710, v2  }
0xc6: {  	v4 =	vsub.f32 v4, v5;
	_ =	sdelay $0x1  }
0xc7: {  	[tilespmem:v6+s11+$0x0] =	vst.idx.msk $0xffff, v4  }
0xc8: {  	v4 =	vld.idx.msk [tilespmem:v7+s20+$0x0], $0xffff  }
0xc9: {  	v5 =	vld.idx.msk [tilespmem:v63+s20+$0x0], $0xffff;
	_ =	sdelay $0x1  }
0xca: {  	v7 =	vor.u32 $0x1, v6  }
0xcb: {  	v2 =	vadd.s32 $0x4E20, v2  }
0xcc: {  	v3 =	vadd.s32 $0x4E20, v3  }
0xcd: {  	v4 =	vsub.f32 v5, v4;
	_ =	sdelay $0x1  }
0xce: {  	[tilespmem:v7+s11+$0x0] =	vst.idx.msk $0xffff, v4  }
0xcf: {  	v4 =	vld.idx.msk [tilespmem:v2+s20+$0x0], $0xffff  }
0xd0: {  	v5 =	vld.idx.msk [tilespmem:v3+s20+$0x0], $0xffff;
	_ =	sdelay $0x1  }
0xd1: {  	v3 =	vor.u32 $0x2, v6  }
0xd2: {  	v2 =	vor.u32 $0x3, v6;
	_ =	sdelay $0x1  }
0xd3: {  	s13 =	simm.s32 $0x10;
	v4 =	vsub.f32 v4, v5  }
.LBB2_9:
0xd4: {  	p0 =	sne.s32 s13, $0x40;
	s21 =	sadd.s32 $0x10, s21;
	s12 =	sadd.s32 $0x10, s12  }
0xd5: {  	s31 =	smov.u32 s13;
	s13 =	sadd.s32 $0x10, s13;
	[tilespmem:v3+s11+$0x0] =	vst.idx.msk $0xffff, v4  }
0xd6: {  	[tilespmem:v2+s11+$0x0] =	vst.idx.msk $0xffff, v1  }
0xd7: {  	v2 =	vld [tilespmem:s21+$0x0]  }
0xd8: {  	v3 =	vld [tilespmem:s12+$0x0];
	_ =	sdelay $0x6  }
0xd9: {  	v4 =	vld.idx.msk [tilespmem:v2+s20+$0x0], $0xffff  }
0xda: {  	v5 =	vld.idx.msk [tilespmem:v3+s20+$0x0], $0xffff  }
0xdb: {  	v6 =	vmov s31  }
0xdc: {  	v6 =	vshll.u32 v6, $0x2  }
0xdd: {  	v6 =	vor.u32 v0, v6  }
0xde: {  	v7 =	vadd.s32 $0x2710, v2;
	v8 =	vadd.s32 $0x2710, v3;
	_ =	sdelay $0x1  }
0xdf: {  	v4 =	vsub.f32 v4, v5;
	_ =	sdelay $0x1  }
0xe0: {  	[tilespmem:v6+s11+$0x0] =	vst.idx.msk $0xffff, v4  }
0xe1: {  	v4 =	vld.idx.msk [tilespmem:v8+s20+$0x0], $0xffff  }
0xe2: {  	v5 =	vld.idx.msk [tilespmem:v7+s20+$0x0], $0xffff;
	_ =	sdelay $0x1  }
0xe3: {  	v7 =	vor.u32 $0x1, v6;
	_ =	sdelay $0x1  }
0xe4: {  	v2 =	vadd.s32 $0x4E20, v2;
	v3 =	vadd.s32 $0x4E20, v3;
	_ =	sdelay $0x1  }
0xe5: {  	v4 =	vsub.f32 v5, v4;
	_ =	sdelay $0x1  }
0xe6: {  	[tilespmem:v7+s11+$0x0] =	vst.idx.msk $0xffff, v4  }
0xe7: {  	v4 =	vld.idx.msk [tilespmem:v2+s20+$0x0], $0xffff  }
0xe8: {  	v5 =	vld.idx.msk [tilespmem:v3+s20+$0x0], $0xffff  }
0xe9: {  	v3 =	vor.u32 $0x2, v6  }
.Ltmp3:
0xea: {  	v2 =	vor.u32 $0x3, v6;
	(pc) =	sbr.rel @p0 .LBB2_9-.Ltmp3, $2  }
0xeb: {  	_ =	sdelay $0x2  }
0xec: {  	v4 =	vsub.f32 v4, v5  }
0xed: {  	s12 =	smul.u32 $0x50, s18;
	_ =	sdelay $0x1  }
0xee: {  	s12 =	sadd.s32 s7, s12  }
0xef: {  	p0 =	seq.s32 s17, $0x1E;
	s12 =	sshll.u32 s12, $0x3  }
.Ltmp4:
0xf0: {  	[tilespmem:v3+s11+$0x0] =	vst.idx.msk $0xffff, v4;
	s12 =	sand.u32 $0x1FFFFF80, s12;
	(pc) =	sbr.rel @p0 .LBB2_12-.Ltmp4, $4  }
0xf1: {  	s13 =	smul.u32 $0x28, s18;
	[tilespmem:v2+s11+$0x0] =	vst.idx.msk $0xffff, v1;
	s12 =	sadd.s32 s9, s12  }
0xf2: {  	[hbm4b:s12+s1] =	stream.linear.scatter [tilespmem:s30], [sflag:$0x6], $0x1400, $0x38;
	[tilespmem:$0xF000] =	vst v63  }
0xf3: {  	s31 =	sadd.s32 s13, s14  }
0xf4: {  	[hbm4b:s31+s1] =	stream.linear.scatter [tilespmem:s11], [sflag:$0x6], $0x140, $0x38;
	[tilespmem:$0xF000] =	vst v63  }
0xf5: {  	s12 =	sadd.s32 s19, s16  }
.Ltmp5:
0xf6: {  	s12 =	sshrl.u32 s12, $0x3;
	(pc) =	sbr.rel .LBB2_2-.Ltmp5, $4  }
0xf7: {  	s13 =	sadd.s32 s6, s12  }
0xf8: {  	[tilespmem:s24], [sflag:$0x2] =	stream.linear.gather [hbm4b:s13+s1], $0x50, $0x38;
	[tilespmem:$0xF000] =	vst v63  }
0xf9: {  	s17 =	sadd.s32 $0x1, s17;
	s12 =	sadd.s32 s8, s12  }
0xfa: {  	[tilespmem:s28], [sflag:$0x2] =	stream.linear.gather [hbm4b:s12+s1], $0x50, $0x38;
	[tilespmem:$0xF000] =	vst v63  }
.LBB2_12:
0xfb: {  	_ =	swait.ge [sflag:s0], $0x1400  }
0xfc: {  	[sflag:s0] =	ssyncset.done $0x0  }
0xfd: {  	[sflag:s0] =	ssyncadd.s32 $0xFFFFEC00  }
0xfe: {  	_ =	swait.ge [sflag:s0], $0x1400  }
0xff: {  	[sflag:s0] =	ssyncset.done $0x0  }
0x100: {  	s12 =	simm.s32 $0x0;
	[sflag:s0] =	ssyncadd.s32 $0xFFFFEC00  }
0x101: {  	v7 =	vld [tilespmem:s12+$0x2940]  }
0x102: {  	v8 =	vld [tilespmem:s12+$0x2950]  }
0x103: {  	v3 =	vld [tilespmem:s12+$0x2960]  }
0x104: {  	v2 =	vld [tilespmem:s12+$0x2970]  }
0x105: {  	v4 =	vld [tilespmem:s12+$0x140]  }
0x106: {  	v5 =	vld [tilespmem:s12+$0x150]  }
0x107: {  	s17 =	simm.s32 $0x0;
	s13 =	simm.s32 $0x100;
	v6 =	vld [tilespmem:s12+$0x160]  }
.LBB2_13:
0x108: {  	s18 =	sshra.s32 s13, $0x2;
	p0 =	sne.s32 s13, $0x4F00;
	v9 =	vld [tilespmem:s12+$0x170];
	v10 =	vmov v3  }
0x109: {  	v11 =	vld [tilespmem:s18+$0x2940];
	v12 =	vmov v2  }
0x10a: {  	v13 =	vld [tilespmem:s18+$0x2950];
	v4 =	vadd.f32 v7, v4  }
.Ltmp6:
0x10b: {  	v3 =	vld [tilespmem:s18+$0x2960];
	v5 =	vadd.f32 v8, v5;
	(pc) =	sbr.rel @p0 .LBB2_13-.Ltmp6, $4  }
0x10c: {  	v2 =	vld [tilespmem:s18+$0x2970];
	[tilespmem:s12+$0x140] =	vst v4;
	v6 =	vadd.f32 v10, v6  }
0x10d: {  	v4 =	vld [tilespmem:s18+$0x140];
	[tilespmem:s12+$0x150] =	vst v5;
	v9 =	vadd.f32 v12, v9  }
0x10e: {  	v5 =	vld [tilespmem:s18+$0x150];
	[tilespmem:s12+$0x160] =	vst v6;
	v7 =	vmov v11  }
0x10f: {  	s13 =	sadd.s32 $0x100, s13;
	v6 =	vld [tilespmem:s18+$0x160];
	[tilespmem:s12+$0x170] =	vst v9;
	v8 =	vmov v13;
	s12 =	smov.u32 s18  }
0x110: {  	v9 =	vld [tilespmem:s12+$0x170];
	_ =	sdelay $0x1  }
0x111: {  	v4 =	vadd.f32 v7, v4  }
0x112: {  	v5 =	vadd.f32 v8, v5  }
0x113: {  	[tilespmem:s12+$0x140] =	vst v4;
	v3 =	vadd.f32 v3, v6  }
0x114: {  	[tilespmem:s12+$0x150] =	vst v5;
	v2 =	vadd.f32 v2, v9  }
0x115: {  	[tilespmem:s12+$0x160] =	vst v3  }
0x116: {  	[tilespmem:s12+$0x170] =	vst v2  }
0x117: {  	s12 =	simm.s32 $0xA0;
	v2 =	vld [tilespmem:s17+$0x0]  }
0x118: {  	v3 =	vld [tilespmem:s12+$0x0];
	_ =	sdelay $0x6  }
0x119: {  	v4 =	vld.idx.msk [tilespmem:v2+s20+$0x0], $0xffff  }
0x11a: {  	v6 =	vmov s17;
	v5 =	vld.idx.msk [tilespmem:v3+s20+$0x0], $0xffff  }
0x11b: {  	v6 =	vshll.u32 v6, $0x2  }
0x11c: {  	v6 =	vor.u32 v0, v6  }
0x11d: {  	v7 =	vadd.s32 $0x2710, v3  }
0x11e: {  	v63 =	vadd.s32 $0x2710, v2  }
0x11f: {  	v4 =	vsub.f32 v4, v5;
	_ =	sdelay $0x1  }
0x120: {  	[tilespmem:v6+s2+$0x0] =	vst.idx.msk $0xffff, v4  }
0x121: {  	v4 =	vld.idx.msk [tilespmem:v7+s20+$0x0], $0xffff  }
0x122: {  	v5 =	vld.idx.msk [tilespmem:v63+s20+$0x0], $0xffff;
	_ =	sdelay $0x1  }
0x123: {  	v7 =	vor.u32 $0x1, v6  }
0x124: {  	v2 =	vadd.s32 $0x4E20, v2  }
0x125: {  	v3 =	vadd.s32 $0x4E20, v3  }
0x126: {  	v4 =	vsub.f32 v5, v4;
	_ =	sdelay $0x1  }
0x127: {  	[tilespmem:v7+s2+$0x0] =	vst.idx.msk $0xffff, v4  }
0x128: {  	v4 =	vld.idx.msk [tilespmem:v2+s20+$0x0], $0xffff  }
0x129: {  	v5 =	vld.idx.msk [tilespmem:v3+s20+$0x0], $0xffff;
	_ =	sdelay $0x1  }
0x12a: {  	v3 =	vor.u32 $0x2, v6  }
0x12b: {  	v2 =	vor.u32 $0x3, v6;
	_ =	sdelay $0x1  }
0x12c: {  	s13 =	simm.s32 $0x10;
	v4 =	vsub.f32 v4, v5  }
.LBB2_15:
0x12d: {  	p0 =	sne.s32 s13, $0x40;
	s17 =	sadd.s32 $0x10, s17;
	s12 =	sadd.s32 $0x10, s12  }
0x12e: {  	s18 =	smov.u32 s13;
	s13 =	sadd.s32 $0x10, s13;
	[tilespmem:v3+s2+$0x0] =	vst.idx.msk $0xffff, v4  }
0x12f: {  	[tilespmem:v2+s2+$0x0] =	vst.idx.msk $0xffff, v1  }
0x130: {  	v2 =	vld [tilespmem:s17+$0x0]  }
0x131: {  	v3 =	vld [tilespmem:s12+$0x0];
	_ =	sdelay $0x6  }
0x132: {  	v4 =	vld.idx.msk [tilespmem:v2+s20+$0x0], $0xffff  }
0x133: {  	v5 =	vld.idx.msk [tilespmem:v3+s20+$0x0], $0xffff  }
0x134: {  	v6 =	vmov s18  }
0x135: {  	v6 =	vshll.u32 v6, $0x2  }
0x136: {  	v6 =	vor.u32 v0, v6  }
0x137: {  	v7 =	vadd.s32 $0x2710, v2;
	v8 =	vadd.s32 $0x2710, v3;
	_ =	sdelay $0x1  }
0x138: {  	v4 =	vsub.f32 v4, v5;
	_ =	sdelay $0x1  }
0x139: {  	[tilespmem:v6+s2+$0x0] =	vst.idx.msk $0xffff, v4  }
0x13a: {  	v4 =	vld.idx.msk [tilespmem:v8+s20+$0x0], $0xffff  }
0x13b: {  	v5 =	vld.idx.msk [tilespmem:v7+s20+$0x0], $0xffff;
	_ =	sdelay $0x1  }
0x13c: {  	v7 =	vor.u32 $0x1, v6;
	_ =	sdelay $0x1  }
0x13d: {  	v2 =	vadd.s32 $0x4E20, v2;
	v3 =	vadd.s32 $0x4E20, v3;
	_ =	sdelay $0x1  }
0x13e: {  	v4 =	vsub.f32 v5, v4;
	_ =	sdelay $0x1  }
0x13f: {  	[tilespmem:v7+s2+$0x0] =	vst.idx.msk $0xffff, v4  }
0x140: {  	v4 =	vld.idx.msk [tilespmem:v2+s20+$0x0], $0xffff  }
0x141: {  	v5 =	vld.idx.msk [tilespmem:v3+s20+$0x0], $0xffff  }
0x142: {  	v3 =	vor.u32 $0x2, v6  }
.Ltmp7:
0x143: {  	v2 =	vor.u32 $0x3, v6;
	(pc) =	sbr.rel @p0 .LBB2_15-.Ltmp7, $2  }
0x144: {  	_ =	sdelay $0x2  }
0x145: {  	v4 =	vsub.f32 v4, v5  }
0x146: {  	_ =	sdelay $0x3  }
0x147: {  	[tilespmem:v3+s2+$0x0] =	vst.idx.msk $0xffff, v4  }
0x148: {  	s12 =	rddreg [dreg:$0x8];
	[tilespmem:v2+s2+$0x0] =	vst.idx.msk $0xffff, v1  }
0x149: {  	[hbm4b:s12+s1] =	stream.linear.scatter [tilespmem:s25], [sflag:$0x5], $0x1400, $0x38;
	[tilespmem:$0xF000] =	vst v63  }
0x14a: {  	s19 =	rddreg [dreg:$0x9];
	s21 =	simm.s32 $0x6  }
0x14b: {  	[hbm4b:s19+s1] =	stream.linear.scatter [tilespmem:s2], [sflag:$0x5], $0x140, $0x38;
	[tilespmem:$0xF000] =	vst v63  }
0x14c: {  	_ =	swait.ge [sflag:s21], $0x1400  }
0x14d: {  	[sflag:s21] =	ssyncset.done $0x0  }
0x14e: {  	[sflag:s21] =	ssyncadd.s32 $0xFFFFEC00  }
0x14f: {  	_ =	swait.ge [sflag:s21], $0x140  }
0x150: {  	[sflag:s21] =	ssyncset.done $0x0  }
0x151: {  	[sflag:s21] =	ssyncadd.s32 $0xFFFFFEC0  }
0x152: {  	_ =	swait.ge [sflag:s5], $0x1400  }
0x153: {  	[sflag:s5] =	ssyncset.done $0x0  }
0x154: {  	[sflag:s5] =	ssyncadd.s32 $0xFFFFEC00  }
0x155: {  	_ =	swait.ge [sflag:s5], $0x140  }
0x156: {  	s13 =	rddreg [dreg:$0xb]  }
0x157: {  	s31 =	rddreg [dreg:$0xa];
	s13 =	sadd.s32 $0x1, s13  }
0x158: {  	p0 =	sne.s32 s13, s31  }
.Ltmp8:
0x159: {  	_ = 	snop;
	(pc) =	sbr.rel @p0 .LBB2_1-.Ltmp8, $3  }
0x15a: {  	_ =	sdelay $0x1  }
0x15b: {  	[sflag:s5] =	ssyncset.done $0x0  }
0x15c: {  	[sflag:s5] =	ssyncadd.s32 $0xFFFFFEC0  }
0x15d: {  	_ =	sfence.sel $0x180000  }
0x15e: {  	[bflag:$0x0] =	sbarrier.arrive $0xFFFF  }
0x15f: {  	_ =	strace $0x9000004A  }
0x160: {  	s0 =	stileid.u32;
	[bflag:$0x2] =	sbarrier.arrive $0xFFFF  }
0x161: {  	p0 =	sne.s32 s0, $0x0;
	s0 =	rddreg [dreg:$0x2]  }
0x162: {  	s0 =	sadd.s32 @!p0 $0x100000, s0  }
0x163: {  	[sflag:s0] =	ssyncadd.tile.s32 @!p0 $0x1;
	_ =	shalt  }
.Lfunc_end2:
_tile_overlayer_lowered:
.L_overlay_start_2:
0x164: {  	(tag) =	ssettag $0x2  }
0x165: {  	s0 =	rddreg [dreg:$0x0];
	s2 =	stileid.u32  }
0x166: {  	s1 =	rddreg [dreg:$0x1];
	p0 =	sne.s32 s2, $0x0  }
0x167: {  	s3 =	rddreg [dreg:$0x2];
	[bflag:$0x3] =	sbarrier.arrive $0xFFFF;
	s2 =	simm.s32 @!p0 $0x1C07  }
0x168: {  	[timem:s3], [sflag:s2] =	dma.local @!p0 [hbm:s0], s1  }
0x169: {  	s0 =	simm.s32 @!p0 $0x7  }
0x16a: {  	_ =	swait.ge @!p0 [sflag:s0], s1  }
0x16b: {  	s1 =	ssub.s32 @!p0 $0x0, s1;
	[sflag:s0] =	ssyncset.done @!p0 $0x0  }
0x16c: {  	[sflag:s0] =	ssyncadd.s32 @!p0 s1  }
0x16d: {  	[bflag:$0x3] =	sbarrier.arrive $0xFFFF  }
0x16e: {  	_ =	shalt  }

// kernel: kernel.13.cloned.1.call-start
scs
__scs_entry_jumppad:
0x0: {  	(pc) =	sbr.rel $0x88, $3  }
0x1: {  	(tag) =	ssettag $0x0;
	lr =	simm.s32 $0x1  }
0x2: {  	[smem:$0x3F90] =	sst lr;
	_ =	strace $0xD0000000  }
0x3: {  	_ = 	snop  }
0x4: {  	_ = 	snop  }
0x5: {  	_ = 	snop  }
0x6: {  	_ = 	snop  }
0x7: {  	_ = 	snop  }
__scs_overlays_trampoline_lowered:
0x8: {  	[smem:$0x3F9F] =	sst s0  }
0x9: {  	[smem:$0x3FA0] =	sst s1  }
0xa: {  	[smem:$0x3FA1] =	sst s2  }
0xb: {  	[smem:$0x3FA2] =	sst s3  }
0xc: {  	[smem:$0x3FA3] =	sst s4  }
0xd: {  	[smem:$0x3FA4] =	sst s5  }
0xe: {  	[smem:$0x3FA5] =	sst s6  }
0xf: {  	[smem:$0x3FA6] =	sst s7  }
0x10: {  	[smem:$0x3FA7] =	sst s8  }
0x11: {  	[smem:$0x3FA8] =	sst s9;
	s0 =	simm.s32 @!p0 $0x0  }
0x12: {  	s1 =	sld [smem:$0x3F8E];
	s0 =	simm.s32 @p0 $0x1  }
0x13: {  	[smem:$0x3FA9] =	sst s0;
	s0 =	simm.s32 @!p1 $0x0  }
0x14: {  	s2 =	sld [smem:$0x3F8D];
	s0 =	simm.s32 @p1 $0x1  }
0x15: {  	[smem:$0x3FAA] =	sst s0;
	s0 =	simm.s32 @!p2 $0x0  }
0x16: {  	s3 =	sld [smem:$0x3FDB];
	s0 =	simm.s32 @p2 $0x1  }
0x17: {  	s4 =	simm.s32 $0x1BF5;
	[smem:$0x3FAC] =	sst s0  }
0x18: {  	s0 =	sld [smem:$0x3F8F];
	_ =	swait.ge [sflag:s4], $0x0  }
0x19: {  	s7 =	sld [smem:$0x3F90]  }
0x1a: {  	s8 =	sadd.s32 $0xFFFFE003, lr  }
0x1b: {  	s9 =	sadd.s32 $0xFFFFFEF7, lr;
	s5 =	simm.s32 $0xFFFFFFFF;
	p2 =	slt.u32 s8, $0xFFFFF086  }
0x1c: {  	p1 =	slt.u32 s9, $0xF7A;
	s5 =	simm.s32 @!p2 $0x0  }
0x1d: {  	s5 =	simm.s32 @p1 $0x1;
	p0 =	seq.s32 s7, s2  }
0x1e: {  	s7 =	smul.u32 @!p0 $0xF7A, s2;
	p2 =	seq.s32 @!p0 s5, $0x0  }
0x1f: {  	s9 =	smul.u32 $0xF7A, s1;
	s8 =	simm.s32 @!p0 $0x1BF5;
	p2 =	por !p2, p0  }
0x20: {  	[sflag:s8] =	ssyncset.s32 @!p0 $0xFFFFF086;
	s6 =	sadd.s32 @!p0 s3, s7;
	s7 =	simm.s32 @!p0 $0x108  }
0x21: {  	s3 =	sadd.s32 s3, s9;
	s6 =	sadd.s32 @!p0 $0x88, s6;
	s7 =	simm.s32 @p2 $0x1082  }
0x22: {  	[simem:s7], [sflag:s8] =	dma.local @!p0 [hbm:s6], $0xF7A  }
0x23: {  	s9 =	sor.u32 $0xD0000000, s2;
	s6 =	simm.s32 $0x108;
	_ =	swait.ge @!p0 [sflag:s8], $0x0  }
0x24: {  	s3 =	sadd.s32 $0x88, s3;
	s6 =	simm.s32 @!p1 $0x1082;
	[sflag:s4] =	ssyncset.s32 $0xFFFFF086  }
0x25: {  	[simem:s6], [sflag:s4] =	dma.local [hbm:s3], $0xF7A  }
0x26: {  	[smem:$0x3F90] =	sst s1;
	(tag) =	ssettag s2;
	_ =	strace s9  }
0x27: {  	s1 =	sld [smem:$0x3FA0]  }
0x28: {  	s2 =	sld [smem:$0x3FA1]  }
0x29: {  	s4 =	sld [smem:$0x3FA3]  }
0x2a: {  	p0 =	seq.s32 s5, $0x0;
	s5 =	sld [smem:$0x3FA4]  }
0x2b: {  	s6 =	sld [smem:$0x3FA5]  }
0x2c: {  	s7 =	sld [smem:$0x3FA6]  }
0x2d: {  	s3 =	simm.s32 $0x108;
	s8 =	sld [smem:$0x3FA7]  }
0x2e: {  	s3 =	simm.s32 @!p0 $0x1082;
	s9 =	sld [smem:$0x3FA8]  }
0x2f: {  	lr =	sadd.s32 s0, s3;
	s0 =	sld [smem:$0x3F9F]  }
0x30: {  	s3 =	sld [smem:$0x3FA2]  }
0x31: {  	[smem:$0x3FAB] =	sst s10  }
0x32: {  	s10 =	sld [smem:$0x3FA9];
	_ =	sdelay $0x3  }
0x33: {  	p0 =	seq.s32 s10, $0x1;
	s10 =	sld [smem:$0x3FAB];
	_ =	sdelay $0x3  }
0x34: {  	[smem:$0x3FAB] =	sst s10  }
0x35: {  	s10 =	sld [smem:$0x3FAA];
	_ =	sdelay $0x3  }
0x36: {  	p1 =	seq.s32 s10, $0x1;
	s10 =	sld [smem:$0x3FAB];
	_ =	sdelay $0x3  }
0x37: {  	[smem:$0x3FAB] =	sst s10  }
0x38: {  	s10 =	sld [smem:$0x3FAC]  }
0x39: {  	_ = 	snop;
	(pc) =	sbr.ind lr, $3  }
0x3a: {  	_ = 	snop  }
0x3b: {  	_ = 	snop  }
0x3c: {  	p2 =	seq.s32 s10, $0x1;
	s10 =	sld [smem:$0x3FAB]  }
0x3d: {  	_ =	shalt  }
0x3e: {  	_ =	shalt  }
0x3f: {  	_ =	shalt  }
0x40: {  	_ =	shalt  }
0x41: {  	_ =	shalt  }
0x42: {  	_ =	shalt  }
0x43: {  	_ =	shalt  }
0x44: {  	_ =	shalt  }
0x45: {  	_ =	shalt  }
0x46: {  	_ =	shalt  }
0x47: {  	_ =	shalt  }
0x48: {  	_ =	shalt  }
0x49: {  	_ =	shalt  }
0x4a: {  	_ =	shalt  }
0x4b: {  	_ =	shalt  }
0x4c: {  	_ =	shalt  }
0x4d: {  	_ =	shalt  }
0x4e: {  	_ =	shalt  }
0x4f: {  	_ =	shalt  }
0x50: {  	_ =	shalt  }
0x51: {  	_ =	shalt  }
0x52: {  	_ =	shalt  }
0x53: {  	_ =	shalt  }
0x54: {  	_ =	shalt  }
0x55: {  	_ =	shalt  }
0x56: {  	_ =	shalt  }
0x57: {  	_ =	shalt  }
0x58: {  	_ =	shalt  }
0x59: {  	_ =	shalt  }
0x5a: {  	_ =	shalt  }
0x5b: {  	_ =	shalt  }
0x5c: {  	_ =	shalt  }
0x5d: {  	_ =	shalt  }
0x5e: {  	_ =	shalt  }
0x5f: {  	_ =	shalt  }
0x60: {  	_ =	shalt  }
0x61: {  	_ =	shalt  }
0x62: {  	_ =	shalt  }
0x63: {  	_ =	shalt  }
0x64: {  	_ =	shalt  }
0x65: {  	_ =	shalt  }
0x66: {  	_ =	shalt  }
0x67: {  	_ =	shalt  }
0x68: {  	_ =	shalt  }
0x69: {  	_ =	shalt  }
0x6a: {  	_ =	shalt  }
0x6b: {  	_ =	shalt  }
0x6c: {  	_ =	shalt  }
0x6d: {  	_ =	shalt  }
0x6e: {  	_ =	shalt  }
0x6f: {  	_ =	shalt  }
0x70: {  	_ =	shalt  }
0x71: {  	_ =	shalt  }
0x72: {  	_ =	shalt  }
0x73: {  	_ =	shalt  }
0x74: {  	_ =	shalt  }
0x75: {  	_ =	shalt  }
0x76: {  	_ =	shalt  }
0x77: {  	_ =	shalt  }
0x78: {  	_ =	shalt  }
0x79: {  	_ =	shalt  }
0x7a: {  	_ =	shalt  }
0x7b: {  	_ =	shalt  }
0x7c: {  	_ =	shalt  }
0x7d: {  	_ =	shalt  }
0x7e: {  	_ =	shalt  }
0x7f: {  	_ =	shalt  }
0x80: {  	_ =	shalt  }
0x81: {  	_ =	shalt  }
0x82: {  	_ =	shalt  }
0x83: {  	_ =	shalt  }
0x84: {  	_ =	shalt  }
0x85: {  	_ =	shalt  }
0x86: {  	_ =	shalt  }
0x87: {  	_ =	shalt  }
.Lfunc_end0:
.L_simem_size_0:
called_computation.1_lowered:
.L_overlay_start_0:
0x88: {  	s2 =	sld [smem:$0x3FD9]  }
0x89: {  	s3 =	sld [smem:$0x3FFE];
	_ =	sdelay $0x1  }
0x8a: {  	s1 =	srdreg.scid  }
0x8b: {  	s0 =	sand.u32 $0x1, s1  }
0x8c: {  	s15 =	sshll.u32 s0, $0xA;
	s2 =	sadd.s32 s3, s2  }
0x8d: {  	s2 =	sadd.s32 s2, s15  }
0x8e: {  	[smem:$0x3FB7] =	sst s2  }
0x8f: {  	_ = 	snop  }
0x90: {  	s2 =	sld [smem:$0x3FD0];
	_ =	sdelay $0x2  }
0x91: {  	s16 =	simm.s32 $0xB;
	s4 =	simm.s32 $0x10  }
0x92: {  	[smem:s4], [sflag:s16] =	dma.local [hbm:s2], $0x1  }
0x93: {  	_ =	swait.eq [sflag:s16], $0x1  }
0x94: {  	[sflag:s16] =	ssyncset.done $0x0  }
0x95: {  	[sflag:s16] =	ssyncadd.s32 $0xFFFFFFFF  }
0x96: {  	s17 =	sld [smem:$0x10];
	(tm) =	ssettm $0x1  }
0x97: {  	s18 =	sld [smem:$0x3FFB];
	_ =	sdelay $0x3  }
0x98: {  	_ =	strace s18  }
0x99: {  	s2 =	sld [smem:$0x3FFC];
	_ =	sdelay $0x3  }
0x9a: {  	_ =	strace s2  }
0x9b: {  	s2 =	sld [smem:$0x3FFD];
	_ =	sdelay $0x3  }
0x9c: {  	_ =	strace s2  }
0x9d: {  	_ =	strace $0x8FFFFFFF  }
0x9e: {  	s19 =	sld [smem:$0x3FDB];
	_ =	sdelay $0x1  }
0x9f: {  	s20 =	simm.s32 $_scs_section_size  }
0xa0: {  	s5 =	simm.s32 $_size__tile_overlayer_lowered;
	s6 =	simm.s32 $_tile_overlayer_lowered  }
0xa1: {  	s7 =	simm.s32 $0x1BFF;
	s21 =	sshll.u32 s6, $0x1;
	s4 =	sadd.s32 s20, s19  }
0xa2: {  	s22 =	simm.s32 $0x0;
	s5 =	sshll.u32 s5, $0x1;
	s6 =	sadd.s32 s21, s4  }
0xa3: {  	[timem:s22], [sflag:s7] =	dma.local [hbm:s6], s5  }
0xa4: {  	_ =	swait.ge [sflag:s7], s5  }
0xa5: {  	s5 =	ssub.s32 $0x0, s5;
	[sflag:s7] =	ssyncset.done $0x0  }
0xa6: {  	[sflag:s7] =	ssyncadd.s32 s5;
	_ =	sdelay $0x1  }
0xa7: {  	s23 =	simm.s32 $0x1B8B  }
0xa8: {  	_ =	swait.ge [sflag:s23], $0x1  }
0xa9: {  	[sflag:s23] =	ssyncset.done $0x0  }
0xaa: {  	[sflag:s23] =	ssyncadd.s32 $0xFFFFFFFF  }
0xab: {  	s5 =	sld [smem:$0x0]  }
0xac: {  	s6 =	sand.u32 $0xFFFFFFFE, s1  }
0xad: {  	p0 =	sne.s32 s1, s6  }
0xae: {  	s6 =	sshll.u32 @p0 s6, $0xE  }
0xaf: {  	s6 =	sadd.s32 @p0 $0x11B8D, s6;
	s7 =	sshll.u32 @p0 s5, $0x11  }
0xb0: {  	s6 =	sor.u32 @p0 s7, s6  }
0xb1: {  	[sflag:s6] =	ssyncadd.remote.s32 @p0 $0x1;
	_ =	sdelay $0x1  }
0xb2: {  	s6 =	simm.s32 @p0 $0x1B8D  }
0xb3: {  	_ =	swait.eq @p0 [sflag:s6], $0x1  }
0xb4: {  	[sflag:s6] =	ssyncadd.s32 @p0 $0xFFFFFFFF  }
0xb5: {  	s7 =	sshll.u32 @!p0 s1, $0xE  }
0xb6: {  	s7 =	sor.u32 @!p0 $0x4000, s7;
	s6 =	simm.s32 @!p0 $0x1B8D  }
0xb7: {  	s5 =	sshll.u32 @!p0 s5, $0x11;
	s7 =	sadd.s32 @!p0 $0x11B8D, s7;
	_ =	swait.eq @!p0 [sflag:s6], $0x1  }
0xb8: {  	s5 =	sor.u32 @!p0 s5, s7;
	[sflag:s6] =	ssyncadd.s32 @!p0 $0xFFFFFFFF  }
0xb9: {  	s25 =	simm.s32 $0x1B8E;
	s24 =	sld [smem:$0x3FFE];
	[sflag:s5] =	ssyncadd.remote.s32 @!p0 $0x1  }
0xba: {  	s26 =	simm.s32 $execute0_lowered;
	[smem:$0x3FD2] =	sst s25  }
0xbb: {  	s6 =	sshll.u32 s26, $0x1;
	_ =	strace $0x8000004F;
	[dreg:$0x1] =	wrdreg $0xFFFFFFFF  }
0xbc: {  	s28 =	simm.s32 $_size_execute0_lowered;
	s4 =	sadd.s32 s4, s6;
	[dreg:$0x0] =	wrdreg $0x0  }
0xbd: {  	s6 =	sshll.u32 s28, $0x1;
	[dreg:$0x2] =	wrdreg s4  }
0xbe: {  	[dreg:$0x3] =	wrdreg s6  }
0xbf: {  	[dreg:$0x4] =	wrdreg $0xC0  }
0xc0: {  	_ =	task [dreg:s22], $0x5FFFF  }
0xc1: {  	[dreg:$0x1] =	wrdreg $0xFFFFFFFF  }
0xc2: {  	[dreg:$0x0] =	wrdreg $0x60  }
0xc3: {  	[dreg:$0x2] =	wrdreg s24  }
0xc4: {  	[dreg:$0x3] =	wrdreg s17  }
0xc5: {  	[dreg:$0x4] =	wrdreg $0x65680  }
0xc6: {  	[dreg:$0x5] =	wrdreg $0x101A80  }
0xc7: {  	[dreg:$0x6] =	wrdreg $0x9  }
0xc8: {  	_ =	task.clear_ibuf [dreg:s22], $0x7FFFF;
	_ =	strace $0x9000004F  }
0xc9: {  	s29 =	simm.s32 $0x9;
	_ =	strace $0x80000051  }
0xca: {  	_ =	swait.ge [sflag:s29], $0x1  }
0xcb: {  	[sflag:s29] =	ssyncadd.s32 $0xFFFFFFFF  }
0xcc: {  	_ =	strace $0x90000051  }
0xcd: {  	_ =	sfence  }
0xce: {  	s30 =	sld [smem:$0x0];
	_ =	sdelay $0x2  }
0xcf: {  	s31 =	sshll.u32 s1, $0xD;
	s1 =	sshrl.u32 s1, $0x2  }
0xd0: {  	s4 =	sand.u32 $0x4000, s31;
	s1 =	sadd.s32 s1, s30  }
0xd1: {  	s0 =	sor.u32 s4, s0;
	s1 =	sshll.u32 s1, $0x11  }
0xd2: {  	s0 =	sor.u32 s1, s0  }
0xd3: {  	s0 =	sadd.s32 $0x8F2B, s0  }
0xd4: {  	[sflag:s0] =	ssyncadd.remote.s32 $0x1  }
0xd5: {  	_ =	sfence.sel $0xFFFF  }
0xd6: {  	[dreg:$0x0] =	wrdreg $0xFFFFFFFF;
	(pc) =	sbr.abs _section_cstart, $3  }
0xd7: {  	[dreg:$0x1] =	wrdreg $0xFFFFFFFF  }
0xd8: {  	_ =	task.clear_ibuf [dreg:s22], $0x2FFFF;
	_ =	strace $0x9FFFFFFF  }
0xd9: {  	(tm) =	ssettm $0x7FFFFFFF  }
tec
execute0_lowered:
.L_overlay_start_1:
0x0: {  	(tag) =	ssettag $0x1  }
0x1: {  	s0 =	rddreg [dreg:$0x0]  }
0x2: {  	s2 =	rddreg [dreg:$0x1]  }
0x3: {  	s1 =	rddreg [dreg:$0x2]  }
0x4: {  	s3 =	rddreg [dreg:$0x3]  }
0x5: {  	s4 =	srdreg.scid;
	s15 =	stileid.u32  }
0x6: {  	s5 =	simm.s32 $0x0;
	s28 =	simm.s32 $0x28A0;
	s10 =	smul.u32 $0x1388, s15  }
0x7: {  	s29 =	simm.s32 $0x1;
	s4 =	sand.u32 $0x1, s4;
	s14 =	smul.u32 $0x9C40, s15  }
0x8: {  	s30 =	simm.s32 $0x50;
	s31 =	simm.s32 $0x14A0;
	s9 =	smul.u32 $0x13880, s4  }
0x9: {  	s16 =	sshll.u32 s4, $0x4;
	s13 =	ssub.s32 $0x2, s4;
	s4 =	smul.u32 $0x9C400, s4  }
0xa: {  	[smem:$0x7FF] =	sst s5;
	s11 =	sor.u32 s15, s16;
	s15 =	smul.u32 $0x27100, s15  }
0xb: {  	s5 =	sadd.s32 $0x7A1A00, s0;
	s6 =	sadd.s32 $0x62400, s0;
	s7 =	smul.u32 $0x13B0, s11  }
0xc: {  	s8 =	sadd.s32 $0x184800, s0;
	s12 =	sadd.s32 s10, s9;
	s9 =	smul.u32 $0x9D8, s11  }
0xd: {  	_ =	strace $0x80000050;
	s17 =	sshrl.u32 s13, $0x1;
	s11 =	smul.u32 $0x9D80, s11  }
0xe: {  	s21 =	sadd.s32 s14, s1;
	s10 =	sadd.s32 s10, s3;
	s4 =	sadd.s32 s14, s4  }
0xf: {  	s12 =	sshrl.u32 s12, $0x3;
	s4 =	sshrl.u32 s4, $0x3;
	s11 =	sadd.s32 s5, s11  }
0x10: {  	s0 =	sadd.s32 s12, s0;
	s19 =	sadd.s32 s6, s7;
	[dreg:$0x6] =	wrdreg s11  }
0x11: {  	s18 =	sshrl.u32 s7, $0x3;
	s2 =	sadd.s32 s2, s4;
	[dreg:$0x7] =	wrdreg s19  }
0x12: {  	s12 =	ssub.s32 s13, s17;
	s13 =	sadd.s32 s8, s18;
	[dreg:$0x8] =	wrdreg s2  }
0x13: {  	s20 =	sshrl.u32 s15, $0x2;
	s0 =	sadd.s32 $0x30000, s0;
	[dreg:$0x5] =	wrdreg s13  }
0x14: {  	s16 =	sadd.s32 s20, s1;
	s22 =	smax.u32 s12, $0x1;
	[dreg:$0x9] =	wrdreg s0  }
0x15: {  	s14 =	simm.s32 $0x0;
	s23 =	sadd.s32 $0x1F40, s16;
	[dreg:$0xa] =	wrdreg s22  }
0x16: {  	s4 =	simm.s32 $0x2;
	s24 =	sadd.s32 $0x3E80, s16;
	[dreg:$0xb] =	wrdreg s23  }
0x17: {  	s25 =	sadd.s32 $0x5DC0, s16;
	s26 =	sadd.s32 $0x7D00, s16;
	[dreg:$0xc] =	wrdreg s24  }
0x18: {  	s2 =	simm.s32 $0x2DA0;
	s11 =	simm.s32 $0x3;
	[dreg:$0xd] =	wrdreg s25  }
0x19: {  	s12 =	simm.s32 $0x3020;
	[dreg:$0xe] =	wrdreg s26;
	s22 =	simm.s32 $0x51E0  }
0x1a: {  	s23 =	simm.s32 $0x32A0;
	s24 =	simm.s32 $0x5;
	s25 =	sshrl.u32 s21, $0x3  }
0x1b: {  	v0 =	vimm.f32 $0.0e+00;
	v1 =	vlaneseq.u32;
	s26 =	simm.s32 $0xA0;
	s0 =	simm.s32 $0x2B20;
	s13 =	simm.s32 $0x4  }
.LBB2_1:
0x1c: {  	s15 =	simm.s32 $0x0  }
.LBB2_2:
0x1d: {  	p0 =	seq.s32 s15, $0x7C00  }
.Ltmp0:
0x1e: {  	s17 =	sshra.s32 s15, $0x2;
	(pc) =	sbr.rel @!p0 .LBB2_2-.Ltmp0, $4  }
0x1f: {  	[tilespmem:s17+$0x32A0] =	vst v0  }
0x20: {  	[tilespmem:s17+$0x32B0] =	vst v0  }
0x21: {  	[tilespmem:s17+$0x32C0] =	vst v0  }
0x22: {  	s15 =	sadd.s32 $0x100, s15;
	[tilespmem:s17+$0x32D0] =	vst v0  }
0x23: {  	s17 =	simm.s32 $0x0  }
0x24: {  	s15 =	simm.s32 $0x10;
	v2 =	vor.u32 s17, v1  }
.LBB2_4:
0x25: {  	p0 =	seq.s32 s15, $0x1370  }
.Ltmp1:
0x26: {  	_ = 	snop;
	(pc) =	sbr.rel @!p0 .LBB2_4-.Ltmp1, $3  }
0x27: {  	_ =	sdelay $0x1  }
0x28: {  	[tilespmem:v2+s22+$0x0] =	vst.idx.msk $0xffff, v0;
	s17 =	smov.u32 s15;
	s15 =	sadd.s32 $0x10, s15  }
0x29: {  	v2 =	vor.u32 s17, v1  }
0x2a: {  	_ =	sdelay $0x3  }
0x2b: {  	[tilespmem:v2+s22+$0x0] =	vst.idx.msk $0xffff, v0  }
0x2c: {  	[spmem:s16] =	stream.linear.scatter [tilespmem:s23], [sflag:$0x5], $0x1F40, $0x38;
	[tilespmem:$0x11530] =	vst v63  }
0x2d: {  	_ =	swait.ge [sflag:s24], $0x1F40  }
0x2e: {  	[sflag:s24] =	ssyncset.done $0x0  }
0x2f: {  	s15 =	rddreg [dreg:$0xb];
	[sflag:s24] =	ssyncadd.s32 $0xFFFFE0C0  }
0x30: {  	[spmem:s15] =	stream.linear.scatter [tilespmem:s23], [sflag:$0x5], $0x1F40, $0x38;
	[tilespmem:$0x11530] =	vst v63  }
0x31: {  	_ =	swait.ge [sflag:s24], $0x1F40  }
0x32: {  	[sflag:s24] =	ssyncset.done $0x0  }
0x33: {  	s17 =	rddreg [dreg:$0xc];
	[sflag:s24] =	ssyncadd.s32 $0xFFFFE0C0  }
0x34: {  	[spmem:s17] =	stream.linear.scatter [tilespmem:s23], [sflag:$0x5], $0x1F40, $0x38;
	[tilespmem:$0x11530] =	vst v63  }
0x35: {  	_ =	swait.ge [sflag:s24], $0x1F40  }
0x36: {  	[sflag:s24] =	ssyncset.done $0x0  }
0x37: {  	s18 =	rddreg [dreg:$0xd];
	[sflag:s24] =	ssyncadd.s32 $0xFFFFE0C0  }
0x38: {  	[spmem:s18] =	stream.linear.scatter [tilespmem:s23], [sflag:$0x5], $0x1F40, $0x38;
	[tilespmem:$0x11530] =	vst v63  }
0x39: {  	_ =	swait.ge [sflag:s24], $0x1F40  }
0x3a: {  	[sflag:s24] =	ssyncset.done $0x0  }
0x3b: {  	s19 =	rddreg [dreg:$0xe];
	[sflag:s24] =	ssyncadd.s32 $0xFFFFE0C0  }
0x3c: {  	[spmem:s19] =	stream.linear.scatter [tilespmem:s23], [sflag:$0x5], $0x1F40, $0x38;
	[tilespmem:$0x11530] =	vst v63  }
0x3d: {  	_ =	swait.ge [sflag:s24], $0x1F40  }
0x3e: {  	[sflag:s24] =	ssyncset.done $0x0  }
0x3f: {  	[sflag:s24] =	ssyncadd.s32 $0xFFFFE0C0  }
0x40: {  	[spmem:s10] =	stream.linear.scatter [tilespmem:s22], [sflag:$0x5], $0x1388, $0x38;
	[tilespmem:$0x11530] =	vst v63  }
0x41: {  	_ =	swait.ge [sflag:s24], $0x1388  }
0x42: {  	[sflag:s24] =	ssyncset.done $0x0  }
0x43: {  	[sflag:s24] =	ssyncadd.s32 $0xFFFFEC78  }
0x44: {  	[bflag:$0x0] =	sbarrier.arrive $0xFFFF  }
0x45: {  	s15 =	simm.s32 $0x0;
	s17 =	rddreg [dreg:$0x5]  }
0x46: {  	[tilespmem:s15], [sflag:$0x1] =	stream.linear.gather [hbm4b:s17+s15], $0x50, $0x38;
	[tilespmem:$0x11530] =	vst v63  }
0x47: {  	s20 =	rddreg [dreg:$0x6]  }
0x48: {  	[tilespmem:s26], [sflag:$0x1] =	stream.linear.gather [hbm4b:s20+s15], $0x1400, $0x38;
	[tilespmem:$0x11530] =	vst v63  }
0x49: {  	s21 =	rddreg [dreg:$0x7];
	s17 =	simm.s32 $0x0  }
0x4a: {  	[tilespmem:s28], [sflag:$0x1] =	stream.linear.gather [hbm4b:s21+s15], $0x280, $0x38;
	[tilespmem:$0x11530] =	vst v63  }
.LBB2_6:
0x4b: {  	_ =	swait.ge [sflag:s29], $0x50  }
0x4c: {  	[sflag:s29] =	ssyncset.done $0x0  }
0x4d: {  	[sflag:s29] =	ssyncadd.s32 $0xFFFFFFB0  }
0x4e: {  	_ =	swait.ge [sflag:s29], $0x1400  }
0x4f: {  	[sflag:s29] =	ssyncset.done $0x0  }
0x50: {  	[sflag:s29] =	ssyncadd.s32 $0xFFFFEC00  }
0x51: {  	_ =	swait.ge [sflag:s29], $0x280  }
0x52: {  	p0 =	seq.s32 s17, $0x0;
	[sflag:s29] =	ssyncset.done $0x0  }
0x53: {  	s18 =	simm.s32 @!p0 $0x4;
	[sflag:s29] =	ssyncadd.s32 $0xFFFFFD80  }
0x54: {  	s19 =	sshllo.u32 s17, $0x1;
	_ =	swait.ge @!p0 [sflag:s18], $0x1400  }
0x55: {  	s20 =	smul.u32 $0x50, s19;
	[sflag:s18] =	ssyncset.done @!p0 $0x0  }
0x56: {  	[sflag:s18] =	ssyncadd.s32 @!p0 $0xFFFFEC00  }
0x57: {  	s20 =	sadd.s32 s7, s20;
	_ =	swait.ge @!p0 [sflag:s18], $0x280  }
0x58: {  	s21 =	sshrl.u32 s20, $0x3;
	[sflag:s18] =	ssyncset.done @!p0 $0x0  }
0x59: {  	s21 =	sadd.s32 s8, s21;
	[sflag:s18] =	ssyncadd.s32 @!p0 $0xFFFFFD80;
	s18 =	smul.u32 $0x28, s19  }
0x5a: {  	[tilespmem:s30], [sflag:$0x2] =	stream.linear.gather [hbm4b:s21+s15], $0x50, $0x38;
	[tilespmem:$0x11530] =	vst v63  }
0x5b: {  	s21 =	sshll.u32 s20, $0x3  }
0x5c: {  	s19 =	sand.u32 $0x1FFFFF80, s21;
	s18 =	sadd.s32 s9, s18  }
0x5d: {  	s19 =	sadd.s32 s5, s19;
	s18 =	sshll.u32 s18, $0x1  }
0x5e: {  	[tilespmem:s31], [sflag:$0x2] =	stream.linear.gather [hbm4b:s19+s15], $0x1400, $0x38;
	[tilespmem:$0x11530] =	vst v63  }
0x5f: {  	s18 =	sand.u32 $0x1FFFFFF0, s18  }
0x60: {  	s19 =	simm.s32 $0x28A0;
	s18 =	sadd.s32 s6, s18  }
0x61: {  	[tilespmem:s0], [sflag:$0x2] =	stream.linear.gather [hbm4b:s18+s15], $0x280, $0x38;
	[tilespmem:$0x11530] =	vst v63  }
0x62: {  	v3 =	vor.u32 s15, v1;
	s20 =	simm.s32 $0x10;
	s18 =	sshll.u32 s17, $0x1;
	v2 =	vld [tilespmem:s19+$0x0]  }
.LBB2_7:
0x63: {  	p0 =	sne.s32 s20, $0x270  }
.Ltmp2:
0x64: {  	_ = 	snop;
	(pc) =	sbr.rel @p0 .LBB2_7-.Ltmp2, $3  }
0x65: {  	_ =	sdelay $0x1  }
0x66: {  	s19 =	sadd.s32 $0x10, s19;
	s21 =	smov.u32 s20;
	s20 =	sadd.s32 $0x10, s20;
	[tilespmem:v3+s2+$0x0] =	vst.idx.msk $0xffff, v2  }
0x67: {  	v3 =	vor.u32 s21, v1;
	v2 =	vld [tilespmem:s19+$0x0]  }
0x68: {  	_ =	sdelay $0x3  }
0x69: {  	s20 =	simm.s32 $0x0;
	[tilespmem:v3+s2+$0x0] =	vst.idx.msk $0xffff, v2  }
0x6a: {  	[spmem:s1] =	stream.indirect.scatter.add.f32 [tilespmem:s26], [sflag:$0x3], $0x40, s20, s30, $0xb8;
	[tilespmem:$0x11530] =	vst v63  }
0x6b: {  	_ = 	snop  }
0x6c: {  	[spmem:s3] =	stream.indirect.scatter.add.f32 [tilespmem:s2], [sflag:$0x3], $0x8, s20, s30, $0xb8;
	[tilespmem:$0x11530] =	vst v63  }
0x6d: {  	_ =	swait.ge [sflag:s4], $0x50  }
0x6e: {  	[sflag:s4] =	ssyncset.done $0x0  }
0x6f: {  	[sflag:s4] =	ssyncadd.s32 $0xFFFFFFB0  }
0x70: {  	_ =	swait.ge [sflag:s4], $0x1400  }
0x71: {  	[sflag:s4] =	ssyncset.done $0x0  }
0x72: {  	[sflag:s4] =	ssyncadd.s32 $0xFFFFEC00  }
0x73: {  	_ =	swait.ge [sflag:s4], $0x280  }
0x74: {  	[sflag:s4] =	ssyncset.done $0x0  }
0x75: {  	s18 =	sadd.s32 $0x2, s18;
	[sflag:s4] =	ssyncadd.s32 $0xFFFFFD80  }
0x76: {  	s19 =	smul.u32 $0x50, s18;
	_ =	swait.ge [sflag:s11], $0x1400  }
0x77: {  	s18 =	smul.u32 $0x28, s18;
	[sflag:s11] =	ssyncset.done $0x0  }
0x78: {  	s19 =	sadd.s32 s7, s19;
	[sflag:s11] =	ssyncadd.s32 $0xFFFFEC00  }
0x79: {  	s18 =	sadd.s32 s9, s18;
	s21 =	sshrl.u32 s19, $0x3;
	_ =	swait.ge [sflag:s11], $0x280  }
0x7a: {  	s19 =	sshll.u32 s19, $0x3;
	s18 =	sshll.u32 s18, $0x1;
	[sflag:s11] =	ssyncset.done $0x0  }
0x7b: {  	s21 =	sadd.s32 s8, s21;
	s19 =	sand.u32 $0x1FFFFF80, s19;
	[sflag:s11] =	ssyncadd.s32 $0xFFFFFD80  }
0x7c: {  	[tilespmem:s20], [sflag:$0x1] =	stream.linear.gather [hbm4b:s21+s20], $0x50, $0x38;
	[tilespmem:$0x11530] =	vst v63  }
0x7d: {  	s18 =	sand.u32 $0x1FFFFFF0, s18;
	s19 =	sadd.s32 s5, s19  }
0x7e: {  	[tilespmem:s26], [sflag:$0x1] =	stream.linear.gather [hbm4b:s19+s20], $0x1400, $0x38;
	[tilespmem:$0x11530] =	vst v63  }
0x7f: {  	s18 =	sadd.s32 s6, s18  }
0x80: {  	[tilespmem:s28], [sflag:$0x1] =	stream.linear.gather [hbm4b:s18+s20], $0x280, $0x38;
	[tilespmem:$0x11530] =	vst v63  }
0x81: {  	s18 =	simm.s32 $0x2B20  }
0x82: {  	v3 =	vor.u32 s20, v1;
	s19 =	simm.s32 $0x10;
	v2 =	vld [tilespmem:s18+$0x0]  }
.LBB2_9:
0x83: {  	p0 =	sne.s32 s19, $0x270  }
.Ltmp3:
0x84: {  	_ = 	snop;
	(pc) =	sbr.rel @p0 .LBB2_9-.Ltmp3, $3  }
0x85: {  	_ =	sdelay $0x1  }
0x86: {  	s18 =	sadd.s32 $0x10, s18;
	s20 =	smov.u32 s19;
	s19 =	sadd.s32 $0x10, s19;
	[tilespmem:v3+s12+$0x0] =	vst.idx.msk $0xffff, v2  }
0x87: {  	v3 =	vor.u32 s20, v1;
	v2 =	vld [tilespmem:s18+$0x0]  }
0x88: {  	_ = 	snop  }
0x89: {  	s17 =	sadd.s32 $0x1, s17  }
0x8a: {  	p0 =	sne.s32 s17, $0x1F  }
.Ltmp4:
0x8b: {  	_ = 	snop;
	(pc) =	sbr.rel @p0 .LBB2_6-.Ltmp4, $4  }
0x8c: {  	[tilespmem:v3+s12+$0x0] =	vst.idx.msk $0xffff, v2  }
0x8d: {  	[spmem:s1] =	stream.indirect.scatter.add.f32 [tilespmem:s31], [sflag:$0x4], $0x40, s30, s30, $0xb8;
	[tilespmem:$0x11530] =	vst v63  }
0x8e: {  	_ = 	snop  }
0x8f: {  	[spmem:s3] =	stream.indirect.scatter.add.f32 [tilespmem:s12], [sflag:$0x4], $0x8, s30, s30, $0xb8;
	[tilespmem:$0x11530] =	vst v63  }
0x90: {  	_ =	swait.ge [sflag:s29], $0x50  }
0x91: {  	[sflag:s29] =	ssyncset.done $0x0  }
0x92: {  	[sflag:s29] =	ssyncadd.s32 $0xFFFFFFB0  }
0x93: {  	_ =	swait.ge [sflag:s29], $0x1400  }
0x94: {  	[sflag:s29] =	ssyncset.done $0x0  }
0x95: {  	[sflag:s29] =	ssyncadd.s32 $0xFFFFEC00  }
0x96: {  	_ =	swait.ge [sflag:s29], $0x280  }
0x97: {  	[sflag:s29] =	ssyncset.done $0x0  }
0x98: {  	s18 =	simm.s32 $0x0;
	s15 =	simm.s32 $0x28A0;
	[sflag:s29] =	ssyncadd.s32 $0xFFFFFD80  }
0x99: {  	s17 =	simm.s32 $0x10;
	v3 =	vor.u32 s18, v1;
	v2 =	vld [tilespmem:s15+$0x0]  }
.LBB2_12:
0x9a: {  	p0 =	sne.s32 s17, $0x270  }
.Ltmp5:
0x9b: {  	_ = 	snop;
	(pc) =	sbr.rel @p0 .LBB2_12-.Ltmp5, $3  }
0x9c: {  	_ =	sdelay $0x1  }
0x9d: {  	s15 =	sadd.s32 $0x10, s15;
	s18 =	smov.u32 s17;
	s17 =	sadd.s32 $0x10, s17;
	[tilespmem:v3+s2+$0x0] =	vst.idx.msk $0xffff, v2  }
0x9e: {  	v3 =	vor.u32 s18, v1;
	v2 =	vld [tilespmem:s15+$0x0]  }
0x9f: {  	_ =	sdelay $0x3  }
0xa0: {  	s15 =	simm.s32 $0x0;
	[tilespmem:v3+s2+$0x0] =	vst.idx.msk $0xffff, v2  }
0xa1: {  	[spmem:s1] =	stream.indirect.scatter.add.f32 [tilespmem:s26], [sflag:$0x3], $0x40, s15, s30, $0xb8;
	[tilespmem:$0x11530] =	vst v63  }
0xa2: {  	_ = 	snop  }
0xa3: {  	[spmem:s3] =	stream.indirect.scatter.add.f32 [tilespmem:s2], [sflag:$0x3], $0x8, s15, s30, $0xb8;
	[tilespmem:$0x11530] =	vst v63  }
0xa4: {  	_ =	swait.ge [sflag:s13], $0x1400  }
0xa5: {  	[sflag:s13] =	ssyncset.done $0x0  }
0xa6: {  	[sflag:s13] =	ssyncadd.s32 $0xFFFFEC00  }
0xa7: {  	_ =	swait.ge [sflag:s13], $0x280  }
0xa8: {  	[sflag:s13] =	ssyncset.done $0x0  }
0xa9: {  	[sflag:s13] =	ssyncadd.s32 $0xFFFFFD80  }
0xaa: {  	_ =	swait.ge [sflag:s11], $0x1400  }
0xab: {  	[sflag:s11] =	ssyncset.done $0x0  }
0xac: {  	[sflag:s11] =	ssyncadd.s32 $0xFFFFEC00  }
0xad: {  	_ =	swait.ge [sflag:s11], $0x280  }
0xae: {  	[sflag:s11] =	ssyncset.done $0x0  }
0xaf: {  	s19 =	stileid.u32;
	[sflag:s11] =	ssyncadd.s32 $0xFFFFFD80  }
0xb0: {  	s15 =	sshll.u32 s19, $0x6;
	[bflag:$0x0] =	sbarrier.arrive $0xFFFF  }
0xb1: {  	s15 =	sor.u32 $0x1C05, s15;
	s17 =	rddreg [dreg:$0x8]  }
0xb2: {  	[hbm:s17], [sflag:s15] =	dma.local [spmem:s25], $0x1388  }
0xb3: {  	_ =	swait.ge [sflag:s24], $0x1388  }
0xb4: {  	[sflag:s24] =	ssyncset.done $0x0  }
0xb5: {  	s20 =	sshrl.u32 s10, $0x3;
	s18 =	rddreg [dreg:$0x9];
	[sflag:s24] =	ssyncadd.s32 $0xFFFFEC78  }
0xb6: {  	[hbm:s18], [sflag:s15] =	dma.local [spmem:s20], $0x271  }
0xb7: {  	_ =	swait.ge [sflag:s24], $0x271  }
0xb8: {  	s14 =	sadd.s32 $0x1, s14;
	s21 =	rddreg [dreg:$0xa]  }
0xb9: {  	p0 =	sne.s32 s14, s21  }
.Ltmp6:
0xba: {  	_ = 	snop;
	(pc) =	sbr.rel @p0 .LBB2_1-.Ltmp6, $3  }
0xbb: {  	_ =	sdelay $0x1  }
0xbc: {  	[sflag:s24] =	ssyncset.done $0x0  }
0xbd: {  	[sflag:s24] =	ssyncadd.s32 $0xFFFFFD8F  }
0xbe: {  	_ =	sfence.sel $0x180000  }
0xbf: {  	[bflag:$0x0] =	sbarrier.arrive $0xFFFF  }
0xc0: {  	_ =	strace $0x90000050  }
0xc1: {  	s0 =	stileid.u32;
	[bflag:$0x2] =	sbarrier.arrive $0xFFFF  }
0xc2: {  	p0 =	sne.s32 s0, $0x0;
	s0 =	rddreg [dreg:$0x4]  }
0xc3: {  	s0 =	sadd.s32 @!p0 $0x100000, s0  }
0xc4: {  	[sflag:s0] =	ssyncadd.tile.s32 @!p0 $0x1;
	_ =	shalt  }
.Lfunc_end2:
_tile_overlayer_lowered:
.L_overlay_start_2:
0xc5: {  	(tag) =	ssettag $0x2  }
0xc6: {  	s0 =	rddreg [dreg:$0x0];
	s2 =	stileid.u32  }
0xc7: {  	s1 =	rddreg [dreg:$0x1];
	p0 =	sne.s32 s2, $0x0  }
0xc8: {  	s3 =	rddreg [dreg:$0x2];
	[bflag:$0x3] =	sbarrier.arrive $0xFFFF;
	s2 =	simm.s32 @!p0 $0x1C05  }
0xc9: {  	[timem:s3], [sflag:s2] =	dma.local @!p0 [hbm:s0], s1  }
0xca: {  	s0 =	simm.s32 @!p0 $0x5  }
0xcb: {  	_ =	swait.ge @!p0 [sflag:s0], s1  }
0xcc: {  	s1 =	ssub.s32 @!p0 $0x0, s1;
	[sflag:s0] =	ssyncset.done @!p0 $0x0  }
0xcd: {  	[sflag:s0] =	ssyncadd.s32 @!p0 s1  }
0xce: {  	[bflag:$0x3] =	sbarrier.arrive $0xFFFF  }
0xcf: {  	_ =	shalt  }

// kernel: kernel.16.cloned.1.call-start
scs
__scs_entry_jumppad:
0x0: {  	(pc) =	sbr.rel $0x88, $3  }
0x1: {  	(tag) =	ssettag $0x0;
	lr =	simm.s32 $0x1  }
0x2: {  	[smem:$0x3F90] =	sst lr;
	_ =	strace $0xD0000000  }
0x3: {  	_ = 	snop  }
0x4: {  	_ = 	snop  }
0x5: {  	_ = 	snop  }
0x6: {  	_ = 	snop  }
0x7: {  	_ = 	snop  }
__scs_overlays_trampoline_lowered:
0x8: {  	[smem:$0x3F9F] =	sst s0  }
0x9: {  	[smem:$0x3FA0] =	sst s1  }
0xa: {  	[smem:$0x3FA1] =	sst s2  }
0xb: {  	[smem:$0x3FA2] =	sst s3  }
0xc: {  	[smem:$0x3FA3] =	sst s4  }
0xd: {  	[smem:$0x3FA4] =	sst s5  }
0xe: {  	[smem:$0x3FA5] =	sst s6  }
0xf: {  	[smem:$0x3FA6] =	sst s7  }
0x10: {  	[smem:$0x3FA7] =	sst s8  }
0x11: {  	[smem:$0x3FA8] =	sst s9;
	s0 =	simm.s32 @!p0 $0x0  }
0x12: {  	s1 =	sld [smem:$0x3F8E];
	s0 =	simm.s32 @p0 $0x1  }
0x13: {  	[smem:$0x3FA9] =	sst s0;
	s0 =	simm.s32 @!p1 $0x0  }
0x14: {  	s2 =	sld [smem:$0x3F8D];
	s0 =	simm.s32 @p1 $0x1  }
0x15: {  	[smem:$0x3FAA] =	sst s0;
	s0 =	simm.s32 @!p2 $0x0  }
0x16: {  	s3 =	sld [smem:$0x3FDB];
	s0 =	simm.s32 @p2 $0x1  }
0x17: {  	s4 =	simm.s32 $0x1BF5;
	[smem:$0x3FAC] =	sst s0  }
0x18: {  	s0 =	sld [smem:$0x3F8F];
	_ =	swait.ge [sflag:s4], $0x0  }
0x19: {  	s7 =	sld [smem:$0x3F90]  }
0x1a: {  	s8 =	sadd.s32 $0xFFFFE003, lr  }
0x1b: {  	s9 =	sadd.s32 $0xFFFFFEF7, lr;
	s5 =	simm.s32 $0xFFFFFFFF;
	p2 =	slt.u32 s8, $0xFFFFF086  }
0x1c: {  	p1 =	slt.u32 s9, $0xF7A;
	s5 =	simm.s32 @!p2 $0x0  }
0x1d: {  	s5 =	simm.s32 @p1 $0x1;
	p0 =	seq.s32 s7, s2  }
0x1e: {  	s7 =	smul.u32 @!p0 $0xF7A, s2;
	p2 =	seq.s32 @!p0 s5, $0x0  }
0x1f: {  	s9 =	smul.u32 $0xF7A, s1;
	s8 =	simm.s32 @!p0 $0x1BF5;
	p2 =	por !p2, p0  }
0x20: {  	[sflag:s8] =	ssyncset.s32 @!p0 $0xFFFFF086;
	s6 =	sadd.s32 @!p0 s3, s7;
	s7 =	simm.s32 @!p0 $0x108  }
0x21: {  	s3 =	sadd.s32 s3, s9;
	s6 =	sadd.s32 @!p0 $0x88, s6;
	s7 =	simm.s32 @p2 $0x1082  }
0x22: {  	[simem:s7], [sflag:s8] =	dma.local @!p0 [hbm:s6], $0xF7A  }
0x23: {  	s9 =	sor.u32 $0xD0000000, s2;
	s6 =	simm.s32 $0x108;
	_ =	swait.ge @!p0 [sflag:s8], $0x0  }
0x24: {  	s3 =	sadd.s32 $0x88, s3;
	s6 =	simm.s32 @!p1 $0x1082;
	[sflag:s4] =	ssyncset.s32 $0xFFFFF086  }
0x25: {  	[simem:s6], [sflag:s4] =	dma.local [hbm:s3], $0xF7A  }
0x26: {  	[smem:$0x3F90] =	sst s1;
	(tag) =	ssettag s2;
	_ =	strace s9  }
0x27: {  	s1 =	sld [smem:$0x3FA0]  }
0x28: {  	s2 =	sld [smem:$0x3FA1]  }
0x29: {  	s4 =	sld [smem:$0x3FA3]  }
0x2a: {  	p0 =	seq.s32 s5, $0x0;
	s5 =	sld [smem:$0x3FA4]  }
0x2b: {  	s6 =	sld [smem:$0x3FA5]  }
0x2c: {  	s7 =	sld [smem:$0x3FA6]  }
0x2d: {  	s3 =	simm.s32 $0x108;
	s8 =	sld [smem:$0x3FA7]  }
0x2e: {  	s3 =	simm.s32 @!p0 $0x1082;
	s9 =	sld [smem:$0x3FA8]  }
0x2f: {  	lr =	sadd.s32 s0, s3;
	s0 =	sld [smem:$0x3F9F]  }
0x30: {  	s3 =	sld [smem:$0x3FA2]  }
0x31: {  	[smem:$0x3FAB] =	sst s10  }
0x32: {  	s10 =	sld [smem:$0x3FA9];
	_ =	sdelay $0x3  }
0x33: {  	p0 =	seq.s32 s10, $0x1;
	s10 =	sld [smem:$0x3FAB];
	_ =	sdelay $0x3  }
0x34: {  	[smem:$0x3FAB] =	sst s10  }
0x35: {  	s10 =	sld [smem:$0x3FAA];
	_ =	sdelay $0x3  }
0x36: {  	p1 =	seq.s32 s10, $0x1;
	s10 =	sld [smem:$0x3FAB];
	_ =	sdelay $0x3  }
0x37: {  	[smem:$0x3FAB] =	sst s10  }
0x38: {  	s10 =	sld [smem:$0x3FAC]  }
0x39: {  	_ = 	snop;
	(pc) =	sbr.ind lr, $3  }
0x3a: {  	_ = 	snop  }
0x3b: {  	_ = 	snop  }
0x3c: {  	p2 =	seq.s32 s10, $0x1;
	s10 =	sld [smem:$0x3FAB]  }
0x3d: {  	_ =	shalt  }
0x3e: {  	_ =	shalt  }
0x3f: {  	_ =	shalt  }
0x40: {  	_ =	shalt  }
0x41: {  	_ =	shalt  }
0x42: {  	_ =	shalt  }
0x43: {  	_ =	shalt  }
0x44: {  	_ =	shalt  }
0x45: {  	_ =	shalt  }
0x46: {  	_ =	shalt  }
0x47: {  	_ =	shalt  }
0x48: {  	_ =	shalt  }
0x49: {  	_ =	shalt  }
0x4a: {  	_ =	shalt  }
0x4b: {  	_ =	shalt  }
0x4c: {  	_ =	shalt  }
0x4d: {  	_ =	shalt  }
0x4e: {  	_ =	shalt  }
0x4f: {  	_ =	shalt  }
0x50: {  	_ =	shalt  }
0x51: {  	_ =	shalt  }
0x52: {  	_ =	shalt  }
0x53: {  	_ =	shalt  }
0x54: {  	_ =	shalt  }
0x55: {  	_ =	shalt  }
0x56: {  	_ =	shalt  }
0x57: {  	_ =	shalt  }
0x58: {  	_ =	shalt  }
0x59: {  	_ =	shalt  }
0x5a: {  	_ =	shalt  }
0x5b: {  	_ =	shalt  }
0x5c: {  	_ =	shalt  }
0x5d: {  	_ =	shalt  }
0x5e: {  	_ =	shalt  }
0x5f: {  	_ =	shalt  }
0x60: {  	_ =	shalt  }
0x61: {  	_ =	shalt  }
0x62: {  	_ =	shalt  }
0x63: {  	_ =	shalt  }
0x64: {  	_ =	shalt  }
0x65: {  	_ =	shalt  }
0x66: {  	_ =	shalt  }
0x67: {  	_ =	shalt  }
0x68: {  	_ =	shalt  }
0x69: {  	_ =	shalt  }
0x6a: {  	_ =	shalt  }
0x6b: {  	_ =	shalt  }
0x6c: {  	_ =	shalt  }
0x6d: {  	_ =	shalt  }
0x6e: {  	_ =	shalt  }
0x6f: {  	_ =	shalt  }
0x70: {  	_ =	shalt  }
0x71: {  	_ =	shalt  }
0x72: {  	_ =	shalt  }
0x73: {  	_ =	shalt  }
0x74: {  	_ =	shalt  }
0x75: {  	_ =	shalt  }
0x76: {  	_ =	shalt  }
0x77: {  	_ =	shalt  }
0x78: {  	_ =	shalt  }
0x79: {  	_ =	shalt  }
0x7a: {  	_ =	shalt  }
0x7b: {  	_ =	shalt  }
0x7c: {  	_ =	shalt  }
0x7d: {  	_ =	shalt  }
0x7e: {  	_ =	shalt  }
0x7f: {  	_ =	shalt  }
0x80: {  	_ =	shalt  }
0x81: {  	_ =	shalt  }
0x82: {  	_ =	shalt  }
0x83: {  	_ =	shalt  }
0x84: {  	_ =	shalt  }
0x85: {  	_ =	shalt  }
0x86: {  	_ =	shalt  }
0x87: {  	_ =	shalt  }
.Lfunc_end0:
.L_simem_size_0:
called_computation.2_lowered:
.L_overlay_start_0:
0x88: {  	s2 =	sld [smem:$0x3FD9]  }
0x89: {  	s3 =	sld [smem:$0x3FFE];
	_ =	sdelay $0x1  }
0x8a: {  	s1 =	srdreg.scid  }
0x8b: {  	s0 =	sand.u32 $0x1, s1  }
0x8c: {  	s16 =	sshll.u32 s0, $0xA;
	s2 =	sadd.s32 s3, s2  }
0x8d: {  	s2 =	sadd.s32 s2, s16  }
0x8e: {  	[smem:$0x3FB7] =	sst s2  }
0x8f: {  	_ = 	snop  }
0x90: {  	(tm) =	ssettm $0x1  }
0x91: {  	s17 =	sld [smem:$0x3FFB];
	_ =	sdelay $0x3  }
0x92: {  	_ =	strace s17  }
0x93: {  	s2 =	sld [smem:$0x3FFC];
	_ =	sdelay $0x3  }
0x94: {  	_ =	strace s2  }
0x95: {  	s2 =	sld [smem:$0x3FFD];
	_ =	sdelay $0x3  }
0x96: {  	_ =	strace s2  }
0x97: {  	_ =	strace $0x8FFFFFFF  }
0x98: {  	s18 =	sld [smem:$0x3FDB];
	_ =	sdelay $0x1  }
0x99: {  	s19 =	simm.s32 $_scs_section_size  }
0x9a: {  	s4 =	simm.s32 $_size__tile_overlayer_lowered;
	s5 =	simm.s32 $_tile_overlayer_lowered  }
0x9b: {  	s22 =	simm.s32 $0x1BFF;
	s21 =	sshll.u32 s5, $0x1;
	s2 =	sadd.s32 s19, s18  }
0x9c: {  	s6 =	simm.s32 $0x0;
	s20 =	sshll.u32 s4, $0x1;
	s4 =	sadd.s32 s21, s2  }
0x9d: {  	[timem:s6], [sflag:s22] =	dma.local [hbm:s4], s20  }
0x9e: {  	_ =	swait.ge [sflag:s22], s20  }
0x9f: {  	s3 =	ssub.s32 $0x0, s20;
	[sflag:s22] =	ssyncset.done $0x0  }
0xa0: {  	[sflag:s22] =	ssyncadd.s32 s3;
	_ =	sdelay $0x1  }
0xa1: {  	s23 =	simm.s32 $0x1B8B  }
0xa2: {  	_ =	swait.ge [sflag:s23], $0x1  }
0xa3: {  	[sflag:s23] =	ssyncset.done $0x0  }
0xa4: {  	s25 =	simm.s32 $0x1B8E;
	s24 =	sld [smem:$0x3FFE];
	[sflag:s23] =	ssyncadd.s32 $0xFFFFFFFF  }
0xa5: {  	s26 =	simm.s32 $execute0_lowered;
	[smem:$0x3FD2] =	sst s25  }
0xa6: {  	s4 =	sshll.u32 s26, $0x1;
	_ =	strace $0x80000046;
	[dreg:$0x1] =	wrdreg $0xFFFFFFFF  }
0xa7: {  	s28 =	simm.s32 $_size_execute0_lowered;
	s2 =	sadd.s32 s2, s4;
	[dreg:$0x0] =	wrdreg $0x0  }
0xa8: {  	s4 =	sshll.u32 s28, $0x1;
	[dreg:$0x2] =	wrdreg s2  }
0xa9: {  	[dreg:$0x3] =	wrdreg s4  }
0xaa: {  	[dreg:$0x4] =	wrdreg $0xC0  }
0xab: {  	_ =	task [dreg:s6], $0x5FFFF  }
0xac: {  	[dreg:$0x1] =	wrdreg $0xFFFFFFFF  }
0xad: {  	[dreg:$0x0] =	wrdreg $0x60  }
0xae: {  	[dreg:$0x2] =	wrdreg s24  }
0xaf: {  	[dreg:$0x3] =	wrdreg $0xA  }
0xb0: {  	_ =	task.clear_ibuf [dreg:s6], $0x4FFFF;
	_ =	strace $0x90000046  }
0xb1: {  	s29 =	simm.s32 $0xA;
	_ =	strace $0x80000048  }
0xb2: {  	_ =	swait.ge [sflag:s29], $0x1  }
0xb3: {  	[sflag:s29] =	ssyncadd.s32 $0xFFFFFFFF  }
0xb4: {  	_ =	strace $0x90000048  }
0xb5: {  	_ =	sfence  }
0xb6: {  	s30 =	sld [smem:$0x0];
	_ =	sdelay $0x2  }
0xb7: {  	s31 =	sshll.u32 s1, $0xD;
	s1 =	sshrl.u32 s1, $0x2  }
0xb8: {  	s3 =	sand.u32 $0x4000, s31;
	s1 =	sadd.s32 s1, s30  }
0xb9: {  	s0 =	sor.u32 s3, s0;
	s1 =	sshll.u32 s1, $0x11  }
0xba: {  	s0 =	sor.u32 s1, s0  }
0xbb: {  	s0 =	sadd.s32 $0x8F2B, s0  }
0xbc: {  	[sflag:s0] =	ssyncadd.remote.s32 $0x1  }
0xbd: {  	_ =	sfence.sel $0xFFFF  }
0xbe: {  	[dreg:$0x0] =	wrdreg $0xFFFFFFFF;
	(pc) =	sbr.abs _section_cstart, $3  }
0xbf: {  	[dreg:$0x1] =	wrdreg $0xFFFFFFFF  }
0xc0: {  	_ =	task.clear_ibuf [dreg:s6], $0x2FFFF;
	_ =	strace $0x9FFFFFFF  }
0xc1: {  	(tm) =	ssettm $0x7FFFFFFF  }
tec
execute0_lowered:
.L_overlay_start_1:
0x0: {  	(tag) =	ssettag $0x1  }
0x1: {  	s0 =	rddreg [dreg:$0x0]  }
0x2: {  	s1 =	srdreg.scid;
	s2 =	simm.s32 $0x0;
	s5 =	stileid.u32  }
0x3: {  	s18 =	simm.s32 $0x53C0;
	s28 =	simm.s32 $0x1540;
	s29 =	simm.s32 $0x3D40  }
0x4: {  	s30 =	simm.s32 $0x3;
	s31 =	simm.s32 $0x5140;
	s1 =	sand.u32 $0x1, s1  }
0x5: {  	[smem:$0x7FF] =	sst s2;
	s3 =	sadd.s32 $0x17800, s0;
	s6 =	sadd.s32 $0x34E00, s0  }
0x6: {  	s8 =	sadd.s32 $0x2B200, s0;
	s9 =	sadd.s32 $0x49800, s0;
	s4 =	sshll.u32 s1, $0x4  }
0x7: {  	_ =	strace $0x80000047;
	s1 =	ssub.s32 $0x2, s1;
	s5 =	sor.u32 s5, s4  }
0x8: {  	[dreg:$0x2] =	wrdreg s6;
	s21 =	sshrl.u32 s1, $0x1;
	s10 =	smul.u32 $0x9B0, s5  }
0x9: {  	s6 =	sadd.s32 $0x30000, s0;
	s7 =	smul.u32 $0x1360, s5;
	s1 =	ssub.s32 s1, s21  }
0xa: {  	s4 =	sadd.s32 $0x3E00, s0;
	s26 =	smax.u32 s1, $0x1;
	s1 =	simm.s32 $0x5280  }
0xb: {  	s0 =	sadd.s32 s10, s0;
	s22 =	sshrl.u32 s7, $0x3;
	s15 =	sadd.s32 $0xA0, s7  }
0xc: {  	s16 =	sadd.s32 $0xF0, s7;
	[dreg:$0x7] =	wrdreg s26;
	s26 =	simm.s32 $0x2  }
0xd: {  	s10 =	simm.s32 $0x0;
	s23 =	sadd.s32 s6, s22;
	s24 =	sadd.s32 s8, s22  }
.Ltmp0:
0xe: {  	s5 =	sadd.s32 $0xA, s22;
	s14 =	sadd.s32 $0x36200, s0;
	(pc) =	sbr.rel .LBB2_1-.Ltmp0, $4  }
0xf: {  	s22 =	simm.s32 $0x50;
	s0 =	simm.s32 $0x4;
	[dreg:$0x3] =	wrdreg s23  }
0x10: {  	[dreg:$0x4] =	wrdreg s24;
	s25 =	sadd.s32 s6, s5;
	s5 =	sadd.s32 s8, s5  }
0x11: {  	v0 =	vlaneseq.u32;
	s23 =	simm.s32 $0x140;
	s24 =	simm.s32 $0x5;
	[dreg:$0x5] =	wrdreg s25  }
0x12: {  	v1 =	vimm.f32 $0.0e+00;
	v0 =	vmul.u32 $0x4, v0;
	[dreg:$0x6] =	wrdreg s5;
	s25 =	simm.s32 $0xF0;
	s5 =	simm.s32 $0x6  }
.LBB2_12:
0x13: {  	_ =	swait.ge [sflag:s24], $0x1400  }
0x14: {  	[sflag:s24] =	ssyncset.done $0x0  }
0x15: {  	[sflag:s24] =	ssyncadd.s32 $0xFFFFEC00  }
0x16: {  	_ =	swait.ge [sflag:s24], $0x140  }
0x17: {  	[sflag:s24] =	ssyncset.done $0x0  }
0x18: {  	[sflag:s24] =	ssyncadd.s32 $0xFFFFFEC0  }
0x19: {  	_ =	swait.ge [sflag:s5], $0x1400  }
0x1a: {  	[sflag:s5] =	ssyncset.done $0x0  }
0x1b: {  	[sflag:s5] =	ssyncadd.s32 $0xFFFFEC00  }
0x1c: {  	_ =	swait.ge [sflag:s5], $0x140  }
0x1d: {  	s10 =	sadd.s32 $0x1, s10;
	s11 =	rddreg [dreg:$0x7]  }
0x1e: {  	p0 =	sne.s32 s10, s11  }
.Ltmp1:
0x1f: {  	_ = 	snop;
	(pc) =	sbr.rel @!p0 .LBB2_13-.Ltmp1, $3  }
0x20: {  	_ =	sdelay $0x1  }
0x21: {  	[sflag:s5] =	ssyncset.done $0x0  }
0x22: {  	[sflag:s5] =	ssyncadd.s32 $0xFFFFFEC0  }
.LBB2_1:
0x23: {  	s11 =	rddreg [dreg:$0x2];
	s21 =	simm.s32 $0x7  }
0x24: {  	[tilespmem:s18], [sflag:$0x7] =	stream.linear.gather [hbm4b:s11+s2], $0x9C40, $0x38;
	[tilespmem:$0xF000] =	vst v63  }
0x25: {  	_ =	swait.ge [sflag:s21], $0x9C40  }
0x26: {  	[sflag:s21] =	ssyncset.done $0x0  }
0x27: {  	s12 =	rddreg [dreg:$0x3];
	[sflag:s21] =	ssyncadd.s32 $0xFFFF63C0  }
0x28: {  	[tilespmem:s2], [sflag:$0x1] =	stream.linear.gather [hbm4b:s12+s2], $0x50, $0x38;
	[tilespmem:$0xF000] =	vst v63  }
0x29: {  	s17 =	simm.s32 $0x1;
	s13 =	rddreg [dreg:$0x4];
	s12 =	simm.s32 $0xA0  }
0x2a: {  	[tilespmem:s12], [sflag:$0x1] =	stream.linear.gather [hbm4b:s13+s2], $0x50, $0x38;
	[tilespmem:$0xF000] =	vst v63  }
0x2b: {  	_ =	swait.ge [sflag:s17], $0x50  }
0x2c: {  	[sflag:s17] =	ssyncset.done $0x0  }
0x2d: {  	[sflag:s17] =	ssyncadd.s32 $0xFFFFFFB0  }
0x2e: {  	_ =	swait.ge [sflag:s17], $0x50  }
0x2f: {  	[sflag:s17] =	ssyncset.done $0x0  }
0x30: {  	[sflag:s17] =	ssyncadd.s32 $0xFFFFFFB0  }
0x31: {  	[tilespmem:s23], [sflag:$0x3] =	stream.indirect.gather [hbm4b:s3+s22], $0x40, s2, s22, $0xb8;
	[tilespmem:$0xF000] =	vst v63  }
0x32: {  	s19 =	simm.s32 $0x2940  }
0x33: {  	[tilespmem:s19], [sflag:$0x3] =	stream.indirect.gather [hbm4b:s4+s22], $0x40, s12, s22, $0xb8;
	[tilespmem:$0xF000] =	vst v63  }
0x34: {  	s20 =	rddreg [dreg:$0x5]  }
0x35: {  	[tilespmem:s22], [sflag:$0x2] =	stream.linear.gather [hbm4b:s20+s2], $0x50, $0x38;
	[tilespmem:$0xF000] =	vst v63  }
0x36: {  	s11 =	simm.s32 $0x0;
	s21 =	rddreg [dreg:$0x6]  }
0x37: {  	[tilespmem:s25], [sflag:$0x2] =	stream.linear.gather [hbm4b:s21+s2], $0x50, $0x38;
	[tilespmem:$0xF000] =	vst v63  }
.LBB2_2:
0x38: {  	_ =	swait.ge [sflag:s26], $0x50  }
0x39: {  	[sflag:s26] =	ssyncset.done $0x0  }
0x3a: {  	[sflag:s26] =	ssyncadd.s32 $0xFFFFFFB0  }
0x3b: {  	_ =	swait.ge [sflag:s26], $0x50  }
0x3c: {  	p0 =	seq.s32 s11, $0x0;
	[sflag:s26] =	ssyncset.done $0x0  }
0x3d: {  	s12 =	simm.s32 @!p0 $0x6;
	[sflag:s26] =	ssyncadd.s32 $0xFFFFFFB0  }
0x3e: {  	_ =	swait.ge @!p0 [sflag:s12], $0x1400  }
0x3f: {  	[sflag:s12] =	ssyncset.done @!p0 $0x0  }
0x40: {  	[sflag:s12] =	ssyncadd.s32 @!p0 $0xFFFFEC00  }
0x41: {  	_ =	swait.ge @!p0 [sflag:s12], $0x140  }
0x42: {  	[sflag:s12] =	ssyncset.done @!p0 $0x0  }
0x43: {  	[sflag:s12] =	ssyncadd.s32 @!p0 $0xFFFFFEC0  }
0x44: {  	[tilespmem:s28], [sflag:$0x4] =	stream.indirect.gather [hbm4b:s3+s22], $0x40, s22, s22, $0xb8;
	[tilespmem:$0xF000] =	vst v63  }
0x45: {  	_ = 	snop  }
0x46: {  	[tilespmem:s29], [sflag:$0x4] =	stream.indirect.gather [hbm4b:s4+s22], $0x40, s25, s22, $0xb8;
	[tilespmem:$0xF000] =	vst v63  }
0x47: {  	_ =	swait.ge [sflag:s30], $0x1400  }
0x48: {  	[sflag:s30] =	ssyncset.done $0x0  }
0x49: {  	[sflag:s30] =	ssyncadd.s32 $0xFFFFEC00  }
0x4a: {  	_ =	swait.ge [sflag:s30], $0x1400  }
0x4b: {  	[sflag:s30] =	ssyncset.done $0x0  }
0x4c: {  	s13 =	simm.s32 $0x0;
	[sflag:s30] =	ssyncadd.s32 $0xFFFFEC00  }
0x4d: {  	v6 =	vld [tilespmem:s13+$0x2940]  }
0x4e: {  	v8 =	vld [tilespmem:s13+$0x2950]  }
0x4f: {  	v3 =	vld [tilespmem:s13+$0x2960]  }
0x50: {  	v2 =	vld [tilespmem:s13+$0x2970]  }
0x51: {  	v4 =	vld [tilespmem:s13+$0x140]  }
0x52: {  	v5 =	vld [tilespmem:s13+$0x150]  }
0x53: {  	s20 =	simm.s32 $0x0;
	s17 =	simm.s32 $0x100;
	s12 =	sshllo.u32 s11, $0x1;
	v7 =	vld [tilespmem:s13+$0x160]  }
.LBB2_3:
0x54: {  	s19 =	sshra.s32 s17, $0x2;
	p0 =	sne.s32 s17, $0x4F00;
	v9 =	vld [tilespmem:s13+$0x170];
	v10 =	vmov v3  }
0x55: {  	v11 =	vld [tilespmem:s19+$0x2940];
	v12 =	vmov v2  }
0x56: {  	v13 =	vld [tilespmem:s19+$0x2950];
	v4 =	vadd.f32 v6, v4  }
.Ltmp2:
0x57: {  	v3 =	vld [tilespmem:s19+$0x2960];
	v5 =	vadd.f32 v8, v5;
	(pc) =	sbr.rel @p0 .LBB2_3-.Ltmp2, $4  }
0x58: {  	v2 =	vld [tilespmem:s19+$0x2970];
	[tilespmem:s13+$0x140] =	vst v4;
	v7 =	vadd.f32 v10, v7  }
0x59: {  	v4 =	vld [tilespmem:s19+$0x140];
	[tilespmem:s13+$0x150] =	vst v5;
	v9 =	vadd.f32 v12, v9  }
0x5a: {  	v5 =	vld [tilespmem:s19+$0x150];
	[tilespmem:s13+$0x160] =	vst v7;
	v6 =	vmov v11  }
0x5b: {  	s17 =	sadd.s32 $0x100, s17;
	v7 =	vld [tilespmem:s19+$0x160];
	[tilespmem:s13+$0x170] =	vst v9;
	v8 =	vmov v13;
	s13 =	smov.u32 s19  }
0x5c: {  	v9 =	vld [tilespmem:s13+$0x170];
	_ =	sdelay $0x1  }
0x5d: {  	v4 =	vadd.f32 v6, v4  }
0x5e: {  	v5 =	vadd.f32 v8, v5  }
0x5f: {  	[tilespmem:s13+$0x140] =	vst v4;
	v3 =	vadd.f32 v3, v7  }
0x60: {  	[tilespmem:s13+$0x150] =	vst v5;
	v2 =	vadd.f32 v2, v9  }
0x61: {  	[tilespmem:s13+$0x160] =	vst v3  }
0x62: {  	[tilespmem:s13+$0x170] =	vst v2  }
0x63: {  	s13 =	simm.s32 $0xA0;
	v2 =	vld [tilespmem:s20+$0x0]  }
0x64: {  	v3 =	vld [tilespmem:s13+$0x0];
	_ =	sdelay $0x6  }
0x65: {  	v4 =	vld.idx.msk [tilespmem:v2+s18+$0x0], $0xffff  }
0x66: {  	v6 =	vmov s20;
	v5 =	vld.idx.msk [tilespmem:v3+s18+$0x0], $0xffff  }
0x67: {  	v6 =	vshll.u32 v6, $0x2  }
0x68: {  	v6 =	vor.u32 v0, v6  }
0x69: {  	v7 =	vadd.s32 $0x2710, v3  }
0x6a: {  	v63 =	vadd.s32 $0x2710, v2  }
0x6b: {  	v4 =	vsub.f32 v4, v5;
	_ =	sdelay $0x1  }
0x6c: {  	[tilespmem:v6+s31+$0x0] =	vst.idx.msk $0xffff, v4  }
0x6d: {  	v4 =	vld.idx.msk [tilespmem:v7+s18+$0x0], $0xffff  }
0x6e: {  	v5 =	vld.idx.msk [tilespmem:v63+s18+$0x0], $0xffff;
	_ =	sdelay $0x1  }
0x6f: {  	v7 =	vor.u32 $0x1, v6  }
0x70: {  	v2 =	vadd.s32 $0x4E20, v2  }
0x71: {  	v3 =	vadd.s32 $0x4E20, v3  }
0x72: {  	v4 =	vsub.f32 v5, v4;
	_ =	sdelay $0x1  }
0x73: {  	[tilespmem:v7+s31+$0x0] =	vst.idx.msk $0xffff, v4  }
0x74: {  	v4 =	vld.idx.msk [tilespmem:v2+s18+$0x0], $0xffff  }
0x75: {  	v5 =	vld.idx.msk [tilespmem:v3+s18+$0x0], $0xffff;
	_ =	sdelay $0x1  }
0x76: {  	v3 =	vor.u32 $0x2, v6  }
0x77: {  	v2 =	vor.u32 $0x3, v6;
	_ =	sdelay $0x1  }
0x78: {  	s17 =	simm.s32 $0x10;
	v4 =	vsub.f32 v4, v5  }
.LBB2_5:
0x79: {  	p0 =	sne.s32 s17, $0x40;
	s20 =	sadd.s32 $0x10, s20;
	s13 =	sadd.s32 $0x10, s13  }
0x7a: {  	s19 =	smov.u32 s17;
	s17 =	sadd.s32 $0x10, s17;
	[tilespmem:v3+s31+$0x0] =	vst.idx.msk $0xffff, v4  }
0x7b: {  	[tilespmem:v2+s31+$0x0] =	vst.idx.msk $0xffff, v1  }
0x7c: {  	v2 =	vld [tilespmem:s20+$0x0]  }
0x7d: {  	v3 =	vld [tilespmem:s13+$0x0];
	_ =	sdelay $0x6  }
0x7e: {  	v4 =	vld.idx.msk [tilespmem:v2+s18+$0x0], $0xffff  }
0x7f: {  	v5 =	vld.idx.msk [tilespmem:v3+s18+$0x0], $0xffff  }
0x80: {  	v6 =	vmov s19  }
0x81: {  	v6 =	vshll.u32 v6, $0x2  }
0x82: {  	v6 =	vor.u32 v0, v6  }
0x83: {  	v7 =	vadd.s32 $0x2710, v2;
	v8 =	vadd.s32 $0x2710, v3;
	_ =	sdelay $0x1  }
0x84: {  	v4 =	vsub.f32 v4, v5;
	_ =	sdelay $0x1  }
0x85: {  	[tilespmem:v6+s31+$0x0] =	vst.idx.msk $0xffff, v4  }
0x86: {  	v4 =	vld.idx.msk [tilespmem:v8+s18+$0x0], $0xffff  }
0x87: {  	v5 =	vld.idx.msk [tilespmem:v7+s18+$0x0], $0xffff;
	_ =	sdelay $0x1  }
0x88: {  	v7 =	vor.u32 $0x1, v6;
	_ =	sdelay $0x1  }
0x89: {  	v2 =	vadd.s32 $0x4E20, v2;
	v3 =	vadd.s32 $0x4E20, v3;
	_ =	sdelay $0x1  }
0x8a: {  	v4 =	vsub.f32 v5, v4;
	_ =	sdelay $0x1  }
0x8b: {  	[tilespmem:v7+s31+$0x0] =	vst.idx.msk $0xffff, v4  }
0x8c: {  	v4 =	vld.idx.msk [tilespmem:v2+s18+$0x0], $0xffff  }
0x8d: {  	v5 =	vld.idx.msk [tilespmem:v3+s18+$0x0], $0xffff  }
0x8e: {  	v3 =	vor.u32 $0x2, v6  }
.Ltmp3:
0x8f: {  	v2 =	vor.u32 $0x3, v6;
	(pc) =	sbr.rel @p0 .LBB2_5-.Ltmp3, $2  }
0x90: {  	_ =	sdelay $0x2  }
0x91: {  	v4 =	vsub.f32 v4, v5  }
0x92: {  	_ = 	snop  }
0x93: {  	s20 =	smul.u32 $0xA0, s11;
	_ =	sdelay $0x1  }
0x94: {  	s13 =	sadd.s32 s7, s20  }
0x95: {  	[tilespmem:v3+s31+$0x0] =	vst.idx.msk $0xffff, v4;
	s13 =	sshll.u32 s13, $0x3  }
0x96: {  	s17 =	smul.u32 $0x50, s11;
	p0 =	seq.s32 s11, $0x1E;
	[tilespmem:v2+s31+$0x0] =	vst.idx.msk $0xffff, v1;
	s13 =	sadd.s32 s9, s13  }
0x97: {  	[hbm4b:s13+s2] =	stream.linear.scatter [tilespmem:s23], [sflag:$0x5], $0x1400, $0x38;
	[tilespmem:$0xF000] =	vst v63  }
0x98: {  	s13 =	sadd.s32 @!p0 s20, s15  }
0x99: {  	s21 =	sadd.s32 s17, s14;
	s13 =	sshrl.u32 @!p0 s13, $0x3  }
0x9a: {  	[hbm4b:s21+s2] =	stream.linear.scatter [tilespmem:s31], [sflag:$0x5], $0x140, $0x38;
	[tilespmem:$0xF000] =	vst v63  }
0x9b: {  	s19 =	simm.s32 @!p0 $0x0;
	s17 =	sadd.s32 @!p0 s6, s13  }
0x9c: {  	[tilespmem:s19], [sflag:$0x1] =	stream.linear.gather @!p0 [hbm4b:s17+s19], $0x50, $0x38;
	[tilespmem:$0xF000] =	vst v63  }
0x9d: {  	s13 =	sadd.s32 @!p0 s8, s13;
	s17 =	simm.s32 @!p0 $0xA0  }
0x9e: {  	[tilespmem:s17], [sflag:$0x1] =	stream.linear.gather @!p0 [hbm4b:s13+s19], $0x50, $0x38;
	[tilespmem:$0xF000] =	vst v63  }
0x9f: {  	s13 =	simm.s32 @!p0 $0x1  }
0xa0: {  	_ =	swait.ge @!p0 [sflag:s13], $0x50  }
0xa1: {  	[sflag:s13] =	ssyncset.done @!p0 $0x0  }
0xa2: {  	[sflag:s13] =	ssyncadd.s32 @!p0 $0xFFFFFFB0  }
0xa3: {  	_ =	swait.ge @!p0 [sflag:s13], $0x50  }
0xa4: {  	[sflag:s13] =	ssyncset.done @!p0 $0x0  }
0xa5: {  	[sflag:s13] =	ssyncadd.s32 @!p0 $0xFFFFFFB0;
	s13 =	simm.s32 @!p0 $0x5  }
0xa6: {  	_ =	swait.ge @!p0 [sflag:s13], $0x1400  }
0xa7: {  	[sflag:s13] =	ssyncset.done @!p0 $0x0  }
0xa8: {  	[sflag:s13] =	ssyncadd.s32 @!p0 $0xFFFFEC00  }
0xa9: {  	_ =	swait.ge @!p0 [sflag:s13], $0x140  }
0xaa: {  	[sflag:s13] =	ssyncset.done @!p0 $0x0  }
0xab: {  	s21 =	simm.s32 @!p0 $0x140;
	[sflag:s13] =	ssyncadd.s32 @!p0 $0xFFFFFEC0;
	s13 =	simm.s32 @!p0 $0x50  }
0xac: {  	[tilespmem:s21], [sflag:$0x3] =	stream.indirect.gather @!p0 [hbm4b:s3+s13], $0x40, s19, s13, $0xb8;
	[tilespmem:$0xF000] =	vst v63  }
0xad: {  	s19 =	simm.s32 @!p0 $0x2940  }
0xae: {  	[tilespmem:s19], [sflag:$0x3] =	stream.indirect.gather @!p0 [hbm4b:s4+s13], $0x40, s17, s13, $0xb8;
	[tilespmem:$0xF000] =	vst v63  }
0xaf: {  	_ =	swait.ge [sflag:s0], $0x1400  }
0xb0: {  	[sflag:s0] =	ssyncset.done $0x0  }
0xb1: {  	[sflag:s0] =	ssyncadd.s32 $0xFFFFEC00  }
0xb2: {  	_ =	swait.ge [sflag:s0], $0x1400  }
0xb3: {  	[sflag:s0] =	ssyncset.done $0x0  }
0xb4: {  	s13 =	simm.s32 $0x0;
	[sflag:s0] =	ssyncadd.s32 $0xFFFFEC00  }
0xb5: {  	v7 =	vld [tilespmem:s13+$0x3D40]  }
0xb6: {  	v8 =	vld [tilespmem:s13+$0x3D50]  }
0xb7: {  	v3 =	vld [tilespmem:s13+$0x3D60]  }
0xb8: {  	v2 =	vld [tilespmem:s13+$0x3D70]  }
0xb9: {  	v4 =	vld [tilespmem:s13+$0x1540]  }
0xba: {  	v5 =	vld [tilespmem:s13+$0x1550]  }
0xbb: {  	s19 =	simm.s32 $0x0;
	s17 =	simm.s32 $0x100;
	v6 =	vld [tilespmem:s13+$0x1560]  }
.LBB2_7:
0xbc: {  	s21 =	sshra.s32 s17, $0x2;
	p1 =	sne.s32 s17, $0x4F00;
	v9 =	vld [tilespmem:s13+$0x1570];
	v10 =	vmov v3  }
0xbd: {  	v11 =	vld [tilespmem:s21+$0x3D40];
	v12 =	vmov v2  }
0xbe: {  	v13 =	vld [tilespmem:s21+$0x3D50];
	v4 =	vadd.f32 v7, v4  }
.Ltmp4:
0xbf: {  	v3 =	vld [tilespmem:s21+$0x3D60];
	v5 =	vadd.f32 v8, v5;
	(pc) =	sbr.rel @p1 .LBB2_7-.Ltmp4, $4  }
0xc0: {  	v2 =	vld [tilespmem:s21+$0x3D70];
	[tilespmem:s13+$0x1540] =	vst v4;
	v6 =	vadd.f32 v10, v6  }
0xc1: {  	v4 =	vld [tilespmem:s21+$0x1540];
	[tilespmem:s13+$0x1550] =	vst v5;
	v9 =	vadd.f32 v12, v9  }
0xc2: {  	v5 =	vld [tilespmem:s21+$0x1550];
	[tilespmem:s13+$0x1560] =	vst v6;
	v7 =	vmov v11  }
0xc3: {  	s17 =	sadd.s32 $0x100, s17;
	v6 =	vld [tilespmem:s21+$0x1560];
	[tilespmem:s13+$0x1570] =	vst v9;
	v8 =	vmov v13;
	s13 =	smov.u32 s21  }
0xc4: {  	v9 =	vld [tilespmem:s13+$0x1570];
	_ =	sdelay $0x1  }
0xc5: {  	v4 =	vadd.f32 v7, v4  }
0xc6: {  	v5 =	vadd.f32 v8, v5  }
0xc7: {  	[tilespmem:s13+$0x1540] =	vst v4;
	v3 =	vadd.f32 v3, v6  }
0xc8: {  	[tilespmem:s13+$0x1550] =	vst v5;
	v2 =	vadd.f32 v2, v9  }
0xc9: {  	[tilespmem:s13+$0x1560] =	vst v3  }
0xca: {  	[tilespmem:s13+$0x1570] =	vst v2;
	s13 =	simm.s32 $0x50  }
0xcb: {  	s17 =	simm.s32 $0xF0;
	v2 =	vld [tilespmem:s13+$0x0]  }
0xcc: {  	v3 =	vld [tilespmem:s17+$0x0];
	_ =	sdelay $0x6  }
0xcd: {  	v4 =	vld.idx.msk [tilespmem:v2+s18+$0x0], $0xffff  }
0xce: {  	v6 =	vmov s19;
	v5 =	vld.idx.msk [tilespmem:v3+s18+$0x0], $0xffff  }
0xcf: {  	v6 =	vshll.u32 v6, $0x2  }
0xd0: {  	v6 =	vor.u32 v0, v6  }
0xd1: {  	v7 =	vadd.s32 $0x2710, v3  }
0xd2: {  	v63 =	vadd.s32 $0x2710, v2  }
0xd3: {  	v4 =	vsub.f32 v4, v5;
	_ =	sdelay $0x1  }
0xd4: {  	[tilespmem:v6+s1+$0x0] =	vst.idx.msk $0xffff, v4  }
0xd5: {  	v4 =	vld.idx.msk [tilespmem:v7+s18+$0x0], $0xffff  }
0xd6: {  	v5 =	vld.idx.msk [tilespmem:v63+s18+$0x0], $0xffff;
	_ =	sdelay $0x1  }
0xd7: {  	v7 =	vor.u32 $0x1, v6  }
0xd8: {  	v2 =	vadd.s32 $0x4E20, v2  }
0xd9: {  	v3 =	vadd.s32 $0x4E20, v3  }
0xda: {  	v4 =	vsub.f32 v5, v4;
	_ =	sdelay $0x1  }
0xdb: {  	[tilespmem:v7+s1+$0x0] =	vst.idx.msk $0xffff, v4  }
0xdc: {  	v4 =	vld.idx.msk [tilespmem:v2+s18+$0x0], $0xffff  }
0xdd: {  	v5 =	vld.idx.msk [tilespmem:v3+s18+$0x0], $0xffff;
	_ =	sdelay $0x1  }
0xde: {  	v3 =	vor.u32 $0x2, v6  }
0xdf: {  	v2 =	vor.u32 $0x3, v6;
	_ =	sdelay $0x1  }
0xe0: {  	s19 =	simm.s32 $0x10;
	v4 =	vsub.f32 v4, v5  }
.LBB2_9:
0xe1: {  	p1 =	sne.s32 s19, $0x40;
	s13 =	sadd.s32 $0x10, s13;
	s17 =	sadd.s32 $0x10, s17  }
0xe2: {  	s21 =	smov.u32 s19;
	s19 =	sadd.s32 $0x10, s19;
	[tilespmem:v3+s1+$0x0] =	vst.idx.msk $0xffff, v4  }
0xe3: {  	[tilespmem:v2+s1+$0x0] =	vst.idx.msk $0xffff, v1  }
0xe4: {  	v2 =	vld [tilespmem:s13+$0x0]  }
0xe5: {  	v3 =	vld [tilespmem:s17+$0x0];
	_ =	sdelay $0x6  }
0xe6: {  	v4 =	vld.idx.msk [tilespmem:v2+s18+$0x0], $0xffff  }
0xe7: {  	v5 =	vld.idx.msk [tilespmem:v3+s18+$0x0], $0xffff  }
0xe8: {  	v6 =	vmov s21  }
0xe9: {  	v6 =	vshll.u32 v6, $0x2  }
0xea: {  	v6 =	vor.u32 v0, v6  }
0xeb: {  	v7 =	vadd.s32 $0x2710, v2;
	v8 =	vadd.s32 $0x2710, v3;
	_ =	sdelay $0x1  }
0xec: {  	v4 =	vsub.f32 v4, v5;
	_ =	sdelay $0x1  }
0xed: {  	[tilespmem:v6+s1+$0x0] =	vst.idx.msk $0xffff, v4  }
0xee: {  	v4 =	vld.idx.msk [tilespmem:v8+s18+$0x0], $0xffff  }
0xef: {  	v5 =	vld.idx.msk [tilespmem:v7+s18+$0x0], $0xffff;
	_ =	sdelay $0x1  }
0xf0: {  	v7 =	vor.u32 $0x1, v6;
	_ =	sdelay $0x1  }
0xf1: {  	v2 =	vadd.s32 $0x4E20, v2;
	v3 =	vadd.s32 $0x4E20, v3;
	_ =	sdelay $0x1  }
0xf2: {  	v4 =	vsub.f32 v5, v4;
	_ =	sdelay $0x1  }
0xf3: {  	[tilespmem:v7+s1+$0x0] =	vst.idx.msk $0xffff, v4  }
0xf4: {  	v4 =	vld.idx.msk [tilespmem:v2+s18+$0x0], $0xffff  }
0xf5: {  	v5 =	vld.idx.msk [tilespmem:v3+s18+$0x0], $0xffff  }
0xf6: {  	v3 =	vor.u32 $0x2, v6  }
.Ltmp5:
0xf7: {  	v2 =	vor.u32 $0x3, v6;
	(pc) =	sbr.rel @p1 .LBB2_9-.Ltmp5, $2  }
0xf8: {  	_ =	sdelay $0x2  }
0xf9: {  	v4 =	vsub.f32 v4, v5  }
0xfa: {  	s13 =	smul.u32 $0x50, s12;
	_ =	sdelay $0x1  }
0xfb: {  	s13 =	sadd.s32 s7, s13  }
0xfc: {  	s13 =	sshll.u32 s13, $0x3  }
.Ltmp6:
0xfd: {  	[tilespmem:v3+s1+$0x0] =	vst.idx.msk $0xffff, v4;
	s13 =	sand.u32 $0x1FFFFF80, s13;
	(pc) =	sbr.rel @p0 .LBB2_12-.Ltmp6, $4  }
0xfe: {  	s21 =	smul.u32 $0x28, s12;
	[tilespmem:v2+s1+$0x0] =	vst.idx.msk $0xffff, v1;
	s13 =	sadd.s32 s9, s13  }
0xff: {  	[hbm4b:s13+s2] =	stream.linear.scatter [tilespmem:s28], [sflag:$0x6], $0x1400, $0x38;
	[tilespmem:$0xF000] =	vst v63  }
0x100: {  	s12 =	sadd.s32 s21, s14  }
0x101: {  	[hbm4b:s12+s2] =	stream.linear.scatter [tilespmem:s1], [sflag:$0x6], $0x140, $0x38;
	[tilespmem:$0xF000] =	vst v63  }
0x102: {  	s12 =	sadd.s32 s20, s16  }
.Ltmp7:
0x103: {  	s12 =	sshrl.u32 s12, $0x3;
	(pc) =	sbr.rel .LBB2_2-.Ltmp7, $4  }
0x104: {  	s13 =	sadd.s32 s6, s12  }
0x105: {  	[tilespmem:s22], [sflag:$0x2] =	stream.linear.gather [hbm4b:s13+s2], $0x50, $0x38;
	[tilespmem:$0xF000] =	vst v63  }
0x106: {  	s11 =	sadd.s32 $0x1, s11;
	s12 =	sadd.s32 s8, s12  }
0x107: {  	[tilespmem:s25], [sflag:$0x2] =	stream.linear.gather [hbm4b:s12+s2], $0x50, $0x38;
	[tilespmem:$0xF000] =	vst v63  }
.LBB2_13:
0x108: {  	_ =	sfence.sel $0x180000  }
0x109: {  	[bflag:$0x0] =	sbarrier.arrive $0xFFFF  }
0x10a: {  	_ =	strace $0x90000047  }
0x10b: {  	s0 =	stileid.u32;
	[bflag:$0x2] =	sbarrier.arrive $0xFFFF  }
0x10c: {  	p0 =	sne.s32 s0, $0x0;
	s0 =	rddreg [dreg:$0x1]  }
0x10d: {  	s0 =	sadd.s32 @!p0 $0x100000, s0  }
0x10e: {  	[sflag:s0] =	ssyncadd.tile.s32 @!p0 $0x1;
	_ =	shalt  }
.Lfunc_end2:
_tile_overlayer_lowered:
.L_overlay_start_2:
0x10f: {  	(tag) =	ssettag $0x2  }
0x110: {  	s0 =	rddreg [dreg:$0x0];
	s2 =	stileid.u32  }
0x111: {  	s1 =	rddreg [dreg:$0x1];
	p0 =	sne.s32 s2, $0x0  }
0x112: {  	s3 =	rddreg [dreg:$0x2];
	[bflag:$0x3] =	sbarrier.arrive $0xFFFF;
	s2 =	simm.s32 @!p0 $0x1C07  }
0x113: {  	[timem:s3], [sflag:s2] =	dma.local @!p0 [hbm:s0], s1  }
0x114: {  	s0 =	simm.s32 @!p0 $0x7  }
0x115: {  	_ =	swait.ge @!p0 [sflag:s0], s1  }
0x116: {  	s1 =	ssub.s32 @!p0 $0x0, s1;
	[sflag:s0] =	ssyncset.done @!p0 $0x0  }
0x117: {  	[sflag:s0] =	ssyncadd.s32 @!p0 s1  }
0x118: {  	[bflag:$0x3] =	sbarrier.arrive $0xFFFF  }
0x119: {  	_ =	shalt  }

// kernel: kernel.19.cloned.1.call-start
scs
__scs_entry_jumppad:
0x0: {  	(pc) =	sbr.rel $0x88, $3  }
0x1: {  	(tag) =	ssettag $0x0;
	lr =	simm.s32 $0x1  }
0x2: {  	[smem:$0x3F90] =	sst lr;
	_ =	strace $0xD0000000  }
0x3: {  	_ = 	snop  }
0x4: {  	_ = 	snop  }
0x5: {  	_ = 	snop  }
0x6: {  	_ = 	snop  }
0x7: {  	_ = 	snop  }
__scs_overlays_trampoline_lowered:
0x8: {  	[smem:$0x3F9F] =	sst s0  }
0x9: {  	[smem:$0x3FA0] =	sst s1  }
0xa: {  	[smem:$0x3FA1] =	sst s2  }
0xb: {  	[smem:$0x3FA2] =	sst s3  }
0xc: {  	[smem:$0x3FA3] =	sst s4  }
0xd: {  	[smem:$0x3FA4] =	sst s5  }
0xe: {  	[smem:$0x3FA5] =	sst s6  }
0xf: {  	[smem:$0x3FA6] =	sst s7  }
0x10: {  	[smem:$0x3FA7] =	sst s8  }
0x11: {  	[smem:$0x3FA8] =	sst s9;
	s0 =	simm.s32 @!p0 $0x0  }
0x12: {  	s1 =	sld [smem:$0x3F8E];
	s0 =	simm.s32 @p0 $0x1  }
0x13: {  	[smem:$0x3FA9] =	sst s0;
	s0 =	simm.s32 @!p1 $0x0  }
0x14: {  	s2 =	sld [smem:$0x3F8D];
	s0 =	simm.s32 @p1 $0x1  }
0x15: {  	[smem:$0x3FAA] =	sst s0;
	s0 =	simm.s32 @!p2 $0x0  }
0x16: {  	s3 =	sld [smem:$0x3FDB];
	s0 =	simm.s32 @p2 $0x1  }
0x17: {  	s4 =	simm.s32 $0x1BF5;
	[smem:$0x3FAC] =	sst s0  }
0x18: {  	s0 =	sld [smem:$0x3F8F];
	_ =	swait.ge [sflag:s4], $0x0  }
0x19: {  	s7 =	sld [smem:$0x3F90]  }
0x1a: {  	s8 =	sadd.s32 $0xFFFFE003, lr  }
0x1b: {  	s9 =	sadd.s32 $0xFFFFFEF7, lr;
	s5 =	simm.s32 $0xFFFFFFFF;
	p2 =	slt.u32 s8, $0xFFFFF086  }
0x1c: {  	p1 =	slt.u32 s9, $0xF7A;
	s5 =	simm.s32 @!p2 $0x0  }
0x1d: {  	s5 =	simm.s32 @p1 $0x1;
	p0 =	seq.s32 s7, s2  }
0x1e: {  	s7 =	smul.u32 @!p0 $0xF7A, s2;
	p2 =	seq.s32 @!p0 s5, $0x0  }
0x1f: {  	s9 =	smul.u32 $0xF7A, s1;
	s8 =	simm.s32 @!p0 $0x1BF5;
	p2 =	por !p2, p0  }
0x20: {  	[sflag:s8] =	ssyncset.s32 @!p0 $0xFFFFF086;
	s6 =	sadd.s32 @!p0 s3, s7;
	s7 =	simm.s32 @!p0 $0x108  }
0x21: {  	s3 =	sadd.s32 s3, s9;
	s6 =	sadd.s32 @!p0 $0x88, s6;
	s7 =	simm.s32 @p2 $0x1082  }
0x22: {  	[simem:s7], [sflag:s8] =	dma.local @!p0 [hbm:s6], $0xF7A  }
0x23: {  	s9 =	sor.u32 $0xD0000000, s2;
	s6 =	simm.s32 $0x108;
	_ =	swait.ge @!p0 [sflag:s8], $0x0  }
0x24: {  	s3 =	sadd.s32 $0x88, s3;
	s6 =	simm.s32 @!p1 $0x1082;
	[sflag:s4] =	ssyncset.s32 $0xFFFFF086  }
0x25: {  	[simem:s6], [sflag:s4] =	dma.local [hbm:s3], $0xF7A  }
0x26: {  	[smem:$0x3F90] =	sst s1;
	(tag) =	ssettag s2;
	_ =	strace s9  }
0x27: {  	s1 =	sld [smem:$0x3FA0]  }
0x28: {  	s2 =	sld [smem:$0x3FA1]  }
0x29: {  	s4 =	sld [smem:$0x3FA3]  }
0x2a: {  	p0 =	seq.s32 s5, $0x0;
	s5 =	sld [smem:$0x3FA4]  }
0x2b: {  	s6 =	sld [smem:$0x3FA5]  }
0x2c: {  	s7 =	sld [smem:$0x3FA6]  }
0x2d: {  	s3 =	simm.s32 $0x108;
	s8 =	sld [smem:$0x3FA7]  }
0x2e: {  	s3 =	simm.s32 @!p0 $0x1082;
	s9 =	sld [smem:$0x3FA8]  }
0x2f: {  	lr =	sadd.s32 s0, s3;
	s0 =	sld [smem:$0x3F9F]  }
0x30: {  	s3 =	sld [smem:$0x3FA2]  }
0x31: {  	[smem:$0x3FAB] =	sst s10  }
0x32: {  	s10 =	sld [smem:$0x3FA9];
	_ =	sdelay $0x3  }
0x33: {  	p0 =	seq.s32 s10, $0x1;
	s10 =	sld [smem:$0x3FAB];
	_ =	sdelay $0x3  }
0x34: {  	[smem:$0x3FAB] =	sst s10  }
0x35: {  	s10 =	sld [smem:$0x3FAA];
	_ =	sdelay $0x3  }
0x36: {  	p1 =	seq.s32 s10, $0x1;
	s10 =	sld [smem:$0x3FAB];
	_ =	sdelay $0x3  }
0x37: {  	[smem:$0x3FAB] =	sst s10  }
0x38: {  	s10 =	sld [smem:$0x3FAC]  }
0x39: {  	_ = 	snop;
	(pc) =	sbr.ind lr, $3  }
0x3a: {  	_ = 	snop  }
0x3b: {  	_ = 	snop  }
0x3c: {  	p2 =	seq.s32 s10, $0x1;
	s10 =	sld [smem:$0x3FAB]  }
0x3d: {  	_ =	shalt  }
0x3e: {  	_ =	shalt  }
0x3f: {  	_ =	shalt  }
0x40: {  	_ =	shalt  }
0x41: {  	_ =	shalt  }
0x42: {  	_ =	shalt  }
0x43: {  	_ =	shalt  }
0x44: {  	_ =	shalt  }
0x45: {  	_ =	shalt  }
0x46: {  	_ =	shalt  }
0x47: {  	_ =	shalt  }
0x48: {  	_ =	shalt  }
0x49: {  	_ =	shalt  }
0x4a: {  	_ =	shalt  }
0x4b: {  	_ =	shalt  }
0x4c: {  	_ =	shalt  }
0x4d: {  	_ =	shalt  }
0x4e: {  	_ =	shalt  }
0x4f: {  	_ =	shalt  }
0x50: {  	_ =	shalt  }
0x51: {  	_ =	shalt  }
0x52: {  	_ =	shalt  }
0x53: {  	_ =	shalt  }
0x54: {  	_ =	shalt  }
0x55: {  	_ =	shalt  }
0x56: {  	_ =	shalt  }
0x57: {  	_ =	shalt  }
0x58: {  	_ =	shalt  }
0x59: {  	_ =	shalt  }
0x5a: {  	_ =	shalt  }
0x5b: {  	_ =	shalt  }
0x5c: {  	_ =	shalt  }
0x5d: {  	_ =	shalt  }
0x5e: {  	_ =	shalt  }
0x5f: {  	_ =	shalt  }
0x60: {  	_ =	shalt  }
0x61: {  	_ =	shalt  }
0x62: {  	_ =	shalt  }
0x63: {  	_ =	shalt  }
0x64: {  	_ =	shalt  }
0x65: {  	_ =	shalt  }
0x66: {  	_ =	shalt  }
0x67: {  	_ =	shalt  }
0x68: {  	_ =	shalt  }
0x69: {  	_ =	shalt  }
0x6a: {  	_ =	shalt  }
0x6b: {  	_ =	shalt  }
0x6c: {  	_ =	shalt  }
0x6d: {  	_ =	shalt  }
0x6e: {  	_ =	shalt  }
0x6f: {  	_ =	shalt  }
0x70: {  	_ =	shalt  }
0x71: {  	_ =	shalt  }
0x72: {  	_ =	shalt  }
0x73: {  	_ =	shalt  }
0x74: {  	_ =	shalt  }
0x75: {  	_ =	shalt  }
0x76: {  	_ =	shalt  }
0x77: {  	_ =	shalt  }
0x78: {  	_ =	shalt  }
0x79: {  	_ =	shalt  }
0x7a: {  	_ =	shalt  }
0x7b: {  	_ =	shalt  }
0x7c: {  	_ =	shalt  }
0x7d: {  	_ =	shalt  }
0x7e: {  	_ =	shalt  }
0x7f: {  	_ =	shalt  }
0x80: {  	_ =	shalt  }
0x81: {  	_ =	shalt  }
0x82: {  	_ =	shalt  }
0x83: {  	_ =	shalt  }
0x84: {  	_ =	shalt  }
0x85: {  	_ =	shalt  }
0x86: {  	_ =	shalt  }
0x87: {  	_ =	shalt  }
.Lfunc_end0:
.L_simem_size_0:
called_computation.3_lowered:
.L_overlay_start_0:
0x88: {  	s2 =	sld [smem:$0x3FD9]  }
0x89: {  	s3 =	sld [smem:$0x3FFE];
	_ =	sdelay $0x1  }
0x8a: {  	s1 =	srdreg.scid  }
0x8b: {  	s0 =	sand.u32 $0x1, s1  }
0x8c: {  	s17 =	sshll.u32 s0, $0xA;
	s2 =	sadd.s32 s3, s2  }
0x8d: {  	s2 =	sadd.s32 s2, s17  }
0x8e: {  	[smem:$0x3FB7] =	sst s2  }
0x8f: {  	_ = 	snop  }
0x90: {  	(tm) =	ssettm $0x1  }
0x91: {  	s18 =	sld [smem:$0x3FFB];
	_ =	sdelay $0x3  }
0x92: {  	_ =	strace s18  }
0x93: {  	s2 =	sld [smem:$0x3FFC];
	_ =	sdelay $0x3  }
0x94: {  	_ =	strace s2  }
0x95: {  	s2 =	sld [smem:$0x3FFD];
	_ =	sdelay $0x3  }
0x96: {  	_ =	strace s2  }
0x97: {  	_ =	strace $0x8FFFFFFF  }
0x98: {  	s19 =	sld [smem:$0x3FDB];
	_ =	sdelay $0x1  }
0x99: {  	s20 =	simm.s32 $_scs_section_size  }
0x9a: {  	s4 =	simm.s32 $_size__tile_overlayer_lowered;
	s5 =	simm.s32 $_tile_overlayer_lowered  }
0x9b: {  	s6 =	simm.s32 $0x1BFF;
	s21 =	sshll.u32 s5, $0x1;
	s3 =	sadd.s32 s20, s19  }
0x9c: {  	s22 =	simm.s32 $0x0;
	s4 =	sshll.u32 s4, $0x1;
	s5 =	sadd.s32 s21, s3  }
0x9d: {  	[timem:s22], [sflag:s6] =	dma.local [hbm:s5], s4  }
0x9e: {  	_ =	swait.ge [sflag:s6], s4  }
0x9f: {  	s4 =	ssub.s32 $0x0, s4;
	[sflag:s6] =	ssyncset.done $0x0  }
0xa0: {  	[sflag:s6] =	ssyncadd.s32 s4;
	_ =	sdelay $0x1  }
0xa1: {  	s23 =	simm.s32 $0x1B8B  }
0xa2: {  	_ =	swait.ge [sflag:s23], $0x1  }
0xa3: {  	[sflag:s23] =	ssyncset.done $0x0  }
0xa4: {  	[sflag:s23] =	ssyncadd.s32 $0xFFFFFFFF  }
0xa5: {  	s4 =	sld [smem:$0x0]  }
0xa6: {  	s5 =	sand.u32 $0xFFFFFFFE, s1  }
0xa7: {  	p0 =	sne.s32 s1, s5  }
0xa8: {  	s5 =	sshll.u32 @p0 s5, $0xE  }
0xa9: {  	s5 =	sadd.s32 @p0 $0x11B8D, s5;
	s6 =	sshll.u32 @p0 s4, $0x11  }
0xaa: {  	s5 =	sor.u32 @p0 s6, s5  }
0xab: {  	[sflag:s5] =	ssyncadd.remote.s32 @p0 $0x1;
	_ =	sdelay $0x1  }
0xac: {  	s5 =	simm.s32 @p0 $0x1B8D  }
0xad: {  	_ =	swait.eq @p0 [sflag:s5], $0x1  }
0xae: {  	[sflag:s5] =	ssyncadd.s32 @p0 $0xFFFFFFFF  }
0xaf: {  	s6 =	sshll.u32 @!p0 s1, $0xE  }
0xb0: {  	s6 =	sor.u32 @!p0 $0x4000, s6;
	s5 =	simm.s32 @!p0 $0x1B8D  }
0xb1: {  	s4 =	sshll.u32 @!p0 s4, $0x11;
	s6 =	sadd.s32 @!p0 $0x11B8D, s6;
	_ =	swait.eq @!p0 [sflag:s5], $0x1  }
0xb2: {  	s4 =	sor.u32 @!p0 s4, s6;
	[sflag:s5] =	ssyncadd.s32 @!p0 $0xFFFFFFFF  }
0xb3: {  	s25 =	simm.s32 $0x1B8E;
	s24 =	sld [smem:$0x3FFE];
	[sflag:s4] =	ssyncadd.remote.s32 @!p0 $0x1  }
0xb4: {  	s26 =	simm.s32 $execute0_lowered;
	[smem:$0x3FD2] =	sst s25  }
0xb5: {  	s5 =	sshll.u32 s26, $0x1;
	_ =	strace $0x8000004C;
	[dreg:$0x1] =	wrdreg $0xFFFFFFFF  }
0xb6: {  	s28 =	simm.s32 $_size_execute0_lowered;
	s3 =	sadd.s32 s3, s5;
	[dreg:$0x0] =	wrdreg $0x0  }
0xb7: {  	s5 =	sshll.u32 s28, $0x1;
	[dreg:$0x2] =	wrdreg s3  }
0xb8: {  	[dreg:$0x3] =	wrdreg s5  }
0xb9: {  	[dreg:$0x4] =	wrdreg $0xC0  }
0xba: {  	_ =	task [dreg:s22], $0x5FFFF  }
0xbb: {  	[dreg:$0x1] =	wrdreg $0xFFFFFFFF  }
0xbc: {  	[dreg:$0x0] =	wrdreg $0x60  }
0xbd: {  	[dreg:$0x2] =	wrdreg s24  }
0xbe: {  	[dreg:$0x3] =	wrdreg $0x65680  }
0xbf: {  	[dreg:$0x4] =	wrdreg $0x101A80  }
0xc0: {  	[dreg:$0x5] =	wrdreg $0xA  }
0xc1: {  	_ =	task.clear_ibuf [dreg:s22], $0x6FFFF;
	_ =	strace $0x9000004C  }
0xc2: {  	s29 =	simm.s32 $0xA;
	_ =	strace $0x8000004E  }
0xc3: {  	_ =	swait.ge [sflag:s29], $0x1  }
0xc4: {  	[sflag:s29] =	ssyncadd.s32 $0xFFFFFFFF  }
0xc5: {  	_ =	strace $0x9000004E  }
0xc6: {  	_ =	sfence  }
0xc7: {  	s30 =	sld [smem:$0x0];
	_ =	sdelay $0x2  }
0xc8: {  	s31 =	sshll.u32 s1, $0xD;
	s1 =	sshrl.u32 s1, $0x2  }
0xc9: {  	s4 =	sand.u32 $0x4000, s31;
	s1 =	sadd.s32 s1, s30  }
0xca: {  	s0 =	sor.u32 s4, s0;
	s1 =	sshll.u32 s1, $0x11  }
0xcb: {  	s0 =	sor.u32 s1, s0  }
0xcc: {  	s0 =	sadd.s32 $0x8F2B, s0  }
0xcd: {  	[sflag:s0] =	ssyncadd.remote.s32 $0x1  }
0xce: {  	_ =	sfence.sel $0xFFFF  }
0xcf: {  	[dreg:$0x0] =	wrdreg $0xFFFFFFFF;
	(pc) =	sbr.abs _section_cstart, $3  }
0xd0: {  	[dreg:$0x1] =	wrdreg $0xFFFFFFFF  }
0xd1: {  	_ =	task.clear_ibuf [dreg:s22], $0x2FFFF;
	_ =	strace $0x9FFFFFFF  }
0xd2: {  	(tm) =	ssettm $0x7FFFFFFF  }
0xd3: {  	_ =	shalt  }
tec
execute0_lowered:
.L_overlay_start_1:
0x0: {  	(tag) =	ssettag $0x1  }
0x1: {  	s0 =	rddreg [dreg:$0x0]  }
0x2: {  	s1 =	rddreg [dreg:$0x1]  }
0x3: {  	s2 =	rddreg [dreg:$0x2];
	s3 =	srdreg.scid;
	s4 =	simm.s32 $0x0  }
0x4: {  	s16 =	stileid.u32;
	s29 =	simm.s32 $0x1;
	s30 =	simm.s32 $0x50  }
0x5: {  	s31 =	simm.s32 $0x14A0;
	s3 =	sand.u32 $0x1, s3;
	s11 =	smul.u32 $0x9C40, s16  }
0x6: {  	[smem:$0x7FF] =	sst s4;
	s5 =	sadd.s32 $0x530A00, s0;
	s9 =	smul.u32 $0x1388, s16  }
0x7: {  	s28 =	simm.s32 $0x2;
	s6 =	smul.u32 $0x9C400, s3;
	_ =	strace $0x8000004D  }
0x8: {  	s10 =	smul.u32 $0x13880, s3;
	s15 =	sshll.u32 s3, $0x4;
	s3 =	ssub.s32 $0x2, s3  }
0x9: {  	s13 =	sor.u32 s16, s15;
	s14 =	sshrl.u32 s3, $0x1;
	s16 =	smul.u32 $0x27100, s16  }
0xa: {  	s7 =	sadd.s32 s11, s6;
	s6 =	sadd.s32 $0x2C4800, s0;
	s10 =	sadd.s32 s9, s10  }
0xb: {  	s3 =	ssub.s32 s3, s14;
	s17 =	smul.u32 $0x9B00, s13;
	s9 =	sadd.s32 s9, s2  }
0xc: {  	s11 =	sadd.s32 s11, s1;
	s14 =	simm.s32 $0x0;
	s8 =	sshrl.u32 s7, $0x3  }
0xd: {  	s7 =	sadd.s32 $0x2B200, s0;
	s10 =	sshrl.u32 s10, $0x3;
	s21 =	sshrl.u32 s16, $0x2  }
0xe: {  	s22 =	smax.u32 s3, $0x1;
	s3 =	simm.s32 $0x2DA0;
	s12 =	sadd.s32 s8, s0  }
0xf: {  	s8 =	smul.u32 $0x1360, s13;
	s19 =	sadd.s32 s5, s17;
	[dreg:$0x9] =	wrdreg s22  }
0x10: {  	s0 =	sadd.s32 s10, s0;
	[dreg:$0x5] =	wrdreg s19;
	s12 =	sadd.s32 $0x3B200, s12  }
0x11: {  	s16 =	sadd.s32 s21, s1;
	s0 =	sadd.s32 $0x36200, s0;
	[dreg:$0x7] =	wrdreg s12  }
0x12: {  	s10 =	smul.u32 $0x9B0, s13;
	s23 =	sadd.s32 $0x1F40, s16;
	[dreg:$0x8] =	wrdreg s0  }
0x13: {  	s22 =	simm.s32 $0x51E0;
	s24 =	sadd.s32 $0x3E80, s16;
	[dreg:$0xa] =	wrdreg s23  }
0x14: {  	s13 =	simm.s32 $0x4;
	s25 =	sadd.s32 $0x5DC0, s16;
	[dreg:$0xb] =	wrdreg s24  }
0x15: {  	s26 =	sadd.s32 $0x7D00, s16;
	s15 =	sshrl.u32 s8, $0x3;
	[dreg:$0xc] =	wrdreg s25  }
0x16: {  	s20 =	sadd.s32 s6, s8;
	[dreg:$0xd] =	wrdreg s26;
	s23 =	simm.s32 $0x32A0  }
0x17: {  	s24 =	simm.s32 $0x5;
	s25 =	sshrl.u32 s11, $0x3;
	s26 =	simm.s32 $0xA0  }
0x18: {  	s0 =	simm.s32 $0x2B20;
	s18 =	sadd.s32 s7, s15;
	[dreg:$0x6] =	wrdreg s20  }
0x19: {  	v0 =	vimm.f32 $0.0e+00;
	v1 =	vlaneseq.u32;
	s11 =	simm.s32 $0x3020;
	s12 =	simm.s32 $0x3;
	[dreg:$0x4] =	wrdreg s18  }
.LBB2_1:
0x1a: {  	s15 =	simm.s32 $0x0  }
.LBB2_2:
0x1b: {  	p0 =	seq.s32 s15, $0x7C00  }
.Ltmp0:
0x1c: {  	s17 =	sshra.s32 s15, $0x2;
	(pc) =	sbr.rel @!p0 .LBB2_2-.Ltmp0, $4  }
0x1d: {  	[tilespmem:s17+$0x32A0] =	vst v0  }
0x1e: {  	[tilespmem:s17+$0x32B0] =	vst v0  }
0x1f: {  	[tilespmem:s17+$0x32C0] =	vst v0  }
0x20: {  	s15 =	sadd.s32 $0x100, s15;
	[tilespmem:s17+$0x32D0] =	vst v0  }
0x21: {  	s17 =	simm.s32 $0x0  }
0x22: {  	s15 =	simm.s32 $0x10;
	v2 =	vor.u32 s17, v1  }
.LBB2_4:
0x23: {  	p0 =	seq.s32 s15, $0x1370  }
.Ltmp1:
0x24: {  	_ = 	snop;
	(pc) =	sbr.rel @!p0 .LBB2_4-.Ltmp1, $3  }
0x25: {  	_ =	sdelay $0x1  }
0x26: {  	[tilespmem:v2+s22+$0x0] =	vst.idx.msk $0xffff, v0;
	s17 =	smov.u32 s15;
	s15 =	sadd.s32 $0x10, s15  }
0x27: {  	v2 =	vor.u32 s17, v1  }
0x28: {  	_ =	sdelay $0x3  }
0x29: {  	[tilespmem:v2+s22+$0x0] =	vst.idx.msk $0xffff, v0  }
0x2a: {  	[spmem:s16] =	stream.linear.scatter [tilespmem:s23], [sflag:$0x5], $0x1F40, $0x38;
	[tilespmem:$0x11530] =	vst v63  }
0x2b: {  	_ =	swait.ge [sflag:s24], $0x1F40  }
0x2c: {  	[sflag:s24] =	ssyncset.done $0x0  }
0x2d: {  	s15 =	rddreg [dreg:$0xa];
	[sflag:s24] =	ssyncadd.s32 $0xFFFFE0C0  }
0x2e: {  	[spmem:s15] =	stream.linear.scatter [tilespmem:s23], [sflag:$0x5], $0x1F40, $0x38;
	[tilespmem:$0x11530] =	vst v63  }
0x2f: {  	_ =	swait.ge [sflag:s24], $0x1F40  }
0x30: {  	[sflag:s24] =	ssyncset.done $0x0  }
0x31: {  	s17 =	rddreg [dreg:$0xb];
	[sflag:s24] =	ssyncadd.s32 $0xFFFFE0C0  }
0x32: {  	[spmem:s17] =	stream.linear.scatter [tilespmem:s23], [sflag:$0x5], $0x1F40, $0x38;
	[tilespmem:$0x11530] =	vst v63  }
0x33: {  	_ =	swait.ge [sflag:s24], $0x1F40  }
0x34: {  	[sflag:s24] =	ssyncset.done $0x0  }
0x35: {  	s18 =	rddreg [dreg:$0xc];
	[sflag:s24] =	ssyncadd.s32 $0xFFFFE0C0  }
0x36: {  	[spmem:s18] =	stream.linear.scatter [tilespmem:s23], [sflag:$0x5], $0x1F40, $0x38;
	[tilespmem:$0x11530] =	vst v63  }
0x37: {  	_ =	swait.ge [sflag:s24], $0x1F40  }
0x38: {  	[sflag:s24] =	ssyncset.done $0x0  }
0x39: {  	s19 =	rddreg [dreg:$0xd];
	[sflag:s24] =	ssyncadd.s32 $0xFFFFE0C0  }
0x3a: {  	[spmem:s19] =	stream.linear.scatter [tilespmem:s23], [sflag:$0x5], $0x1F40, $0x38;
	[tilespmem:$0x11530] =	vst v63  }
0x3b: {  	_ =	swait.ge [sflag:s24], $0x1F40  }
0x3c: {  	[sflag:s24] =	ssyncset.done $0x0  }
0x3d: {  	[sflag:s24] =	ssyncadd.s32 $0xFFFFE0C0  }
0x3e: {  	[spmem:s9] =	stream.linear.scatter [tilespmem:s22], [sflag:$0x5], $0x1388, $0x38;
	[tilespmem:$0x11530] =	vst v63  }
0x3f: {  	_ =	swait.ge [sflag:s24], $0x1388  }
0x40: {  	[sflag:s24] =	ssyncset.done $0x0  }
0x41: {  	[sflag:s24] =	ssyncadd.s32 $0xFFFFEC78  }
0x42: {  	[bflag:$0x0] =	sbarrier.arrive $0xFFFF  }
0x43: {  	s15 =	simm.s32 $0x0;
	s17 =	rddreg [dreg:$0x4]  }
0x44: {  	[tilespmem:s15], [sflag:$0x1] =	stream.linear.gather [hbm4b:s17+s15], $0x50, $0x38;
	[tilespmem:$0x11530] =	vst v63  }
0x45: {  	s20 =	rddreg [dreg:$0x5]  }
0x46: {  	[tilespmem:s26], [sflag:$0x1] =	stream.linear.gather [hbm4b:s20+s15], $0x1400, $0x38;
	[tilespmem:$0x11530] =	vst v63  }
0x47: {  	s18 =	simm.s32 $0x28A0;
	s21 =	rddreg [dreg:$0x6];
	s17 =	simm.s32 $0x0  }
0x48: {  	[tilespmem:s18], [sflag:$0x1] =	stream.linear.gather [hbm4b:s21+s15], $0x280, $0x38;
	[tilespmem:$0x11530] =	vst v63  }
.LBB2_6:
0x49: {  	_ =	swait.ge [sflag:s29], $0x50  }
0x4a: {  	[sflag:s29] =	ssyncset.done $0x0  }
0x4b: {  	[sflag:s29] =	ssyncadd.s32 $0xFFFFFFB0  }
0x4c: {  	_ =	swait.ge [sflag:s29], $0x1400  }
0x4d: {  	[sflag:s29] =	ssyncset.done $0x0  }
0x4e: {  	[sflag:s29] =	ssyncadd.s32 $0xFFFFEC00  }
0x4f: {  	_ =	swait.ge [sflag:s29], $0x280  }
0x50: {  	p0 =	seq.s32 s17, $0x0;
	[sflag:s29] =	ssyncset.done $0x0  }
0x51: {  	s18 =	simm.s32 @!p0 $0x4;
	[sflag:s29] =	ssyncadd.s32 $0xFFFFFD80  }
0x52: {  	s19 =	sshllo.u32 s17, $0x1;
	_ =	swait.ge @!p0 [sflag:s18], $0x1400  }
0x53: {  	s20 =	smul.u32 $0x50, s19;
	[sflag:s18] =	ssyncset.done @!p0 $0x0  }
0x54: {  	[sflag:s18] =	ssyncadd.s32 @!p0 $0xFFFFEC00  }
0x55: {  	s20 =	sadd.s32 s8, s20;
	_ =	swait.ge @!p0 [sflag:s18], $0x280  }
0x56: {  	s21 =	sshrl.u32 s20, $0x3;
	[sflag:s18] =	ssyncset.done @!p0 $0x0  }
0x57: {  	s21 =	sadd.s32 s7, s21;
	[sflag:s18] =	ssyncadd.s32 @!p0 $0xFFFFFD80;
	s18 =	smul.u32 $0x28, s19  }
0x58: {  	[tilespmem:s30], [sflag:$0x2] =	stream.linear.gather [hbm4b:s21+s15], $0x50, $0x38;
	[tilespmem:$0x11530] =	vst v63  }
0x59: {  	s21 =	sshll.u32 s20, $0x3  }
0x5a: {  	s19 =	sand.u32 $0x1FFFFF80, s21;
	s18 =	sadd.s32 s10, s18  }
0x5b: {  	s19 =	sadd.s32 s5, s19;
	s18 =	sshll.u32 s18, $0x1  }
0x5c: {  	[tilespmem:s31], [sflag:$0x2] =	stream.linear.gather [hbm4b:s19+s15], $0x1400, $0x38;
	[tilespmem:$0x11530] =	vst v63  }
0x5d: {  	s18 =	sand.u32 $0x1FFFFFF0, s18  }
0x5e: {  	s19 =	simm.s32 $0x28A0;
	s18 =	sadd.s32 s6, s18  }
0x5f: {  	[tilespmem:s0], [sflag:$0x2] =	stream.linear.gather [hbm4b:s18+s15], $0x280, $0x38;
	[tilespmem:$0x11530] =	vst v63  }
0x60: {  	v3 =	vor.u32 s15, v1;
	s20 =	simm.s32 $0x10;
	s18 =	sshll.u32 s17, $0x1;
	v2 =	vld [tilespmem:s19+$0x0]  }
.LBB2_7:
0x61: {  	p0 =	sne.s32 s20, $0x270  }
.Ltmp2:
0x62: {  	_ = 	snop;
	(pc) =	sbr.rel @p0 .LBB2_7-.Ltmp2, $3  }
0x63: {  	_ =	sdelay $0x1  }
0x64: {  	s19 =	sadd.s32 $0x10, s19;
	s21 =	smov.u32 s20;
	s20 =	sadd.s32 $0x10, s20;
	[tilespmem:v3+s3+$0x0] =	vst.idx.msk $0xffff, v2  }
0x65: {  	v3 =	vor.u32 s21, v1;
	v2 =	vld [tilespmem:s19+$0x0]  }
0x66: {  	_ =	sdelay $0x3  }
0x67: {  	[tilespmem:v3+s3+$0x0] =	vst.idx.msk $0xffff, v2  }
0x68: {  	[spmem:s1] =	stream.indirect.scatter.add.f32 [tilespmem:s26], [sflag:$0x3], $0x40, s4, s30, $0xb8;
	[tilespmem:$0x11530] =	vst v63  }
0x69: {  	_ = 	snop  }
0x6a: {  	[spmem:s2] =	stream.indirect.scatter.add.f32 [tilespmem:s3], [sflag:$0x3], $0x8, s4, s30, $0xb8;
	[tilespmem:$0x11530] =	vst v63  }
0x6b: {  	_ =	swait.ge [sflag:s28], $0x50  }
0x6c: {  	[sflag:s28] =	ssyncset.done $0x0  }
0x6d: {  	[sflag:s28] =	ssyncadd.s32 $0xFFFFFFB0  }
0x6e: {  	_ =	swait.ge [sflag:s28], $0x1400  }
0x6f: {  	[sflag:s28] =	ssyncset.done $0x0  }
0x70: {  	[sflag:s28] =	ssyncadd.s32 $0xFFFFEC00  }
0x71: {  	_ =	swait.ge [sflag:s28], $0x280  }
0x72: {  	p0 =	seq.s32 s17, $0x1E;
	[sflag:s28] =	ssyncset.done $0x0  }
0x73: {  	s19 =	simm.s32 @!p0 $0x3;
	[sflag:s28] =	ssyncadd.s32 $0xFFFFFD80  }
0x74: {  	s18 =	sadd.s32 @!p0 $0x2, s18;
	_ =	swait.ge @!p0 [sflag:s19], $0x1400  }
0x75: {  	s20 =	smul.u32 @!p0 $0x50, s18;
	[sflag:s19] =	ssyncset.done @!p0 $0x0  }
0x76: {  	[sflag:s19] =	ssyncadd.s32 @!p0 $0xFFFFEC00  }
0x77: {  	s20 =	sadd.s32 @!p0 s8, s20;
	_ =	swait.ge @!p0 [sflag:s19], $0x280  }
0x78: {  	s18 =	smul.u32 @!p0 $0x28, s18;
	s21 =	sshrl.u32 @!p0 s20, $0x3;
	[sflag:s19] =	ssyncset.done @!p0 $0x0  }
0x79: {  	[sflag:s19] =	ssyncadd.s32 @!p0 $0xFFFFFD80;
	s19 =	sadd.s32 @!p0 s7, s21;
	s21 =	simm.s32 @!p0 $0x0  }
0x7a: {  	[tilespmem:s21], [sflag:$0x1] =	stream.linear.gather @!p0 [hbm4b:s19+s21], $0x50, $0x38;
	[tilespmem:$0x11530] =	vst v63  }
0x7b: {  	s18 =	sadd.s32 @!p0 s10, s18;
	s19 =	sshll.u32 @!p0 s20, $0x3  }
0x7c: {  	s18 =	sshll.u32 @!p0 s18, $0x1;
	s19 =	sand.u32 @!p0 $0x1FFFFF00, s19  }
0x7d: {  	s18 =	sand.u32 @!p0 $0x1FFFFFE0, s18;
	s20 =	simm.s32 @!p0 $0xA0;
	s19 =	sadd.s32 @!p0 s5, s19  }
0x7e: {  	[tilespmem:s20], [sflag:$0x1] =	stream.linear.gather @!p0 [hbm4b:s19+s21], $0x1400, $0x38;
	[tilespmem:$0x11530] =	vst v63  }
0x7f: {  	s18 =	sadd.s32 @!p0 s6, s18;
	s19 =	simm.s32 @!p0 $0x28A0  }
0x80: {  	[tilespmem:s19], [sflag:$0x1] =	stream.linear.gather @!p0 [hbm4b:s18+s21], $0x280, $0x38;
	[tilespmem:$0x11530] =	vst v63  }
0x81: {  	s21 =	simm.s32 $0x0;
	s18 =	simm.s32 $0x2B20  }
0x82: {  	s19 =	simm.s32 $0x10;
	v2 =	vld [tilespmem:s18+$0x0];
	v3 =	vor.u32 s21, v1  }
.LBB2_9:
0x83: {  	p0 =	sne.s32 s19, $0x270  }
.Ltmp3:
0x84: {  	_ = 	snop;
	(pc) =	sbr.rel @p0 .LBB2_9-.Ltmp3, $3  }
0x85: {  	_ =	sdelay $0x1  }
0x86: {  	s18 =	sadd.s32 $0x10, s18;
	s20 =	smov.u32 s19;
	s19 =	sadd.s32 $0x10, s19;
	[tilespmem:v3+s11+$0x0] =	vst.idx.msk $0xffff, v2  }
0x87: {  	v3 =	vor.u32 s20, v1;
	v2 =	vld [tilespmem:s18+$0x0]  }
0x88: {  	_ = 	snop  }
0x89: {  	s17 =	sadd.s32 $0x1, s17  }
0x8a: {  	p0 =	sne.s32 s17, $0x1F  }
.Ltmp4:
0x8b: {  	_ = 	snop;
	(pc) =	sbr.rel @p0 .LBB2_6-.Ltmp4, $4  }
0x8c: {  	[tilespmem:v3+s11+$0x0] =	vst.idx.msk $0xffff, v2  }
0x8d: {  	[spmem:s1] =	stream.indirect.scatter.add.f32 [tilespmem:s31], [sflag:$0x4], $0x40, s30, s30, $0xb8;
	[tilespmem:$0x11530] =	vst v63  }
0x8e: {  	_ = 	snop  }
0x8f: {  	[spmem:s2] =	stream.indirect.scatter.add.f32 [tilespmem:s11], [sflag:$0x4], $0x8, s30, s30, $0xb8;
	[tilespmem:$0x11530] =	vst v63  }
0x90: {  	_ =	swait.ge [sflag:s12], $0x1400  }
0x91: {  	[sflag:s12] =	ssyncset.done $0x0  }
0x92: {  	[sflag:s12] =	ssyncadd.s32 $0xFFFFEC00  }
0x93: {  	_ =	swait.ge [sflag:s12], $0x280  }
0x94: {  	[sflag:s12] =	ssyncset.done $0x0  }
0x95: {  	[sflag:s12] =	ssyncadd.s32 $0xFFFFFD80  }
0x96: {  	_ =	swait.ge [sflag:s13], $0x1400  }
0x97: {  	[sflag:s13] =	ssyncset.done $0x0  }
0x98: {  	[sflag:s13] =	ssyncadd.s32 $0xFFFFEC00  }
0x99: {  	_ =	swait.ge [sflag:s13], $0x280  }
0x9a: {  	[sflag:s13] =	ssyncset.done $0x0  }
0x9b: {  	s15 =	stileid.u32;
	[sflag:s13] =	ssyncadd.s32 $0xFFFFFD80  }
0x9c: {  	s15 =	sshll.u32 s15, $0x6;
	[bflag:$0x0] =	sbarrier.arrive $0xFFFF  }
0x9d: {  	s15 =	sor.u32 $0x1C05, s15;
	s17 =	rddreg [dreg:$0x7]  }
0x9e: {  	[hbm:s17], [sflag:s15] =	dma.local [spmem:s25], $0x1388  }
0x9f: {  	_ =	swait.ge [sflag:s24], $0x1388  }
0xa0: {  	[sflag:s24] =	ssyncset.done $0x0  }
0xa1: {  	s20 =	sshrl.u32 s9, $0x3;
	s18 =	rddreg [dreg:$0x8];
	[sflag:s24] =	ssyncadd.s32 $0xFFFFEC78  }
0xa2: {  	[hbm:s18], [sflag:s15] =	dma.local [spmem:s20], $0x271  }
0xa3: {  	_ =	swait.ge [sflag:s24], $0x271  }
0xa4: {  	s14 =	sadd.s32 $0x1, s14;
	s21 =	rddreg [dreg:$0x9]  }
0xa5: {  	p0 =	sne.s32 s14, s21  }
.Ltmp5:
0xa6: {  	_ = 	snop;
	(pc) =	sbr.rel @p0 .LBB2_1-.Ltmp5, $3  }
0xa7: {  	_ =	sdelay $0x1  }
0xa8: {  	[sflag:s24] =	ssyncset.done $0x0  }
0xa9: {  	[sflag:s24] =	ssyncadd.s32 $0xFFFFFD8F  }
0xaa: {  	_ =	sfence.sel $0x180000  }
0xab: {  	[bflag:$0x0] =	sbarrier.arrive $0xFFFF  }
0xac: {  	_ =	strace $0x9000004D  }
0xad: {  	s0 =	stileid.u32;
	[bflag:$0x2] =	sbarrier.arrive $0xFFFF  }
0xae: {  	p0 =	sne.s32 s0, $0x0;
	s0 =	rddreg [dreg:$0x3]  }
0xaf: {  	s0 =	sadd.s32 @!p0 $0x100000, s0  }
0xb0: {  	[sflag:s0] =	ssyncadd.tile.s32 @!p0 $0x1;
	_ =	shalt  }
.Lfunc_end2:
_tile_overlayer_lowered:
.L_overlay_start_2:
0xb1: {  	(tag) =	ssettag $0x2  }
0xb2: {  	s0 =	rddreg [dreg:$0x0];
	s2 =	stileid.u32  }
0xb3: {  	s1 =	rddreg [dreg:$0x1];
	p0 =	sne.s32 s2, $0x0  }
0xb4: {  	s3 =	rddreg [dreg:$0x2];
	[bflag:$0x3] =	sbarrier.arrive $0xFFFF;
	s2 =	simm.s32 @!p0 $0x1C05  }
0xb5: {  	[timem:s3], [sflag:s2] =	dma.local @!p0 [hbm:s0], s1  }
0xb6: {  	s0 =	simm.s32 @!p0 $0x5  }
0xb7: {  	_ =	swait.ge @!p0 [sflag:s0], s1  }
0xb8: {  	s1 =	ssub.s32 @!p0 $0x0, s1;
	[sflag:s0] =	ssyncset.done @!p0 $0x0  }
0xb9: {  	[sflag:s0] =	ssyncadd.s32 @!p0 s1  }
0xba: {  	[bflag:$0x3] =	sbarrier.arrive $0xFFFF  }
0xbb: {  	_ =	shalt  }

</sc_bundles>
